<compile_context>
chip_gen: v7x
topology: tpu7x:2x2x1
jax: 0.10.2.dev20260603
libtpu: 0.0.44.dev20260713+nightly
codegen_flags: <defaults>
</compile_context>

<pallas_src>
import functools

import jax
import jax.numpy as jnp
from jax import lax
from jax.experimental import pallas as pl
from jax.experimental.pallas import tpu as pltpu
from jax.experimental.pallas import tpu_sc as plsc

N_NODES = 100000
N_EDGES = 6400000

ROW = 512
BR = 2
NROWS = N_EDGES // ROW
NBLK = NROWS // BR
NCORE = 2
NSUB = 16
NW = NCORE * NSUB
ITERS = -(-NBLK // NW)
NPAD = 100352
ZR = NPAD // NSUB
LANES = NPAD // 128


def _mesh():
    return plsc.VectorSubcoreMesh(core_axis_name="c", subcore_axis_name="s")


_SC_PARAMS = pltpu.CompilerParams(use_tc_tiling_on_sc=False,
                                  needs_layout_passes=False)


@functools.partial(
    pl.kernel,
    out_type=jax.ShapeDtypeStruct((NCORE * NPAD,), jnp.float32),
    mesh=_mesh(),
    compiler_params=_SC_PARAMS,
    scratch_types=[
        pltpu.VMEM((BR, ROW), jnp.int32),
        pltpu.VMEM((ROW,), jnp.float32),
        pltpu.VMEM_SHARED((NPAD,), jnp.float32),
        pltpu.SemaphoreType.DMA,
    ],
)
def _deg_kernel(dst_hbm, zeros_hbm, ones_hbm, out_hbm, didx, ones_v, acc, sem):
    c = lax.axis_index("c")
    s = lax.axis_index("s")
    wid = s * NCORE + c
    pltpu.sync_copy(ones_hbm, ones_v)
    pltpu.sync_copy(zeros_hbm, acc.at[pl.ds(s * ZR, ZR)])
    plsc.subcore_barrier()

    def body(j, carry):
        b = wid + j * NW

        @pl.when(b < NBLK)
        def _():
            pltpu.sync_copy(dst_hbm.at[pl.ds(b * BR, BR)], didx)
            sd = [
                pltpu.async_copy(ones_v, acc.at[didx.at[r]], sem, add=True)
                for r in range(BR)
            ]
            for d in sd:
                d.wait()

        return carry

    lax.fori_loop(0, ITERS, body, 0)
    plsc.subcore_barrier()
    pltpu.sync_copy(acc.at[pl.ds(s * ZR, ZR)],
                    out_hbm.at[pl.ds(c * NPAD + s * ZR, ZR)])


def _make_scatter_kernel(feat):
    NSLOT = 3
    JPAD = -(-ITERS // NSLOT) * NSLOT + NSLOT

    @functools.partial(
        pl.kernel,
        out_type=jax.ShapeDtypeStruct((NCORE, feat, NPAD), jnp.float32),
        mesh=_mesh(),
        compiler_params=_SC_PARAMS,
        scratch_types=[
            pltpu.VMEM((NSLOT, BR, ROW), jnp.int32),
            pltpu.VMEM((NSLOT, BR, ROW), jnp.int32),
            pltpu.VMEM((NSLOT, BR * feat, ROW), jnp.float32),
        ] + [
            pltpu.VMEM_SHARED((NPAD,), jnp.float32)
            for _ in range(feat)
        ] + [
            pltpu.SemaphoreType.DMA,
            pltpu.SemaphoreType.DMA,
            pltpu.SemaphoreType.DMA,
        ],
    )
    def _k(src_hbm, dst_hbm, *cols_and_rest):
        cols_hbm = cols_and_rest[:feat]
        zeros_hbm = cols_and_rest[feat]
        out_hbm = cols_and_rest[feat + 1]
        sidx = cols_and_rest[feat + 2]
        didx = cols_and_rest[feat + 3]
        vals = cols_and_rest[feat + 4]
        accs = cols_and_rest[feat + 5:feat + 5 + feat]
        isem = cols_and_rest[feat + 5 + feat]
        gsem = cols_and_rest[feat + 6 + feat]
        ssem = cols_and_rest[feat + 7 + feat]

        c = lax.axis_index("c")
        s = lax.axis_index("s")
        wid = s * NCORE + c
        for k in range(feat):
            pltpu.sync_copy(zeros_hbm, accs[k].at[pl.ds(s * ZR, ZR)])
        plsc.subcore_barrier()

        def idx_issue(blk, slot):
            pltpu.async_copy(src_hbm.at[pl.ds(blk * BR, BR)],
                             sidx.at[slot], isem)
            pltpu.async_copy(dst_hbm.at[pl.ds(blk * BR, BR)],
                             didx.at[slot], isem)

        def idx_drain(blk, slot):
            pltpu.make_async_copy(src_hbm.at[pl.ds(blk * BR, BR)],
                                  sidx.at[slot], isem).wait()
            pltpu.make_async_copy(dst_hbm.at[pl.ds(blk * BR, BR)],
                                  didx.at[slot], isem).wait()

        def gat_issue(slot):
            for r in range(BR):
                for k in range(feat):
                    pltpu.async_copy(cols_hbm[k].at[sidx.at[slot, r]],
                                     vals.at[slot, r * feat + k], gsem)

        def gat_drain(slot):
            for r in range(BR):
                for k in range(feat):
                    pltpu.make_async_copy(
                        cols_hbm[k].at[sidx.at[slot, r]],
                        vals.at[slot, r * feat + k], gsem).wait()

        def sca_issue(slot):
            for r in range(BR):
                for k in range(feat):
                    pltpu.async_copy(vals.at[slot, r * feat + k],
                                     accs[k].at[didx.at[slot, r]], ssem,
                                     add=True)

        def sca_drain(slot):
            for r in range(BR):
                for k in range(feat):
                    pltpu.make_async_copy(
                        vals.at[slot, r * feat + k],
                        accs[k].at[didx.at[slot, r]], ssem).wait()

        b0 = wid

        @pl.when(b0 < NBLK)
        def _():
            idx_issue(b0, 0)

        def outer(j3, carry):
            for pp in range(NSLOT):
                j = j3 * NSLOT + pp
                p = pp
                nxt = (pp + 1) % NSLOT
                prv = (pp + 2) % NSLOT
                b = wid + j * NW

                @pl.when((b - 2 * NW >= 0) & (b - 2 * NW < NBLK))
                def _(slot=nxt):
                    sca_drain(slot)

                @pl.when(b + NW < NBLK)
                def _(blk=b + NW, slot=nxt):
                    idx_issue(blk, slot)

                @pl.when(b < NBLK)
                def _(blk=b, slot=p):
                    idx_drain(blk, slot)
                    gat_issue(slot)

                @pl.when((b - NW >= 0) & (b - NW < NBLK))
                def _(slot=prv):
                    gat_drain(slot)
                    sca_issue(slot)
            return carry

        lax.fori_loop(0, JPAD // NSLOT, outer, 0)
        plsc.subcore_barrier()
        for k in range(feat):
            pltpu.sync_copy(accs[k].at[pl.ds(s * ZR, ZR)],
                            out_hbm.at[c, k, pl.ds(s * ZR, ZR)])

    return _k


_scatter4 = _make_scatter_kernel(4)
_scatter2 = _make_scatter_kernel(2)


def _tc1_body(degp_ref, xc_ref, w1_ref, dis_ref, g1_ref):
    deg = degp_ref[0] + degp_ref[1] + 1.0
    dis = lax.rsqrt(deg)
    dis_ref[...] = dis
    xs = [xc_ref[k] for k in range(3)]
    for j in range(4):
        h = xs[0] * w1_ref[0, j] + xs[1] * w1_ref[1, j] + xs[2] * w1_ref[2, j]
        g1_ref[j] = h * dis


def _tc2_body(t1p_ref, g1_ref, dis_ref, b1_ref, w2_ref, g2_ref):
    dis = dis_ref[...]
    hs = []
    for k in range(4):
        t = (t1p_ref[0, k] + t1p_ref[1, k] + g1_ref[k]) * dis + b1_ref[k]
        hs.append(jnp.maximum(t, 0.0))
    for j in range(2):
        h = (hs[0] * w2_ref[0, j] + hs[1] * w2_ref[1, j]
             + hs[2] * w2_ref[2, j] + hs[3] * w2_ref[3, j])
        g2_ref[j] = h * dis


def _tc3_body(t2p_ref, g2_ref, dis_ref, b2_ref, out_ref):
    dis = dis_ref[...]
    h0 = (t2p_ref[0, 0] + t2p_ref[1, 0] + g2_ref[0]) * dis + b2_ref[0]
    h1 = (t2p_ref[0, 1] + t2p_ref[1, 1] + g2_ref[1]) * dis + b2_ref[1]
    m = jnp.maximum(h0, h1)
    lse = m + jnp.log(jnp.exp(h0 - m) + jnp.exp(h1 - m))
    out_ref[0] = h0 - lse
    out_ref[1] = h1 - lse


def kernel(x, edge_index, W1, b1, W2, b2):
    f32 = jnp.float32
    ei = edge_index.astype(jnp.int32)
    src = ei[0].reshape(NROWS, ROW)
    dst = ei[1].reshape(NROWS, ROW)

    xcols = jnp.pad(x, ((0, NPAD - N_NODES), (0, 0))).T.reshape(3, LANES, 128)

    zeros1 = jnp.zeros((ZR,), f32)
    ones = jnp.ones((ROW,), f32)

    vmem = pl.BlockSpec(memory_space=pltpu.VMEM)
    smem = pl.BlockSpec(memory_space=pltpu.SMEM)

    degp = _deg_kernel(dst, zeros1, ones).reshape(NCORE, LANES, 128)

    dis, g1 = pl.pallas_call(
        _tc1_body,
        out_shape=[
            jax.ShapeDtypeStruct((LANES, 128), f32),
            jax.ShapeDtypeStruct((4, LANES, 128), f32),
        ],
        in_specs=[vmem, vmem, smem],
        out_specs=[vmem, vmem],
    )(degp, xcols, W1)

    g1f = g1.reshape(4, NPAD)
    t1p = _scatter4(src, dst, g1f[0], g1f[1], g1f[2], g1f[3], zeros1)

    g2 = pl.pallas_call(
        _tc2_body,
        out_shape=jax.ShapeDtypeStruct((2, LANES, 128), f32),
        in_specs=[vmem, vmem, vmem, smem, smem],
        out_specs=vmem,
    )(t1p.reshape(NCORE, 4, LANES, 128), g1, dis, b1, W2)

    g2f = g2.reshape(2, NPAD)
    t2p = _scatter2(src, dst, g2f[0], g2f[1], zeros1)

    outc = pl.pallas_call(
        _tc3_body,
        out_shape=jax.ShapeDtypeStruct((2, LANES, 128), f32),
        in_specs=[vmem, vmem, vmem, smem],
        out_specs=vmem,
    )(t2p.reshape(NCORE, 2, LANES, 128), g2, dis, b2)

    return outc.reshape(2, NPAD)[:, :N_NODES].T

# --- scband reference (transcript-rebuilt; emitter-appended) ---
"""Pipeline reference for scband-simple-gnn-19722489823384 (READ-ONLY COPY).

The authoritative reference and input builder live on the scoring server;
editing this copy changes nothing except your own understanding.
"""

import jax, jax.numpy as jnp
import numpy as np

N_NODES = 100000
N_EDGES = 6400000


def gcn_conv(x, edge_index, W, b):
    N = x.shape[0]
    h = x @ W
    src = edge_index[0]
    dst = edge_index[1]
    loop = jnp.arange(N, dtype=src.dtype)
    src = jnp.concatenate([src, loop])
    dst = jnp.concatenate([dst, loop])
    deg = jnp.zeros((N,), dtype=h.dtype).at[dst].add(1.0)
    deg_inv_sqrt = jnp.where(deg > 0, deg ** -0.5, 0.0)
    norm = deg_inv_sqrt[src] * deg_inv_sqrt[dst]
    msg = h[src] * norm[:, None]
    out = jnp.zeros((N, h.shape[1]), dtype=h.dtype).at[dst].add(msg)
    return out + b


def setup_inputs(seed: int = 0) -> dict:
    key = jax.random.key(seed)
    k1, k2, k3, k4, k5, k6 = jax.random.split(key, 6)
    x = jax.random.normal(k1, (N_NODES, 3), dtype=jnp.float32)
    edge_index = jax.random.randint(k2, (2, N_EDGES), 0, N_NODES, dtype=jnp.int64)
    W1 = jax.random.normal(k3, (3, 4), dtype=jnp.float32) * (1.0 / np.sqrt(3))
    b1 = jnp.zeros((4,), dtype=jnp.float32)
    W2 = jax.random.normal(k4, (4, 2), dtype=jnp.float32) * (1.0 / np.sqrt(4))
    b2 = jnp.zeros((2,), dtype=jnp.float32)
    return {"x": x, "edge_index": edge_index, "W1": W1, "b1": b1, "W2": W2, "b2": b2}


def reference(x, edge_index, W1, b1, W2, b2):
    h = gcn_conv(x, edge_index, W1, b1)
    h = jax.nn.relu(h)
    h = gcn_conv(h, edge_index, W2, b2)
    return jax.nn.log_softmax(h, axis=1)

if __name__ == "__main__":
    import jax
    _d = setup_inputs()
    print(jax.jit(kernel)(*tuple(_d.values())))

</pallas_src>

<mosaic_0001>
#map = affine_map<(d0, d1) -> (0, 0)>
#map1 = affine_map<(d0, d1) -> (0)>
module attributes {stable_mosaic.version = 14 : i64} {
  func.func @_deg_kernel(%arg0: i32, %arg1: i32, %arg2: memref<12500x512xi32, #tpu.memory_space<hbm>>, %arg3: memref<6272xf32, #tpu.memory_space<hbm>>, %arg4: memref<512xf32, #tpu.memory_space<hbm>>, %arg5: memref<200704xf32, #tpu.memory_space<hbm>>, %arg6: memref<2x512xi32, #tpu.memory_space<vmem>>, %arg7: memref<512xf32, #tpu.memory_space<vmem>>, %arg8: memref<100352xf32, #tpu.memory_space<vmem_shared>>, %arg9: memref<!tpu.dma_semaphore, #tpu.memory_space<semaphore_mem>>) attributes {dimension_semantics = [#tpu.dimension_semantics<core_parallel>, #tpu.dimension_semantics<subcore_parallel>], iteration_bounds = array<i64: 2, 16>, scalar_prefetch = 0 : i64, scratch_operands = 4 : i64, tpu.core_type = #tpu.core_type<sc_vector_subcore>, window_params = [{transform_indices = #map}, {transform_indices = #map1}, {transform_indices = #map1}, {transform_indices = #map1}]} {
    %mul3A = arith.constant 2 : i32
    %mul3A_0 = arith.muli %arg1, %mul3A : i32
    %add3A = arith.addi %mul3A_0, %arg0 : i32
    "tpu.region"() ({
      %run_scoped3A = tpu.sem_alloc : memref<!tpu.dma_semaphore, #tpu.memory_space<semaphore_mem>>
      tpu.enqueue_dma source(%arg4 : memref<512xf32, #tpu.memory_space<hbm>>) target(%arg7 : memref<512xf32, #tpu.memory_space<vmem>>) target_semaphore(%run_scoped3A : memref<!tpu.dma_semaphore, #tpu.memory_space<semaphore_mem>>)
      tpu.wait_dma2 semaphore(%run_scoped3A : memref<!tpu.dma_semaphore, #tpu.memory_space<semaphore_mem>>) src(%arg4 : memref<512xf32, #tpu.memory_space<hbm>>) dst(%arg7 : memref<512xf32, #tpu.memory_space<vmem>>)
      tpu.yield
    }) : () -> ()
    %mul3A_1 = arith.constant 6272 : i32
    %mul3A_2 = arith.muli %arg1, %mul3A_1 : i32
    "tpu.region"() ({
      %run_scoped3A = tpu.sem_alloc : memref<!tpu.dma_semaphore, #tpu.memory_space<semaphore_mem>>
      %dma_start3A = tpu.memref_slice %arg8[%mul3A_2] : memref<100352xf32, #tpu.memory_space<vmem_shared>> -> memref<6272xf32, #tpu.memory_space<vmem_shared>>
      tpu.enqueue_dma source(%arg3 : memref<6272xf32, #tpu.memory_space<hbm>>) target(%dma_start3A : memref<6272xf32, #tpu.memory_space<vmem_shared>>) target_semaphore(%run_scoped3A : memref<!tpu.dma_semaphore, #tpu.memory_space<semaphore_mem>>)
      %dma_wait3A = tpu.memref_slice %arg8[%mul3A_2] : memref<100352xf32, #tpu.memory_space<vmem_shared>> -> memref<6272xf32, #tpu.memory_space<vmem_shared>>
      tpu.wait_dma2 semaphore(%run_scoped3A : memref<!tpu.dma_semaphore, #tpu.memory_space<semaphore_mem>>) src(%arg3 : memref<6272xf32, #tpu.memory_space<hbm>>) dst(%dma_wait3A : memref<6272xf32, #tpu.memory_space<vmem_shared>>)
      tpu.yield
    }) : () -> ()
    %barrier3A = arith.constant 0 : index
    tpu.barrier barrier_id(%barrier3A)
    %scan3A = arith.constant 0 : i32
    %scan3A_3 = arith.constant 0 : i32
    %scan3A_4 = arith.constant 196 : i32
    %scan3A_5 = arith.addi %scan3A_3, %scan3A_4 : i32
    %scan3A_6 = arith.constant 1 : i32
    scf.for %scan3A_16 = %scan3A_3 to %scan3A_5 step %scan3A_6  : i32 {
      %mul3A_17 = arith.constant 32 : i32
      %mul3A_18 = arith.muli %scan3A_16, %mul3A_17 : i32
      %add3A_19 = arith.addi %add3A, %mul3A_18 : i32
      %lt3A = arith.constant 6250 : i32
      %lt3A_20 = arith.cmpi slt, %add3A_19, %lt3A : i32
      %convert_element_type3A = arith.extui %lt3A_20 : i1 to i32
      %cond3A = arith.constant 0 : i32
      %cond3A_21 = arith.cmpi ne, %convert_element_type3A, %cond3A : i32
      scf.if %cond3A_21 {
        %mul3A_22 = arith.constant 2 : i32
        %mul3A_23 = arith.muli %add3A_19, %mul3A_22 : i32
        "tpu.region"() ({
          %run_scoped3A = tpu.sem_alloc : memref<!tpu.dma_semaphore, #tpu.memory_space<semaphore_mem>>
          %dma_start3A_46 = arith.constant 0 : i32
          %dma_start3A_47 = tpu.memref_slice %arg2[%mul3A_23, %dma_start3A_46] : memref<12500x512xi32, #tpu.memory_space<hbm>> -> memref<2x512xi32, #tpu.memory_space<hbm>>
          %dma_start3A_48 = arith.constant 0 : i32
          %dma_start3A_49 = tpu.memref_slice %arg2[%mul3A_23, %dma_start3A_48] : memref<12500x512xi32, #tpu.memory_space<hbm>> -> memref<2x512xi32, #tpu.memory_space<hbm>>
          tpu.enqueue_dma source(%dma_start3A_49 : memref<2x512xi32, #tpu.memory_space<hbm>>) target(%arg6 : memref<2x512xi32, #tpu.memory_space<vmem>>) target_semaphore(%run_scoped3A : memref<!tpu.dma_semaphore, #tpu.memory_space<semaphore_mem>>)
          %dma_wait3A_50 = arith.constant 0 : i32
          %dma_wait3A_51 = tpu.memref_slice %arg2[%mul3A_23, %dma_wait3A_50] : memref<12500x512xi32, #tpu.memory_space<hbm>> -> memref<2x512xi32, #tpu.memory_space<hbm>>
          %dma_wait3A_52 = arith.constant 0 : i32
          %dma_wait3A_53 = tpu.memref_slice %arg2[%mul3A_23, %dma_wait3A_52] : memref<12500x512xi32, #tpu.memory_space<hbm>> -> memref<2x512xi32, #tpu.memory_space<hbm>>
          tpu.wait_dma2 semaphore(%run_scoped3A : memref<!tpu.dma_semaphore, #tpu.memory_space<semaphore_mem>>) src(%dma_wait3A_53 : memref<2x512xi32, #tpu.memory_space<hbm>>) dst(%arg6 : memref<2x512xi32, #tpu.memory_space<vmem>>)
          tpu.yield
        }) : () -> ()
        %dma_start3A = arith.constant 0 : i32
        %dma_start3A_24 = arith.constant 0 : i32
        %dma_start3A_25 = tpu.memref_slice %arg6[%dma_start3A, %dma_start3A_24] : memref<2x512xi32, #tpu.memory_space<vmem>> -> memref<1x512xi32, #tpu.memory_space<vmem>>
        %dma_start3A_26 = tpu.memref_squeeze %dma_start3A_25 : memref<1x512xi32, #tpu.memory_space<vmem>> -> memref<512xi32, #tpu.memory_space<vmem>>
        %dma_start3A_27 = arith.constant 0 : i32
        %dma_start3A_28 = tpu.memref_slice %arg8[%dma_start3A_27] : memref<100352xf32, #tpu.memory_space<vmem_shared>> -> memref<100352xf32, #tpu.memory_space<vmem_shared>>
        tpu.enqueue_indirect_dma source(%arg7 : memref<512xf32, #tpu.memory_space<vmem>>) target(%dma_start3A_28 : memref<100352xf32, #tpu.memory_space<vmem_shared>>) offsets(%dma_start3A_26 : memref<512xi32, #tpu.memory_space<vmem>>) semaphore(%arg9 : memref<!tpu.dma_semaphore, #tpu.memory_space<semaphore_mem>>) {add = true}
        %dma_start3A_29 = arith.constant 1 : i32
        %dma_start3A_30 = arith.constant 0 : i32
        %dma_start3A_31 = tpu.memref_slice %arg6[%dma_start3A_29, %dma_start3A_30] : memref<2x512xi32, #tpu.memory_space<vmem>> -> memref<1x512xi32, #tpu.memory_space<vmem>>
        %dma_start3A_32 = tpu.memref_squeeze %dma_start3A_31 : memref<1x512xi32, #tpu.memory_space<vmem>> -> memref<512xi32, #tpu.memory_space<vmem>>
        %dma_start3A_33 = arith.constant 0 : i32
        %dma_start3A_34 = tpu.memref_slice %arg8[%dma_start3A_33] : memref<100352xf32, #tpu.memory_space<vmem_shared>> -> memref<100352xf32, #tpu.memory_space<vmem_shared>>
        tpu.enqueue_indirect_dma source(%arg7 : memref<512xf32, #tpu.memory_space<vmem>>) target(%dma_start3A_34 : memref<100352xf32, #tpu.memory_space<vmem_shared>>) offsets(%dma_start3A_32 : memref<512xi32, #tpu.memory_space<vmem>>) semaphore(%arg9 : memref<!tpu.dma_semaphore, #tpu.memory_space<semaphore_mem>>) {add = true}
        %dma_wait3A = arith.constant 0 : i32
        %dma_wait3A_35 = arith.constant 0 : i32
        %dma_wait3A_36 = tpu.memref_slice %arg6[%dma_wait3A, %dma_wait3A_35] : memref<2x512xi32, #tpu.memory_space<vmem>> -> memref<1x512xi32, #tpu.memory_space<vmem>>
        %dma_wait3A_37 = tpu.memref_squeeze %dma_wait3A_36 : memref<1x512xi32, #tpu.memory_space<vmem>> -> memref<512xi32, #tpu.memory_space<vmem>>
        %dma_wait3A_38 = arith.constant 0 : i32
        %dma_wait3A_39 = tpu.memref_slice %arg8[%dma_wait3A_38] : memref<100352xf32, #tpu.memory_space<vmem_shared>> -> memref<100352xf32, #tpu.memory_space<vmem_shared>>
        tpu.wait_indirect_dma semaphore(%arg9 : memref<!tpu.dma_semaphore, #tpu.memory_space<semaphore_mem>>) src(%arg7 : memref<512xf32, #tpu.memory_space<vmem>>) dst(%dma_wait3A_39 : memref<100352xf32, #tpu.memory_space<vmem_shared>>)
        %dma_wait3A_40 = arith.constant 1 : i32
        %dma_wait3A_41 = arith.constant 0 : i32
        %dma_wait3A_42 = tpu.memref_slice %arg6[%dma_wait3A_40, %dma_wait3A_41] : memref<2x512xi32, #tpu.memory_space<vmem>> -> memref<1x512xi32, #tpu.memory_space<vmem>>
        %dma_wait3A_43 = tpu.memref_squeeze %dma_wait3A_42 : memref<1x512xi32, #tpu.memory_space<vmem>> -> memref<512xi32, #tpu.memory_space<vmem>>
        %dma_wait3A_44 = arith.constant 0 : i32
        %dma_wait3A_45 = tpu.memref_slice %arg8[%dma_wait3A_44] : memref<100352xf32, #tpu.memory_space<vmem_shared>> -> memref<100352xf32, #tpu.memory_space<vmem_shared>>
        tpu.wait_indirect_dma semaphore(%arg9 : memref<!tpu.dma_semaphore, #tpu.memory_space<semaphore_mem>>) src(%arg7 : memref<512xf32, #tpu.memory_space<vmem>>) dst(%dma_wait3A_45 : memref<100352xf32, #tpu.memory_space<vmem_shared>>)
      } else {
      }
    }
    %scan3A_7 = arith.constant 196 : i32
    %barrier3A_8 = arith.constant 0 : index
    tpu.barrier barrier_id(%barrier3A_8)
    %mul3A_9 = arith.constant 6272 : i32
    %mul3A_10 = arith.muli %arg1, %mul3A_9 : i32
    %mul3A_11 = arith.constant 100352 : i32
    %mul3A_12 = arith.muli %arg0, %mul3A_11 : i32
    %mul3A_13 = arith.constant 6272 : i32
    %mul3A_14 = arith.muli %arg1, %mul3A_13 : i32
    %add3A_15 = arith.addi %mul3A_12, %mul3A_14 : i32
    "tpu.region"() ({
      %run_scoped3A = tpu.sem_alloc : memref<!tpu.dma_semaphore, #tpu.memory_space<semaphore_mem>>
      %dma_start3A = tpu.memref_slice %arg5[%add3A_15] : memref<200704xf32, #tpu.memory_space<hbm>> -> memref<6272xf32, #tpu.memory_space<hbm>>
      %dma_start3A_16 = tpu.memref_slice %arg8[%mul3A_10] : memref<100352xf32, #tpu.memory_space<vmem_shared>> -> memref<6272xf32, #tpu.memory_space<vmem_shared>>
      tpu.enqueue_dma source(%dma_start3A_16 : memref<6272xf32, #tpu.memory_space<vmem_shared>>) target(%dma_start3A : memref<6272xf32, #tpu.memory_space<hbm>>) target_semaphore(%run_scoped3A : memref<!tpu.dma_semaphore, #tpu.memory_space<semaphore_mem>>)
      %dma_wait3A = tpu.memref_slice %arg5[%add3A_15] : memref<200704xf32, #tpu.memory_space<hbm>> -> memref<6272xf32, #tpu.memory_space<hbm>>
      %dma_wait3A_17 = tpu.memref_slice %arg8[%mul3A_10] : memref<100352xf32, #tpu.memory_space<vmem_shared>> -> memref<6272xf32, #tpu.memory_space<vmem_shared>>
      tpu.wait_dma2 semaphore(%run_scoped3A : memref<!tpu.dma_semaphore, #tpu.memory_space<semaphore_mem>>) src(%dma_wait3A_17 : memref<6272xf32, #tpu.memory_space<vmem_shared>>) dst(%dma_wait3A : memref<6272xf32, #tpu.memory_space<hbm>>)
      tpu.yield
    }) : () -> ()
    return
  }
}

#map = affine_map<(d0, d1) -> (0, 0)>
#map1 = affine_map<(d0, d1) -> (0)>
#map2 = affine_map<(d0, d1) -> (0, 0, 0)>
module attributes {stable_mosaic.version = 14 : i64} {
  func.func @_k(%arg0: i32, %arg1: i32, %arg2: memref<12500x512xi32, #tpu.memory_space<hbm>>, %arg3: memref<12500x512xi32, #tpu.memory_space<hbm>>, %arg4: memref<100352xf32, #tpu.memory_space<hbm>>, %arg5: memref<100352xf32, #tpu.memory_space<hbm>>, %arg6: memref<100352xf32, #tpu.memory_space<hbm>>, %arg7: memref<100352xf32, #tpu.memory_space<hbm>>, %arg8: memref<6272xf32, #tpu.memory_space<hbm>>, %arg9: memref<2x4x100352xf32, #tpu.memory_space<hbm>>, %arg10: memref<3x2x512xi32, #tpu.memory_space<vmem>>, %arg11: memref<3x2x512xi32, #tpu.memory_space<vmem>>, %arg12: memref<3x8x512xf32, #tpu.memory_space<vmem>>, %arg13: memref<100352xf32, #tpu.memory_space<vmem_shared>>, %arg14: memref<100352xf32, #tpu.memory_space<vmem_shared>>, %arg15: memref<100352xf32, #tpu.memory_space<vmem_shared>>, %arg16: memref<100352xf32, #tpu.memory_space<vmem_shared>>, %arg17: memref<!tpu.dma_semaphore, #tpu.memory_space<semaphore_mem>>, %arg18: memref<!tpu.dma_semaphore, #tpu.memory_space<semaphore_mem>>, %arg19: memref<!tpu.dma_semaphore, #tpu.memory_space<semaphore_mem>>) attributes {dimension_semantics = [#tpu.dimension_semantics<core_parallel>, #tpu.dimension_semantics<subcore_parallel>], iteration_bounds = array<i64: 2, 16>, scalar_prefetch = 0 : i64, scratch_operands = 10 : i64, tpu.core_type = #tpu.core_type<sc_vector_subcore>, window_params = [{transform_indices = #map}, {transform_indices = #map}, {transform_indices = #map1}, {transform_indices = #map1}, {transform_indices = #map1}, {transform_indices = #map1}, {transform_indices = #map1}, {transform_indices = #map2}]} {
    %mul3A = arith.constant 2 : i32
    %mul3A_0 = arith.muli %arg1, %mul3A : i32
    %add3A = arith.addi %mul3A_0, %arg0 : i32
    %mul3A_1 = arith.constant 6272 : i32
    %mul3A_2 = arith.muli %arg1, %mul3A_1 : i32
    "tpu.region"() ({
      %run_scoped3A_36 = tpu.sem_alloc : memref<!tpu.dma_semaphore, #tpu.memory_space<semaphore_mem>>
      %dma_start3A = tpu.memref_slice %arg13[%mul3A_2] : memref<100352xf32, #tpu.memory_space<vmem_shared>> -> memref<6272xf32, #tpu.memory_space<vmem_shared>>
      tpu.enqueue_dma source(%arg8 : memref<6272xf32, #tpu.memory_space<hbm>>) target(%dma_start3A : memref<6272xf32, #tpu.memory_space<vmem_shared>>) target_semaphore(%run_scoped3A_36 : memref<!tpu.dma_semaphore, #tpu.memory_space<semaphore_mem>>)
      %dma_wait3A = tpu.memref_slice %arg13[%mul3A_2] : memref<100352xf32, #tpu.memory_space<vmem_shared>> -> memref<6272xf32, #tpu.memory_space<vmem_shared>>
      tpu.wait_dma2 semaphore(%run_scoped3A_36 : memref<!tpu.dma_semaphore, #tpu.memory_space<semaphore_mem>>) src(%arg8 : memref<6272xf32, #tpu.memory_space<hbm>>) dst(%dma_wait3A : memref<6272xf32, #tpu.memory_space<vmem_shared>>)
      tpu.yield
    }) : () -> ()
    %mul3A_3 = arith.constant 6272 : i32
    %mul3A_4 = arith.muli %arg1, %mul3A_3 : i32
    "tpu.region"() ({
      %run_scoped3A_36 = tpu.sem_alloc : memref<!tpu.dma_semaphore, #tpu.memory_space<semaphore_mem>>
      %dma_start3A = tpu.memref_slice %arg14[%mul3A_4] : memref<100352xf32, #tpu.memory_space<vmem_shared>> -> memref<6272xf32, #tpu.memory_space<vmem_shared>>
      tpu.enqueue_dma source(%arg8 : memref<6272xf32, #tpu.memory_space<hbm>>) target(%dma_start3A : memref<6272xf32, #tpu.memory_space<vmem_shared>>) target_semaphore(%run_scoped3A_36 : memref<!tpu.dma_semaphore, #tpu.memory_space<semaphore_mem>>)
      %dma_wait3A = tpu.memref_slice %arg14[%mul3A_4] : memref<100352xf32, #tpu.memory_space<vmem_shared>> -> memref<6272xf32, #tpu.memory_space<vmem_shared>>
      tpu.wait_dma2 semaphore(%run_scoped3A_36 : memref<!tpu.dma_semaphore, #tpu.memory_space<semaphore_mem>>) src(%arg8 : memref<6272xf32, #tpu.memory_space<hbm>>) dst(%dma_wait3A : memref<6272xf32, #tpu.memory_space<vmem_shared>>)
      tpu.yield
    }) : () -> ()
    %mul3A_5 = arith.constant 6272 : i32
    %mul3A_6 = arith.muli %arg1, %mul3A_5 : i32
    "tpu.region"() ({
      %run_scoped3A_36 = tpu.sem_alloc : memref<!tpu.dma_semaphore, #tpu.memory_space<semaphore_mem>>
      %dma_start3A = tpu.memref_slice %arg15[%mul3A_6] : memref<100352xf32, #tpu.memory_space<vmem_shared>> -> memref<6272xf32, #tpu.memory_space<vmem_shared>>
      tpu.enqueue_dma source(%arg8 : memref<6272xf32, #tpu.memory_space<hbm>>) target(%dma_start3A : memref<6272xf32, #tpu.memory_space<vmem_shared>>) target_semaphore(%run_scoped3A_36 : memref<!tpu.dma_semaphore, #tpu.memory_space<semaphore_mem>>)
      %dma_wait3A = tpu.memref_slice %arg15[%mul3A_6] : memref<100352xf32, #tpu.memory_space<vmem_shared>> -> memref<6272xf32, #tpu.memory_space<vmem_shared>>
      tpu.wait_dma2 semaphore(%run_scoped3A_36 : memref<!tpu.dma_semaphore, #tpu.memory_space<semaphore_mem>>) src(%arg8 : memref<6272xf32, #tpu.memory_space<hbm>>) dst(%dma_wait3A : memref<6272xf32, #tpu.memory_space<vmem_shared>>)
      tpu.yield
    }) : () -> ()
    %mul3A_7 = arith.constant 6272 : i32
    %mul3A_8 = arith.muli %arg1, %mul3A_7 : i32
    "tpu.region"() ({
      %run_scoped3A_36 = tpu.sem_alloc : memref<!tpu.dma_semaphore, #tpu.memory_space<semaphore_mem>>
      %dma_start3A = tpu.memref_slice %arg16[%mul3A_8] : memref<100352xf32, #tpu.memory_space<vmem_shared>> -> memref<6272xf32, #tpu.memory_space<vmem_shared>>
      tpu.enqueue_dma source(%arg8 : memref<6272xf32, #tpu.memory_space<hbm>>) target(%dma_start3A : memref<6272xf32, #tpu.memory_space<vmem_shared>>) target_semaphore(%run_scoped3A_36 : memref<!tpu.dma_semaphore, #tpu.memory_space<semaphore_mem>>)
      %dma_wait3A = tpu.memref_slice %arg16[%mul3A_8] : memref<100352xf32, #tpu.memory_space<vmem_shared>> -> memref<6272xf32, #tpu.memory_space<vmem_shared>>
      tpu.wait_dma2 semaphore(%run_scoped3A_36 : memref<!tpu.dma_semaphore, #tpu.memory_space<semaphore_mem>>) src(%arg8 : memref<6272xf32, #tpu.memory_space<hbm>>) dst(%dma_wait3A : memref<6272xf32, #tpu.memory_space<vmem_shared>>)
      tpu.yield
    }) : () -> ()
    %barrier3A = arith.constant 0 : index
    tpu.barrier barrier_id(%barrier3A)
    %lt3A = arith.constant 6250 : i32
    %lt3A_9 = arith.cmpi slt, %add3A, %lt3A : i32
    %convert_element_type3A = arith.extui %lt3A_9 : i1 to i32
    %cond3A = arith.constant 0 : i32
    %cond3A_10 = arith.cmpi ne, %convert_element_type3A, %cond3A : i32
    scf.if %cond3A_10 {
      %mul3A_36 = arith.constant 2 : i32
      %mul3A_37 = arith.muli %add3A, %mul3A_36 : i32
      %dma_start3A = arith.constant 0 : i32
      %dma_start3A_38 = arith.constant 0 : i32
      %dma_start3A_39 = arith.constant 0 : i32
      %dma_start3A_40 = tpu.memref_slice %arg10[%dma_start3A, %dma_start3A_38, %dma_start3A_39] : memref<3x2x512xi32, #tpu.memory_space<vmem>> -> memref<1x2x512xi32, #tpu.memory_space<vmem>>
      %dma_start3A_41 = tpu.memref_squeeze %dma_start3A_40 : memref<1x2x512xi32, #tpu.memory_space<vmem>> -> memref<2x512xi32, #tpu.memory_space<vmem>>
      %dma_start3A_42 = arith.constant 0 : i32
      %dma_start3A_43 = tpu.memref_slice %arg2[%mul3A_37, %dma_start3A_42] : memref<12500x512xi32, #tpu.memory_space<hbm>> -> memref<2x512xi32, #tpu.memory_space<hbm>>
      %dma_start3A_44 = arith.constant 0 : i32
      %dma_start3A_45 = arith.constant 0 : i32
      %dma_start3A_46 = tpu.memref_slice %arg10[%dma_start3A, %dma_start3A_44, %dma_start3A_45] : memref<3x2x512xi32, #tpu.memory_space<vmem>> -> memref<1x2x512xi32, #tpu.memory_space<vmem>>
      %dma_start3A_47 = tpu.memref_squeeze %dma_start3A_46 : memref<1x2x512xi32, #tpu.memory_space<vmem>> -> memref<2x512xi32, #tpu.memory_space<vmem>>
      %dma_start3A_48 = arith.constant 0 : i32
      %dma_start3A_49 = tpu.memref_slice %arg2[%mul3A_37, %dma_start3A_48] : memref<12500x512xi32, #tpu.memory_space<hbm>> -> memref<2x512xi32, #tpu.memory_space<hbm>>
      tpu.enqueue_dma source(%dma_start3A_49 : memref<2x512xi32, #tpu.memory_space<hbm>>) target(%dma_start3A_47 : memref<2x512xi32, #tpu.memory_space<vmem>>) target_semaphore(%arg17 : memref<!tpu.dma_semaphore, #tpu.memory_space<semaphore_mem>>)
      %mul3A_50 = arith.constant 2 : i32
      %mul3A_51 = arith.muli %add3A, %mul3A_50 : i32
      %dma_start3A_52 = arith.constant 0 : i32
      %dma_start3A_53 = arith.constant 0 : i32
      %dma_start3A_54 = arith.constant 0 : i32
      %dma_start3A_55 = tpu.memref_slice %arg11[%dma_start3A_52, %dma_start3A_53, %dma_start3A_54] : memref<3x2x512xi32, #tpu.memory_space<vmem>> -> memref<1x2x512xi32, #tpu.memory_space<vmem>>
      %dma_start3A_56 = tpu.memref_squeeze %dma_start3A_55 : memref<1x2x512xi32, #tpu.memory_space<vmem>> -> memref<2x512xi32, #tpu.memory_space<vmem>>
      %dma_start3A_57 = arith.constant 0 : i32
      %dma_start3A_58 = tpu.memref_slice %arg3[%mul3A_51, %dma_start3A_57] : memref<12500x512xi32, #tpu.memory_space<hbm>> -> memref<2x512xi32, #tpu.memory_space<hbm>>
      %dma_start3A_59 = arith.constant 0 : i32
      %dma_start3A_60 = arith.constant 0 : i32
      %dma_start3A_61 = tpu.memref_slice %arg11[%dma_start3A_52, %dma_start3A_59, %dma_start3A_60] : memref<3x2x512xi32, #tpu.memory_space<vmem>> -> memref<1x2x512xi32, #tpu.memory_space<vmem>>
      %dma_start3A_62 = tpu.memref_squeeze %dma_start3A_61 : memref<1x2x512xi32, #tpu.memory_space<vmem>> -> memref<2x512xi32, #tpu.memory_space<vmem>>
      %dma_start3A_63 = arith.constant 0 : i32
      %dma_start3A_64 = tpu.memref_slice %arg3[%mul3A_51, %dma_start3A_63] : memref<12500x512xi32, #tpu.memory_space<hbm>> -> memref<2x512xi32, #tpu.memory_space<hbm>>
      tpu.enqueue_dma source(%dma_start3A_64 : memref<2x512xi32, #tpu.memory_space<hbm>>) target(%dma_start3A_62 : memref<2x512xi32, #tpu.memory_space<vmem>>) target_semaphore(%arg17 : memref<!tpu.dma_semaphore, #tpu.memory_space<semaphore_mem>>)
    } else {
    }
    %scan3A = arith.constant 0 : i32
    %scan3A_11 = arith.constant 0 : i32
    %scan3A_12 = arith.constant 67 : i32
    %scan3A_13 = arith.addi %scan3A_11, %scan3A_12 : i32
    %scan3A_14 = arith.constant 1 : i32
    scf.for %scan3A_36 = %scan3A_11 to %scan3A_13 step %scan3A_14  : i32 {
      %mul3A_37 = arith.constant 3 : i32
      %mul3A_38 = arith.muli %scan3A_36, %mul3A_37 : i32
      %add3A_39 = arith.constant 0 : i32
      %add3A_40 = arith.addi %mul3A_38, %add3A_39 : i32
      %mul3A_41 = arith.constant 32 : i32
      %mul3A_42 = arith.muli %add3A_40, %mul3A_41 : i32
      %add3A_43 = arith.addi %add3A, %mul3A_42 : i32
      %sub3A = arith.constant 64 : i32
      %sub3A_44 = arith.subi %add3A_43, %sub3A : i32
      %ge3A = arith.constant 0 : i32
      %ge3A_45 = arith.cmpi sge, %sub3A_44, %ge3A : i32
      %sub3A_46 = arith.constant 64 : i32
      %sub3A_47 = arith.subi %add3A_43, %sub3A_46 : i32
      %lt3A_48 = arith.constant 6250 : i32
      %lt3A_49 = arith.cmpi slt, %sub3A_47, %lt3A_48 : i32
      %and3A = arith.andi %ge3A_45, %lt3A_49 : i1
      %convert_element_type3A_50 = arith.extui %and3A : i1 to i32
      %cond3A_51 = arith.constant 0 : i32
      %cond3A_52 = arith.cmpi ne, %convert_element_type3A_50, %cond3A_51 : i32
      scf.if %cond3A_52 {
        %dma_wait3A = arith.constant 1 : i32
        %dma_wait3A_169 = arith.constant 0 : i32
        %dma_wait3A_170 = arith.constant 1 : i32
        %dma_wait3A_171 = arith.constant 0 : i32
        %dma_wait3A_172 = arith.constant 0 : i32
        %dma_wait3A_173 = tpu.memref_slice %arg12[%dma_wait3A, %dma_wait3A_169, %dma_wait3A_172] : memref<3x8x512xf32, #tpu.memory_space<vmem>> -> memref<1x1x512xf32, #tpu.memory_space<vmem>>
        %dma_wait3A_174 = tpu.memref_squeeze %dma_wait3A_173 : memref<1x1x512xf32, #tpu.memory_space<vmem>> -> memref<512xf32, #tpu.memory_space<vmem>>
        %dma_wait3A_175 = arith.constant 0 : i32
        %dma_wait3A_176 = tpu.memref_slice %arg11[%dma_wait3A_170, %dma_wait3A_171, %dma_wait3A_175] : memref<3x2x512xi32, #tpu.memory_space<vmem>> -> memref<1x1x512xi32, #tpu.memory_space<vmem>>
        %dma_wait3A_177 = tpu.memref_squeeze %dma_wait3A_176 : memref<1x1x512xi32, #tpu.memory_space<vmem>> -> memref<512xi32, #tpu.memory_space<vmem>>
        %dma_wait3A_178 = arith.constant 0 : i32
        %dma_wait3A_179 = tpu.memref_slice %arg13[%dma_wait3A_178] : memref<100352xf32, #tpu.memory_space<vmem_shared>> -> memref<100352xf32, #tpu.memory_space<vmem_shared>>
        tpu.wait_indirect_dma semaphore(%arg19 : memref<!tpu.dma_semaphore, #tpu.memory_space<semaphore_mem>>) src(%dma_wait3A_174 : memref<512xf32, #tpu.memory_space<vmem>>) dst(%dma_wait3A_179 : memref<100352xf32, #tpu.memory_space<vmem_shared>>)
        %dma_wait3A_180 = arith.constant 1 : i32
        %dma_wait3A_181 = arith.constant 1 : i32
        %dma_wait3A_182 = arith.constant 1 : i32
        %dma_wait3A_183 = arith.constant 0 : i32
        %dma_wait3A_184 = arith.constant 0 : i32
        %dma_wait3A_185 = tpu.memref_slice %arg12[%dma_wait3A_180, %dma_wait3A_181, %dma_wait3A_184] : memref<3x8x512xf32, #tpu.memory_space<vmem>> -> memref<1x1x512xf32, #tpu.memory_space<vmem>>
        %dma_wait3A_186 = tpu.memref_squeeze %dma_wait3A_185 : memref<1x1x512xf32, #tpu.memory_space<vmem>> -> memref<512xf32, #tpu.memory_space<vmem>>
        %dma_wait3A_187 = arith.constant 0 : i32
        %dma_wait3A_188 = tpu.memref_slice %arg11[%dma_wait3A_182, %dma_wait3A_183, %dma_wait3A_187] : memref<3x2x512xi32, #tpu.memory_space<vmem>> -> memref<1x1x512xi32, #tpu.memory_space<vmem>>
        %dma_wait3A_189 = tpu.memref_squeeze %dma_wait3A_188 : memref<1x1x512xi32, #tpu.memory_space<vmem>> -> memref<512xi32, #tpu.memory_space<vmem>>
        %dma_wait3A_190 = arith.constant 0 : i32
        %dma_wait3A_191 = tpu.memref_slice %arg14[%dma_wait3A_190] : memref<100352xf32, #tpu.memory_space<vmem_shared>> -> memref<100352xf32, #tpu.memory_space<vmem_shared>>
        tpu.wait_indirect_dma semaphore(%arg19 : memref<!tpu.dma_semaphore, #tpu.memory_space<semaphore_mem>>) src(%dma_wait3A_186 : memref<512xf32, #tpu.memory_space<vmem>>) dst(%dma_wait3A_191 : memref<100352xf32, #tpu.memory_space<vmem_shared>>)
        %dma_wait3A_192 = arith.constant 1 : i32
        %dma_wait3A_193 = arith.constant 2 : i32
        %dma_wait3A_194 = arith.constant 1 : i32
        %dma_wait3A_195 = arith.constant 0 : i32
        %dma_wait3A_196 = arith.constant 0 : i32
        %dma_wait3A_197 = tpu.memref_slice %arg12[%dma_wait3A_192, %dma_wait3A_193, %dma_wait3A_196] : memref<3x8x512xf32, #tpu.memory_space<vmem>> -> memref<1x1x512xf32, #tpu.memory_space<vmem>>
        %dma_wait3A_198 = tpu.memref_squeeze %dma_wait3A_197 : memref<1x1x512xf32, #tpu.memory_space<vmem>> -> memref<512xf32, #tpu.memory_space<vmem>>
        %dma_wait3A_199 = arith.constant 0 : i32
        %dma_wait3A_200 = tpu.memref_slice %arg11[%dma_wait3A_194, %dma_wait3A_195, %dma_wait3A_199] : memref<3x2x512xi32, #tpu.memory_space<vmem>> -> memref<1x1x512xi32, #tpu.memory_space<vmem>>
        %dma_wait3A_201 = tpu.memref_squeeze %dma_wait3A_200 : memref<1x1x512xi32, #tpu.memory_space<vmem>> -> memref<512xi32, #tpu.memory_space<vmem>>
        %dma_wait3A_202 = arith.constant 0 : i32
        %dma_wait3A_203 = tpu.memref_slice %arg15[%dma_wait3A_202] : memref<100352xf32, #tpu.memory_space<vmem_shared>> -> memref<100352xf32, #tpu.memory_space<vmem_shared>>
        tpu.wait_indirect_dma semaphore(%arg19 : memref<!tpu.dma_semaphore, #tpu.memory_space<semaphore_mem>>) src(%dma_wait3A_198 : memref<512xf32, #tpu.memory_space<vmem>>) dst(%dma_wait3A_203 : memref<100352xf32, #tpu.memory_space<vmem_shared>>)
        %dma_wait3A_204 = arith.constant 1 : i32
        %dma_wait3A_205 = arith.constant 3 : i32
        %dma_wait3A_206 = arith.constant 1 : i32
        %dma_wait3A_207 = arith.constant 0 : i32
        %dma_wait3A_208 = arith.constant 0 : i32
        %dma_wait3A_209 = tpu.memref_slice %arg12[%dma_wait3A_204, %dma_wait3A_205, %dma_wait3A_208] : memref<3x8x512xf32, #tpu.memory_space<vmem>> -> memref<1x1x512xf32, #tpu.memory_space<vmem>>
        %dma_wait3A_210 = tpu.memref_squeeze %dma_wait3A_209 : memref<1x1x512xf32, #tpu.memory_space<vmem>> -> memref<512xf32, #tpu.memory_space<vmem>>
        %dma_wait3A_211 = arith.constant 0 : i32
        %dma_wait3A_212 = tpu.memref_slice %arg11[%dma_wait3A_206, %dma_wait3A_207, %dma_wait3A_211] : memref<3x2x512xi32, #tpu.memory_space<vmem>> -> memref<1x1x512xi32, #tpu.memory_space<vmem>>
        %dma_wait3A_213 = tpu.memref_squeeze %dma_wait3A_212 : memref<1x1x512xi32, #tpu.memory_space<vmem>> -> memref<512xi32, #tpu.memory_space<vmem>>
        %dma_wait3A_214 = arith.constant 0 : i32
        %dma_wait3A_215 = tpu.memref_slice %arg16[%dma_wait3A_214] : memref<100352xf32, #tpu.memory_space<vmem_shared>> -> memref<100352xf32, #tpu.memory_space<vmem_shared>>
        tpu.wait_indirect_dma semaphore(%arg19 : memref<!tpu.dma_semaphore, #tpu.memory_space<semaphore_mem>>) src(%dma_wait3A_210 : memref<512xf32, #tpu.memory_space<vmem>>) dst(%dma_wait3A_215 : memref<100352xf32, #tpu.memory_space<vmem_shared>>)
        %dma_wait3A_216 = arith.constant 1 : i32
        %dma_wait3A_217 = arith.constant 4 : i32
        %dma_wait3A_218 = arith.constant 1 : i32
        %dma_wait3A_219 = arith.constant 1 : i32
        %dma_wait3A_220 = arith.constant 0 : i32
        %dma_wait3A_221 = tpu.memref_slice %arg12[%dma_wait3A_216, %dma_wait3A_217, %dma_wait3A_220] : memref<3x8x512xf32, #tpu.memory_space<vmem>> -> memref<1x1x512xf32, #tpu.memory_space<vmem>>
        %dma_wait3A_222 = tpu.memref_squeeze %dma_wait3A_221 : memref<1x1x512xf32, #tpu.memory_space<vmem>> -> memref<512xf32, #tpu.memory_space<vmem>>
        %dma_wait3A_223 = arith.constant 0 : i32
        %dma_wait3A_224 = tpu.memref_slice %arg11[%dma_wait3A_218, %dma_wait3A_219, %dma_wait3A_223] : memref<3x2x512xi32, #tpu.memory_space<vmem>> -> memref<1x1x512xi32, #tpu.memory_space<vmem>>
        %dma_wait3A_225 = tpu.memref_squeeze %dma_wait3A_224 : memref<1x1x512xi32, #tpu.memory_space<vmem>> -> memref<512xi32, #tpu.memory_space<vmem>>
        %dma_wait3A_226 = arith.constant 0 : i32
        %dma_wait3A_227 = tpu.memref_slice %arg13[%dma_wait3A_226] : memref<100352xf32, #tpu.memory_space<vmem_shared>> -> memref<100352xf32, #tpu.memory_space<vmem_shared>>
        tpu.wait_indirect_dma semaphore(%arg19 : memref<!tpu.dma_semaphore, #tpu.memory_space<semaphore_mem>>) src(%dma_wait3A_222 : memref<512xf32, #tpu.memory_space<vmem>>) dst(%dma_wait3A_227 : memref<100352xf32, #tpu.memory_space<vmem_shared>>)
        %dma_wait3A_228 = arith.constant 1 : i32
        %dma_wait3A_229 = arith.constant 5 : i32
        %dma_wait3A_230 = arith.constant 1 : i32
        %dma_wait3A_231 = arith.constant 1 : i32
        %dma_wait3A_232 = arith.constant 0 : i32
        %dma_wait3A_233 = tpu.memref_slice %arg12[%dma_wait3A_228, %dma_wait3A_229, %dma_wait3A_232] : memref<3x8x512xf32, #tpu.memory_space<vmem>> -> memref<1x1x512xf32, #tpu.memory_space<vmem>>
        %dma_wait3A_234 = tpu.memref_squeeze %dma_wait3A_233 : memref<1x1x512xf32, #tpu.memory_space<vmem>> -> memref<512xf32, #tpu.memory_space<vmem>>
        %dma_wait3A_235 = arith.constant 0 : i32
        %dma_wait3A_236 = tpu.memref_slice %arg11[%dma_wait3A_230, %dma_wait3A_231, %dma_wait3A_235] : memref<3x2x512xi32, #tpu.memory_space<vmem>> -> memref<1x1x512xi32, #tpu.memory_space<vmem>>
        %dma_wait3A_237 = tpu.memref_squeeze %dma_wait3A_236 : memref<1x1x512xi32, #tpu.memory_space<vmem>> -> memref<512xi32, #tpu.memory_space<vmem>>
        %dma_wait3A_238 = arith.constant 0 : i32
        %dma_wait3A_239 = tpu.memref_slice %arg14[%dma_wait3A_238] : memref<100352xf32, #tpu.memory_space<vmem_shared>> -> memref<100352xf32, #tpu.memory_space<vmem_shared>>
        tpu.wait_indirect_dma semaphore(%arg19 : memref<!tpu.dma_semaphore, #tpu.memory_space<semaphore_mem>>) src(%dma_wait3A_234 : memref<512xf32, #tpu.memory_space<vmem>>) dst(%dma_wait3A_239 : memref<100352xf32, #tpu.memory_space<vmem_shared>>)
        %dma_wait3A_240 = arith.constant 1 : i32
        %dma_wait3A_241 = arith.constant 6 : i32
        %dma_wait3A_242 = arith.constant 1 : i32
        %dma_wait3A_243 = arith.constant 1 : i32
        %dma_wait3A_244 = arith.constant 0 : i32
        %dma_wait3A_245 = tpu.memref_slice %arg12[%dma_wait3A_240, %dma_wait3A_241, %dma_wait3A_244] : memref<3x8x512xf32, #tpu.memory_space<vmem>> -> memref<1x1x512xf32, #tpu.memory_space<vmem>>
        %dma_wait3A_246 = tpu.memref_squeeze %dma_wait3A_245 : memref<1x1x512xf32, #tpu.memory_space<vmem>> -> memref<512xf32, #tpu.memory_space<vmem>>
        %dma_wait3A_247 = arith.constant 0 : i32
        %dma_wait3A_248 = tpu.memref_slice %arg11[%dma_wait3A_242, %dma_wait3A_243, %dma_wait3A_247] : memref<3x2x512xi32, #tpu.memory_space<vmem>> -> memref<1x1x512xi32, #tpu.memory_space<vmem>>
        %dma_wait3A_249 = tpu.memref_squeeze %dma_wait3A_248 : memref<1x1x512xi32, #tpu.memory_space<vmem>> -> memref<512xi32, #tpu.memory_space<vmem>>
        %dma_wait3A_250 = arith.constant 0 : i32
        %dma_wait3A_251 = tpu.memref_slice %arg15[%dma_wait3A_250] : memref<100352xf32, #tpu.memory_space<vmem_shared>> -> memref<100352xf32, #tpu.memory_space<vmem_shared>>
        tpu.wait_indirect_dma semaphore(%arg19 : memref<!tpu.dma_semaphore, #tpu.memory_space<semaphore_mem>>) src(%dma_wait3A_246 : memref<512xf32, #tpu.memory_space<vmem>>) dst(%dma_wait3A_251 : memref<100352xf32, #tpu.memory_space<vmem_shared>>)
        %dma_wait3A_252 = arith.constant 1 : i32
        %dma_wait3A_253 = arith.constant 7 : i32
        %dma_wait3A_254 = arith.constant 1 : i32
        %dma_wait3A_255 = arith.constant 1 : i32
        %dma_wait3A_256 = arith.constant 0 : i32
        %dma_wait3A_257 = tpu.memref_slice %arg12[%dma_wait3A_252, %dma_wait3A_253, %dma_wait3A_256] : memref<3x8x512xf32, #tpu.memory_space<vmem>> -> memref<1x1x512xf32, #tpu.memory_space<vmem>>
        %dma_wait3A_258 = tpu.memref_squeeze %dma_wait3A_257 : memref<1x1x512xf32, #tpu.memory_space<vmem>> -> memref<512xf32, #tpu.memory_space<vmem>>
        %dma_wait3A_259 = arith.constant 0 : i32
        %dma_wait3A_260 = tpu.memref_slice %arg11[%dma_wait3A_254, %dma_wait3A_255, %dma_wait3A_259] : memref<3x2x512xi32, #tpu.memory_space<vmem>> -> memref<1x1x512xi32, #tpu.memory_space<vmem>>
        %dma_wait3A_261 = tpu.memref_squeeze %dma_wait3A_260 : memref<1x1x512xi32, #tpu.memory_space<vmem>> -> memref<512xi32, #tpu.memory_space<vmem>>
        %dma_wait3A_262 = arith.constant 0 : i32
        %dma_wait3A_263 = tpu.memref_slice %arg16[%dma_wait3A_262] : memref<100352xf32, #tpu.memory_space<vmem_shared>> -> memref<100352xf32, #tpu.memory_space<vmem_shared>>
        tpu.wait_indirect_dma semaphore(%arg19 : memref<!tpu.dma_semaphore, #tpu.memory_space<semaphore_mem>>) src(%dma_wait3A_258 : memref<512xf32, #tpu.memory_space<vmem>>) dst(%dma_wait3A_263 : memref<100352xf32, #tpu.memory_space<vmem_shared>>)
      } else {
      }
      %add3A_53 = arith.constant 32 : i32
      %add3A_54 = arith.addi %add3A_43, %add3A_53 : i32
      %lt3A_55 = arith.constant 6250 : i32
      %lt3A_56 = arith.cmpi slt, %add3A_54, %lt3A_55 : i32
      %add3A_57 = arith.constant 32 : i32
      %add3A_58 = arith.addi %add3A_43, %add3A_57 : i32
      %convert_element_type3A_59 = arith.extui %lt3A_56 : i1 to i32
      %cond3A_60 = arith.constant 0 : i32
      %cond3A_61 = arith.cmpi ne, %convert_element_type3A_59, %cond3A_60 : i32
      scf.if %cond3A_61 {
        %mul3A_169 = arith.constant 2 : i32
        %mul3A_170 = arith.muli %add3A_58, %mul3A_169 : i32
        %dma_start3A = arith.constant 1 : i32
        %dma_start3A_171 = arith.constant 0 : i32
        %dma_start3A_172 = arith.constant 0 : i32
        %dma_start3A_173 = tpu.memref_slice %arg10[%dma_start3A, %dma_start3A_171, %dma_start3A_172] : memref<3x2x512xi32, #tpu.memory_space<vmem>> -> memref<1x2x512xi32, #tpu.memory_space<vmem>>
        %dma_start3A_174 = tpu.memref_squeeze %dma_start3A_173 : memref<1x2x512xi32, #tpu.memory_space<vmem>> -> memref<2x512xi32, #tpu.memory_space<vmem>>
        %dma_start3A_175 = arith.constant 0 : i32
        %dma_start3A_176 = tpu.memref_slice %arg2[%mul3A_170, %dma_start3A_175] : memref<12500x512xi32, #tpu.memory_space<hbm>> -> memref<2x512xi32, #tpu.memory_space<hbm>>
        %dma_start3A_177 = arith.constant 0 : i32
        %dma_start3A_178 = arith.constant 0 : i32
        %dma_start3A_179 = tpu.memref_slice %arg10[%dma_start3A, %dma_start3A_177, %dma_start3A_178] : memref<3x2x512xi32, #tpu.memory_space<vmem>> -> memref<1x2x512xi32, #tpu.memory_space<vmem>>
        %dma_start3A_180 = tpu.memref_squeeze %dma_start3A_179 : memref<1x2x512xi32, #tpu.memory_space<vmem>> -> memref<2x512xi32, #tpu.memory_space<vmem>>
        %dma_start3A_181 = arith.constant 0 : i32
        %dma_start3A_182 = tpu.memref_slice %arg2[%mul3A_170, %dma_start3A_181] : memref<12500x512xi32, #tpu.memory_space<hbm>> -> memref<2x512xi32, #tpu.memory_space<hbm>>
        tpu.enqueue_dma source(%dma_start3A_182 : memref<2x512xi32, #tpu.memory_space<hbm>>) target(%dma_start3A_180 : memref<2x512xi32, #tpu.memory_space<vmem>>) target_semaphore(%arg17 : memref<!tpu.dma_semaphore, #tpu.memory_space<semaphore_mem>>)
        %mul3A_183 = arith.constant 2 : i32
        %mul3A_184 = arith.muli %add3A_58, %mul3A_183 : i32
        %dma_start3A_185 = arith.constant 1 : i32
        %dma_start3A_186 = arith.constant 0 : i32
        %dma_start3A_187 = arith.constant 0 : i32
        %dma_start3A_188 = tpu.memref_slice %arg11[%dma_start3A_185, %dma_start3A_186, %dma_start3A_187] : memref<3x2x512xi32, #tpu.memory_space<vmem>> -> memref<1x2x512xi32, #tpu.memory_space<vmem>>
        %dma_start3A_189 = tpu.memref_squeeze %dma_start3A_188 : memref<1x2x512xi32, #tpu.memory_space<vmem>> -> memref<2x512xi32, #tpu.memory_space<vmem>>
        %dma_start3A_190 = arith.constant 0 : i32
        %dma_start3A_191 = tpu.memref_slice %arg3[%mul3A_184, %dma_start3A_190] : memref<12500x512xi32, #tpu.memory_space<hbm>> -> memref<2x512xi32, #tpu.memory_space<hbm>>
        %dma_start3A_192 = arith.constant 0 : i32
        %dma_start3A_193 = arith.constant 0 : i32
        %dma_start3A_194 = tpu.memref_slice %arg11[%dma_start3A_185, %dma_start3A_192, %dma_start3A_193] : memref<3x2x512xi32, #tpu.memory_space<vmem>> -> memref<1x2x512xi32, #tpu.memory_space<vmem>>
        %dma_start3A_195 = tpu.memref_squeeze %dma_start3A_194 : memref<1x2x512xi32, #tpu.memory_space<vmem>> -> memref<2x512xi32, #tpu.memory_space<vmem>>
        %dma_start3A_196 = arith.constant 0 : i32
        %dma_start3A_197 = tpu.memref_slice %arg3[%mul3A_184, %dma_start3A_196] : memref<12500x512xi32, #tpu.memory_space<hbm>> -> memref<2x512xi32, #tpu.memory_space<hbm>>
        tpu.enqueue_dma source(%dma_start3A_197 : memref<2x512xi32, #tpu.memory_space<hbm>>) target(%dma_start3A_195 : memref<2x512xi32, #tpu.memory_space<vmem>>) target_semaphore(%arg17 : memref<!tpu.dma_semaphore, #tpu.memory_space<semaphore_mem>>)
      } else {
      }
      %lt3A_62 = arith.constant 6250 : i32
      %lt3A_63 = arith.cmpi slt, %add3A_43, %lt3A_62 : i32
      %convert_element_type3A_64 = arith.extui %lt3A_63 : i1 to i32
      %cond3A_65 = arith.constant 0 : i32
      %cond3A_66 = arith.cmpi ne, %convert_element_type3A_64, %cond3A_65 : i32
      scf.if %cond3A_66 {
        %mul3A_169 = arith.constant 2 : i32
        %mul3A_170 = arith.muli %add3A_43, %mul3A_169 : i32
        %dma_wait3A = arith.constant 0 : i32
        %dma_wait3A_171 = arith.constant 0 : i32
        %dma_wait3A_172 = arith.constant 0 : i32
        %dma_wait3A_173 = tpu.memref_slice %arg10[%dma_wait3A, %dma_wait3A_171, %dma_wait3A_172] : memref<3x2x512xi32, #tpu.memory_space<vmem>> -> memref<1x2x512xi32, #tpu.memory_space<vmem>>
        %dma_wait3A_174 = tpu.memref_squeeze %dma_wait3A_173 : memref<1x2x512xi32, #tpu.memory_space<vmem>> -> memref<2x512xi32, #tpu.memory_space<vmem>>
        %dma_wait3A_175 = arith.constant 0 : i32
        %dma_wait3A_176 = tpu.memref_slice %arg2[%mul3A_170, %dma_wait3A_175] : memref<12500x512xi32, #tpu.memory_space<hbm>> -> memref<2x512xi32, #tpu.memory_space<hbm>>
        %dma_wait3A_177 = arith.constant 0 : i32
        %dma_wait3A_178 = arith.constant 0 : i32
        %dma_wait3A_179 = tpu.memref_slice %arg10[%dma_wait3A, %dma_wait3A_177, %dma_wait3A_178] : memref<3x2x512xi32, #tpu.memory_space<vmem>> -> memref<1x2x512xi32, #tpu.memory_space<vmem>>
        %dma_wait3A_180 = tpu.memref_squeeze %dma_wait3A_179 : memref<1x2x512xi32, #tpu.memory_space<vmem>> -> memref<2x512xi32, #tpu.memory_space<vmem>>
        %dma_wait3A_181 = arith.constant 0 : i32
        %dma_wait3A_182 = tpu.memref_slice %arg2[%mul3A_170, %dma_wait3A_181] : memref<12500x512xi32, #tpu.memory_space<hbm>> -> memref<2x512xi32, #tpu.memory_space<hbm>>
        tpu.wait_dma2 semaphore(%arg17 : memref<!tpu.dma_semaphore, #tpu.memory_space<semaphore_mem>>) src(%dma_wait3A_182 : memref<2x512xi32, #tpu.memory_space<hbm>>) dst(%dma_wait3A_180 : memref<2x512xi32, #tpu.memory_space<vmem>>)
        %mul3A_183 = arith.constant 2 : i32
        %mul3A_184 = arith.muli %add3A_43, %mul3A_183 : i32
        %dma_wait3A_185 = arith.constant 0 : i32
        %dma_wait3A_186 = arith.constant 0 : i32
        %dma_wait3A_187 = arith.constant 0 : i32
        %dma_wait3A_188 = tpu.memref_slice %arg11[%dma_wait3A_185, %dma_wait3A_186, %dma_wait3A_187] : memref<3x2x512xi32, #tpu.memory_space<vmem>> -> memref<1x2x512xi32, #tpu.memory_space<vmem>>
        %dma_wait3A_189 = tpu.memref_squeeze %dma_wait3A_188 : memref<1x2x512xi32, #tpu.memory_space<vmem>> -> memref<2x512xi32, #tpu.memory_space<vmem>>
        %dma_wait3A_190 = arith.constant 0 : i32
        %dma_wait3A_191 = tpu.memref_slice %arg3[%mul3A_184, %dma_wait3A_190] : memref<12500x512xi32, #tpu.memory_space<hbm>> -> memref<2x512xi32, #tpu.memory_space<hbm>>
        %dma_wait3A_192 = arith.constant 0 : i32
        %dma_wait3A_193 = arith.constant 0 : i32
        %dma_wait3A_194 = tpu.memref_slice %arg11[%dma_wait3A_185, %dma_wait3A_192, %dma_wait3A_193] : memref<3x2x512xi32, #tpu.memory_space<vmem>> -> memref<1x2x512xi32, #tpu.memory_space<vmem>>
        %dma_wait3A_195 = tpu.memref_squeeze %dma_wait3A_194 : memref<1x2x512xi32, #tpu.memory_space<vmem>> -> memref<2x512xi32, #tpu.memory_space<vmem>>
        %dma_wait3A_196 = arith.constant 0 : i32
        %dma_wait3A_197 = tpu.memref_slice %arg3[%mul3A_184, %dma_wait3A_196] : memref<12500x512xi32, #tpu.memory_space<hbm>> -> memref<2x512xi32, #tpu.memory_space<hbm>>
        tpu.wait_dma2 semaphore(%arg17 : memref<!tpu.dma_semaphore, #tpu.memory_space<semaphore_mem>>) src(%dma_wait3A_197 : memref<2x512xi32, #tpu.memory_space<hbm>>) dst(%dma_wait3A_195 : memref<2x512xi32, #tpu.memory_space<vmem>>)
        %dma_start3A = arith.constant 0 : i32
        %dma_start3A_198 = arith.constant 0 : i32
        %dma_start3A_199 = arith.constant 0 : i32
        %dma_start3A_200 = arith.constant 0 : i32
        %dma_start3A_201 = arith.constant 0 : i32
        %dma_start3A_202 = tpu.memref_slice %arg12[%dma_start3A_199, %dma_start3A_200, %dma_start3A_201] : memref<3x8x512xf32, #tpu.memory_space<vmem>> -> memref<1x1x512xf32, #tpu.memory_space<vmem>>
        %dma_start3A_203 = tpu.memref_squeeze %dma_start3A_202 : memref<1x1x512xf32, #tpu.memory_space<vmem>> -> memref<512xf32, #tpu.memory_space<vmem>>
        %dma_start3A_204 = arith.constant 0 : i32
        %dma_start3A_205 = tpu.memref_slice %arg10[%dma_start3A, %dma_start3A_198, %dma_start3A_204] : memref<3x2x512xi32, #tpu.memory_space<vmem>> -> memref<1x1x512xi32, #tpu.memory_space<vmem>>
        %dma_start3A_206 = tpu.memref_squeeze %dma_start3A_205 : memref<1x1x512xi32, #tpu.memory_space<vmem>> -> memref<512xi32, #tpu.memory_space<vmem>>
        %dma_start3A_207 = arith.constant 0 : i32
        %dma_start3A_208 = tpu.memref_slice %arg4[%dma_start3A_207] : memref<100352xf32, #tpu.memory_space<hbm>> -> memref<100352xf32, #tpu.memory_space<hbm>>
        tpu.enqueue_indirect_dma source(%dma_start3A_208 : memref<100352xf32, #tpu.memory_space<hbm>>) target(%dma_start3A_203 : memref<512xf32, #tpu.memory_space<vmem>>) offsets(%dma_start3A_206 : memref<512xi32, #tpu.memory_space<vmem>>) semaphore(%arg18 : memref<!tpu.dma_semaphore, #tpu.memory_space<semaphore_mem>>)
        %dma_start3A_209 = arith.constant 0 : i32
        %dma_start3A_210 = arith.constant 0 : i32
        %dma_start3A_211 = arith.constant 0 : i32
        %dma_start3A_212 = arith.constant 1 : i32
        %dma_start3A_213 = arith.constant 0 : i32
        %dma_start3A_214 = tpu.memref_slice %arg12[%dma_start3A_211, %dma_start3A_212, %dma_start3A_213] : memref<3x8x512xf32, #tpu.memory_space<vmem>> -> memref<1x1x512xf32, #tpu.memory_space<vmem>>
        %dma_start3A_215 = tpu.memref_squeeze %dma_start3A_214 : memref<1x1x512xf32, #tpu.memory_space<vmem>> -> memref<512xf32, #tpu.memory_space<vmem>>
        %dma_start3A_216 = arith.constant 0 : i32
        %dma_start3A_217 = tpu.memref_slice %arg10[%dma_start3A_209, %dma_start3A_210, %dma_start3A_216] : memref<3x2x512xi32, #tpu.memory_space<vmem>> -> memref<1x1x512xi32, #tpu.memory_space<vmem>>
        %dma_start3A_218 = tpu.memref_squeeze %dma_start3A_217 : memref<1x1x512xi32, #tpu.memory_space<vmem>> -> memref<512xi32, #tpu.memory_space<vmem>>
        %dma_start3A_219 = arith.constant 0 : i32
        %dma_start3A_220 = tpu.memref_slice %arg5[%dma_start3A_219] : memref<100352xf32, #tpu.memory_space<hbm>> -> memref<100352xf32, #tpu.memory_space<hbm>>
        tpu.enqueue_indirect_dma source(%dma_start3A_220 : memref<100352xf32, #tpu.memory_space<hbm>>) target(%dma_start3A_215 : memref<512xf32, #tpu.memory_space<vmem>>) offsets(%dma_start3A_218 : memref<512xi32, #tpu.memory_space<vmem>>) semaphore(%arg18 : memref<!tpu.dma_semaphore, #tpu.memory_space<semaphore_mem>>)
        %dma_start3A_221 = arith.constant 0 : i32
        %dma_start3A_222 = arith.constant 0 : i32
        %dma_start3A_223 = arith.constant 0 : i32
        %dma_start3A_224 = arith.constant 2 : i32
        %dma_start3A_225 = arith.constant 0 : i32
        %dma_start3A_226 = tpu.memref_slice %arg12[%dma_start3A_223, %dma_start3A_224, %dma_start3A_225] : memref<3x8x512xf32, #tpu.memory_space<vmem>> -> memref<1x1x512xf32, #tpu.memory_space<vmem>>
        %dma_start3A_227 = tpu.memref_squeeze %dma_start3A_226 : memref<1x1x512xf32, #tpu.memory_space<vmem>> -> memref<512xf32, #tpu.memory_space<vmem>>
        %dma_start3A_228 = arith.constant 0 : i32
        %dma_start3A_229 = tpu.memref_slice %arg10[%dma_start3A_221, %dma_start3A_222, %dma_start3A_228] : memref<3x2x512xi32, #tpu.memory_space<vmem>> -> memref<1x1x512xi32, #tpu.memory_space<vmem>>
        %dma_start3A_230 = tpu.memref_squeeze %dma_start3A_229 : memref<1x1x512xi32, #tpu.memory_space<vmem>> -> memref<512xi32, #tpu.memory_space<vmem>>
        %dma_start3A_231 = arith.constant 0 : i32
        %dma_start3A_232 = tpu.memref_slice %arg6[%dma_start3A_231] : memref<100352xf32, #tpu.memory_space<hbm>> -> memref<100352xf32, #tpu.memory_space<hbm>>
        tpu.enqueue_indirect_dma source(%dma_start3A_232 : memref<100352xf32, #tpu.memory_space<hbm>>) target(%dma_start3A_227 : memref<512xf32, #tpu.memory_space<vmem>>) offsets(%dma_start3A_230 : memref<512xi32, #tpu.memory_space<vmem>>) semaphore(%arg18 : memref<!tpu.dma_semaphore, #tpu.memory_space<semaphore_mem>>)
        %dma_start3A_233 = arith.constant 0 : i32
        %dma_start3A_234 = arith.constant 0 : i32
        %dma_start3A_235 = arith.constant 0 : i32
        %dma_start3A_236 = arith.constant 3 : i32
        %dma_start3A_237 = arith.constant 0 : i32
        %dma_start3A_238 = tpu.memref_slice %arg12[%dma_start3A_235, %dma_start3A_236, %dma_start3A_237] : memref<3x8x512xf32, #tpu.memory_space<vmem>> -> memref<1x1x512xf32, #tpu.memory_space<vmem>>
        %dma_start3A_239 = tpu.memref_squeeze %dma_start3A_238 : memref<1x1x512xf32, #tpu.memory_space<vmem>> -> memref<512xf32, #tpu.memory_space<vmem>>
        %dma_start3A_240 = arith.constant 0 : i32
        %dma_start3A_241 = tpu.memref_slice %arg10[%dma_start3A_233, %dma_start3A_234, %dma_start3A_240] : memref<3x2x512xi32, #tpu.memory_space<vmem>> -> memref<1x1x512xi32, #tpu.memory_space<vmem>>
        %dma_start3A_242 = tpu.memref_squeeze %dma_start3A_241 : memref<1x1x512xi32, #tpu.memory_space<vmem>> -> memref<512xi32, #tpu.memory_space<vmem>>
        %dma_start3A_243 = arith.constant 0 : i32
        %dma_start3A_244 = tpu.memref_slice %arg7[%dma_start3A_243] : memref<100352xf32, #tpu.memory_space<hbm>> -> memref<100352xf32, #tpu.memory_space<hbm>>
        tpu.enqueue_indirect_dma source(%dma_start3A_244 : memref<100352xf32, #tpu.memory_space<hbm>>) target(%dma_start3A_239 : memref<512xf32, #tpu.memory_space<vmem>>) offsets(%dma_start3A_242 : memref<512xi32, #tpu.memory_space<vmem>>) semaphore(%arg18 : memref<!tpu.dma_semaphore, #tpu.memory_space<semaphore_mem>>)
        %dma_start3A_245 = arith.constant 0 : i32
        %dma_start3A_246 = arith.constant 1 : i32
        %dma_start3A_247 = arith.constant 0 : i32
        %dma_start3A_248 = arith.constant 4 : i32
        %dma_start3A_249 = arith.constant 0 : i32
        %dma_start3A_250 = tpu.memref_slice %arg12[%dma_start3A_247, %dma_start3A_248, %dma_start3A_249] : memref<3x8x512xf32, #tpu.memory_space<vmem>> -> memref<1x1x512xf32, #tpu.memory_space<vmem>>
        %dma_start3A_251 = tpu.memref_squeeze %dma_start3A_250 : memref<1x1x512xf32, #tpu.memory_space<vmem>> -> memref<512xf32, #tpu.memory_space<vmem>>
        %dma_start3A_252 = arith.constant 0 : i32
        %dma_start3A_253 = tpu.memref_slice %arg10[%dma_start3A_245, %dma_start3A_246, %dma_start3A_252] : memref<3x2x512xi32, #tpu.memory_space<vmem>> -> memref<1x1x512xi32, #tpu.memory_space<vmem>>
        %dma_start3A_254 = tpu.memref_squeeze %dma_start3A_253 : memref<1x1x512xi32, #tpu.memory_space<vmem>> -> memref<512xi32, #tpu.memory_space<vmem>>
        %dma_start3A_255 = arith.constant 0 : i32
        %dma_start3A_256 = tpu.memref_slice %arg4[%dma_start3A_255] : memref<100352xf32, #tpu.memory_space<hbm>> -> memref<100352xf32, #tpu.memory_space<hbm>>
        tpu.enqueue_indirect_dma source(%dma_start3A_256 : memref<100352xf32, #tpu.memory_space<hbm>>) target(%dma_start3A_251 : memref<512xf32, #tpu.memory_space<vmem>>) offsets(%dma_start3A_254 : memref<512xi32, #tpu.memory_space<vmem>>) semaphore(%arg18 : memref<!tpu.dma_semaphore, #tpu.memory_space<semaphore_mem>>)
        %dma_start3A_257 = arith.constant 0 : i32
        %dma_start3A_258 = arith.constant 1 : i32
        %dma_start3A_259 = arith.constant 0 : i32
        %dma_start3A_260 = arith.constant 5 : i32
        %dma_start3A_261 = arith.constant 0 : i32
        %dma_start3A_262 = tpu.memref_slice %arg12[%dma_start3A_259, %dma_start3A_260, %dma_start3A_261] : memref<3x8x512xf32, #tpu.memory_space<vmem>> -> memref<1x1x512xf32, #tpu.memory_space<vmem>>
        %dma_start3A_263 = tpu.memref_squeeze %dma_start3A_262 : memref<1x1x512xf32, #tpu.memory_space<vmem>> -> memref<512xf32, #tpu.memory_space<vmem>>
        %dma_start3A_264 = arith.constant 0 : i32
        %dma_start3A_265 = tpu.memref_slice %arg10[%dma_start3A_257, %dma_start3A_258, %dma_start3A_264] : memref<3x2x512xi32, #tpu.memory_space<vmem>> -> memref<1x1x512xi32, #tpu.memory_space<vmem>>
        %dma_start3A_266 = tpu.memref_squeeze %dma_start3A_265 : memref<1x1x512xi32, #tpu.memory_space<vmem>> -> memref<512xi32, #tpu.memory_space<vmem>>
        %dma_start3A_267 = arith.constant 0 : i32
        %dma_start3A_268 = tpu.memref_slice %arg5[%dma_start3A_267] : memref<100352xf32, #tpu.memory_space<hbm>> -> memref<100352xf32, #tpu.memory_space<hbm>>
        tpu.enqueue_indirect_dma source(%dma_start3A_268 : memref<100352xf32, #tpu.memory_space<hbm>>) target(%dma_start3A_263 : memref<512xf32, #tpu.memory_space<vmem>>) offsets(%dma_start3A_266 : memref<512xi32, #tpu.memory_space<vmem>>) semaphore(%arg18 : memref<!tpu.dma_semaphore, #tpu.memory_space<semaphore_mem>>)
        %dma_start3A_269 = arith.constant 0 : i32
        %dma_start3A_270 = arith.constant 1 : i32
        %dma_start3A_271 = arith.constant 0 : i32
        %dma_start3A_272 = arith.constant 6 : i32
        %dma_start3A_273 = arith.constant 0 : i32
        %dma_start3A_274 = tpu.memref_slice %arg12[%dma_start3A_271, %dma_start3A_272, %dma_start3A_273] : memref<3x8x512xf32, #tpu.memory_space<vmem>> -> memref<1x1x512xf32, #tpu.memory_space<vmem>>
        %dma_start3A_275 = tpu.memref_squeeze %dma_start3A_274 : memref<1x1x512xf32, #tpu.memory_space<vmem>> -> memref<512xf32, #tpu.memory_space<vmem>>
        %dma_start3A_276 = arith.constant 0 : i32
        %dma_start3A_277 = tpu.memref_slice %arg10[%dma_start3A_269, %dma_start3A_270, %dma_start3A_276] : memref<3x2x512xi32, #tpu.memory_space<vmem>> -> memref<1x1x512xi32, #tpu.memory_space<vmem>>
        %dma_start3A_278 = tpu.memref_squeeze %dma_start3A_277 : memref<1x1x512xi32, #tpu.memory_space<vmem>> -> memref<512xi32, #tpu.memory_space<vmem>>
        %dma_start3A_279 = arith.constant 0 : i32
        %dma_start3A_280 = tpu.memref_slice %arg6[%dma_start3A_279] : memref<100352xf32, #tpu.memory_space<hbm>> -> memref<100352xf32, #tpu.memory_space<hbm>>
        tpu.enqueue_indirect_dma source(%dma_start3A_280 : memref<100352xf32, #tpu.memory_space<hbm>>) target(%dma_start3A_275 : memref<512xf32, #tpu.memory_space<vmem>>) offsets(%dma_start3A_278 : memref<512xi32, #tpu.memory_space<vmem>>) semaphore(%arg18 : memref<!tpu.dma_semaphore, #tpu.memory_space<semaphore_mem>>)
        %dma_start3A_281 = arith.constant 0 : i32
        %dma_start3A_282 = arith.constant 1 : i32
        %dma_start3A_283 = arith.constant 0 : i32
        %dma_start3A_284 = arith.constant 7 : i32
        %dma_start3A_285 = arith.constant 0 : i32
        %dma_start3A_286 = tpu.memref_slice %arg12[%dma_start3A_283, %dma_start3A_284, %dma_start3A_285] : memref<3x8x512xf32, #tpu.memory_space<vmem>> -> memref<1x1x512xf32, #tpu.memory_space<vmem>>
        %dma_start3A_287 = tpu.memref_squeeze %dma_start3A_286 : memref<1x1x512xf32, #tpu.memory_space<vmem>> -> memref<512xf32, #tpu.memory_space<vmem>>
        %dma_start3A_288 = arith.constant 0 : i32
        %dma_start3A_289 = tpu.memref_slice %arg10[%dma_start3A_281, %dma_start3A_282, %dma_start3A_288] : memref<3x2x512xi32, #tpu.memory_space<vmem>> -> memref<1x1x512xi32, #tpu.memory_space<vmem>>
        %dma_start3A_290 = tpu.memref_squeeze %dma_start3A_289 : memref<1x1x512xi32, #tpu.memory_space<vmem>> -> memref<512xi32, #tpu.memory_space<vmem>>
        %dma_start3A_291 = arith.constant 0 : i32
        %dma_start3A_292 = tpu.memref_slice %arg7[%dma_start3A_291] : memref<100352xf32, #tpu.memory_space<hbm>> -> memref<100352xf32, #tpu.memory_space<hbm>>
        tpu.enqueue_indirect_dma source(%dma_start3A_292 : memref<100352xf32, #tpu.memory_space<hbm>>) target(%dma_start3A_287 : memref<512xf32, #tpu.memory_space<vmem>>) offsets(%dma_start3A_290 : memref<512xi32, #tpu.memory_space<vmem>>) semaphore(%arg18 : memref<!tpu.dma_semaphore, #tpu.memory_space<semaphore_mem>>)
      } else {
      }
      %sub3A_67 = arith.constant 32 : i32
      %sub3A_68 = arith.subi %add3A_43, %sub3A_67 : i32
      %ge3A_69 = arith.constant 0 : i32
      %ge3A_70 = arith.cmpi sge, %sub3A_68, %ge3A_69 : i32
      %sub3A_71 = arith.constant 32 : i32
      %sub3A_72 = arith.subi %add3A_43, %sub3A_71 : i32
      %lt3A_73 = arith.constant 6250 : i32
      %lt3A_74 = arith.cmpi slt, %sub3A_72, %lt3A_73 : i32
      %and3A_75 = arith.andi %ge3A_70, %lt3A_74 : i1
      %convert_element_type3A_76 = arith.extui %and3A_75 : i1 to i32
      %cond3A_77 = arith.constant 0 : i32
      %cond3A_78 = arith.cmpi ne, %convert_element_type3A_76, %cond3A_77 : i32
      scf.if %cond3A_78 {
        %dma_wait3A = arith.constant 2 : i32
        %dma_wait3A_169 = arith.constant 0 : i32
        %dma_wait3A_170 = arith.constant 2 : i32
        %dma_wait3A_171 = arith.constant 0 : i32
        %dma_wait3A_172 = arith.constant 0 : i32
        %dma_wait3A_173 = tpu.memref_slice %arg12[%dma_wait3A_170, %dma_wait3A_171, %dma_wait3A_172] : memref<3x8x512xf32, #tpu.memory_space<vmem>> -> memref<1x1x512xf32, #tpu.memory_space<vmem>>
        %dma_wait3A_174 = tpu.memref_squeeze %dma_wait3A_173 : memref<1x1x512xf32, #tpu.memory_space<vmem>> -> memref<512xf32, #tpu.memory_space<vmem>>
        %dma_wait3A_175 = arith.constant 0 : i32
        %dma_wait3A_176 = tpu.memref_slice %arg10[%dma_wait3A, %dma_wait3A_169, %dma_wait3A_175] : memref<3x2x512xi32, #tpu.memory_space<vmem>> -> memref<1x1x512xi32, #tpu.memory_space<vmem>>
        %dma_wait3A_177 = tpu.memref_squeeze %dma_wait3A_176 : memref<1x1x512xi32, #tpu.memory_space<vmem>> -> memref<512xi32, #tpu.memory_space<vmem>>
        %dma_wait3A_178 = arith.constant 0 : i32
        %dma_wait3A_179 = tpu.memref_slice %arg4[%dma_wait3A_178] : memref<100352xf32, #tpu.memory_space<hbm>> -> memref<100352xf32, #tpu.memory_space<hbm>>
        tpu.wait_indirect_dma semaphore(%arg18 : memref<!tpu.dma_semaphore, #tpu.memory_space<semaphore_mem>>) src(%dma_wait3A_179 : memref<100352xf32, #tpu.memory_space<hbm>>) dst(%dma_wait3A_174 : memref<512xf32, #tpu.memory_space<vmem>>)
        %dma_wait3A_180 = arith.constant 2 : i32
        %dma_wait3A_181 = arith.constant 0 : i32
        %dma_wait3A_182 = arith.constant 2 : i32
        %dma_wait3A_183 = arith.constant 1 : i32
        %dma_wait3A_184 = arith.constant 0 : i32
        %dma_wait3A_185 = tpu.memref_slice %arg12[%dma_wait3A_182, %dma_wait3A_183, %dma_wait3A_184] : memref<3x8x512xf32, #tpu.memory_space<vmem>> -> memref<1x1x512xf32, #tpu.memory_space<vmem>>
        %dma_wait3A_186 = tpu.memref_squeeze %dma_wait3A_185 : memref<1x1x512xf32, #tpu.memory_space<vmem>> -> memref<512xf32, #tpu.memory_space<vmem>>
        %dma_wait3A_187 = arith.constant 0 : i32
        %dma_wait3A_188 = tpu.memref_slice %arg10[%dma_wait3A_180, %dma_wait3A_181, %dma_wait3A_187] : memref<3x2x512xi32, #tpu.memory_space<vmem>> -> memref<1x1x512xi32, #tpu.memory_space<vmem>>
        %dma_wait3A_189 = tpu.memref_squeeze %dma_wait3A_188 : memref<1x1x512xi32, #tpu.memory_space<vmem>> -> memref<512xi32, #tpu.memory_space<vmem>>
        %dma_wait3A_190 = arith.constant 0 : i32
        %dma_wait3A_191 = tpu.memref_slice %arg5[%dma_wait3A_190] : memref<100352xf32, #tpu.memory_space<hbm>> -> memref<100352xf32, #tpu.memory_space<hbm>>
        tpu.wait_indirect_dma semaphore(%arg18 : memref<!tpu.dma_semaphore, #tpu.memory_space<semaphore_mem>>) src(%dma_wait3A_191 : memref<100352xf32, #tpu.memory_space<hbm>>) dst(%dma_wait3A_186 : memref<512xf32, #tpu.memory_space<vmem>>)
        %dma_wait3A_192 = arith.constant 2 : i32
        %dma_wait3A_193 = arith.constant 0 : i32
        %dma_wait3A_194 = arith.constant 2 : i32
        %dma_wait3A_195 = arith.constant 2 : i32
        %dma_wait3A_196 = arith.constant 0 : i32
        %dma_wait3A_197 = tpu.memref_slice %arg12[%dma_wait3A_194, %dma_wait3A_195, %dma_wait3A_196] : memref<3x8x512xf32, #tpu.memory_space<vmem>> -> memref<1x1x512xf32, #tpu.memory_space<vmem>>
        %dma_wait3A_198 = tpu.memref_squeeze %dma_wait3A_197 : memref<1x1x512xf32, #tpu.memory_space<vmem>> -> memref<512xf32, #tpu.memory_space<vmem>>
        %dma_wait3A_199 = arith.constant 0 : i32
        %dma_wait3A_200 = tpu.memref_slice %arg10[%dma_wait3A_192, %dma_wait3A_193, %dma_wait3A_199] : memref<3x2x512xi32, #tpu.memory_space<vmem>> -> memref<1x1x512xi32, #tpu.memory_space<vmem>>
        %dma_wait3A_201 = tpu.memref_squeeze %dma_wait3A_200 : memref<1x1x512xi32, #tpu.memory_space<vmem>> -> memref<512xi32, #tpu.memory_space<vmem>>
        %dma_wait3A_202 = arith.constant 0 : i32
        %dma_wait3A_203 = tpu.memref_slice %arg6[%dma_wait3A_202] : memref<100352xf32, #tpu.memory_space<hbm>> -> memref<100352xf32, #tpu.memory_space<hbm>>
        tpu.wait_indirect_dma semaphore(%arg18 : memref<!tpu.dma_semaphore, #tpu.memory_space<semaphore_mem>>) src(%dma_wait3A_203 : memref<100352xf32, #tpu.memory_space<hbm>>) dst(%dma_wait3A_198 : memref<512xf32, #tpu.memory_space<vmem>>)
        %dma_wait3A_204 = arith.constant 2 : i32
        %dma_wait3A_205 = arith.constant 0 : i32
        %dma_wait3A_206 = arith.constant 2 : i32
        %dma_wait3A_207 = arith.constant 3 : i32
        %dma_wait3A_208 = arith.constant 0 : i32
        %dma_wait3A_209 = tpu.memref_slice %arg12[%dma_wait3A_206, %dma_wait3A_207, %dma_wait3A_208] : memref<3x8x512xf32, #tpu.memory_space<vmem>> -> memref<1x1x512xf32, #tpu.memory_space<vmem>>
        %dma_wait3A_210 = tpu.memref_squeeze %dma_wait3A_209 : memref<1x1x512xf32, #tpu.memory_space<vmem>> -> memref<512xf32, #tpu.memory_space<vmem>>
        %dma_wait3A_211 = arith.constant 0 : i32
        %dma_wait3A_212 = tpu.memref_slice %arg10[%dma_wait3A_204, %dma_wait3A_205, %dma_wait3A_211] : memref<3x2x512xi32, #tpu.memory_space<vmem>> -> memref<1x1x512xi32, #tpu.memory_space<vmem>>
        %dma_wait3A_213 = tpu.memref_squeeze %dma_wait3A_212 : memref<1x1x512xi32, #tpu.memory_space<vmem>> -> memref<512xi32, #tpu.memory_space<vmem>>
        %dma_wait3A_214 = arith.constant 0 : i32
        %dma_wait3A_215 = tpu.memref_slice %arg7[%dma_wait3A_214] : memref<100352xf32, #tpu.memory_space<hbm>> -> memref<100352xf32, #tpu.memory_space<hbm>>
        tpu.wait_indirect_dma semaphore(%arg18 : memref<!tpu.dma_semaphore, #tpu.memory_space<semaphore_mem>>) src(%dma_wait3A_215 : memref<100352xf32, #tpu.memory_space<hbm>>) dst(%dma_wait3A_210 : memref<512xf32, #tpu.memory_space<vmem>>)
        %dma_wait3A_216 = arith.constant 2 : i32
        %dma_wait3A_217 = arith.constant 1 : i32
        %dma_wait3A_218 = arith.constant 2 : i32
        %dma_wait3A_219 = arith.constant 4 : i32
        %dma_wait3A_220 = arith.constant 0 : i32
        %dma_wait3A_221 = tpu.memref_slice %arg12[%dma_wait3A_218, %dma_wait3A_219, %dma_wait3A_220] : memref<3x8x512xf32, #tpu.memory_space<vmem>> -> memref<1x1x512xf32, #tpu.memory_space<vmem>>
        %dma_wait3A_222 = tpu.memref_squeeze %dma_wait3A_221 : memref<1x1x512xf32, #tpu.memory_space<vmem>> -> memref<512xf32, #tpu.memory_space<vmem>>
        %dma_wait3A_223 = arith.constant 0 : i32
        %dma_wait3A_224 = tpu.memref_slice %arg10[%dma_wait3A_216, %dma_wait3A_217, %dma_wait3A_223] : memref<3x2x512xi32, #tpu.memory_space<vmem>> -> memref<1x1x512xi32, #tpu.memory_space<vmem>>
        %dma_wait3A_225 = tpu.memref_squeeze %dma_wait3A_224 : memref<1x1x512xi32, #tpu.memory_space<vmem>> -> memref<512xi32, #tpu.memory_space<vmem>>
        %dma_wait3A_226 = arith.constant 0 : i32
        %dma_wait3A_227 = tpu.memref_slice %arg4[%dma_wait3A_226] : memref<100352xf32, #tpu.memory_space<hbm>> -> memref<100352xf32, #tpu.memory_space<hbm>>
        tpu.wait_indirect_dma semaphore(%arg18 : memref<!tpu.dma_semaphore, #tpu.memory_space<semaphore_mem>>) src(%dma_wait3A_227 : memref<100352xf32, #tpu.memory_space<hbm>>) dst(%dma_wait3A_222 : memref<512xf32, #tpu.memory_space<vmem>>)
        %dma_wait3A_228 = arith.constant 2 : i32
        %dma_wait3A_229 = arith.constant 1 : i32
        %dma_wait3A_230 = arith.constant 2 : i32
        %dma_wait3A_231 = arith.constant 5 : i32
        %dma_wait3A_232 = arith.constant 0 : i32
        %dma_wait3A_233 = tpu.memref_slice %arg12[%dma_wait3A_230, %dma_wait3A_231, %dma_wait3A_232] : memref<3x8x512xf32, #tpu.memory_space<vmem>> -> memref<1x1x512xf32, #tpu.memory_space<vmem>>
        %dma_wait3A_234 = tpu.memref_squeeze %dma_wait3A_233 : memref<1x1x512xf32, #tpu.memory_space<vmem>> -> memref<512xf32, #tpu.memory_space<vmem>>
        %dma_wait3A_235 = arith.constant 0 : i32
        %dma_wait3A_236 = tpu.memref_slice %arg10[%dma_wait3A_228, %dma_wait3A_229, %dma_wait3A_235] : memref<3x2x512xi32, #tpu.memory_space<vmem>> -> memref<1x1x512xi32, #tpu.memory_space<vmem>>
        %dma_wait3A_237 = tpu.memref_squeeze %dma_wait3A_236 : memref<1x1x512xi32, #tpu.memory_space<vmem>> -> memref<512xi32, #tpu.memory_space<vmem>>
        %dma_wait3A_238 = arith.constant 0 : i32
        %dma_wait3A_239 = tpu.memref_slice %arg5[%dma_wait3A_238] : memref<100352xf32, #tpu.memory_space<hbm>> -> memref<100352xf32, #tpu.memory_space<hbm>>
        tpu.wait_indirect_dma semaphore(%arg18 : memref<!tpu.dma_semaphore, #tpu.memory_space<semaphore_mem>>) src(%dma_wait3A_239 : memref<100352xf32, #tpu.memory_space<hbm>>) dst(%dma_wait3A_234 : memref<512xf32, #tpu.memory_space<vmem>>)
        %dma_wait3A_240 = arith.constant 2 : i32
        %dma_wait3A_241 = arith.constant 1 : i32
        %dma_wait3A_242 = arith.constant 2 : i32
        %dma_wait3A_243 = arith.constant 6 : i32
        %dma_wait3A_244 = arith.constant 0 : i32
        %dma_wait3A_245 = tpu.memref_slice %arg12[%dma_wait3A_242, %dma_wait3A_243, %dma_wait3A_244] : memref<3x8x512xf32, #tpu.memory_space<vmem>> -> memref<1x1x512xf32, #tpu.memory_space<vmem>>
        %dma_wait3A_246 = tpu.memref_squeeze %dma_wait3A_245 : memref<1x1x512xf32, #tpu.memory_space<vmem>> -> memref<512xf32, #tpu.memory_space<vmem>>
        %dma_wait3A_247 = arith.constant 0 : i32
        %dma_wait3A_248 = tpu.memref_slice %arg10[%dma_wait3A_240, %dma_wait3A_241, %dma_wait3A_247] : memref<3x2x512xi32, #tpu.memory_space<vmem>> -> memref<1x1x512xi32, #tpu.memory_space<vmem>>
        %dma_wait3A_249 = tpu.memref_squeeze %dma_wait3A_248 : memref<1x1x512xi32, #tpu.memory_space<vmem>> -> memref<512xi32, #tpu.memory_space<vmem>>
        %dma_wait3A_250 = arith.constant 0 : i32
        %dma_wait3A_251 = tpu.memref_slice %arg6[%dma_wait3A_250] : memref<100352xf32, #tpu.memory_space<hbm>> -> memref<100352xf32, #tpu.memory_space<hbm>>
        tpu.wait_indirect_dma semaphore(%arg18 : memref<!tpu.dma_semaphore, #tpu.memory_space<semaphore_mem>>) src(%dma_wait3A_251 : memref<100352xf32, #tpu.memory_space<hbm>>) dst(%dma_wait3A_246 : memref<512xf32, #tpu.memory_space<vmem>>)
        %dma_wait3A_252 = arith.constant 2 : i32
        %dma_wait3A_253 = arith.constant 1 : i32
        %dma_wait3A_254 = arith.constant 2 : i32
        %dma_wait3A_255 = arith.constant 7 : i32
        %dma_wait3A_256 = arith.constant 0 : i32
        %dma_wait3A_257 = tpu.memref_slice %arg12[%dma_wait3A_254, %dma_wait3A_255, %dma_wait3A_256] : memref<3x8x512xf32, #tpu.memory_space<vmem>> -> memref<1x1x512xf32, #tpu.memory_space<vmem>>
        %dma_wait3A_258 = tpu.memref_squeeze %dma_wait3A_257 : memref<1x1x512xf32, #tpu.memory_space<vmem>> -> memref<512xf32, #tpu.memory_space<vmem>>
        %dma_wait3A_259 = arith.constant 0 : i32
        %dma_wait3A_260 = tpu.memref_slice %arg10[%dma_wait3A_252, %dma_wait3A_253, %dma_wait3A_259] : memref<3x2x512xi32, #tpu.memory_space<vmem>> -> memref<1x1x512xi32, #tpu.memory_space<vmem>>
        %dma_wait3A_261 = tpu.memref_squeeze %dma_wait3A_260 : memref<1x1x512xi32, #tpu.memory_space<vmem>> -> memref<512xi32, #tpu.memory_space<vmem>>
        %dma_wait3A_262 = arith.constant 0 : i32
        %dma_wait3A_263 = tpu.memref_slice %arg7[%dma_wait3A_262] : memref<100352xf32, #tpu.memory_space<hbm>> -> memref<100352xf32, #tpu.memory_space<hbm>>
        tpu.wait_indirect_dma semaphore(%arg18 : memref<!tpu.dma_semaphore, #tpu.memory_space<semaphore_mem>>) src(%dma_wait3A_263 : memref<100352xf32, #tpu.memory_space<hbm>>) dst(%dma_wait3A_258 : memref<512xf32, #tpu.memory_space<vmem>>)
        %dma_start3A = arith.constant 2 : i32
        %dma_start3A_264 = arith.constant 0 : i32
        %dma_start3A_265 = arith.constant 2 : i32
        %dma_start3A_266 = arith.constant 0 : i32
        %dma_start3A_267 = arith.constant 0 : i32
        %dma_start3A_268 = tpu.memref_slice %arg12[%dma_start3A, %dma_start3A_264, %dma_start3A_267] : memref<3x8x512xf32, #tpu.memory_space<vmem>> -> memref<1x1x512xf32, #tpu.memory_space<vmem>>
        %dma_start3A_269 = tpu.memref_squeeze %dma_start3A_268 : memref<1x1x512xf32, #tpu.memory_space<vmem>> -> memref<512xf32, #tpu.memory_space<vmem>>
        %dma_start3A_270 = arith.constant 0 : i32
        %dma_start3A_271 = tpu.memref_slice %arg11[%dma_start3A_265, %dma_start3A_266, %dma_start3A_270] : memref<3x2x512xi32, #tpu.memory_space<vmem>> -> memref<1x1x512xi32, #tpu.memory_space<vmem>>
        %dma_start3A_272 = tpu.memref_squeeze %dma_start3A_271 : memref<1x1x512xi32, #tpu.memory_space<vmem>> -> memref<512xi32, #tpu.memory_space<vmem>>
        %dma_start3A_273 = arith.constant 0 : i32
        %dma_start3A_274 = tpu.memref_slice %arg13[%dma_start3A_273] : memref<100352xf32, #tpu.memory_space<vmem_shared>> -> memref<100352xf32, #tpu.memory_space<vmem_shared>>
        tpu.enqueue_indirect_dma source(%dma_start3A_269 : memref<512xf32, #tpu.memory_space<vmem>>) target(%dma_start3A_274 : memref<100352xf32, #tpu.memory_space<vmem_shared>>) offsets(%dma_start3A_272 : memref<512xi32, #tpu.memory_space<vmem>>) semaphore(%arg19 : memref<!tpu.dma_semaphore, #tpu.memory_space<semaphore_mem>>) {add = true}
        %dma_start3A_275 = arith.constant 2 : i32
        %dma_start3A_276 = arith.constant 1 : i32
        %dma_start3A_277 = arith.constant 2 : i32
        %dma_start3A_278 = arith.constant 0 : i32
        %dma_start3A_279 = arith.constant 0 : i32
        %dma_start3A_280 = tpu.memref_slice %arg12[%dma_start3A_275, %dma_start3A_276, %dma_start3A_279] : memref<3x8x512xf32, #tpu.memory_space<vmem>> -> memref<1x1x512xf32, #tpu.memory_space<vmem>>
        %dma_start3A_281 = tpu.memref_squeeze %dma_start3A_280 : memref<1x1x512xf32, #tpu.memory_space<vmem>> -> memref<512xf32, #tpu.memory_space<vmem>>
        %dma_start3A_282 = arith.constant 0 : i32
        %dma_start3A_283 = tpu.memref_slice %arg11[%dma_start3A_277, %dma_start3A_278, %dma_start3A_282] : memref<3x2x512xi32, #tpu.memory_space<vmem>> -> memref<1x1x512xi32, #tpu.memory_space<vmem>>
        %dma_start3A_284 = tpu.memref_squeeze %dma_start3A_283 : memref<1x1x512xi32, #tpu.memory_space<vmem>> -> memref<512xi32, #tpu.memory_space<vmem>>
        %dma_start3A_285 = arith.constant 0 : i32
        %dma_start3A_286 = tpu.memref_slice %arg14[%dma_start3A_285] : memref<100352xf32, #tpu.memory_space<vmem_shared>> -> memref<100352xf32, #tpu.memory_space<vmem_shared>>
        tpu.enqueue_indirect_dma source(%dma_start3A_281 : memref<512xf32, #tpu.memory_space<vmem>>) target(%dma_start3A_286 : memref<100352xf32, #tpu.memory_space<vmem_shared>>) offsets(%dma_start3A_284 : memref<512xi32, #tpu.memory_space<vmem>>) semaphore(%arg19 : memref<!tpu.dma_semaphore, #tpu.memory_space<semaphore_mem>>) {add = true}
        %dma_start3A_287 = arith.constant 2 : i32
        %dma_start3A_288 = arith.constant 2 : i32
        %dma_start3A_289 = arith.constant 2 : i32
        %dma_start3A_290 = arith.constant 0 : i32
        %dma_start3A_291 = arith.constant 0 : i32
        %dma_start3A_292 = tpu.memref_slice %arg12[%dma_start3A_287, %dma_start3A_288, %dma_start3A_291] : memref<3x8x512xf32, #tpu.memory_space<vmem>> -> memref<1x1x512xf32, #tpu.memory_space<vmem>>
        %dma_start3A_293 = tpu.memref_squeeze %dma_start3A_292 : memref<1x1x512xf32, #tpu.memory_space<vmem>> -> memref<512xf32, #tpu.memory_space<vmem>>
        %dma_start3A_294 = arith.constant 0 : i32
        %dma_start3A_295 = tpu.memref_slice %arg11[%dma_start3A_289, %dma_start3A_290, %dma_start3A_294] : memref<3x2x512xi32, #tpu.memory_space<vmem>> -> memref<1x1x512xi32, #tpu.memory_space<vmem>>
        %dma_start3A_296 = tpu.memref_squeeze %dma_start3A_295 : memref<1x1x512xi32, #tpu.memory_space<vmem>> -> memref<512xi32, #tpu.memory_space<vmem>>
        %dma_start3A_297 = arith.constant 0 : i32
        %dma_start3A_298 = tpu.memref_slice %arg15[%dma_start3A_297] : memref<100352xf32, #tpu.memory_space<vmem_shared>> -> memref<100352xf32, #tpu.memory_space<vmem_shared>>
        tpu.enqueue_indirect_dma source(%dma_start3A_293 : memref<512xf32, #tpu.memory_space<vmem>>) target(%dma_start3A_298 : memref<100352xf32, #tpu.memory_space<vmem_shared>>) offsets(%dma_start3A_296 : memref<512xi32, #tpu.memory_space<vmem>>) semaphore(%arg19 : memref<!tpu.dma_semaphore, #tpu.memory_space<semaphore_mem>>) {add = true}
        %dma_start3A_299 = arith.constant 2 : i32
        %dma_start3A_300 = arith.constant 3 : i32
        %dma_start3A_301 = arith.constant 2 : i32
        %dma_start3A_302 = arith.constant 0 : i32
        %dma_start3A_303 = arith.constant 0 : i32
        %dma_start3A_304 = tpu.memref_slice %arg12[%dma_start3A_299, %dma_start3A_300, %dma_start3A_303] : memref<3x8x512xf32, #tpu.memory_space<vmem>> -> memref<1x1x512xf32, #tpu.memory_space<vmem>>
        %dma_start3A_305 = tpu.memref_squeeze %dma_start3A_304 : memref<1x1x512xf32, #tpu.memory_space<vmem>> -> memref<512xf32, #tpu.memory_space<vmem>>
        %dma_start3A_306 = arith.constant 0 : i32
        %dma_start3A_307 = tpu.memref_slice %arg11[%dma_start3A_301, %dma_start3A_302, %dma_start3A_306] : memref<3x2x512xi32, #tpu.memory_space<vmem>> -> memref<1x1x512xi32, #tpu.memory_space<vmem>>
        %dma_start3A_308 = tpu.memref_squeeze %dma_start3A_307 : memref<1x1x512xi32, #tpu.memory_space<vmem>> -> memref<512xi32, #tpu.memory_space<vmem>>
        %dma_start3A_309 = arith.constant 0 : i32
        %dma_start3A_310 = tpu.memref_slice %arg16[%dma_start3A_309] : memref<100352xf32, #tpu.memory_space<vmem_shared>> -> memref<100352xf32, #tpu.memory_space<vmem_shared>>
        tpu.enqueue_indirect_dma source(%dma_start3A_305 : memref<512xf32, #tpu.memory_space<vmem>>) target(%dma_start3A_310 : memref<100352xf32, #tpu.memory_space<vmem_shared>>) offsets(%dma_start3A_308 : memref<512xi32, #tpu.memory_space<vmem>>) semaphore(%arg19 : memref<!tpu.dma_semaphore, #tpu.memory_space<semaphore_mem>>) {add = true}
        %dma_start3A_311 = arith.constant 2 : i32
        %dma_start3A_312 = arith.constant 4 : i32
        %dma_start3A_313 = arith.constant 2 : i32
        %dma_start3A_314 = arith.constant 1 : i32
        %dma_start3A_315 = arith.constant 0 : i32
        %dma_start3A_316 = tpu.memref_slice %arg12[%dma_start3A_311, %dma_start3A_312, %dma_start3A_315] : memref<3x8x512xf32, #tpu.memory_space<vmem>> -> memref<1x1x512xf32, #tpu.memory_space<vmem>>
        %dma_start3A_317 = tpu.memref_squeeze %dma_start3A_316 : memref<1x1x512xf32, #tpu.memory_space<vmem>> -> memref<512xf32, #tpu.memory_space<vmem>>
        %dma_start3A_318 = arith.constant 0 : i32
        %dma_start3A_319 = tpu.memref_slice %arg11[%dma_start3A_313, %dma_start3A_314, %dma_start3A_318] : memref<3x2x512xi32, #tpu.memory_space<vmem>> -> memref<1x1x512xi32, #tpu.memory_space<vmem>>
        %dma_start3A_320 = tpu.memref_squeeze %dma_start3A_319 : memref<1x1x512xi32, #tpu.memory_space<vmem>> -> memref<512xi32, #tpu.memory_space<vmem>>
        %dma_start3A_321 = arith.constant 0 : i32
        %dma_start3A_322 = tpu.memref_slice %arg13[%dma_start3A_321] : memref<100352xf32, #tpu.memory_space<vmem_shared>> -> memref<100352xf32, #tpu.memory_space<vmem_shared>>
        tpu.enqueue_indirect_dma source(%dma_start3A_317 : memref<512xf32, #tpu.memory_space<vmem>>) target(%dma_start3A_322 : memref<100352xf32, #tpu.memory_space<vmem_shared>>) offsets(%dma_start3A_320 : memref<512xi32, #tpu.memory_space<vmem>>) semaphore(%arg19 : memref<!tpu.dma_semaphore, #tpu.memory_space<semaphore_mem>>) {add = true}
        %dma_start3A_323 = arith.constant 2 : i32
        %dma_start3A_324 = arith.constant 5 : i32
        %dma_start3A_325 = arith.constant 2 : i32
        %dma_start3A_326 = arith.constant 1 : i32
        %dma_start3A_327 = arith.constant 0 : i32
        %dma_start3A_328 = tpu.memref_slice %arg12[%dma_start3A_323, %dma_start3A_324, %dma_start3A_327] : memref<3x8x512xf32, #tpu.memory_space<vmem>> -> memref<1x1x512xf32, #tpu.memory_space<vmem>>
        %dma_start3A_329 = tpu.memref_squeeze %dma_start3A_328 : memref<1x1x512xf32, #tpu.memory_space<vmem>> -> memref<512xf32, #tpu.memory_space<vmem>>
        %dma_start3A_330 = arith.constant 0 : i32
        %dma_start3A_331 = tpu.memref_slice %arg11[%dma_start3A_325, %dma_start3A_326, %dma_start3A_330] : memref<3x2x512xi32, #tpu.memory_space<vmem>> -> memref<1x1x512xi32, #tpu.memory_space<vmem>>
        %dma_start3A_332 = tpu.memref_squeeze %dma_start3A_331 : memref<1x1x512xi32, #tpu.memory_space<vmem>> -> memref<512xi32, #tpu.memory_space<vmem>>
        %dma_start3A_333 = arith.constant 0 : i32
        %dma_start3A_334 = tpu.memref_slice %arg14[%dma_start3A_333] : memref<100352xf32, #tpu.memory_space<vmem_shared>> -> memref<100352xf32, #tpu.memory_space<vmem_shared>>
        tpu.enqueue_indirect_dma source(%dma_start3A_329 : memref<512xf32, #tpu.memory_space<vmem>>) target(%dma_start3A_334 : memref<100352xf32, #tpu.memory_space<vmem_shared>>) offsets(%dma_start3A_332 : memref<512xi32, #tpu.memory_space<vmem>>) semaphore(%arg19 : memref<!tpu.dma_semaphore, #tpu.memory_space<semaphore_mem>>) {add = true}
        %dma_start3A_335 = arith.constant 2 : i32
        %dma_start3A_336 = arith.constant 6 : i32
        %dma_start3A_337 = arith.constant 2 : i32
        %dma_start3A_338 = arith.constant 1 : i32
        %dma_start3A_339 = arith.constant 0 : i32
        %dma_start3A_340 = tpu.memref_slice %arg12[%dma_start3A_335, %dma_start3A_336, %dma_start3A_339] : memref<3x8x512xf32, #tpu.memory_space<vmem>> -> memref<1x1x512xf32, #tpu.memory_space<vmem>>
        %dma_start3A_341 = tpu.memref_squeeze %dma_start3A_340 : memref<1x1x512xf32, #tpu.memory_space<vmem>> -> memref<512xf32, #tpu.memory_space<vmem>>
        %dma_start3A_342 = arith.constant 0 : i32
        %dma_start3A_343 = tpu.memref_slice %arg11[%dma_start3A_337, %dma_start3A_338, %dma_start3A_342] : memref<3x2x512xi32, #tpu.memory_space<vmem>> -> memref<1x1x512xi32, #tpu.memory_space<vmem>>
        %dma_start3A_344 = tpu.memref_squeeze %dma_start3A_343 : memref<1x1x512xi32, #tpu.memory_space<vmem>> -> memref<512xi32, #tpu.memory_space<vmem>>
        %dma_start3A_345 = arith.constant 0 : i32
        %dma_start3A_346 = tpu.memref_slice %arg15[%dma_start3A_345] : memref<100352xf32, #tpu.memory_space<vmem_shared>> -> memref<100352xf32, #tpu.memory_space<vmem_shared>>
        tpu.enqueue_indirect_dma source(%dma_start3A_341 : memref<512xf32, #tpu.memory_space<vmem>>) target(%dma_start3A_346 : memref<100352xf32, #tpu.memory_space<vmem_shared>>) offsets(%dma_start3A_344 : memref<512xi32, #tpu.memory_space<vmem>>) semaphore(%arg19 : memref<!tpu.dma_semaphore, #tpu.memory_space<semaphore_mem>>) {add = true}
        %dma_start3A_347 = arith.constant 2 : i32
        %dma_start3A_348 = arith.constant 7 : i32
        %dma_start3A_349 = arith.constant 2 : i32
        %dma_start3A_350 = arith.constant 1 : i32
        %dma_start3A_351 = arith.constant 0 : i32
        %dma_start3A_352 = tpu.memref_slice %arg12[%dma_start3A_347, %dma_start3A_348, %dma_start3A_351] : memref<3x8x512xf32, #tpu.memory_space<vmem>> -> memref<1x1x512xf32, #tpu.memory_space<vmem>>
        %dma_start3A_353 = tpu.memref_squeeze %dma_start3A_352 : memref<1x1x512xf32, #tpu.memory_space<vmem>> -> memref<512xf32, #tpu.memory_space<vmem>>
        %dma_start3A_354 = arith.constant 0 : i32
        %dma_start3A_355 = tpu.memref_slice %arg11[%dma_start3A_349, %dma_start3A_350, %dma_start3A_354] : memref<3x2x512xi32, #tpu.memory_space<vmem>> -> memref<1x1x512xi32, #tpu.memory_space<vmem>>
        %dma_start3A_356 = tpu.memref_squeeze %dma_start3A_355 : memref<1x1x512xi32, #tpu.memory_space<vmem>> -> memref<512xi32, #tpu.memory_space<vmem>>
        %dma_start3A_357 = arith.constant 0 : i32
        %dma_start3A_358 = tpu.memref_slice %arg16[%dma_start3A_357] : memref<100352xf32, #tpu.memory_space<vmem_shared>> -> memref<100352xf32, #tpu.memory_space<vmem_shared>>
        tpu.enqueue_indirect_dma source(%dma_start3A_353 : memref<512xf32, #tpu.memory_space<vmem>>) target(%dma_start3A_358 : memref<100352xf32, #tpu.memory_space<vmem_shared>>) offsets(%dma_start3A_356 : memref<512xi32, #tpu.memory_space<vmem>>) semaphore(%arg19 : memref<!tpu.dma_semaphore, #tpu.memory_space<semaphore_mem>>) {add = true}
      } else {
      }
      %mul3A_79 = arith.constant 3 : i32
      %mul3A_80 = arith.muli %scan3A_36, %mul3A_79 : i32
      %add3A_81 = arith.constant 1 : i32
      %add3A_82 = arith.addi %mul3A_80, %add3A_81 : i32
      %mul3A_83 = arith.constant 32 : i32
      %mul3A_84 = arith.muli %add3A_82, %mul3A_83 : i32
      %add3A_85 = arith.addi %add3A, %mul3A_84 : i32
      %sub3A_86 = arith.constant 64 : i32
      %sub3A_87 = arith.subi %add3A_85, %sub3A_86 : i32
      %ge3A_88 = arith.constant 0 : i32
      %ge3A_89 = arith.cmpi sge, %sub3A_87, %ge3A_88 : i32
      %sub3A_90 = arith.constant 64 : i32
      %sub3A_91 = arith.subi %add3A_85, %sub3A_90 : i32
      %lt3A_92 = arith.constant 6250 : i32
      %lt3A_93 = arith.cmpi slt, %sub3A_91, %lt3A_92 : i32
      %and3A_94 = arith.andi %ge3A_89, %lt3A_93 : i1
      %convert_element_type3A_95 = arith.extui %and3A_94 : i1 to i32
      %cond3A_96 = arith.constant 0 : i32
      %cond3A_97 = arith.cmpi ne, %convert_element_type3A_95, %cond3A_96 : i32
      scf.if %cond3A_97 {
        %dma_wait3A = arith.constant 2 : i32
        %dma_wait3A_169 = arith.constant 0 : i32
        %dma_wait3A_170 = arith.constant 2 : i32
        %dma_wait3A_171 = arith.constant 0 : i32
        %dma_wait3A_172 = arith.constant 0 : i32
        %dma_wait3A_173 = tpu.memref_slice %arg12[%dma_wait3A, %dma_wait3A_169, %dma_wait3A_172] : memref<3x8x512xf32, #tpu.memory_space<vmem>> -> memref<1x1x512xf32, #tpu.memory_space<vmem>>
        %dma_wait3A_174 = tpu.memref_squeeze %dma_wait3A_173 : memref<1x1x512xf32, #tpu.memory_space<vmem>> -> memref<512xf32, #tpu.memory_space<vmem>>
        %dma_wait3A_175 = arith.constant 0 : i32
        %dma_wait3A_176 = tpu.memref_slice %arg11[%dma_wait3A_170, %dma_wait3A_171, %dma_wait3A_175] : memref<3x2x512xi32, #tpu.memory_space<vmem>> -> memref<1x1x512xi32, #tpu.memory_space<vmem>>
        %dma_wait3A_177 = tpu.memref_squeeze %dma_wait3A_176 : memref<1x1x512xi32, #tpu.memory_space<vmem>> -> memref<512xi32, #tpu.memory_space<vmem>>
        %dma_wait3A_178 = arith.constant 0 : i32
        %dma_wait3A_179 = tpu.memref_slice %arg13[%dma_wait3A_178] : memref<100352xf32, #tpu.memory_space<vmem_shared>> -> memref<100352xf32, #tpu.memory_space<vmem_shared>>
        tpu.wait_indirect_dma semaphore(%arg19 : memref<!tpu.dma_semaphore, #tpu.memory_space<semaphore_mem>>) src(%dma_wait3A_174 : memref<512xf32, #tpu.memory_space<vmem>>) dst(%dma_wait3A_179 : memref<100352xf32, #tpu.memory_space<vmem_shared>>)
        %dma_wait3A_180 = arith.constant 2 : i32
        %dma_wait3A_181 = arith.constant 1 : i32
        %dma_wait3A_182 = arith.constant 2 : i32
        %dma_wait3A_183 = arith.constant 0 : i32
        %dma_wait3A_184 = arith.constant 0 : i32
        %dma_wait3A_185 = tpu.memref_slice %arg12[%dma_wait3A_180, %dma_wait3A_181, %dma_wait3A_184] : memref<3x8x512xf32, #tpu.memory_space<vmem>> -> memref<1x1x512xf32, #tpu.memory_space<vmem>>
        %dma_wait3A_186 = tpu.memref_squeeze %dma_wait3A_185 : memref<1x1x512xf32, #tpu.memory_space<vmem>> -> memref<512xf32, #tpu.memory_space<vmem>>
        %dma_wait3A_187 = arith.constant 0 : i32
        %dma_wait3A_188 = tpu.memref_slice %arg11[%dma_wait3A_182, %dma_wait3A_183, %dma_wait3A_187] : memref<3x2x512xi32, #tpu.memory_space<vmem>> -> memref<1x1x512xi32, #tpu.memory_space<vmem>>
        %dma_wait3A_189 = tpu.memref_squeeze %dma_wait3A_188 : memref<1x1x512xi32, #tpu.memory_space<vmem>> -> memref<512xi32, #tpu.memory_space<vmem>>
        %dma_wait3A_190 = arith.constant 0 : i32
        %dma_wait3A_191 = tpu.memref_slice %arg14[%dma_wait3A_190] : memref<100352xf32, #tpu.memory_space<vmem_shared>> -> memref<100352xf32, #tpu.memory_space<vmem_shared>>
        tpu.wait_indirect_dma semaphore(%arg19 : memref<!tpu.dma_semaphore, #tpu.memory_space<semaphore_mem>>) src(%dma_wait3A_186 : memref<512xf32, #tpu.memory_space<vmem>>) dst(%dma_wait3A_191 : memref<100352xf32, #tpu.memory_space<vmem_shared>>)
        %dma_wait3A_192 = arith.constant 2 : i32
        %dma_wait3A_193 = arith.constant 2 : i32
        %dma_wait3A_194 = arith.constant 2 : i32
        %dma_wait3A_195 = arith.constant 0 : i32
        %dma_wait3A_196 = arith.constant 0 : i32
        %dma_wait3A_197 = tpu.memref_slice %arg12[%dma_wait3A_192, %dma_wait3A_193, %dma_wait3A_196] : memref<3x8x512xf32, #tpu.memory_space<vmem>> -> memref<1x1x512xf32, #tpu.memory_space<vmem>>
        %dma_wait3A_198 = tpu.memref_squeeze %dma_wait3A_197 : memref<1x1x512xf32, #tpu.memory_space<vmem>> -> memref<512xf32, #tpu.memory_space<vmem>>
        %dma_wait3A_199 = arith.constant 0 : i32
        %dma_wait3A_200 = tpu.memref_slice %arg11[%dma_wait3A_194, %dma_wait3A_195, %dma_wait3A_199] : memref<3x2x512xi32, #tpu.memory_space<vmem>> -> memref<1x1x512xi32, #tpu.memory_space<vmem>>
        %dma_wait3A_201 = tpu.memref_squeeze %dma_wait3A_200 : memref<1x1x512xi32, #tpu.memory_space<vmem>> -> memref<512xi32, #tpu.memory_space<vmem>>
        %dma_wait3A_202 = arith.constant 0 : i32
        %dma_wait3A_203 = tpu.memref_slice %arg15[%dma_wait3A_202] : memref<100352xf32, #tpu.memory_space<vmem_shared>> -> memref<100352xf32, #tpu.memory_space<vmem_shared>>
        tpu.wait_indirect_dma semaphore(%arg19 : memref<!tpu.dma_semaphore, #tpu.memory_space<semaphore_mem>>) src(%dma_wait3A_198 : memref<512xf32, #tpu.memory_space<vmem>>) dst(%dma_wait3A_203 : memref<100352xf32, #tpu.memory_space<vmem_shared>>)
        %dma_wait3A_204 = arith.constant 2 : i32
        %dma_wait3A_205 = arith.constant 3 : i32
        %dma_wait3A_206 = arith.constant 2 : i32
        %dma_wait3A_207 = arith.constant 0 : i32
        %dma_wait3A_208 = arith.constant 0 : i32
        %dma_wait3A_209 = tpu.memref_slice %arg12[%dma_wait3A_204, %dma_wait3A_205, %dma_wait3A_208] : memref<3x8x512xf32, #tpu.memory_space<vmem>> -> memref<1x1x512xf32, #tpu.memory_space<vmem>>
        %dma_wait3A_210 = tpu.memref_squeeze %dma_wait3A_209 : memref<1x1x512xf32, #tpu.memory_space<vmem>> -> memref<512xf32, #tpu.memory_space<vmem>>
        %dma_wait3A_211 = arith.constant 0 : i32
        %dma_wait3A_212 = tpu.memref_slice %arg11[%dma_wait3A_206, %dma_wait3A_207, %dma_wait3A_211] : memref<3x2x512xi32, #tpu.memory_space<vmem>> -> memref<1x1x512xi32, #tpu.memory_space<vmem>>
        %dma_wait3A_213 = tpu.memref_squeeze %dma_wait3A_212 : memref<1x1x512xi32, #tpu.memory_space<vmem>> -> memref<512xi32, #tpu.memory_space<vmem>>
        %dma_wait3A_214 = arith.constant 0 : i32
        %dma_wait3A_215 = tpu.memref_slice %arg16[%dma_wait3A_214] : memref<100352xf32, #tpu.memory_space<vmem_shared>> -> memref<100352xf32, #tpu.memory_space<vmem_shared>>
        tpu.wait_indirect_dma semaphore(%arg19 : memref<!tpu.dma_semaphore, #tpu.memory_space<semaphore_mem>>) src(%dma_wait3A_210 : memref<512xf32, #tpu.memory_space<vmem>>) dst(%dma_wait3A_215 : memref<100352xf32, #tpu.memory_space<vmem_shared>>)
        %dma_wait3A_216 = arith.constant 2 : i32
        %dma_wait3A_217 = arith.constant 4 : i32
        %dma_wait3A_218 = arith.constant 2 : i32
        %dma_wait3A_219 = arith.constant 1 : i32
        %dma_wait3A_220 = arith.constant 0 : i32
        %dma_wait3A_221 = tpu.memref_slice %arg12[%dma_wait3A_216, %dma_wait3A_217, %dma_wait3A_220] : memref<3x8x512xf32, #tpu.memory_space<vmem>> -> memref<1x1x512xf32, #tpu.memory_space<vmem>>
        %dma_wait3A_222 = tpu.memref_squeeze %dma_wait3A_221 : memref<1x1x512xf32, #tpu.memory_space<vmem>> -> memref<512xf32, #tpu.memory_space<vmem>>
        %dma_wait3A_223 = arith.constant 0 : i32
        %dma_wait3A_224 = tpu.memref_slice %arg11[%dma_wait3A_218, %dma_wait3A_219, %dma_wait3A_223] : memref<3x2x512xi32, #tpu.memory_space<vmem>> -> memref<1x1x512xi32, #tpu.memory_space<vmem>>
        %dma_wait3A_225 = tpu.memref_squeeze %dma_wait3A_224 : memref<1x1x512xi32, #tpu.memory_space<vmem>> -> memref<512xi32, #tpu.memory_space<vmem>>
        %dma_wait3A_226 = arith.constant 0 : i32
        %dma_wait3A_227 = tpu.memref_slice %arg13[%dma_wait3A_226] : memref<100352xf32, #tpu.memory_space<vmem_shared>> -> memref<100352xf32, #tpu.memory_space<vmem_shared>>
        tpu.wait_indirect_dma semaphore(%arg19 : memref<!tpu.dma_semaphore, #tpu.memory_space<semaphore_mem>>) src(%dma_wait3A_222 : memref<512xf32, #tpu.memory_space<vmem>>) dst(%dma_wait3A_227 : memref<100352xf32, #tpu.memory_space<vmem_shared>>)
        %dma_wait3A_228 = arith.constant 2 : i32
        %dma_wait3A_229 = arith.constant 5 : i32
        %dma_wait3A_230 = arith.constant 2 : i32
        %dma_wait3A_231 = arith.constant 1 : i32
        %dma_wait3A_232 = arith.constant 0 : i32
        %dma_wait3A_233 = tpu.memref_slice %arg12[%dma_wait3A_228, %dma_wait3A_229, %dma_wait3A_232] : memref<3x8x512xf32, #tpu.memory_space<vmem>> -> memref<1x1x512xf32, #tpu.memory_space<vmem>>
        %dma_wait3A_234 = tpu.memref_squeeze %dma_wait3A_233 : memref<1x1x512xf32, #tpu.memory_space<vmem>> -> memref<512xf32, #tpu.memory_space<vmem>>
        %dma_wait3A_235 = arith.constant 0 : i32
        %dma_wait3A_236 = tpu.memref_slice %arg11[%dma_wait3A_230, %dma_wait3A_231, %dma_wait3A_235] : memref<3x2x512xi32, #tpu.memory_space<vmem>> -> memref<1x1x512xi32, #tpu.memory_space<vmem>>
        %dma_wait3A_237 = tpu.memref_squeeze %dma_wait3A_236 : memref<1x1x512xi32, #tpu.memory_space<vmem>> -> memref<512xi32, #tpu.memory_space<vmem>>
        %dma_wait3A_238 = arith.constant 0 : i32
        %dma_wait3A_239 = tpu.memref_slice %arg14[%dma_wait3A_238] : memref<100352xf32, #tpu.memory_space<vmem_shared>> -> memref<100352xf32, #tpu.memory_space<vmem_shared>>
        tpu.wait_indirect_dma semaphore(%arg19 : memref<!tpu.dma_semaphore, #tpu.memory_space<semaphore_mem>>) src(%dma_wait3A_234 : memref<512xf32, #tpu.memory_space<vmem>>) dst(%dma_wait3A_239 : memref<100352xf32, #tpu.memory_space<vmem_shared>>)
        %dma_wait3A_240 = arith.constant 2 : i32
        %dma_wait3A_241 = arith.constant 6 : i32
        %dma_wait3A_242 = arith.constant 2 : i32
        %dma_wait3A_243 = arith.constant 1 : i32
        %dma_wait3A_244 = arith.constant 0 : i32
        %dma_wait3A_245 = tpu.memref_slice %arg12[%dma_wait3A_240, %dma_wait3A_241, %dma_wait3A_244] : memref<3x8x512xf32, #tpu.memory_space<vmem>> -> memref<1x1x512xf32, #tpu.memory_space<vmem>>
        %dma_wait3A_246 = tpu.memref_squeeze %dma_wait3A_245 : memref<1x1x512xf32, #tpu.memory_space<vmem>> -> memref<512xf32, #tpu.memory_space<vmem>>
        %dma_wait3A_247 = arith.constant 0 : i32
        %dma_wait3A_248 = tpu.memref_slice %arg11[%dma_wait3A_242, %dma_wait3A_243, %dma_wait3A_247] : memref<3x2x512xi32, #tpu.memory_space<vmem>> -> memref<1x1x512xi32, #tpu.memory_space<vmem>>
        %dma_wait3A_249 = tpu.memref_squeeze %dma_wait3A_248 : memref<1x1x512xi32, #tpu.memory_space<vmem>> -> memref<512xi32, #tpu.memory_space<vmem>>
        %dma_wait3A_250 = arith.constant 0 : i32
        %dma_wait3A_251 = tpu.memref_slice %arg15[%dma_wait3A_250] : memref<100352xf32, #tpu.memory_space<vmem_shared>> -> memref<100352xf32, #tpu.memory_space<vmem_shared>>
        tpu.wait_indirect_dma semaphore(%arg19 : memref<!tpu.dma_semaphore, #tpu.memory_space<semaphore_mem>>) src(%dma_wait3A_246 : memref<512xf32, #tpu.memory_space<vmem>>) dst(%dma_wait3A_251 : memref<100352xf32, #tpu.memory_space<vmem_shared>>)
        %dma_wait3A_252 = arith.constant 2 : i32
        %dma_wait3A_253 = arith.constant 7 : i32
        %dma_wait3A_254 = arith.constant 2 : i32
        %dma_wait3A_255 = arith.constant 1 : i32
        %dma_wait3A_256 = arith.constant 0 : i32
        %dma_wait3A_257 = tpu.memref_slice %arg12[%dma_wait3A_252, %dma_wait3A_253, %dma_wait3A_256] : memref<3x8x512xf32, #tpu.memory_space<vmem>> -> memref<1x1x512xf32, #tpu.memory_space<vmem>>
        %dma_wait3A_258 = tpu.memref_squeeze %dma_wait3A_257 : memref<1x1x512xf32, #tpu.memory_space<vmem>> -> memref<512xf32, #tpu.memory_space<vmem>>
        %dma_wait3A_259 = arith.constant 0 : i32
        %dma_wait3A_260 = tpu.memref_slice %arg11[%dma_wait3A_254, %dma_wait3A_255, %dma_wait3A_259] : memref<3x2x512xi32, #tpu.memory_space<vmem>> -> memref<1x1x512xi32, #tpu.memory_space<vmem>>
        %dma_wait3A_261 = tpu.memref_squeeze %dma_wait3A_260 : memref<1x1x512xi32, #tpu.memory_space<vmem>> -> memref<512xi32, #tpu.memory_space<vmem>>
        %dma_wait3A_262 = arith.constant 0 : i32
        %dma_wait3A_263 = tpu.memref_slice %arg16[%dma_wait3A_262] : memref<100352xf32, #tpu.memory_space<vmem_shared>> -> memref<100352xf32, #tpu.memory_space<vmem_shared>>
        tpu.wait_indirect_dma semaphore(%arg19 : memref<!tpu.dma_semaphore, #tpu.memory_space<semaphore_mem>>) src(%dma_wait3A_258 : memref<512xf32, #tpu.memory_space<vmem>>) dst(%dma_wait3A_263 : memref<100352xf32, #tpu.memory_space<vmem_shared>>)
      } else {
      }
      %add3A_98 = arith.constant 32 : i32
      %add3A_99 = arith.addi %add3A_85, %add3A_98 : i32
      %lt3A_100 = arith.constant 6250 : i32
      %lt3A_101 = arith.cmpi slt, %add3A_99, %lt3A_100 : i32
      %add3A_102 = arith.constant 32 : i32
      %add3A_103 = arith.addi %add3A_85, %add3A_102 : i32
      %convert_element_type3A_104 = arith.extui %lt3A_101 : i1 to i32
      %cond3A_105 = arith.constant 0 : i32
      %cond3A_106 = arith.cmpi ne, %convert_element_type3A_104, %cond3A_105 : i32
      scf.if %cond3A_106 {
        %mul3A_169 = arith.constant 2 : i32
        %mul3A_170 = arith.muli %add3A_103, %mul3A_169 : i32
        %dma_start3A = arith.constant 2 : i32
        %dma_start3A_171 = arith.constant 0 : i32
        %dma_start3A_172 = arith.constant 0 : i32
        %dma_start3A_173 = tpu.memref_slice %arg10[%dma_start3A, %dma_start3A_171, %dma_start3A_172] : memref<3x2x512xi32, #tpu.memory_space<vmem>> -> memref<1x2x512xi32, #tpu.memory_space<vmem>>
        %dma_start3A_174 = tpu.memref_squeeze %dma_start3A_173 : memref<1x2x512xi32, #tpu.memory_space<vmem>> -> memref<2x512xi32, #tpu.memory_space<vmem>>
        %dma_start3A_175 = arith.constant 0 : i32
        %dma_start3A_176 = tpu.memref_slice %arg2[%mul3A_170, %dma_start3A_175] : memref<12500x512xi32, #tpu.memory_space<hbm>> -> memref<2x512xi32, #tpu.memory_space<hbm>>
        %dma_start3A_177 = arith.constant 0 : i32
        %dma_start3A_178 = arith.constant 0 : i32
        %dma_start3A_179 = tpu.memref_slice %arg10[%dma_start3A, %dma_start3A_177, %dma_start3A_178] : memref<3x2x512xi32, #tpu.memory_space<vmem>> -> memref<1x2x512xi32, #tpu.memory_space<vmem>>
        %dma_start3A_180 = tpu.memref_squeeze %dma_start3A_179 : memref<1x2x512xi32, #tpu.memory_space<vmem>> -> memref<2x512xi32, #tpu.memory_space<vmem>>
        %dma_start3A_181 = arith.constant 0 : i32
        %dma_start3A_182 = tpu.memref_slice %arg2[%mul3A_170, %dma_start3A_181] : memref<12500x512xi32, #tpu.memory_space<hbm>> -> memref<2x512xi32, #tpu.memory_space<hbm>>
        tpu.enqueue_dma source(%dma_start3A_182 : memref<2x512xi32, #tpu.memory_space<hbm>>) target(%dma_start3A_180 : memref<2x512xi32, #tpu.memory_space<vmem>>) target_semaphore(%arg17 : memref<!tpu.dma_semaphore, #tpu.memory_space<semaphore_mem>>)
        %mul3A_183 = arith.constant 2 : i32
        %mul3A_184 = arith.muli %add3A_103, %mul3A_183 : i32
        %dma_start3A_185 = arith.constant 2 : i32
        %dma_start3A_186 = arith.constant 0 : i32
        %dma_start3A_187 = arith.constant 0 : i32
        %dma_start3A_188 = tpu.memref_slice %arg11[%dma_start3A_185, %dma_start3A_186, %dma_start3A_187] : memref<3x2x512xi32, #tpu.memory_space<vmem>> -> memref<1x2x512xi32, #tpu.memory_space<vmem>>
        %dma_start3A_189 = tpu.memref_squeeze %dma_start3A_188 : memref<1x2x512xi32, #tpu.memory_space<vmem>> -> memref<2x512xi32, #tpu.memory_space<vmem>>
        %dma_start3A_190 = arith.constant 0 : i32
        %dma_start3A_191 = tpu.memref_slice %arg3[%mul3A_184, %dma_start3A_190] : memref<12500x512xi32, #tpu.memory_space<hbm>> -> memref<2x512xi32, #tpu.memory_space<hbm>>
        %dma_start3A_192 = arith.constant 0 : i32
        %dma_start3A_193 = arith.constant 0 : i32
        %dma_start3A_194 = tpu.memref_slice %arg11[%dma_start3A_185, %dma_start3A_192, %dma_start3A_193] : memref<3x2x512xi32, #tpu.memory_space<vmem>> -> memref<1x2x512xi32, #tpu.memory_space<vmem>>
        %dma_start3A_195 = tpu.memref_squeeze %dma_start3A_194 : memref<1x2x512xi32, #tpu.memory_space<vmem>> -> memref<2x512xi32, #tpu.memory_space<vmem>>
        %dma_start3A_196 = arith.constant 0 : i32
        %dma_start3A_197 = tpu.memref_slice %arg3[%mul3A_184, %dma_start3A_196] : memref<12500x512xi32, #tpu.memory_space<hbm>> -> memref<2x512xi32, #tpu.memory_space<hbm>>
        tpu.enqueue_dma source(%dma_start3A_197 : memref<2x512xi32, #tpu.memory_space<hbm>>) target(%dma_start3A_195 : memref<2x512xi32, #tpu.memory_space<vmem>>) target_semaphore(%arg17 : memref<!tpu.dma_semaphore, #tpu.memory_space<semaphore_mem>>)
      } else {
      }
      %lt3A_107 = arith.constant 6250 : i32
      %lt3A_108 = arith.cmpi slt, %add3A_85, %lt3A_107 : i32
      %convert_element_type3A_109 = arith.extui %lt3A_108 : i1 to i32
      %cond3A_110 = arith.constant 0 : i32
      %cond3A_111 = arith.cmpi ne, %convert_element_type3A_109, %cond3A_110 : i32
      scf.if %cond3A_111 {
        %mul3A_169 = arith.constant 2 : i32
        %mul3A_170 = arith.muli %add3A_85, %mul3A_169 : i32
        %dma_wait3A = arith.constant 1 : i32
        %dma_wait3A_171 = arith.constant 0 : i32
        %dma_wait3A_172 = arith.constant 0 : i32
        %dma_wait3A_173 = tpu.memref_slice %arg10[%dma_wait3A, %dma_wait3A_171, %dma_wait3A_172] : memref<3x2x512xi32, #tpu.memory_space<vmem>> -> memref<1x2x512xi32, #tpu.memory_space<vmem>>
        %dma_wait3A_174 = tpu.memref_squeeze %dma_wait3A_173 : memref<1x2x512xi32, #tpu.memory_space<vmem>> -> memref<2x512xi32, #tpu.memory_space<vmem>>
        %dma_wait3A_175 = arith.constant 0 : i32
        %dma_wait3A_176 = tpu.memref_slice %arg2[%mul3A_170, %dma_wait3A_175] : memref<12500x512xi32, #tpu.memory_space<hbm>> -> memref<2x512xi32, #tpu.memory_space<hbm>>
        %dma_wait3A_177 = arith.constant 0 : i32
        %dma_wait3A_178 = arith.constant 0 : i32
        %dma_wait3A_179 = tpu.memref_slice %arg10[%dma_wait3A, %dma_wait3A_177, %dma_wait3A_178] : memref<3x2x512xi32, #tpu.memory_space<vmem>> -> memref<1x2x512xi32, #tpu.memory_space<vmem>>
        %dma_wait3A_180 = tpu.memref_squeeze %dma_wait3A_179 : memref<1x2x512xi32, #tpu.memory_space<vmem>> -> memref<2x512xi32, #tpu.memory_space<vmem>>
        %dma_wait3A_181 = arith.constant 0 : i32
        %dma_wait3A_182 = tpu.memref_slice %arg2[%mul3A_170, %dma_wait3A_181] : memref<12500x512xi32, #tpu.memory_space<hbm>> -> memref<2x512xi32, #tpu.memory_space<hbm>>
        tpu.wait_dma2 semaphore(%arg17 : memref<!tpu.dma_semaphore, #tpu.memory_space<semaphore_mem>>) src(%dma_wait3A_182 : memref<2x512xi32, #tpu.memory_space<hbm>>) dst(%dma_wait3A_180 : memref<2x512xi32, #tpu.memory_space<vmem>>)
        %mul3A_183 = arith.constant 2 : i32
        %mul3A_184 = arith.muli %add3A_85, %mul3A_183 : i32
        %dma_wait3A_185 = arith.constant 1 : i32
        %dma_wait3A_186 = arith.constant 0 : i32
        %dma_wait3A_187 = arith.constant 0 : i32
        %dma_wait3A_188 = tpu.memref_slice %arg11[%dma_wait3A_185, %dma_wait3A_186, %dma_wait3A_187] : memref<3x2x512xi32, #tpu.memory_space<vmem>> -> memref<1x2x512xi32, #tpu.memory_space<vmem>>
        %dma_wait3A_189 = tpu.memref_squeeze %dma_wait3A_188 : memref<1x2x512xi32, #tpu.memory_space<vmem>> -> memref<2x512xi32, #tpu.memory_space<vmem>>
        %dma_wait3A_190 = arith.constant 0 : i32
        %dma_wait3A_191 = tpu.memref_slice %arg3[%mul3A_184, %dma_wait3A_190] : memref<12500x512xi32, #tpu.memory_space<hbm>> -> memref<2x512xi32, #tpu.memory_space<hbm>>
        %dma_wait3A_192 = arith.constant 0 : i32
        %dma_wait3A_193 = arith.constant 0 : i32
        %dma_wait3A_194 = tpu.memref_slice %arg11[%dma_wait3A_185, %dma_wait3A_192, %dma_wait3A_193] : memref<3x2x512xi32, #tpu.memory_space<vmem>> -> memref<1x2x512xi32, #tpu.memory_space<vmem>>
        %dma_wait3A_195 = tpu.memref_squeeze %dma_wait3A_194 : memref<1x2x512xi32, #tpu.memory_space<vmem>> -> memref<2x512xi32, #tpu.memory_space<vmem>>
        %dma_wait3A_196 = arith.constant 0 : i32
        %dma_wait3A_197 = tpu.memref_slice %arg3[%mul3A_184, %dma_wait3A_196] : memref<12500x512xi32, #tpu.memory_space<hbm>> -> memref<2x512xi32, #tpu.memory_space<hbm>>
        tpu.wait_dma2 semaphore(%arg17 : memref<!tpu.dma_semaphore, #tpu.memory_space<semaphore_mem>>) src(%dma_wait3A_197 : memref<2x512xi32, #tpu.memory_space<hbm>>) dst(%dma_wait3A_195 : memref<2x512xi32, #tpu.memory_space<vmem>>)
        %dma_start3A = arith.constant 1 : i32
        %dma_start3A_198 = arith.constant 0 : i32
        %dma_start3A_199 = arith.constant 1 : i32
        %dma_start3A_200 = arith.constant 0 : i32
        %dma_start3A_201 = arith.constant 0 : i32
        %dma_start3A_202 = tpu.memref_slice %arg12[%dma_start3A_199, %dma_start3A_200, %dma_start3A_201] : memref<3x8x512xf32, #tpu.memory_space<vmem>> -> memref<1x1x512xf32, #tpu.memory_space<vmem>>
        %dma_start3A_203 = tpu.memref_squeeze %dma_start3A_202 : memref<1x1x512xf32, #tpu.memory_space<vmem>> -> memref<512xf32, #tpu.memory_space<vmem>>
        %dma_start3A_204 = arith.constant 0 : i32
        %dma_start3A_205 = tpu.memref_slice %arg10[%dma_start3A, %dma_start3A_198, %dma_start3A_204] : memref<3x2x512xi32, #tpu.memory_space<vmem>> -> memref<1x1x512xi32, #tpu.memory_space<vmem>>
        %dma_start3A_206 = tpu.memref_squeeze %dma_start3A_205 : memref<1x1x512xi32, #tpu.memory_space<vmem>> -> memref<512xi32, #tpu.memory_space<vmem>>
        %dma_start3A_207 = arith.constant 0 : i32
        %dma_start3A_208 = tpu.memref_slice %arg4[%dma_start3A_207] : memref<100352xf32, #tpu.memory_space<hbm>> -> memref<100352xf32, #tpu.memory_space<hbm>>
        tpu.enqueue_indirect_dma source(%dma_start3A_208 : memref<100352xf32, #tpu.memory_space<hbm>>) target(%dma_start3A_203 : memref<512xf32, #tpu.memory_space<vmem>>) offsets(%dma_start3A_206 : memref<512xi32, #tpu.memory_space<vmem>>) semaphore(%arg18 : memref<!tpu.dma_semaphore, #tpu.memory_space<semaphore_mem>>)
        %dma_start3A_209 = arith.constant 1 : i32
        %dma_start3A_210 = arith.constant 0 : i32
        %dma_start3A_211 = arith.constant 1 : i32
        %dma_start3A_212 = arith.constant 1 : i32
        %dma_start3A_213 = arith.constant 0 : i32
        %dma_start3A_214 = tpu.memref_slice %arg12[%dma_start3A_211, %dma_start3A_212, %dma_start3A_213] : memref<3x8x512xf32, #tpu.memory_space<vmem>> -> memref<1x1x512xf32, #tpu.memory_space<vmem>>
        %dma_start3A_215 = tpu.memref_squeeze %dma_start3A_214 : memref<1x1x512xf32, #tpu.memory_space<vmem>> -> memref<512xf32, #tpu.memory_space<vmem>>
        %dma_start3A_216 = arith.constant 0 : i32
        %dma_start3A_217 = tpu.memref_slice %arg10[%dma_start3A_209, %dma_start3A_210, %dma_start3A_216] : memref<3x2x512xi32, #tpu.memory_space<vmem>> -> memref<1x1x512xi32, #tpu.memory_space<vmem>>
        %dma_start3A_218 = tpu.memref_squeeze %dma_start3A_217 : memref<1x1x512xi32, #tpu.memory_space<vmem>> -> memref<512xi32, #tpu.memory_space<vmem>>
        %dma_start3A_219 = arith.constant 0 : i32
        %dma_start3A_220 = tpu.memref_slice %arg5[%dma_start3A_219] : memref<100352xf32, #tpu.memory_space<hbm>> -> memref<100352xf32, #tpu.memory_space<hbm>>
        tpu.enqueue_indirect_dma source(%dma_start3A_220 : memref<100352xf32, #tpu.memory_space<hbm>>) target(%dma_start3A_215 : memref<512xf32, #tpu.memory_space<vmem>>) offsets(%dma_start3A_218 : memref<512xi32, #tpu.memory_space<vmem>>) semaphore(%arg18 : memref<!tpu.dma_semaphore, #tpu.memory_space<semaphore_mem>>)
        %dma_start3A_221 = arith.constant 1 : i32
        %dma_start3A_222 = arith.constant 0 : i32
        %dma_start3A_223 = arith.constant 1 : i32
        %dma_start3A_224 = arith.constant 2 : i32
        %dma_start3A_225 = arith.constant 0 : i32
        %dma_start3A_226 = tpu.memref_slice %arg12[%dma_start3A_223, %dma_start3A_224, %dma_start3A_225] : memref<3x8x512xf32, #tpu.memory_space<vmem>> -> memref<1x1x512xf32, #tpu.memory_space<vmem>>
        %dma_start3A_227 = tpu.memref_squeeze %dma_start3A_226 : memref<1x1x512xf32, #tpu.memory_space<vmem>> -> memref<512xf32, #tpu.memory_space<vmem>>
        %dma_start3A_228 = arith.constant 0 : i32
        %dma_start3A_229 = tpu.memref_slice %arg10[%dma_start3A_221, %dma_start3A_222, %dma_start3A_228] : memref<3x2x512xi32, #tpu.memory_space<vmem>> -> memref<1x1x512xi32, #tpu.memory_space<vmem>>
        %dma_start3A_230 = tpu.memref_squeeze %dma_start3A_229 : memref<1x1x512xi32, #tpu.memory_space<vmem>> -> memref<512xi32, #tpu.memory_space<vmem>>
        %dma_start3A_231 = arith.constant 0 : i32
        %dma_start3A_232 = tpu.memref_slice %arg6[%dma_start3A_231] : memref<100352xf32, #tpu.memory_space<hbm>> -> memref<100352xf32, #tpu.memory_space<hbm>>
        tpu.enqueue_indirect_dma source(%dma_start3A_232 : memref<100352xf32, #tpu.memory_space<hbm>>) target(%dma_start3A_227 : memref<512xf32, #tpu.memory_space<vmem>>) offsets(%dma_start3A_230 : memref<512xi32, #tpu.memory_space<vmem>>) semaphore(%arg18 : memref<!tpu.dma_semaphore, #tpu.memory_space<semaphore_mem>>)
        %dma_start3A_233 = arith.constant 1 : i32
        %dma_start3A_234 = arith.constant 0 : i32
        %dma_start3A_235 = arith.constant 1 : i32
        %dma_start3A_236 = arith.constant 3 : i32
        %dma_start3A_237 = arith.constant 0 : i32
        %dma_start3A_238 = tpu.memref_slice %arg12[%dma_start3A_235, %dma_start3A_236, %dma_start3A_237] : memref<3x8x512xf32, #tpu.memory_space<vmem>> -> memref<1x1x512xf32, #tpu.memory_space<vmem>>
        %dma_start3A_239 = tpu.memref_squeeze %dma_start3A_238 : memref<1x1x512xf32, #tpu.memory_space<vmem>> -> memref<512xf32, #tpu.memory_space<vmem>>
        %dma_start3A_240 = arith.constant 0 : i32
        %dma_start3A_241 = tpu.memref_slice %arg10[%dma_start3A_233, %dma_start3A_234, %dma_start3A_240] : memref<3x2x512xi32, #tpu.memory_space<vmem>> -> memref<1x1x512xi32, #tpu.memory_space<vmem>>
        %dma_start3A_242 = tpu.memref_squeeze %dma_start3A_241 : memref<1x1x512xi32, #tpu.memory_space<vmem>> -> memref<512xi32, #tpu.memory_space<vmem>>
        %dma_start3A_243 = arith.constant 0 : i32
        %dma_start3A_244 = tpu.memref_slice %arg7[%dma_start3A_243] : memref<100352xf32, #tpu.memory_space<hbm>> -> memref<100352xf32, #tpu.memory_space<hbm>>
        tpu.enqueue_indirect_dma source(%dma_start3A_244 : memref<100352xf32, #tpu.memory_space<hbm>>) target(%dma_start3A_239 : memref<512xf32, #tpu.memory_space<vmem>>) offsets(%dma_start3A_242 : memref<512xi32, #tpu.memory_space<vmem>>) semaphore(%arg18 : memref<!tpu.dma_semaphore, #tpu.memory_space<semaphore_mem>>)
        %dma_start3A_245 = arith.constant 1 : i32
        %dma_start3A_246 = arith.constant 1 : i32
        %dma_start3A_247 = arith.constant 1 : i32
        %dma_start3A_248 = arith.constant 4 : i32
        %dma_start3A_249 = arith.constant 0 : i32
        %dma_start3A_250 = tpu.memref_slice %arg12[%dma_start3A_247, %dma_start3A_248, %dma_start3A_249] : memref<3x8x512xf32, #tpu.memory_space<vmem>> -> memref<1x1x512xf32, #tpu.memory_space<vmem>>
        %dma_start3A_251 = tpu.memref_squeeze %dma_start3A_250 : memref<1x1x512xf32, #tpu.memory_space<vmem>> -> memref<512xf32, #tpu.memory_space<vmem>>
        %dma_start3A_252 = arith.constant 0 : i32
        %dma_start3A_253 = tpu.memref_slice %arg10[%dma_start3A_245, %dma_start3A_246, %dma_start3A_252] : memref<3x2x512xi32, #tpu.memory_space<vmem>> -> memref<1x1x512xi32, #tpu.memory_space<vmem>>
        %dma_start3A_254 = tpu.memref_squeeze %dma_start3A_253 : memref<1x1x512xi32, #tpu.memory_space<vmem>> -> memref<512xi32, #tpu.memory_space<vmem>>
        %dma_start3A_255 = arith.constant 0 : i32
        %dma_start3A_256 = tpu.memref_slice %arg4[%dma_start3A_255] : memref<100352xf32, #tpu.memory_space<hbm>> -> memref<100352xf32, #tpu.memory_space<hbm>>
        tpu.enqueue_indirect_dma source(%dma_start3A_256 : memref<100352xf32, #tpu.memory_space<hbm>>) target(%dma_start3A_251 : memref<512xf32, #tpu.memory_space<vmem>>) offsets(%dma_start3A_254 : memref<512xi32, #tpu.memory_space<vmem>>) semaphore(%arg18 : memref<!tpu.dma_semaphore, #tpu.memory_space<semaphore_mem>>)
        %dma_start3A_257 = arith.constant 1 : i32
        %dma_start3A_258 = arith.constant 1 : i32
        %dma_start3A_259 = arith.constant 1 : i32
        %dma_start3A_260 = arith.constant 5 : i32
        %dma_start3A_261 = arith.constant 0 : i32
        %dma_start3A_262 = tpu.memref_slice %arg12[%dma_start3A_259, %dma_start3A_260, %dma_start3A_261] : memref<3x8x512xf32, #tpu.memory_space<vmem>> -> memref<1x1x512xf32, #tpu.memory_space<vmem>>
        %dma_start3A_263 = tpu.memref_squeeze %dma_start3A_262 : memref<1x1x512xf32, #tpu.memory_space<vmem>> -> memref<512xf32, #tpu.memory_space<vmem>>
        %dma_start3A_264 = arith.constant 0 : i32
        %dma_start3A_265 = tpu.memref_slice %arg10[%dma_start3A_257, %dma_start3A_258, %dma_start3A_264] : memref<3x2x512xi32, #tpu.memory_space<vmem>> -> memref<1x1x512xi32, #tpu.memory_space<vmem>>
        %dma_start3A_266 = tpu.memref_squeeze %dma_start3A_265 : memref<1x1x512xi32, #tpu.memory_space<vmem>> -> memref<512xi32, #tpu.memory_space<vmem>>
        %dma_start3A_267 = arith.constant 0 : i32
        %dma_start3A_268 = tpu.memref_slice %arg5[%dma_start3A_267] : memref<100352xf32, #tpu.memory_space<hbm>> -> memref<100352xf32, #tpu.memory_space<hbm>>
        tpu.enqueue_indirect_dma source(%dma_start3A_268 : memref<100352xf32, #tpu.memory_space<hbm>>) target(%dma_start3A_263 : memref<512xf32, #tpu.memory_space<vmem>>) offsets(%dma_start3A_266 : memref<512xi32, #tpu.memory_space<vmem>>) semaphore(%arg18 : memref<!tpu.dma_semaphore, #tpu.memory_space<semaphore_mem>>)
        %dma_start3A_269 = arith.constant 1 : i32
        %dma_start3A_270 = arith.constant 1 : i32
        %dma_start3A_271 = arith.constant 1 : i32
        %dma_start3A_272 = arith.constant 6 : i32
        %dma_start3A_273 = arith.constant 0 : i32
        %dma_start3A_274 = tpu.memref_slice %arg12[%dma_start3A_271, %dma_start3A_272, %dma_start3A_273] : memref<3x8x512xf32, #tpu.memory_space<vmem>> -> memref<1x1x512xf32, #tpu.memory_space<vmem>>
        %dma_start3A_275 = tpu.memref_squeeze %dma_start3A_274 : memref<1x1x512xf32, #tpu.memory_space<vmem>> -> memref<512xf32, #tpu.memory_space<vmem>>
        %dma_start3A_276 = arith.constant 0 : i32
        %dma_start3A_277 = tpu.memref_slice %arg10[%dma_start3A_269, %dma_start3A_270, %dma_start3A_276] : memref<3x2x512xi32, #tpu.memory_space<vmem>> -> memref<1x1x512xi32, #tpu.memory_space<vmem>>
        %dma_start3A_278 = tpu.memref_squeeze %dma_start3A_277 : memref<1x1x512xi32, #tpu.memory_space<vmem>> -> memref<512xi32, #tpu.memory_space<vmem>>
        %dma_start3A_279 = arith.constant 0 : i32
        %dma_start3A_280 = tpu.memref_slice %arg6[%dma_start3A_279] : memref<100352xf32, #tpu.memory_space<hbm>> -> memref<100352xf32, #tpu.memory_space<hbm>>
        tpu.enqueue_indirect_dma source(%dma_start3A_280 : memref<100352xf32, #tpu.memory_space<hbm>>) target(%dma_start3A_275 : memref<512xf32, #tpu.memory_space<vmem>>) offsets(%dma_start3A_278 : memref<512xi32, #tpu.memory_space<vmem>>) semaphore(%arg18 : memref<!tpu.dma_semaphore, #tpu.memory_space<semaphore_mem>>)
        %dma_start3A_281 = arith.constant 1 : i32
        %dma_start3A_282 = arith.constant 1 : i32
        %dma_start3A_283 = arith.constant 1 : i32
        %dma_start3A_284 = arith.constant 7 : i32
        %dma_start3A_285 = arith.constant 0 : i32
        %dma_start3A_286 = tpu.memref_slice %arg12[%dma_start3A_283, %dma_start3A_284, %dma_start3A_285] : memref<3x8x512xf32, #tpu.memory_space<vmem>> -> memref<1x1x512xf32, #tpu.memory_space<vmem>>
        %dma_start3A_287 = tpu.memref_squeeze %dma_start3A_286 : memref<1x1x512xf32, #tpu.memory_space<vmem>> -> memref<512xf32, #tpu.memory_space<vmem>>
        %dma_start3A_288 = arith.constant 0 : i32
        %dma_start3A_289 = tpu.memref_slice %arg10[%dma_start3A_281, %dma_start3A_282, %dma_start3A_288] : memref<3x2x512xi32, #tpu.memory_space<vmem>> -> memref<1x1x512xi32, #tpu.memory_space<vmem>>
        %dma_start3A_290 = tpu.memref_squeeze %dma_start3A_289 : memref<1x1x512xi32, #tpu.memory_space<vmem>> -> memref<512xi32, #tpu.memory_space<vmem>>
        %dma_start3A_291 = arith.constant 0 : i32
        %dma_start3A_292 = tpu.memref_slice %arg7[%dma_start3A_291] : memref<100352xf32, #tpu.memory_space<hbm>> -> memref<100352xf32, #tpu.memory_space<hbm>>
        tpu.enqueue_indirect_dma source(%dma_start3A_292 : memref<100352xf32, #tpu.memory_space<hbm>>) target(%dma_start3A_287 : memref<512xf32, #tpu.memory_space<vmem>>) offsets(%dma_start3A_290 : memref<512xi32, #tpu.memory_space<vmem>>) semaphore(%arg18 : memref<!tpu.dma_semaphore, #tpu.memory_space<semaphore_mem>>)
      } else {
      }
      %sub3A_112 = arith.constant 32 : i32
      %sub3A_113 = arith.subi %add3A_85, %sub3A_112 : i32
      %ge3A_114 = arith.constant 0 : i32
      %ge3A_115 = arith.cmpi sge, %sub3A_113, %ge3A_114 : i32
      %sub3A_116 = arith.constant 32 : i32
      %sub3A_117 = arith.subi %add3A_85, %sub3A_116 : i32
      %lt3A_118 = arith.constant 6250 : i32
      %lt3A_119 = arith.cmpi slt, %sub3A_117, %lt3A_118 : i32
      %and3A_120 = arith.andi %ge3A_115, %lt3A_119 : i1
      %convert_element_type3A_121 = arith.extui %and3A_120 : i1 to i32
      %cond3A_122 = arith.constant 0 : i32
      %cond3A_123 = arith.cmpi ne, %convert_element_type3A_121, %cond3A_122 : i32
      scf.if %cond3A_123 {
        %dma_wait3A = arith.constant 0 : i32
        %dma_wait3A_169 = arith.constant 0 : i32
        %dma_wait3A_170 = arith.constant 0 : i32
        %dma_wait3A_171 = arith.constant 0 : i32
        %dma_wait3A_172 = arith.constant 0 : i32
        %dma_wait3A_173 = tpu.memref_slice %arg12[%dma_wait3A_170, %dma_wait3A_171, %dma_wait3A_172] : memref<3x8x512xf32, #tpu.memory_space<vmem>> -> memref<1x1x512xf32, #tpu.memory_space<vmem>>
        %dma_wait3A_174 = tpu.memref_squeeze %dma_wait3A_173 : memref<1x1x512xf32, #tpu.memory_space<vmem>> -> memref<512xf32, #tpu.memory_space<vmem>>
        %dma_wait3A_175 = arith.constant 0 : i32
        %dma_wait3A_176 = tpu.memref_slice %arg10[%dma_wait3A, %dma_wait3A_169, %dma_wait3A_175] : memref<3x2x512xi32, #tpu.memory_space<vmem>> -> memref<1x1x512xi32, #tpu.memory_space<vmem>>
        %dma_wait3A_177 = tpu.memref_squeeze %dma_wait3A_176 : memref<1x1x512xi32, #tpu.memory_space<vmem>> -> memref<512xi32, #tpu.memory_space<vmem>>
        %dma_wait3A_178 = arith.constant 0 : i32
        %dma_wait3A_179 = tpu.memref_slice %arg4[%dma_wait3A_178] : memref<100352xf32, #tpu.memory_space<hbm>> -> memref<100352xf32, #tpu.memory_space<hbm>>
        tpu.wait_indirect_dma semaphore(%arg18 : memref<!tpu.dma_semaphore, #tpu.memory_space<semaphore_mem>>) src(%dma_wait3A_179 : memref<100352xf32, #tpu.memory_space<hbm>>) dst(%dma_wait3A_174 : memref<512xf32, #tpu.memory_space<vmem>>)
        %dma_wait3A_180 = arith.constant 0 : i32
        %dma_wait3A_181 = arith.constant 0 : i32
        %dma_wait3A_182 = arith.constant 0 : i32
        %dma_wait3A_183 = arith.constant 1 : i32
        %dma_wait3A_184 = arith.constant 0 : i32
        %dma_wait3A_185 = tpu.memref_slice %arg12[%dma_wait3A_182, %dma_wait3A_183, %dma_wait3A_184] : memref<3x8x512xf32, #tpu.memory_space<vmem>> -> memref<1x1x512xf32, #tpu.memory_space<vmem>>
        %dma_wait3A_186 = tpu.memref_squeeze %dma_wait3A_185 : memref<1x1x512xf32, #tpu.memory_space<vmem>> -> memref<512xf32, #tpu.memory_space<vmem>>
        %dma_wait3A_187 = arith.constant 0 : i32
        %dma_wait3A_188 = tpu.memref_slice %arg10[%dma_wait3A_180, %dma_wait3A_181, %dma_wait3A_187] : memref<3x2x512xi32, #tpu.memory_space<vmem>> -> memref<1x1x512xi32, #tpu.memory_space<vmem>>
        %dma_wait3A_189 = tpu.memref_squeeze %dma_wait3A_188 : memref<1x1x512xi32, #tpu.memory_space<vmem>> -> memref<512xi32, #tpu.memory_space<vmem>>
        %dma_wait3A_190 = arith.constant 0 : i32
        %dma_wait3A_191 = tpu.memref_slice %arg5[%dma_wait3A_190] : memref<100352xf32, #tpu.memory_space<hbm>> -> memref<100352xf32, #tpu.memory_space<hbm>>
        tpu.wait_indirect_dma semaphore(%arg18 : memref<!tpu.dma_semaphore, #tpu.memory_space<semaphore_mem>>) src(%dma_wait3A_191 : memref<100352xf32, #tpu.memory_space<hbm>>) dst(%dma_wait3A_186 : memref<512xf32, #tpu.memory_space<vmem>>)
        %dma_wait3A_192 = arith.constant 0 : i32
        %dma_wait3A_193 = arith.constant 0 : i32
        %dma_wait3A_194 = arith.constant 0 : i32
        %dma_wait3A_195 = arith.constant 2 : i32
        %dma_wait3A_196 = arith.constant 0 : i32
        %dma_wait3A_197 = tpu.memref_slice %arg12[%dma_wait3A_194, %dma_wait3A_195, %dma_wait3A_196] : memref<3x8x512xf32, #tpu.memory_space<vmem>> -> memref<1x1x512xf32, #tpu.memory_space<vmem>>
        %dma_wait3A_198 = tpu.memref_squeeze %dma_wait3A_197 : memref<1x1x512xf32, #tpu.memory_space<vmem>> -> memref<512xf32, #tpu.memory_space<vmem>>
        %dma_wait3A_199 = arith.constant 0 : i32
        %dma_wait3A_200 = tpu.memref_slice %arg10[%dma_wait3A_192, %dma_wait3A_193, %dma_wait3A_199] : memref<3x2x512xi32, #tpu.memory_space<vmem>> -> memref<1x1x512xi32, #tpu.memory_space<vmem>>
        %dma_wait3A_201 = tpu.memref_squeeze %dma_wait3A_200 : memref<1x1x512xi32, #tpu.memory_space<vmem>> -> memref<512xi32, #tpu.memory_space<vmem>>
        %dma_wait3A_202 = arith.constant 0 : i32
        %dma_wait3A_203 = tpu.memref_slice %arg6[%dma_wait3A_202] : memref<100352xf32, #tpu.memory_space<hbm>> -> memref<100352xf32, #tpu.memory_space<hbm>>
        tpu.wait_indirect_dma semaphore(%arg18 : memref<!tpu.dma_semaphore, #tpu.memory_space<semaphore_mem>>) src(%dma_wait3A_203 : memref<100352xf32, #tpu.memory_space<hbm>>) dst(%dma_wait3A_198 : memref<512xf32, #tpu.memory_space<vmem>>)
        %dma_wait3A_204 = arith.constant 0 : i32
        %dma_wait3A_205 = arith.constant 0 : i32
        %dma_wait3A_206 = arith.constant 0 : i32
        %dma_wait3A_207 = arith.constant 3 : i32
        %dma_wait3A_208 = arith.constant 0 : i32
        %dma_wait3A_209 = tpu.memref_slice %arg12[%dma_wait3A_206, %dma_wait3A_207, %dma_wait3A_208] : memref<3x8x512xf32, #tpu.memory_space<vmem>> -> memref<1x1x512xf32, #tpu.memory_space<vmem>>
        %dma_wait3A_210 = tpu.memref_squeeze %dma_wait3A_209 : memref<1x1x512xf32, #tpu.memory_space<vmem>> -> memref<512xf32, #tpu.memory_space<vmem>>
        %dma_wait3A_211 = arith.constant 0 : i32
        %dma_wait3A_212 = tpu.memref_slice %arg10[%dma_wait3A_204, %dma_wait3A_205, %dma_wait3A_211] : memref<3x2x512xi32, #tpu.memory_space<vmem>> -> memref<1x1x512xi32, #tpu.memory_space<vmem>>
        %dma_wait3A_213 = tpu.memref_squeeze %dma_wait3A_212 : memref<1x1x512xi32, #tpu.memory_space<vmem>> -> memref<512xi32, #tpu.memory_space<vmem>>
        %dma_wait3A_214 = arith.constant 0 : i32
        %dma_wait3A_215 = tpu.memref_slice %arg7[%dma_wait3A_214] : memref<100352xf32, #tpu.memory_space<hbm>> -> memref<100352xf32, #tpu.memory_space<hbm>>
        tpu.wait_indirect_dma semaphore(%arg18 : memref<!tpu.dma_semaphore, #tpu.memory_space<semaphore_mem>>) src(%dma_wait3A_215 : memref<100352xf32, #tpu.memory_space<hbm>>) dst(%dma_wait3A_210 : memref<512xf32, #tpu.memory_space<vmem>>)
        %dma_wait3A_216 = arith.constant 0 : i32
        %dma_wait3A_217 = arith.constant 1 : i32
        %dma_wait3A_218 = arith.constant 0 : i32
        %dma_wait3A_219 = arith.constant 4 : i32
        %dma_wait3A_220 = arith.constant 0 : i32
        %dma_wait3A_221 = tpu.memref_slice %arg12[%dma_wait3A_218, %dma_wait3A_219, %dma_wait3A_220] : memref<3x8x512xf32, #tpu.memory_space<vmem>> -> memref<1x1x512xf32, #tpu.memory_space<vmem>>
        %dma_wait3A_222 = tpu.memref_squeeze %dma_wait3A_221 : memref<1x1x512xf32, #tpu.memory_space<vmem>> -> memref<512xf32, #tpu.memory_space<vmem>>
        %dma_wait3A_223 = arith.constant 0 : i32
        %dma_wait3A_224 = tpu.memref_slice %arg10[%dma_wait3A_216, %dma_wait3A_217, %dma_wait3A_223] : memref<3x2x512xi32, #tpu.memory_space<vmem>> -> memref<1x1x512xi32, #tpu.memory_space<vmem>>
        %dma_wait3A_225 = tpu.memref_squeeze %dma_wait3A_224 : memref<1x1x512xi32, #tpu.memory_space<vmem>> -> memref<512xi32, #tpu.memory_space<vmem>>
        %dma_wait3A_226 = arith.constant 0 : i32
        %dma_wait3A_227 = tpu.memref_slice %arg4[%dma_wait3A_226] : memref<100352xf32, #tpu.memory_space<hbm>> -> memref<100352xf32, #tpu.memory_space<hbm>>
        tpu.wait_indirect_dma semaphore(%arg18 : memref<!tpu.dma_semaphore, #tpu.memory_space<semaphore_mem>>) src(%dma_wait3A_227 : memref<100352xf32, #tpu.memory_space<hbm>>) dst(%dma_wait3A_222 : memref<512xf32, #tpu.memory_space<vmem>>)
        %dma_wait3A_228 = arith.constant 0 : i32
        %dma_wait3A_229 = arith.constant 1 : i32
        %dma_wait3A_230 = arith.constant 0 : i32
        %dma_wait3A_231 = arith.constant 5 : i32
        %dma_wait3A_232 = arith.constant 0 : i32
        %dma_wait3A_233 = tpu.memref_slice %arg12[%dma_wait3A_230, %dma_wait3A_231, %dma_wait3A_232] : memref<3x8x512xf32, #tpu.memory_space<vmem>> -> memref<1x1x512xf32, #tpu.memory_space<vmem>>
        %dma_wait3A_234 = tpu.memref_squeeze %dma_wait3A_233 : memref<1x1x512xf32, #tpu.memory_space<vmem>> -> memref<512xf32, #tpu.memory_space<vmem>>
        %dma_wait3A_235 = arith.constant 0 : i32
        %dma_wait3A_236 = tpu.memref_slice %arg10[%dma_wait3A_228, %dma_wait3A_229, %dma_wait3A_235] : memref<3x2x512xi32, #tpu.memory_space<vmem>> -> memref<1x1x512xi32, #tpu.memory_space<vmem>>
        %dma_wait3A_237 = tpu.memref_squeeze %dma_wait3A_236 : memref<1x1x512xi32, #tpu.memory_space<vmem>> -> memref<512xi32, #tpu.memory_space<vmem>>
        %dma_wait3A_238 = arith.constant 0 : i32
        %dma_wait3A_239 = tpu.memref_slice %arg5[%dma_wait3A_238] : memref<100352xf32, #tpu.memory_space<hbm>> -> memref<100352xf32, #tpu.memory_space<hbm>>
        tpu.wait_indirect_dma semaphore(%arg18 : memref<!tpu.dma_semaphore, #tpu.memory_space<semaphore_mem>>) src(%dma_wait3A_239 : memref<100352xf32, #tpu.memory_space<hbm>>) dst(%dma_wait3A_234 : memref<512xf32, #tpu.memory_space<vmem>>)
        %dma_wait3A_240 = arith.constant 0 : i32
        %dma_wait3A_241 = arith.constant 1 : i32
        %dma_wait3A_242 = arith.constant 0 : i32
        %dma_wait3A_243 = arith.constant 6 : i32
        %dma_wait3A_244 = arith.constant 0 : i32
        %dma_wait3A_245 = tpu.memref_slice %arg12[%dma_wait3A_242, %dma_wait3A_243, %dma_wait3A_244] : memref<3x8x512xf32, #tpu.memory_space<vmem>> -> memref<1x1x512xf32, #tpu.memory_space<vmem>>
        %dma_wait3A_246 = tpu.memref_squeeze %dma_wait3A_245 : memref<1x1x512xf32, #tpu.memory_space<vmem>> -> memref<512xf32, #tpu.memory_space<vmem>>
        %dma_wait3A_247 = arith.constant 0 : i32
        %dma_wait3A_248 = tpu.memref_slice %arg10[%dma_wait3A_240, %dma_wait3A_241, %dma_wait3A_247] : memref<3x2x512xi32, #tpu.memory_space<vmem>> -> memref<1x1x512xi32, #tpu.memory_space<vmem>>
        %dma_wait3A_249 = tpu.memref_squeeze %dma_wait3A_248 : memref<1x1x512xi32, #tpu.memory_space<vmem>> -> memref<512xi32, #tpu.memory_space<vmem>>
        %dma_wait3A_250 = arith.constant 0 : i32
        %dma_wait3A_251 = tpu.memref_slice %arg6[%dma_wait3A_250] : memref<100352xf32, #tpu.memory_space<hbm>> -> memref<100352xf32, #tpu.memory_space<hbm>>
        tpu.wait_indirect_dma semaphore(%arg18 : memref<!tpu.dma_semaphore, #tpu.memory_space<semaphore_mem>>) src(%dma_wait3A_251 : memref<100352xf32, #tpu.memory_space<hbm>>) dst(%dma_wait3A_246 : memref<512xf32, #tpu.memory_space<vmem>>)
        %dma_wait3A_252 = arith.constant 0 : i32
        %dma_wait3A_253 = arith.constant 1 : i32
        %dma_wait3A_254 = arith.constant 0 : i32
        %dma_wait3A_255 = arith.constant 7 : i32
        %dma_wait3A_256 = arith.constant 0 : i32
        %dma_wait3A_257 = tpu.memref_slice %arg12[%dma_wait3A_254, %dma_wait3A_255, %dma_wait3A_256] : memref<3x8x512xf32, #tpu.memory_space<vmem>> -> memref<1x1x512xf32, #tpu.memory_space<vmem>>
        %dma_wait3A_258 = tpu.memref_squeeze %dma_wait3A_257 : memref<1x1x512xf32, #tpu.memory_space<vmem>> -> memref<512xf32, #tpu.memory_space<vmem>>
        %dma_wait3A_259 = arith.constant 0 : i32
        %dma_wait3A_260 = tpu.memref_slice %arg10[%dma_wait3A_252, %dma_wait3A_253, %dma_wait3A_259] : memref<3x2x512xi32, #tpu.memory_space<vmem>> -> memref<1x1x512xi32, #tpu.memory_space<vmem>>
        %dma_wait3A_261 = tpu.memref_squeeze %dma_wait3A_260 : memref<1x1x512xi32, #tpu.memory_space<vmem>> -> memref<512xi32, #tpu.memory_space<vmem>>
        %dma_wait3A_262 = arith.constant 0 : i32
        %dma_wait3A_263 = tpu.memref_slice %arg7[%dma_wait3A_262] : memref<100352xf32, #tpu.memory_space<hbm>> -> memref<100352xf32, #tpu.memory_space<hbm>>
        tpu.wait_indirect_dma semaphore(%arg18 : memref<!tpu.dma_semaphore, #tpu.memory_space<semaphore_mem>>) src(%dma_wait3A_263 : memref<100352xf32, #tpu.memory_space<hbm>>) dst(%dma_wait3A_258 : memref<512xf32, #tpu.memory_space<vmem>>)
        %dma_start3A = arith.constant 0 : i32
        %dma_start3A_264 = arith.constant 0 : i32
        %dma_start3A_265 = arith.constant 0 : i32
        %dma_start3A_266 = arith.constant 0 : i32
        %dma_start3A_267 = arith.constant 0 : i32
        %dma_start3A_268 = tpu.memref_slice %arg12[%dma_start3A, %dma_start3A_264, %dma_start3A_267] : memref<3x8x512xf32, #tpu.memory_space<vmem>> -> memref<1x1x512xf32, #tpu.memory_space<vmem>>
        %dma_start3A_269 = tpu.memref_squeeze %dma_start3A_268 : memref<1x1x512xf32, #tpu.memory_space<vmem>> -> memref<512xf32, #tpu.memory_space<vmem>>
        %dma_start3A_270 = arith.constant 0 : i32
        %dma_start3A_271 = tpu.memref_slice %arg11[%dma_start3A_265, %dma_start3A_266, %dma_start3A_270] : memref<3x2x512xi32, #tpu.memory_space<vmem>> -> memref<1x1x512xi32, #tpu.memory_space<vmem>>
        %dma_start3A_272 = tpu.memref_squeeze %dma_start3A_271 : memref<1x1x512xi32, #tpu.memory_space<vmem>> -> memref<512xi32, #tpu.memory_space<vmem>>
        %dma_start3A_273 = arith.constant 0 : i32
        %dma_start3A_274 = tpu.memref_slice %arg13[%dma_start3A_273] : memref<100352xf32, #tpu.memory_space<vmem_shared>> -> memref<100352xf32, #tpu.memory_space<vmem_shared>>
        tpu.enqueue_indirect_dma source(%dma_start3A_269 : memref<512xf32, #tpu.memory_space<vmem>>) target(%dma_start3A_274 : memref<100352xf32, #tpu.memory_space<vmem_shared>>) offsets(%dma_start3A_272 : memref<512xi32, #tpu.memory_space<vmem>>) semaphore(%arg19 : memref<!tpu.dma_semaphore, #tpu.memory_space<semaphore_mem>>) {add = true}
        %dma_start3A_275 = arith.constant 0 : i32
        %dma_start3A_276 = arith.constant 1 : i32
        %dma_start3A_277 = arith.constant 0 : i32
        %dma_start3A_278 = arith.constant 0 : i32
        %dma_start3A_279 = arith.constant 0 : i32
        %dma_start3A_280 = tpu.memref_slice %arg12[%dma_start3A_275, %dma_start3A_276, %dma_start3A_279] : memref<3x8x512xf32, #tpu.memory_space<vmem>> -> memref<1x1x512xf32, #tpu.memory_space<vmem>>
        %dma_start3A_281 = tpu.memref_squeeze %dma_start3A_280 : memref<1x1x512xf32, #tpu.memory_space<vmem>> -> memref<512xf32, #tpu.memory_space<vmem>>
        %dma_start3A_282 = arith.constant 0 : i32
        %dma_start3A_283 = tpu.memref_slice %arg11[%dma_start3A_277, %dma_start3A_278, %dma_start3A_282] : memref<3x2x512xi32, #tpu.memory_space<vmem>> -> memref<1x1x512xi32, #tpu.memory_space<vmem>>
        %dma_start3A_284 = tpu.memref_squeeze %dma_start3A_283 : memref<1x1x512xi32, #tpu.memory_space<vmem>> -> memref<512xi32, #tpu.memory_space<vmem>>
        %dma_start3A_285 = arith.constant 0 : i32
        %dma_start3A_286 = tpu.memref_slice %arg14[%dma_start3A_285] : memref<100352xf32, #tpu.memory_space<vmem_shared>> -> memref<100352xf32, #tpu.memory_space<vmem_shared>>
        tpu.enqueue_indirect_dma source(%dma_start3A_281 : memref<512xf32, #tpu.memory_space<vmem>>) target(%dma_start3A_286 : memref<100352xf32, #tpu.memory_space<vmem_shared>>) offsets(%dma_start3A_284 : memref<512xi32, #tpu.memory_space<vmem>>) semaphore(%arg19 : memref<!tpu.dma_semaphore, #tpu.memory_space<semaphore_mem>>) {add = true}
        %dma_start3A_287 = arith.constant 0 : i32
        %dma_start3A_288 = arith.constant 2 : i32
        %dma_start3A_289 = arith.constant 0 : i32
        %dma_start3A_290 = arith.constant 0 : i32
        %dma_start3A_291 = arith.constant 0 : i32
        %dma_start3A_292 = tpu.memref_slice %arg12[%dma_start3A_287, %dma_start3A_288, %dma_start3A_291] : memref<3x8x512xf32, #tpu.memory_space<vmem>> -> memref<1x1x512xf32, #tpu.memory_space<vmem>>
        %dma_start3A_293 = tpu.memref_squeeze %dma_start3A_292 : memref<1x1x512xf32, #tpu.memory_space<vmem>> -> memref<512xf32, #tpu.memory_space<vmem>>
        %dma_start3A_294 = arith.constant 0 : i32
        %dma_start3A_295 = tpu.memref_slice %arg11[%dma_start3A_289, %dma_start3A_290, %dma_start3A_294] : memref<3x2x512xi32, #tpu.memory_space<vmem>> -> memref<1x1x512xi32, #tpu.memory_space<vmem>>
        %dma_start3A_296 = tpu.memref_squeeze %dma_start3A_295 : memref<1x1x512xi32, #tpu.memory_space<vmem>> -> memref<512xi32, #tpu.memory_space<vmem>>
        %dma_start3A_297 = arith.constant 0 : i32
        %dma_start3A_298 = tpu.memref_slice %arg15[%dma_start3A_297] : memref<100352xf32, #tpu.memory_space<vmem_shared>> -> memref<100352xf32, #tpu.memory_space<vmem_shared>>
        tpu.enqueue_indirect_dma source(%dma_start3A_293 : memref<512xf32, #tpu.memory_space<vmem>>) target(%dma_start3A_298 : memref<100352xf32, #tpu.memory_space<vmem_shared>>) offsets(%dma_start3A_296 : memref<512xi32, #tpu.memory_space<vmem>>) semaphore(%arg19 : memref<!tpu.dma_semaphore, #tpu.memory_space<semaphore_mem>>) {add = true}
        %dma_start3A_299 = arith.constant 0 : i32
        %dma_start3A_300 = arith.constant 3 : i32
        %dma_start3A_301 = arith.constant 0 : i32
        %dma_start3A_302 = arith.constant 0 : i32
        %dma_start3A_303 = arith.constant 0 : i32
        %dma_start3A_304 = tpu.memref_slice %arg12[%dma_start3A_299, %dma_start3A_300, %dma_start3A_303] : memref<3x8x512xf32, #tpu.memory_space<vmem>> -> memref<1x1x512xf32, #tpu.memory_space<vmem>>
        %dma_start3A_305 = tpu.memref_squeeze %dma_start3A_304 : memref<1x1x512xf32, #tpu.memory_space<vmem>> -> memref<512xf32, #tpu.memory_space<vmem>>
        %dma_start3A_306 = arith.constant 0 : i32
        %dma_start3A_307 = tpu.memref_slice %arg11[%dma_start3A_301, %dma_start3A_302, %dma_start3A_306] : memref<3x2x512xi32, #tpu.memory_space<vmem>> -> memref<1x1x512xi32, #tpu.memory_space<vmem>>
        %dma_start3A_308 = tpu.memref_squeeze %dma_start3A_307 : memref<1x1x512xi32, #tpu.memory_space<vmem>> -> memref<512xi32, #tpu.memory_space<vmem>>
        %dma_start3A_309 = arith.constant 0 : i32
        %dma_start3A_310 = tpu.memref_slice %arg16[%dma_start3A_309] : memref<100352xf32, #tpu.memory_space<vmem_shared>> -> memref<100352xf32, #tpu.memory_space<vmem_shared>>
        tpu.enqueue_indirect_dma source(%dma_start3A_305 : memref<512xf32, #tpu.memory_space<vmem>>) target(%dma_start3A_310 : memref<100352xf32, #tpu.memory_space<vmem_shared>>) offsets(%dma_start3A_308 : memref<512xi32, #tpu.memory_space<vmem>>) semaphore(%arg19 : memref<!tpu.dma_semaphore, #tpu.memory_space<semaphore_mem>>) {add = true}
        %dma_start3A_311 = arith.constant 0 : i32
        %dma_start3A_312 = arith.constant 4 : i32
        %dma_start3A_313 = arith.constant 0 : i32
        %dma_start3A_314 = arith.constant 1 : i32
        %dma_start3A_315 = arith.constant 0 : i32
        %dma_start3A_316 = tpu.memref_slice %arg12[%dma_start3A_311, %dma_start3A_312, %dma_start3A_315] : memref<3x8x512xf32, #tpu.memory_space<vmem>> -> memref<1x1x512xf32, #tpu.memory_space<vmem>>
        %dma_start3A_317 = tpu.memref_squeeze %dma_start3A_316 : memref<1x1x512xf32, #tpu.memory_space<vmem>> -> memref<512xf32, #tpu.memory_space<vmem>>
        %dma_start3A_318 = arith.constant 0 : i32
        %dma_start3A_319 = tpu.memref_slice %arg11[%dma_start3A_313, %dma_start3A_314, %dma_start3A_318] : memref<3x2x512xi32, #tpu.memory_space<vmem>> -> memref<1x1x512xi32, #tpu.memory_space<vmem>>
        %dma_start3A_320 = tpu.memref_squeeze %dma_start3A_319 : memref<1x1x512xi32, #tpu.memory_space<vmem>> -> memref<512xi32, #tpu.memory_space<vmem>>
        %dma_start3A_321 = arith.constant 0 : i32
        %dma_start3A_322 = tpu.memref_slice %arg13[%dma_start3A_321] : memref<100352xf32, #tpu.memory_space<vmem_shared>> -> memref<100352xf32, #tpu.memory_space<vmem_shared>>
        tpu.enqueue_indirect_dma source(%dma_start3A_317 : memref<512xf32, #tpu.memory_space<vmem>>) target(%dma_start3A_322 : memref<100352xf32, #tpu.memory_space<vmem_shared>>) offsets(%dma_start3A_320 : memref<512xi32, #tpu.memory_space<vmem>>) semaphore(%arg19 : memref<!tpu.dma_semaphore, #tpu.memory_space<semaphore_mem>>) {add = true}
        %dma_start3A_323 = arith.constant 0 : i32
        %dma_start3A_324 = arith.constant 5 : i32
        %dma_start3A_325 = arith.constant 0 : i32
        %dma_start3A_326 = arith.constant 1 : i32
        %dma_start3A_327 = arith.constant 0 : i32
        %dma_start3A_328 = tpu.memref_slice %arg12[%dma_start3A_323, %dma_start3A_324, %dma_start3A_327] : memref<3x8x512xf32, #tpu.memory_space<vmem>> -> memref<1x1x512xf32, #tpu.memory_space<vmem>>
        %dma_start3A_329 = tpu.memref_squeeze %dma_start3A_328 : memref<1x1x512xf32, #tpu.memory_space<vmem>> -> memref<512xf32, #tpu.memory_space<vmem>>
        %dma_start3A_330 = arith.constant 0 : i32
        %dma_start3A_331 = tpu.memref_slice %arg11[%dma_start3A_325, %dma_start3A_326, %dma_start3A_330] : memref<3x2x512xi32, #tpu.memory_space<vmem>> -> memref<1x1x512xi32, #tpu.memory_space<vmem>>
        %dma_start3A_332 = tpu.memref_squeeze %dma_start3A_331 : memref<1x1x512xi32, #tpu.memory_space<vmem>> -> memref<512xi32, #tpu.memory_space<vmem>>
        %dma_start3A_333 = arith.constant 0 : i32
        %dma_start3A_334 = tpu.memref_slice %arg14[%dma_start3A_333] : memref<100352xf32, #tpu.memory_space<vmem_shared>> -> memref<100352xf32, #tpu.memory_space<vmem_shared>>
        tpu.enqueue_indirect_dma source(%dma_start3A_329 : memref<512xf32, #tpu.memory_space<vmem>>) target(%dma_start3A_334 : memref<100352xf32, #tpu.memory_space<vmem_shared>>) offsets(%dma_start3A_332 : memref<512xi32, #tpu.memory_space<vmem>>) semaphore(%arg19 : memref<!tpu.dma_semaphore, #tpu.memory_space<semaphore_mem>>) {add = true}
        %dma_start3A_335 = arith.constant 0 : i32
        %dma_start3A_336 = arith.constant 6 : i32
        %dma_start3A_337 = arith.constant 0 : i32
        %dma_start3A_338 = arith.constant 1 : i32
        %dma_start3A_339 = arith.constant 0 : i32
        %dma_start3A_340 = tpu.memref_slice %arg12[%dma_start3A_335, %dma_start3A_336, %dma_start3A_339] : memref<3x8x512xf32, #tpu.memory_space<vmem>> -> memref<1x1x512xf32, #tpu.memory_space<vmem>>
        %dma_start3A_341 = tpu.memref_squeeze %dma_start3A_340 : memref<1x1x512xf32, #tpu.memory_space<vmem>> -> memref<512xf32, #tpu.memory_space<vmem>>
        %dma_start3A_342 = arith.constant 0 : i32
        %dma_start3A_343 = tpu.memref_slice %arg11[%dma_start3A_337, %dma_start3A_338, %dma_start3A_342] : memref<3x2x512xi32, #tpu.memory_space<vmem>> -> memref<1x1x512xi32, #tpu.memory_space<vmem>>
        %dma_start3A_344 = tpu.memref_squeeze %dma_start3A_343 : memref<1x1x512xi32, #tpu.memory_space<vmem>> -> memref<512xi32, #tpu.memory_space<vmem>>
        %dma_start3A_345 = arith.constant 0 : i32
        %dma_start3A_346 = tpu.memref_slice %arg15[%dma_start3A_345] : memref<100352xf32, #tpu.memory_space<vmem_shared>> -> memref<100352xf32, #tpu.memory_space<vmem_shared>>
        tpu.enqueue_indirect_dma source(%dma_start3A_341 : memref<512xf32, #tpu.memory_space<vmem>>) target(%dma_start3A_346 : memref<100352xf32, #tpu.memory_space<vmem_shared>>) offsets(%dma_start3A_344 : memref<512xi32, #tpu.memory_space<vmem>>) semaphore(%arg19 : memref<!tpu.dma_semaphore, #tpu.memory_space<semaphore_mem>>) {add = true}
        %dma_start3A_347 = arith.constant 0 : i32
        %dma_start3A_348 = arith.constant 7 : i32
        %dma_start3A_349 = arith.constant 0 : i32
        %dma_start3A_350 = arith.constant 1 : i32
        %dma_start3A_351 = arith.constant 0 : i32
        %dma_start3A_352 = tpu.memref_slice %arg12[%dma_start3A_347, %dma_start3A_348, %dma_start3A_351] : memref<3x8x512xf32, #tpu.memory_space<vmem>> -> memref<1x1x512xf32, #tpu.memory_space<vmem>>
        %dma_start3A_353 = tpu.memref_squeeze %dma_start3A_352 : memref<1x1x512xf32, #tpu.memory_space<vmem>> -> memref<512xf32, #tpu.memory_space<vmem>>
        %dma_start3A_354 = arith.constant 0 : i32
        %dma_start3A_355 = tpu.memref_slice %arg11[%dma_start3A_349, %dma_start3A_350, %dma_start3A_354] : memref<3x2x512xi32, #tpu.memory_space<vmem>> -> memref<1x1x512xi32, #tpu.memory_space<vmem>>
        %dma_start3A_356 = tpu.memref_squeeze %dma_start3A_355 : memref<1x1x512xi32, #tpu.memory_space<vmem>> -> memref<512xi32, #tpu.memory_space<vmem>>
        %dma_start3A_357 = arith.constant 0 : i32
        %dma_start3A_358 = tpu.memref_slice %arg16[%dma_start3A_357] : memref<100352xf32, #tpu.memory_space<vmem_shared>> -> memref<100352xf32, #tpu.memory_space<vmem_shared>>
        tpu.enqueue_indirect_dma source(%dma_start3A_353 : memref<512xf32, #tpu.memory_space<vmem>>) target(%dma_start3A_358 : memref<100352xf32, #tpu.memory_space<vmem_shared>>) offsets(%dma_start3A_356 : memref<512xi32, #tpu.memory_space<vmem>>) semaphore(%arg19 : memref<!tpu.dma_semaphore, #tpu.memory_space<semaphore_mem>>) {add = true}
      } else {
      }
      %mul3A_124 = arith.constant 3 : i32
      %mul3A_125 = arith.muli %scan3A_36, %mul3A_124 : i32
      %add3A_126 = arith.constant 2 : i32
      %add3A_127 = arith.addi %mul3A_125, %add3A_126 : i32
      %mul3A_128 = arith.constant 32 : i32
      %mul3A_129 = arith.muli %add3A_127, %mul3A_128 : i32
      %add3A_130 = arith.addi %add3A, %mul3A_129 : i32
      %sub3A_131 = arith.constant 64 : i32
      %sub3A_132 = arith.subi %add3A_130, %sub3A_131 : i32
      %ge3A_133 = arith.constant 0 : i32
      %ge3A_134 = arith.cmpi sge, %sub3A_132, %ge3A_133 : i32
      %sub3A_135 = arith.constant 64 : i32
      %sub3A_136 = arith.subi %add3A_130, %sub3A_135 : i32
      %lt3A_137 = arith.constant 6250 : i32
      %lt3A_138 = arith.cmpi slt, %sub3A_136, %lt3A_137 : i32
      %and3A_139 = arith.andi %ge3A_134, %lt3A_138 : i1
      %convert_element_type3A_140 = arith.extui %and3A_139 : i1 to i32
      %cond3A_141 = arith.constant 0 : i32
      %cond3A_142 = arith.cmpi ne, %convert_element_type3A_140, %cond3A_141 : i32
      scf.if %cond3A_142 {
        %dma_wait3A = arith.constant 0 : i32
        %dma_wait3A_169 = arith.constant 0 : i32
        %dma_wait3A_170 = arith.constant 0 : i32
        %dma_wait3A_171 = arith.constant 0 : i32
        %dma_wait3A_172 = arith.constant 0 : i32
        %dma_wait3A_173 = tpu.memref_slice %arg12[%dma_wait3A, %dma_wait3A_169, %dma_wait3A_172] : memref<3x8x512xf32, #tpu.memory_space<vmem>> -> memref<1x1x512xf32, #tpu.memory_space<vmem>>
        %dma_wait3A_174 = tpu.memref_squeeze %dma_wait3A_173 : memref<1x1x512xf32, #tpu.memory_space<vmem>> -> memref<512xf32, #tpu.memory_space<vmem>>
        %dma_wait3A_175 = arith.constant 0 : i32
        %dma_wait3A_176 = tpu.memref_slice %arg11[%dma_wait3A_170, %dma_wait3A_171, %dma_wait3A_175] : memref<3x2x512xi32, #tpu.memory_space<vmem>> -> memref<1x1x512xi32, #tpu.memory_space<vmem>>
        %dma_wait3A_177 = tpu.memref_squeeze %dma_wait3A_176 : memref<1x1x512xi32, #tpu.memory_space<vmem>> -> memref<512xi32, #tpu.memory_space<vmem>>
        %dma_wait3A_178 = arith.constant 0 : i32
        %dma_wait3A_179 = tpu.memref_slice %arg13[%dma_wait3A_178] : memref<100352xf32, #tpu.memory_space<vmem_shared>> -> memref<100352xf32, #tpu.memory_space<vmem_shared>>
        tpu.wait_indirect_dma semaphore(%arg19 : memref<!tpu.dma_semaphore, #tpu.memory_space<semaphore_mem>>) src(%dma_wait3A_174 : memref<512xf32, #tpu.memory_space<vmem>>) dst(%dma_wait3A_179 : memref<100352xf32, #tpu.memory_space<vmem_shared>>)
        %dma_wait3A_180 = arith.constant 0 : i32
        %dma_wait3A_181 = arith.constant 1 : i32
        %dma_wait3A_182 = arith.constant 0 : i32
        %dma_wait3A_183 = arith.constant 0 : i32
        %dma_wait3A_184 = arith.constant 0 : i32
        %dma_wait3A_185 = tpu.memref_slice %arg12[%dma_wait3A_180, %dma_wait3A_181, %dma_wait3A_184] : memref<3x8x512xf32, #tpu.memory_space<vmem>> -> memref<1x1x512xf32, #tpu.memory_space<vmem>>
        %dma_wait3A_186 = tpu.memref_squeeze %dma_wait3A_185 : memref<1x1x512xf32, #tpu.memory_space<vmem>> -> memref<512xf32, #tpu.memory_space<vmem>>
        %dma_wait3A_187 = arith.constant 0 : i32
        %dma_wait3A_188 = tpu.memref_slice %arg11[%dma_wait3A_182, %dma_wait3A_183, %dma_wait3A_187] : memref<3x2x512xi32, #tpu.memory_space<vmem>> -> memref<1x1x512xi32, #tpu.memory_space<vmem>>
        %dma_wait3A_189 = tpu.memref_squeeze %dma_wait3A_188 : memref<1x1x512xi32, #tpu.memory_space<vmem>> -> memref<512xi32, #tpu.memory_space<vmem>>
        %dma_wait3A_190 = arith.constant 0 : i32
        %dma_wait3A_191 = tpu.memref_slice %arg14[%dma_wait3A_190] : memref<100352xf32, #tpu.memory_space<vmem_shared>> -> memref<100352xf32, #tpu.memory_space<vmem_shared>>
        tpu.wait_indirect_dma semaphore(%arg19 : memref<!tpu.dma_semaphore, #tpu.memory_space<semaphore_mem>>) src(%dma_wait3A_186 : memref<512xf32, #tpu.memory_space<vmem>>) dst(%dma_wait3A_191 : memref<100352xf32, #tpu.memory_space<vmem_shared>>)
        %dma_wait3A_192 = arith.constant 0 : i32
        %dma_wait3A_193 = arith.constant 2 : i32
        %dma_wait3A_194 = arith.constant 0 : i32
        %dma_wait3A_195 = arith.constant 0 : i32
        %dma_wait3A_196 = arith.constant 0 : i32
        %dma_wait3A_197 = tpu.memref_slice %arg12[%dma_wait3A_192, %dma_wait3A_193, %dma_wait3A_196] : memref<3x8x512xf32, #tpu.memory_space<vmem>> -> memref<1x1x512xf32, #tpu.memory_space<vmem>>
        %dma_wait3A_198 = tpu.memref_squeeze %dma_wait3A_197 : memref<1x1x512xf32, #tpu.memory_space<vmem>> -> memref<512xf32, #tpu.memory_space<vmem>>
        %dma_wait3A_199 = arith.constant 0 : i32
        %dma_wait3A_200 = tpu.memref_slice %arg11[%dma_wait3A_194, %dma_wait3A_195, %dma_wait3A_199] : memref<3x2x512xi32, #tpu.memory_space<vmem>> -> memref<1x1x512xi32, #tpu.memory_space<vmem>>
        %dma_wait3A_201 = tpu.memref_squeeze %dma_wait3A_200 : memref<1x1x512xi32, #tpu.memory_space<vmem>> -> memref<512xi32, #tpu.memory_space<vmem>>
        %dma_wait3A_202 = arith.constant 0 : i32
        %dma_wait3A_203 = tpu.memref_slice %arg15[%dma_wait3A_202] : memref<100352xf32, #tpu.memory_space<vmem_shared>> -> memref<100352xf32, #tpu.memory_space<vmem_shared>>
        tpu.wait_indirect_dma semaphore(%arg19 : memref<!tpu.dma_semaphore, #tpu.memory_space<semaphore_mem>>) src(%dma_wait3A_198 : memref<512xf32, #tpu.memory_space<vmem>>) dst(%dma_wait3A_203 : memref<100352xf32, #tpu.memory_space<vmem_shared>>)
        %dma_wait3A_204 = arith.constant 0 : i32
        %dma_wait3A_205 = arith.constant 3 : i32
        %dma_wait3A_206 = arith.constant 0 : i32
        %dma_wait3A_207 = arith.constant 0 : i32
        %dma_wait3A_208 = arith.constant 0 : i32
        %dma_wait3A_209 = tpu.memref_slice %arg12[%dma_wait3A_204, %dma_wait3A_205, %dma_wait3A_208] : memref<3x8x512xf32, #tpu.memory_space<vmem>> -> memref<1x1x512xf32, #tpu.memory_space<vmem>>
        %dma_wait3A_210 = tpu.memref_squeeze %dma_wait3A_209 : memref<1x1x512xf32, #tpu.memory_space<vmem>> -> memref<512xf32, #tpu.memory_space<vmem>>
        %dma_wait3A_211 = arith.constant 0 : i32
        %dma_wait3A_212 = tpu.memref_slice %arg11[%dma_wait3A_206, %dma_wait3A_207, %dma_wait3A_211] : memref<3x2x512xi32, #tpu.memory_space<vmem>> -> memref<1x1x512xi32, #tpu.memory_space<vmem>>
        %dma_wait3A_213 = tpu.memref_squeeze %dma_wait3A_212 : memref<1x1x512xi32, #tpu.memory_space<vmem>> -> memref<512xi32, #tpu.memory_space<vmem>>
        %dma_wait3A_214 = arith.constant 0 : i32
        %dma_wait3A_215 = tpu.memref_slice %arg16[%dma_wait3A_214] : memref<100352xf32, #tpu.memory_space<vmem_shared>> -> memref<100352xf32, #tpu.memory_space<vmem_shared>>
        tpu.wait_indirect_dma semaphore(%arg19 : memref<!tpu.dma_semaphore, #tpu.memory_space<semaphore_mem>>) src(%dma_wait3A_210 : memref<512xf32, #tpu.memory_space<vmem>>) dst(%dma_wait3A_215 : memref<100352xf32, #tpu.memory_space<vmem_shared>>)
        %dma_wait3A_216 = arith.constant 0 : i32
        %dma_wait3A_217 = arith.constant 4 : i32
        %dma_wait3A_218 = arith.constant 0 : i32
        %dma_wait3A_219 = arith.constant 1 : i32
        %dma_wait3A_220 = arith.constant 0 : i32
        %dma_wait3A_221 = tpu.memref_slice %arg12[%dma_wait3A_216, %dma_wait3A_217, %dma_wait3A_220] : memref<3x8x512xf32, #tpu.memory_space<vmem>> -> memref<1x1x512xf32, #tpu.memory_space<vmem>>
        %dma_wait3A_222 = tpu.memref_squeeze %dma_wait3A_221 : memref<1x1x512xf32, #tpu.memory_space<vmem>> -> memref<512xf32, #tpu.memory_space<vmem>>
        %dma_wait3A_223 = arith.constant 0 : i32
        %dma_wait3A_224 = tpu.memref_slice %arg11[%dma_wait3A_218, %dma_wait3A_219, %dma_wait3A_223] : memref<3x2x512xi32, #tpu.memory_space<vmem>> -> memref<1x1x512xi32, #tpu.memory_space<vmem>>
        %dma_wait3A_225 = tpu.memref_squeeze %dma_wait3A_224 : memref<1x1x512xi32, #tpu.memory_space<vmem>> -> memref<512xi32, #tpu.memory_space<vmem>>
        %dma_wait3A_226 = arith.constant 0 : i32
        %dma_wait3A_227 = tpu.memref_slice %arg13[%dma_wait3A_226] : memref<100352xf32, #tpu.memory_space<vmem_shared>> -> memref<100352xf32, #tpu.memory_space<vmem_shared>>
        tpu.wait_indirect_dma semaphore(%arg19 : memref<!tpu.dma_semaphore, #tpu.memory_space<semaphore_mem>>) src(%dma_wait3A_222 : memref<512xf32, #tpu.memory_space<vmem>>) dst(%dma_wait3A_227 : memref<100352xf32, #tpu.memory_space<vmem_shared>>)
        %dma_wait3A_228 = arith.constant 0 : i32
        %dma_wait3A_229 = arith.constant 5 : i32
        %dma_wait3A_230 = arith.constant 0 : i32
        %dma_wait3A_231 = arith.constant 1 : i32
        %dma_wait3A_232 = arith.constant 0 : i32
        %dma_wait3A_233 = tpu.memref_slice %arg12[%dma_wait3A_228, %dma_wait3A_229, %dma_wait3A_232] : memref<3x8x512xf32, #tpu.memory_space<vmem>> -> memref<1x1x512xf32, #tpu.memory_space<vmem>>
        %dma_wait3A_234 = tpu.memref_squeeze %dma_wait3A_233 : memref<1x1x512xf32, #tpu.memory_space<vmem>> -> memref<512xf32, #tpu.memory_space<vmem>>
        %dma_wait3A_235 = arith.constant 0 : i32
        %dma_wait3A_236 = tpu.memref_slice %arg11[%dma_wait3A_230, %dma_wait3A_231, %dma_wait3A_235] : memref<3x2x512xi32, #tpu.memory_space<vmem>> -> memref<1x1x512xi32, #tpu.memory_space<vmem>>
        %dma_wait3A_237 = tpu.memref_squeeze %dma_wait3A_236 : memref<1x1x512xi32, #tpu.memory_space<vmem>> -> memref<512xi32, #tpu.memory_space<vmem>>
        %dma_wait3A_238 = arith.constant 0 : i32
        %dma_wait3A_239 = tpu.memref_slice %arg14[%dma_wait3A_238] : memref<100352xf32, #tpu.memory_space<vmem_shared>> -> memref<100352xf32, #tpu.memory_space<vmem_shared>>
        tpu.wait_indirect_dma semaphore(%arg19 : memref<!tpu.dma_semaphore, #tpu.memory_space<semaphore_mem>>) src(%dma_wait3A_234 : memref<512xf32, #tpu.memory_space<vmem>>) dst(%dma_wait3A_239 : memref<100352xf32, #tpu.memory_space<vmem_shared>>)
        %dma_wait3A_240 = arith.constant 0 : i32
        %dma_wait3A_241 = arith.constant 6 : i32
        %dma_wait3A_242 = arith.constant 0 : i32
        %dma_wait3A_243 = arith.constant 1 : i32
        %dma_wait3A_244 = arith.constant 0 : i32
        %dma_wait3A_245 = tpu.memref_slice %arg12[%dma_wait3A_240, %dma_wait3A_241, %dma_wait3A_244] : memref<3x8x512xf32, #tpu.memory_space<vmem>> -> memref<1x1x512xf32, #tpu.memory_space<vmem>>
        %dma_wait3A_246 = tpu.memref_squeeze %dma_wait3A_245 : memref<1x1x512xf32, #tpu.memory_space<vmem>> -> memref<512xf32, #tpu.memory_space<vmem>>
        %dma_wait3A_247 = arith.constant 0 : i32
        %dma_wait3A_248 = tpu.memref_slice %arg11[%dma_wait3A_242, %dma_wait3A_243, %dma_wait3A_247] : memref<3x2x512xi32, #tpu.memory_space<vmem>> -> memref<1x1x512xi32, #tpu.memory_space<vmem>>
        %dma_wait3A_249 = tpu.memref_squeeze %dma_wait3A_248 : memref<1x1x512xi32, #tpu.memory_space<vmem>> -> memref<512xi32, #tpu.memory_space<vmem>>
        %dma_wait3A_250 = arith.constant 0 : i32
        %dma_wait3A_251 = tpu.memref_slice %arg15[%dma_wait3A_250] : memref<100352xf32, #tpu.memory_space<vmem_shared>> -> memref<100352xf32, #tpu.memory_space<vmem_shared>>
        tpu.wait_indirect_dma semaphore(%arg19 : memref<!tpu.dma_semaphore, #tpu.memory_space<semaphore_mem>>) src(%dma_wait3A_246 : memref<512xf32, #tpu.memory_space<vmem>>) dst(%dma_wait3A_251 : memref<100352xf32, #tpu.memory_space<vmem_shared>>)
        %dma_wait3A_252 = arith.constant 0 : i32
        %dma_wait3A_253 = arith.constant 7 : i32
        %dma_wait3A_254 = arith.constant 0 : i32
        %dma_wait3A_255 = arith.constant 1 : i32
        %dma_wait3A_256 = arith.constant 0 : i32
        %dma_wait3A_257 = tpu.memref_slice %arg12[%dma_wait3A_252, %dma_wait3A_253, %dma_wait3A_256] : memref<3x8x512xf32, #tpu.memory_space<vmem>> -> memref<1x1x512xf32, #tpu.memory_space<vmem>>
        %dma_wait3A_258 = tpu.memref_squeeze %dma_wait3A_257 : memref<1x1x512xf32, #tpu.memory_space<vmem>> -> memref<512xf32, #tpu.memory_space<vmem>>
        %dma_wait3A_259 = arith.constant 0 : i32
        %dma_wait3A_260 = tpu.memref_slice %arg11[%dma_wait3A_254, %dma_wait3A_255, %dma_wait3A_259] : memref<3x2x512xi32, #tpu.memory_space<vmem>> -> memref<1x1x512xi32, #tpu.memory_space<vmem>>
        %dma_wait3A_261 = tpu.memref_squeeze %dma_wait3A_260 : memref<1x1x512xi32, #tpu.memory_space<vmem>> -> memref<512xi32, #tpu.memory_space<vmem>>
        %dma_wait3A_262 = arith.constant 0 : i32
        %dma_wait3A_263 = tpu.memref_slice %arg16[%dma_wait3A_262] : memref<100352xf32, #tpu.memory_space<vmem_shared>> -> memref<100352xf32, #tpu.memory_space<vmem_shared>>
        tpu.wait_indirect_dma semaphore(%arg19 : memref<!tpu.dma_semaphore, #tpu.memory_space<semaphore_mem>>) src(%dma_wait3A_258 : memref<512xf32, #tpu.memory_space<vmem>>) dst(%dma_wait3A_263 : memref<100352xf32, #tpu.memory_space<vmem_shared>>)
      } else {
      }
      %add3A_143 = arith.constant 32 : i32
      %add3A_144 = arith.addi %add3A_130, %add3A_143 : i32
      %lt3A_145 = arith.constant 6250 : i32
      %lt3A_146 = arith.cmpi slt, %add3A_144, %lt3A_145 : i32
      %add3A_147 = arith.constant 32 : i32
      %add3A_148 = arith.addi %add3A_130, %add3A_147 : i32
      %convert_element_type3A_149 = arith.extui %lt3A_146 : i1 to i32
      %cond3A_150 = arith.constant 0 : i32
      %cond3A_151 = arith.cmpi ne, %convert_element_type3A_149, %cond3A_150 : i32
      scf.if %cond3A_151 {
        %mul3A_169 = arith.constant 2 : i32
        %mul3A_170 = arith.muli %add3A_148, %mul3A_169 : i32
        %dma_start3A = arith.constant 0 : i32
        %dma_start3A_171 = arith.constant 0 : i32
        %dma_start3A_172 = arith.constant 0 : i32
        %dma_start3A_173 = tpu.memref_slice %arg10[%dma_start3A, %dma_start3A_171, %dma_start3A_172] : memref<3x2x512xi32, #tpu.memory_space<vmem>> -> memref<1x2x512xi32, #tpu.memory_space<vmem>>
        %dma_start3A_174 = tpu.memref_squeeze %dma_start3A_173 : memref<1x2x512xi32, #tpu.memory_space<vmem>> -> memref<2x512xi32, #tpu.memory_space<vmem>>
        %dma_start3A_175 = arith.constant 0 : i32
        %dma_start3A_176 = tpu.memref_slice %arg2[%mul3A_170, %dma_start3A_175] : memref<12500x512xi32, #tpu.memory_space<hbm>> -> memref<2x512xi32, #tpu.memory_space<hbm>>
        %dma_start3A_177 = arith.constant 0 : i32
        %dma_start3A_178 = arith.constant 0 : i32
        %dma_start3A_179 = tpu.memref_slice %arg10[%dma_start3A, %dma_start3A_177, %dma_start3A_178] : memref<3x2x512xi32, #tpu.memory_space<vmem>> -> memref<1x2x512xi32, #tpu.memory_space<vmem>>
        %dma_start3A_180 = tpu.memref_squeeze %dma_start3A_179 : memref<1x2x512xi32, #tpu.memory_space<vmem>> -> memref<2x512xi32, #tpu.memory_space<vmem>>
        %dma_start3A_181 = arith.constant 0 : i32
        %dma_start3A_182 = tpu.memref_slice %arg2[%mul3A_170, %dma_start3A_181] : memref<12500x512xi32, #tpu.memory_space<hbm>> -> memref<2x512xi32, #tpu.memory_space<hbm>>
        tpu.enqueue_dma source(%dma_start3A_182 : memref<2x512xi32, #tpu.memory_space<hbm>>) target(%dma_start3A_180 : memref<2x512xi32, #tpu.memory_space<vmem>>) target_semaphore(%arg17 : memref<!tpu.dma_semaphore, #tpu.memory_space<semaphore_mem>>)
        %mul3A_183 = arith.constant 2 : i32
        %mul3A_184 = arith.muli %add3A_148, %mul3A_183 : i32
        %dma_start3A_185 = arith.constant 0 : i32
        %dma_start3A_186 = arith.constant 0 : i32
        %dma_start3A_187 = arith.constant 0 : i32
        %dma_start3A_188 = tpu.memref_slice %arg11[%dma_start3A_185, %dma_start3A_186, %dma_start3A_187] : memref<3x2x512xi32, #tpu.memory_space<vmem>> -> memref<1x2x512xi32, #tpu.memory_space<vmem>>
        %dma_start3A_189 = tpu.memref_squeeze %dma_start3A_188 : memref<1x2x512xi32, #tpu.memory_space<vmem>> -> memref<2x512xi32, #tpu.memory_space<vmem>>
        %dma_start3A_190 = arith.constant 0 : i32
        %dma_start3A_191 = tpu.memref_slice %arg3[%mul3A_184, %dma_start3A_190] : memref<12500x512xi32, #tpu.memory_space<hbm>> -> memref<2x512xi32, #tpu.memory_space<hbm>>
        %dma_start3A_192 = arith.constant 0 : i32
        %dma_start3A_193 = arith.constant 0 : i32
        %dma_start3A_194 = tpu.memref_slice %arg11[%dma_start3A_185, %dma_start3A_192, %dma_start3A_193] : memref<3x2x512xi32, #tpu.memory_space<vmem>> -> memref<1x2x512xi32, #tpu.memory_space<vmem>>
        %dma_start3A_195 = tpu.memref_squeeze %dma_start3A_194 : memref<1x2x512xi32, #tpu.memory_space<vmem>> -> memref<2x512xi32, #tpu.memory_space<vmem>>
        %dma_start3A_196 = arith.constant 0 : i32
        %dma_start3A_197 = tpu.memref_slice %arg3[%mul3A_184, %dma_start3A_196] : memref<12500x512xi32, #tpu.memory_space<hbm>> -> memref<2x512xi32, #tpu.memory_space<hbm>>
        tpu.enqueue_dma source(%dma_start3A_197 : memref<2x512xi32, #tpu.memory_space<hbm>>) target(%dma_start3A_195 : memref<2x512xi32, #tpu.memory_space<vmem>>) target_semaphore(%arg17 : memref<!tpu.dma_semaphore, #tpu.memory_space<semaphore_mem>>)
      } else {
      }
      %lt3A_152 = arith.constant 6250 : i32
      %lt3A_153 = arith.cmpi slt, %add3A_130, %lt3A_152 : i32
      %convert_element_type3A_154 = arith.extui %lt3A_153 : i1 to i32
      %cond3A_155 = arith.constant 0 : i32
      %cond3A_156 = arith.cmpi ne, %convert_element_type3A_154, %cond3A_155 : i32
      scf.if %cond3A_156 {
        %mul3A_169 = arith.constant 2 : i32
        %mul3A_170 = arith.muli %add3A_130, %mul3A_169 : i32
        %dma_wait3A = arith.constant 2 : i32
        %dma_wait3A_171 = arith.constant 0 : i32
        %dma_wait3A_172 = arith.constant 0 : i32
        %dma_wait3A_173 = tpu.memref_slice %arg10[%dma_wait3A, %dma_wait3A_171, %dma_wait3A_172] : memref<3x2x512xi32, #tpu.memory_space<vmem>> -> memref<1x2x512xi32, #tpu.memory_space<vmem>>
        %dma_wait3A_174 = tpu.memref_squeeze %dma_wait3A_173 : memref<1x2x512xi32, #tpu.memory_space<vmem>> -> memref<2x512xi32, #tpu.memory_space<vmem>>
        %dma_wait3A_175 = arith.constant 0 : i32
        %dma_wait3A_176 = tpu.memref_slice %arg2[%mul3A_170, %dma_wait3A_175] : memref<12500x512xi32, #tpu.memory_space<hbm>> -> memref<2x512xi32, #tpu.memory_space<hbm>>
        %dma_wait3A_177 = arith.constant 0 : i32
        %dma_wait3A_178 = arith.constant 0 : i32
        %dma_wait3A_179 = tpu.memref_slice %arg10[%dma_wait3A, %dma_wait3A_177, %dma_wait3A_178] : memref<3x2x512xi32, #tpu.memory_space<vmem>> -> memref<1x2x512xi32, #tpu.memory_space<vmem>>
        %dma_wait3A_180 = tpu.memref_squeeze %dma_wait3A_179 : memref<1x2x512xi32, #tpu.memory_space<vmem>> -> memref<2x512xi32, #tpu.memory_space<vmem>>
        %dma_wait3A_181 = arith.constant 0 : i32
        %dma_wait3A_182 = tpu.memref_slice %arg2[%mul3A_170, %dma_wait3A_181] : memref<12500x512xi32, #tpu.memory_space<hbm>> -> memref<2x512xi32, #tpu.memory_space<hbm>>
        tpu.wait_dma2 semaphore(%arg17 : memref<!tpu.dma_semaphore, #tpu.memory_space<semaphore_mem>>) src(%dma_wait3A_182 : memref<2x512xi32, #tpu.memory_space<hbm>>) dst(%dma_wait3A_180 : memref<2x512xi32, #tpu.memory_space<vmem>>)
        %mul3A_183 = arith.constant 2 : i32
        %mul3A_184 = arith.muli %add3A_130, %mul3A_183 : i32
        %dma_wait3A_185 = arith.constant 2 : i32
        %dma_wait3A_186 = arith.constant 0 : i32
        %dma_wait3A_187 = arith.constant 0 : i32
        %dma_wait3A_188 = tpu.memref_slice %arg11[%dma_wait3A_185, %dma_wait3A_186, %dma_wait3A_187] : memref<3x2x512xi32, #tpu.memory_space<vmem>> -> memref<1x2x512xi32, #tpu.memory_space<vmem>>
        %dma_wait3A_189 = tpu.memref_squeeze %dma_wait3A_188 : memref<1x2x512xi32, #tpu.memory_space<vmem>> -> memref<2x512xi32, #tpu.memory_space<vmem>>
        %dma_wait3A_190 = arith.constant 0 : i32
        %dma_wait3A_191 = tpu.memref_slice %arg3[%mul3A_184, %dma_wait3A_190] : memref<12500x512xi32, #tpu.memory_space<hbm>> -> memref<2x512xi32, #tpu.memory_space<hbm>>
        %dma_wait3A_192 = arith.constant 0 : i32
        %dma_wait3A_193 = arith.constant 0 : i32
        %dma_wait3A_194 = tpu.memref_slice %arg11[%dma_wait3A_185, %dma_wait3A_192, %dma_wait3A_193] : memref<3x2x512xi32, #tpu.memory_space<vmem>> -> memref<1x2x512xi32, #tpu.memory_space<vmem>>
        %dma_wait3A_195 = tpu.memref_squeeze %dma_wait3A_194 : memref<1x2x512xi32, #tpu.memory_space<vmem>> -> memref<2x512xi32, #tpu.memory_space<vmem>>
        %dma_wait3A_196 = arith.constant 0 : i32
        %dma_wait3A_197 = tpu.memref_slice %arg3[%mul3A_184, %dma_wait3A_196] : memref<12500x512xi32, #tpu.memory_space<hbm>> -> memref<2x512xi32, #tpu.memory_space<hbm>>
        tpu.wait_dma2 semaphore(%arg17 : memref<!tpu.dma_semaphore, #tpu.memory_space<semaphore_mem>>) src(%dma_wait3A_197 : memref<2x512xi32, #tpu.memory_space<hbm>>) dst(%dma_wait3A_195 : memref<2x512xi32, #tpu.memory_space<vmem>>)
        %dma_start3A = arith.constant 2 : i32
        %dma_start3A_198 = arith.constant 0 : i32
        %dma_start3A_199 = arith.constant 2 : i32
        %dma_start3A_200 = arith.constant 0 : i32
        %dma_start3A_201 = arith.constant 0 : i32
        %dma_start3A_202 = tpu.memref_slice %arg12[%dma_start3A_199, %dma_start3A_200, %dma_start3A_201] : memref<3x8x512xf32, #tpu.memory_space<vmem>> -> memref<1x1x512xf32, #tpu.memory_space<vmem>>
        %dma_start3A_203 = tpu.memref_squeeze %dma_start3A_202 : memref<1x1x512xf32, #tpu.memory_space<vmem>> -> memref<512xf32, #tpu.memory_space<vmem>>
        %dma_start3A_204 = arith.constant 0 : i32
        %dma_start3A_205 = tpu.memref_slice %arg10[%dma_start3A, %dma_start3A_198, %dma_start3A_204] : memref<3x2x512xi32, #tpu.memory_space<vmem>> -> memref<1x1x512xi32, #tpu.memory_space<vmem>>
        %dma_start3A_206 = tpu.memref_squeeze %dma_start3A_205 : memref<1x1x512xi32, #tpu.memory_space<vmem>> -> memref<512xi32, #tpu.memory_space<vmem>>
        %dma_start3A_207 = arith.constant 0 : i32
        %dma_start3A_208 = tpu.memref_slice %arg4[%dma_start3A_207] : memref<100352xf32, #tpu.memory_space<hbm>> -> memref<100352xf32, #tpu.memory_space<hbm>>
        tpu.enqueue_indirect_dma source(%dma_start3A_208 : memref<100352xf32, #tpu.memory_space<hbm>>) target(%dma_start3A_203 : memref<512xf32, #tpu.memory_space<vmem>>) offsets(%dma_start3A_206 : memref<512xi32, #tpu.memory_space<vmem>>) semaphore(%arg18 : memref<!tpu.dma_semaphore, #tpu.memory_space<semaphore_mem>>)
        %dma_start3A_209 = arith.constant 2 : i32
        %dma_start3A_210 = arith.constant 0 : i32
        %dma_start3A_211 = arith.constant 2 : i32
        %dma_start3A_212 = arith.constant 1 : i32
        %dma_start3A_213 = arith.constant 0 : i32
        %dma_start3A_214 = tpu.memref_slice %arg12[%dma_start3A_211, %dma_start3A_212, %dma_start3A_213] : memref<3x8x512xf32, #tpu.memory_space<vmem>> -> memref<1x1x512xf32, #tpu.memory_space<vmem>>
        %dma_start3A_215 = tpu.memref_squeeze %dma_start3A_214 : memref<1x1x512xf32, #tpu.memory_space<vmem>> -> memref<512xf32, #tpu.memory_space<vmem>>
        %dma_start3A_216 = arith.constant 0 : i32
        %dma_start3A_217 = tpu.memref_slice %arg10[%dma_start3A_209, %dma_start3A_210, %dma_start3A_216] : memref<3x2x512xi32, #tpu.memory_space<vmem>> -> memref<1x1x512xi32, #tpu.memory_space<vmem>>
        %dma_start3A_218 = tpu.memref_squeeze %dma_start3A_217 : memref<1x1x512xi32, #tpu.memory_space<vmem>> -> memref<512xi32, #tpu.memory_space<vmem>>
        %dma_start3A_219 = arith.constant 0 : i32
        %dma_start3A_220 = tpu.memref_slice %arg5[%dma_start3A_219] : memref<100352xf32, #tpu.memory_space<hbm>> -> memref<100352xf32, #tpu.memory_space<hbm>>
        tpu.enqueue_indirect_dma source(%dma_start3A_220 : memref<100352xf32, #tpu.memory_space<hbm>>) target(%dma_start3A_215 : memref<512xf32, #tpu.memory_space<vmem>>) offsets(%dma_start3A_218 : memref<512xi32, #tpu.memory_space<vmem>>) semaphore(%arg18 : memref<!tpu.dma_semaphore, #tpu.memory_space<semaphore_mem>>)
        %dma_start3A_221 = arith.constant 2 : i32
        %dma_start3A_222 = arith.constant 0 : i32
        %dma_start3A_223 = arith.constant 2 : i32
        %dma_start3A_224 = arith.constant 2 : i32
        %dma_start3A_225 = arith.constant 0 : i32
        %dma_start3A_226 = tpu.memref_slice %arg12[%dma_start3A_223, %dma_start3A_224, %dma_start3A_225] : memref<3x8x512xf32, #tpu.memory_space<vmem>> -> memref<1x1x512xf32, #tpu.memory_space<vmem>>
        %dma_start3A_227 = tpu.memref_squeeze %dma_start3A_226 : memref<1x1x512xf32, #tpu.memory_space<vmem>> -> memref<512xf32, #tpu.memory_space<vmem>>
        %dma_start3A_228 = arith.constant 0 : i32
        %dma_start3A_229 = tpu.memref_slice %arg10[%dma_start3A_221, %dma_start3A_222, %dma_start3A_228] : memref<3x2x512xi32, #tpu.memory_space<vmem>> -> memref<1x1x512xi32, #tpu.memory_space<vmem>>
        %dma_start3A_230 = tpu.memref_squeeze %dma_start3A_229 : memref<1x1x512xi32, #tpu.memory_space<vmem>> -> memref<512xi32, #tpu.memory_space<vmem>>
        %dma_start3A_231 = arith.constant 0 : i32
        %dma_start3A_232 = tpu.memref_slice %arg6[%dma_start3A_231] : memref<100352xf32, #tpu.memory_space<hbm>> -> memref<100352xf32, #tpu.memory_space<hbm>>
        tpu.enqueue_indirect_dma source(%dma_start3A_232 : memref<100352xf32, #tpu.memory_space<hbm>>) target(%dma_start3A_227 : memref<512xf32, #tpu.memory_space<vmem>>) offsets(%dma_start3A_230 : memref<512xi32, #tpu.memory_space<vmem>>) semaphore(%arg18 : memref<!tpu.dma_semaphore, #tpu.memory_space<semaphore_mem>>)
        %dma_start3A_233 = arith.constant 2 : i32
        %dma_start3A_234 = arith.constant 0 : i32
        %dma_start3A_235 = arith.constant 2 : i32
        %dma_start3A_236 = arith.constant 3 : i32
        %dma_start3A_237 = arith.constant 0 : i32
        %dma_start3A_238 = tpu.memref_slice %arg12[%dma_start3A_235, %dma_start3A_236, %dma_start3A_237] : memref<3x8x512xf32, #tpu.memory_space<vmem>> -> memref<1x1x512xf32, #tpu.memory_space<vmem>>
        %dma_start3A_239 = tpu.memref_squeeze %dma_start3A_238 : memref<1x1x512xf32, #tpu.memory_space<vmem>> -> memref<512xf32, #tpu.memory_space<vmem>>
        %dma_start3A_240 = arith.constant 0 : i32
        %dma_start3A_241 = tpu.memref_slice %arg10[%dma_start3A_233, %dma_start3A_234, %dma_start3A_240] : memref<3x2x512xi32, #tpu.memory_space<vmem>> -> memref<1x1x512xi32, #tpu.memory_space<vmem>>
        %dma_start3A_242 = tpu.memref_squeeze %dma_start3A_241 : memref<1x1x512xi32, #tpu.memory_space<vmem>> -> memref<512xi32, #tpu.memory_space<vmem>>
        %dma_start3A_243 = arith.constant 0 : i32
        %dma_start3A_244 = tpu.memref_slice %arg7[%dma_start3A_243] : memref<100352xf32, #tpu.memory_space<hbm>> -> memref<100352xf32, #tpu.memory_space<hbm>>
        tpu.enqueue_indirect_dma source(%dma_start3A_244 : memref<100352xf32, #tpu.memory_space<hbm>>) target(%dma_start3A_239 : memref<512xf32, #tpu.memory_space<vmem>>) offsets(%dma_start3A_242 : memref<512xi32, #tpu.memory_space<vmem>>) semaphore(%arg18 : memref<!tpu.dma_semaphore, #tpu.memory_space<semaphore_mem>>)
        %dma_start3A_245 = arith.constant 2 : i32
        %dma_start3A_246 = arith.constant 1 : i32
        %dma_start3A_247 = arith.constant 2 : i32
        %dma_start3A_248 = arith.constant 4 : i32
        %dma_start3A_249 = arith.constant 0 : i32
        %dma_start3A_250 = tpu.memref_slice %arg12[%dma_start3A_247, %dma_start3A_248, %dma_start3A_249] : memref<3x8x512xf32, #tpu.memory_space<vmem>> -> memref<1x1x512xf32, #tpu.memory_space<vmem>>
        %dma_start3A_251 = tpu.memref_squeeze %dma_start3A_250 : memref<1x1x512xf32, #tpu.memory_space<vmem>> -> memref<512xf32, #tpu.memory_space<vmem>>
        %dma_start3A_252 = arith.constant 0 : i32
        %dma_start3A_253 = tpu.memref_slice %arg10[%dma_start3A_245, %dma_start3A_246, %dma_start3A_252] : memref<3x2x512xi32, #tpu.memory_space<vmem>> -> memref<1x1x512xi32, #tpu.memory_space<vmem>>
        %dma_start3A_254 = tpu.memref_squeeze %dma_start3A_253 : memref<1x1x512xi32, #tpu.memory_space<vmem>> -> memref<512xi32, #tpu.memory_space<vmem>>
        %dma_start3A_255 = arith.constant 0 : i32
        %dma_start3A_256 = tpu.memref_slice %arg4[%dma_start3A_255] : memref<100352xf32, #tpu.memory_space<hbm>> -> memref<100352xf32, #tpu.memory_space<hbm>>
        tpu.enqueue_indirect_dma source(%dma_start3A_256 : memref<100352xf32, #tpu.memory_space<hbm>>) target(%dma_start3A_251 : memref<512xf32, #tpu.memory_space<vmem>>) offsets(%dma_start3A_254 : memref<512xi32, #tpu.memory_space<vmem>>) semaphore(%arg18 : memref<!tpu.dma_semaphore, #tpu.memory_space<semaphore_mem>>)
        %dma_start3A_257 = arith.constant 2 : i32
        %dma_start3A_258 = arith.constant 1 : i32
        %dma_start3A_259 = arith.constant 2 : i32
        %dma_start3A_260 = arith.constant 5 : i32
        %dma_start3A_261 = arith.constant 0 : i32
        %dma_start3A_262 = tpu.memref_slice %arg12[%dma_start3A_259, %dma_start3A_260, %dma_start3A_261] : memref<3x8x512xf32, #tpu.memory_space<vmem>> -> memref<1x1x512xf32, #tpu.memory_space<vmem>>
        %dma_start3A_263 = tpu.memref_squeeze %dma_start3A_262 : memref<1x1x512xf32, #tpu.memory_space<vmem>> -> memref<512xf32, #tpu.memory_space<vmem>>
        %dma_start3A_264 = arith.constant 0 : i32
        %dma_start3A_265 = tpu.memref_slice %arg10[%dma_start3A_257, %dma_start3A_258, %dma_start3A_264] : memref<3x2x512xi32, #tpu.memory_space<vmem>> -> memref<1x1x512xi32, #tpu.memory_space<vmem>>
        %dma_start3A_266 = tpu.memref_squeeze %dma_start3A_265 : memref<1x1x512xi32, #tpu.memory_space<vmem>> -> memref<512xi32, #tpu.memory_space<vmem>>
        %dma_start3A_267 = arith.constant 0 : i32
        %dma_start3A_268 = tpu.memref_slice %arg5[%dma_start3A_267] : memref<100352xf32, #tpu.memory_space<hbm>> -> memref<100352xf32, #tpu.memory_space<hbm>>
        tpu.enqueue_indirect_dma source(%dma_start3A_268 : memref<100352xf32, #tpu.memory_space<hbm>>) target(%dma_start3A_263 : memref<512xf32, #tpu.memory_space<vmem>>) offsets(%dma_start3A_266 : memref<512xi32, #tpu.memory_space<vmem>>) semaphore(%arg18 : memref<!tpu.dma_semaphore, #tpu.memory_space<semaphore_mem>>)
        %dma_start3A_269 = arith.constant 2 : i32
        %dma_start3A_270 = arith.constant 1 : i32
        %dma_start3A_271 = arith.constant 2 : i32
        %dma_start3A_272 = arith.constant 6 : i32
        %dma_start3A_273 = arith.constant 0 : i32
        %dma_start3A_274 = tpu.memref_slice %arg12[%dma_start3A_271, %dma_start3A_272, %dma_start3A_273] : memref<3x8x512xf32, #tpu.memory_space<vmem>> -> memref<1x1x512xf32, #tpu.memory_space<vmem>>
        %dma_start3A_275 = tpu.memref_squeeze %dma_start3A_274 : memref<1x1x512xf32, #tpu.memory_space<vmem>> -> memref<512xf32, #tpu.memory_space<vmem>>
        %dma_start3A_276 = arith.constant 0 : i32
        %dma_start3A_277 = tpu.memref_slice %arg10[%dma_start3A_269, %dma_start3A_270, %dma_start3A_276] : memref<3x2x512xi32, #tpu.memory_space<vmem>> -> memref<1x1x512xi32, #tpu.memory_space<vmem>>
        %dma_start3A_278 = tpu.memref_squeeze %dma_start3A_277 : memref<1x1x512xi32, #tpu.memory_space<vmem>> -> memref<512xi32, #tpu.memory_space<vmem>>
        %dma_start3A_279 = arith.constant 0 : i32
        %dma_start3A_280 = tpu.memref_slice %arg6[%dma_start3A_279] : memref<100352xf32, #tpu.memory_space<hbm>> -> memref<100352xf32, #tpu.memory_space<hbm>>
        tpu.enqueue_indirect_dma source(%dma_start3A_280 : memref<100352xf32, #tpu.memory_space<hbm>>) target(%dma_start3A_275 : memref<512xf32, #tpu.memory_space<vmem>>) offsets(%dma_start3A_278 : memref<512xi32, #tpu.memory_space<vmem>>) semaphore(%arg18 : memref<!tpu.dma_semaphore, #tpu.memory_space<semaphore_mem>>)
        %dma_start3A_281 = arith.constant 2 : i32
        %dma_start3A_282 = arith.constant 1 : i32
        %dma_start3A_283 = arith.constant 2 : i32
        %dma_start3A_284 = arith.constant 7 : i32
        %dma_start3A_285 = arith.constant 0 : i32
        %dma_start3A_286 = tpu.memref_slice %arg12[%dma_start3A_283, %dma_start3A_284, %dma_start3A_285] : memref<3x8x512xf32, #tpu.memory_space<vmem>> -> memref<1x1x512xf32, #tpu.memory_space<vmem>>
        %dma_start3A_287 = tpu.memref_squeeze %dma_start3A_286 : memref<1x1x512xf32, #tpu.memory_space<vmem>> -> memref<512xf32, #tpu.memory_space<vmem>>
        %dma_start3A_288 = arith.constant 0 : i32
        %dma_start3A_289 = tpu.memref_slice %arg10[%dma_start3A_281, %dma_start3A_282, %dma_start3A_288] : memref<3x2x512xi32, #tpu.memory_space<vmem>> -> memref<1x1x512xi32, #tpu.memory_space<vmem>>
        %dma_start3A_290 = tpu.memref_squeeze %dma_start3A_289 : memref<1x1x512xi32, #tpu.memory_space<vmem>> -> memref<512xi32, #tpu.memory_space<vmem>>
        %dma_start3A_291 = arith.constant 0 : i32
        %dma_start3A_292 = tpu.memref_slice %arg7[%dma_start3A_291] : memref<100352xf32, #tpu.memory_space<hbm>> -> memref<100352xf32, #tpu.memory_space<hbm>>
        tpu.enqueue_indirect_dma source(%dma_start3A_292 : memref<100352xf32, #tpu.memory_space<hbm>>) target(%dma_start3A_287 : memref<512xf32, #tpu.memory_space<vmem>>) offsets(%dma_start3A_290 : memref<512xi32, #tpu.memory_space<vmem>>) semaphore(%arg18 : memref<!tpu.dma_semaphore, #tpu.memory_space<semaphore_mem>>)
      } else {
      }
      %sub3A_157 = arith.constant 32 : i32
      %sub3A_158 = arith.subi %add3A_130, %sub3A_157 : i32
      %ge3A_159 = arith.constant 0 : i32
      %ge3A_160 = arith.cmpi sge, %sub3A_158, %ge3A_159 : i32
      %sub3A_161 = arith.constant 32 : i32
      %sub3A_162 = arith.subi %add3A_130, %sub3A_161 : i32
      %lt3A_163 = arith.constant 6250 : i32
      %lt3A_164 = arith.cmpi slt, %sub3A_162, %lt3A_163 : i32
      %and3A_165 = arith.andi %ge3A_160, %lt3A_164 : i1
      %convert_element_type3A_166 = arith.extui %and3A_165 : i1 to i32
      %cond3A_167 = arith.constant 0 : i32
      %cond3A_168 = arith.cmpi ne, %convert_element_type3A_166, %cond3A_167 : i32
      scf.if %cond3A_168 {
        %dma_wait3A = arith.constant 1 : i32
        %dma_wait3A_169 = arith.constant 0 : i32
        %dma_wait3A_170 = arith.constant 1 : i32
        %dma_wait3A_171 = arith.constant 0 : i32
        %dma_wait3A_172 = arith.constant 0 : i32
        %dma_wait3A_173 = tpu.memref_slice %arg12[%dma_wait3A_170, %dma_wait3A_171, %dma_wait3A_172] : memref<3x8x512xf32, #tpu.memory_space<vmem>> -> memref<1x1x512xf32, #tpu.memory_space<vmem>>
        %dma_wait3A_174 = tpu.memref_squeeze %dma_wait3A_173 : memref<1x1x512xf32, #tpu.memory_space<vmem>> -> memref<512xf32, #tpu.memory_space<vmem>>
        %dma_wait3A_175 = arith.constant 0 : i32
        %dma_wait3A_176 = tpu.memref_slice %arg10[%dma_wait3A, %dma_wait3A_169, %dma_wait3A_175] : memref<3x2x512xi32, #tpu.memory_space<vmem>> -> memref<1x1x512xi32, #tpu.memory_space<vmem>>
        %dma_wait3A_177 = tpu.memref_squeeze %dma_wait3A_176 : memref<1x1x512xi32, #tpu.memory_space<vmem>> -> memref<512xi32, #tpu.memory_space<vmem>>
        %dma_wait3A_178 = arith.constant 0 : i32
        %dma_wait3A_179 = tpu.memref_slice %arg4[%dma_wait3A_178] : memref<100352xf32, #tpu.memory_space<hbm>> -> memref<100352xf32, #tpu.memory_space<hbm>>
        tpu.wait_indirect_dma semaphore(%arg18 : memref<!tpu.dma_semaphore, #tpu.memory_space<semaphore_mem>>) src(%dma_wait3A_179 : memref<100352xf32, #tpu.memory_space<hbm>>) dst(%dma_wait3A_174 : memref<512xf32, #tpu.memory_space<vmem>>)
        %dma_wait3A_180 = arith.constant 1 : i32
        %dma_wait3A_181 = arith.constant 0 : i32
        %dma_wait3A_182 = arith.constant 1 : i32
        %dma_wait3A_183 = arith.constant 1 : i32
        %dma_wait3A_184 = arith.constant 0 : i32
        %dma_wait3A_185 = tpu.memref_slice %arg12[%dma_wait3A_182, %dma_wait3A_183, %dma_wait3A_184] : memref<3x8x512xf32, #tpu.memory_space<vmem>> -> memref<1x1x512xf32, #tpu.memory_space<vmem>>
        %dma_wait3A_186 = tpu.memref_squeeze %dma_wait3A_185 : memref<1x1x512xf32, #tpu.memory_space<vmem>> -> memref<512xf32, #tpu.memory_space<vmem>>
        %dma_wait3A_187 = arith.constant 0 : i32
        %dma_wait3A_188 = tpu.memref_slice %arg10[%dma_wait3A_180, %dma_wait3A_181, %dma_wait3A_187] : memref<3x2x512xi32, #tpu.memory_space<vmem>> -> memref<1x1x512xi32, #tpu.memory_space<vmem>>
        %dma_wait3A_189 = tpu.memref_squeeze %dma_wait3A_188 : memref<1x1x512xi32, #tpu.memory_space<vmem>> -> memref<512xi32, #tpu.memory_space<vmem>>
        %dma_wait3A_190 = arith.constant 0 : i32
        %dma_wait3A_191 = tpu.memref_slice %arg5[%dma_wait3A_190] : memref<100352xf32, #tpu.memory_space<hbm>> -> memref<100352xf32, #tpu.memory_space<hbm>>
        tpu.wait_indirect_dma semaphore(%arg18 : memref<!tpu.dma_semaphore, #tpu.memory_space<semaphore_mem>>) src(%dma_wait3A_191 : memref<100352xf32, #tpu.memory_space<hbm>>) dst(%dma_wait3A_186 : memref<512xf32, #tpu.memory_space<vmem>>)
        %dma_wait3A_192 = arith.constant 1 : i32
        %dma_wait3A_193 = arith.constant 0 : i32
        %dma_wait3A_194 = arith.constant 1 : i32
        %dma_wait3A_195 = arith.constant 2 : i32
        %dma_wait3A_196 = arith.constant 0 : i32
        %dma_wait3A_197 = tpu.memref_slice %arg12[%dma_wait3A_194, %dma_wait3A_195, %dma_wait3A_196] : memref<3x8x512xf32, #tpu.memory_space<vmem>> -> memref<1x1x512xf32, #tpu.memory_space<vmem>>
        %dma_wait3A_198 = tpu.memref_squeeze %dma_wait3A_197 : memref<1x1x512xf32, #tpu.memory_space<vmem>> -> memref<512xf32, #tpu.memory_space<vmem>>
        %dma_wait3A_199 = arith.constant 0 : i32
        %dma_wait3A_200 = tpu.memref_slice %arg10[%dma_wait3A_192, %dma_wait3A_193, %dma_wait3A_199] : memref<3x2x512xi32, #tpu.memory_space<vmem>> -> memref<1x1x512xi32, #tpu.memory_space<vmem>>
        %dma_wait3A_201 = tpu.memref_squeeze %dma_wait3A_200 : memref<1x1x512xi32, #tpu.memory_space<vmem>> -> memref<512xi32, #tpu.memory_space<vmem>>
        %dma_wait3A_202 = arith.constant 0 : i32
        %dma_wait3A_203 = tpu.memref_slice %arg6[%dma_wait3A_202] : memref<100352xf32, #tpu.memory_space<hbm>> -> memref<100352xf32, #tpu.memory_space<hbm>>
        tpu.wait_indirect_dma semaphore(%arg18 : memref<!tpu.dma_semaphore, #tpu.memory_space<semaphore_mem>>) src(%dma_wait3A_203 : memref<100352xf32, #tpu.memory_space<hbm>>) dst(%dma_wait3A_198 : memref<512xf32, #tpu.memory_space<vmem>>)
        %dma_wait3A_204 = arith.constant 1 : i32
        %dma_wait3A_205 = arith.constant 0 : i32
        %dma_wait3A_206 = arith.constant 1 : i32
        %dma_wait3A_207 = arith.constant 3 : i32
        %dma_wait3A_208 = arith.constant 0 : i32
        %dma_wait3A_209 = tpu.memref_slice %arg12[%dma_wait3A_206, %dma_wait3A_207, %dma_wait3A_208] : memref<3x8x512xf32, #tpu.memory_space<vmem>> -> memref<1x1x512xf32, #tpu.memory_space<vmem>>
        %dma_wait3A_210 = tpu.memref_squeeze %dma_wait3A_209 : memref<1x1x512xf32, #tpu.memory_space<vmem>> -> memref<512xf32, #tpu.memory_space<vmem>>
        %dma_wait3A_211 = arith.constant 0 : i32
        %dma_wait3A_212 = tpu.memref_slice %arg10[%dma_wait3A_204, %dma_wait3A_205, %dma_wait3A_211] : memref<3x2x512xi32, #tpu.memory_space<vmem>> -> memref<1x1x512xi32, #tpu.memory_space<vmem>>
        %dma_wait3A_213 = tpu.memref_squeeze %dma_wait3A_212 : memref<1x1x512xi32, #tpu.memory_space<vmem>> -> memref<512xi32, #tpu.memory_space<vmem>>
        %dma_wait3A_214 = arith.constant 0 : i32
        %dma_wait3A_215 = tpu.memref_slice %arg7[%dma_wait3A_214] : memref<100352xf32, #tpu.memory_space<hbm>> -> memref<100352xf32, #tpu.memory_space<hbm>>
        tpu.wait_indirect_dma semaphore(%arg18 : memref<!tpu.dma_semaphore, #tpu.memory_space<semaphore_mem>>) src(%dma_wait3A_215 : memref<100352xf32, #tpu.memory_space<hbm>>) dst(%dma_wait3A_210 : memref<512xf32, #tpu.memory_space<vmem>>)
        %dma_wait3A_216 = arith.constant 1 : i32
        %dma_wait3A_217 = arith.constant 1 : i32
        %dma_wait3A_218 = arith.constant 1 : i32
        %dma_wait3A_219 = arith.constant 4 : i32
        %dma_wait3A_220 = arith.constant 0 : i32
        %dma_wait3A_221 = tpu.memref_slice %arg12[%dma_wait3A_218, %dma_wait3A_219, %dma_wait3A_220] : memref<3x8x512xf32, #tpu.memory_space<vmem>> -> memref<1x1x512xf32, #tpu.memory_space<vmem>>
        %dma_wait3A_222 = tpu.memref_squeeze %dma_wait3A_221 : memref<1x1x512xf32, #tpu.memory_space<vmem>> -> memref<512xf32, #tpu.memory_space<vmem>>
        %dma_wait3A_223 = arith.constant 0 : i32
        %dma_wait3A_224 = tpu.memref_slice %arg10[%dma_wait3A_216, %dma_wait3A_217, %dma_wait3A_223] : memref<3x2x512xi32, #tpu.memory_space<vmem>> -> memref<1x1x512xi32, #tpu.memory_space<vmem>>
        %dma_wait3A_225 = tpu.memref_squeeze %dma_wait3A_224 : memref<1x1x512xi32, #tpu.memory_space<vmem>> -> memref<512xi32, #tpu.memory_space<vmem>>
        %dma_wait3A_226 = arith.constant 0 : i32
        %dma_wait3A_227 = tpu.memref_slice %arg4[%dma_wait3A_226] : memref<100352xf32, #tpu.memory_space<hbm>> -> memref<100352xf32, #tpu.memory_space<hbm>>
        tpu.wait_indirect_dma semaphore(%arg18 : memref<!tpu.dma_semaphore, #tpu.memory_space<semaphore_mem>>) src(%dma_wait3A_227 : memref<100352xf32, #tpu.memory_space<hbm>>) dst(%dma_wait3A_222 : memref<512xf32, #tpu.memory_space<vmem>>)
        %dma_wait3A_228 = arith.constant 1 : i32
        %dma_wait3A_229 = arith.constant 1 : i32
        %dma_wait3A_230 = arith.constant 1 : i32
        %dma_wait3A_231 = arith.constant 5 : i32
        %dma_wait3A_232 = arith.constant 0 : i32
        %dma_wait3A_233 = tpu.memref_slice %arg12[%dma_wait3A_230, %dma_wait3A_231, %dma_wait3A_232] : memref<3x8x512xf32, #tpu.memory_space<vmem>> -> memref<1x1x512xf32, #tpu.memory_space<vmem>>
        %dma_wait3A_234 = tpu.memref_squeeze %dma_wait3A_233 : memref<1x1x512xf32, #tpu.memory_space<vmem>> -> memref<512xf32, #tpu.memory_space<vmem>>
        %dma_wait3A_235 = arith.constant 0 : i32
        %dma_wait3A_236 = tpu.memref_slice %arg10[%dma_wait3A_228, %dma_wait3A_229, %dma_wait3A_235] : memref<3x2x512xi32, #tpu.memory_space<vmem>> -> memref<1x1x512xi32, #tpu.memory_space<vmem>>
        %dma_wait3A_237 = tpu.memref_squeeze %dma_wait3A_236 : memref<1x1x512xi32, #tpu.memory_space<vmem>> -> memref<512xi32, #tpu.memory_space<vmem>>
        %dma_wait3A_238 = arith.constant 0 : i32
        %dma_wait3A_239 = tpu.memref_slice %arg5[%dma_wait3A_238] : memref<100352xf32, #tpu.memory_space<hbm>> -> memref<100352xf32, #tpu.memory_space<hbm>>
        tpu.wait_indirect_dma semaphore(%arg18 : memref<!tpu.dma_semaphore, #tpu.memory_space<semaphore_mem>>) src(%dma_wait3A_239 : memref<100352xf32, #tpu.memory_space<hbm>>) dst(%dma_wait3A_234 : memref<512xf32, #tpu.memory_space<vmem>>)
        %dma_wait3A_240 = arith.constant 1 : i32
        %dma_wait3A_241 = arith.constant 1 : i32
        %dma_wait3A_242 = arith.constant 1 : i32
        %dma_wait3A_243 = arith.constant 6 : i32
        %dma_wait3A_244 = arith.constant 0 : i32
        %dma_wait3A_245 = tpu.memref_slice %arg12[%dma_wait3A_242, %dma_wait3A_243, %dma_wait3A_244] : memref<3x8x512xf32, #tpu.memory_space<vmem>> -> memref<1x1x512xf32, #tpu.memory_space<vmem>>
        %dma_wait3A_246 = tpu.memref_squeeze %dma_wait3A_245 : memref<1x1x512xf32, #tpu.memory_space<vmem>> -> memref<512xf32, #tpu.memory_space<vmem>>
        %dma_wait3A_247 = arith.constant 0 : i32
        %dma_wait3A_248 = tpu.memref_slice %arg10[%dma_wait3A_240, %dma_wait3A_241, %dma_wait3A_247] : memref<3x2x512xi32, #tpu.memory_space<vmem>> -> memref<1x1x512xi32, #tpu.memory_space<vmem>>
        %dma_wait3A_249 = tpu.memref_squeeze %dma_wait3A_248 : memref<1x1x512xi32, #tpu.memory_space<vmem>> -> memref<512xi32, #tpu.memory_space<vmem>>
        %dma_wait3A_250 = arith.constant 0 : i32
        %dma_wait3A_251 = tpu.memref_slice %arg6[%dma_wait3A_250] : memref<100352xf32, #tpu.memory_space<hbm>> -> memref<100352xf32, #tpu.memory_space<hbm>>
        tpu.wait_indirect_dma semaphore(%arg18 : memref<!tpu.dma_semaphore, #tpu.memory_space<semaphore_mem>>) src(%dma_wait3A_251 : memref<100352xf32, #tpu.memory_space<hbm>>) dst(%dma_wait3A_246 : memref<512xf32, #tpu.memory_space<vmem>>)
        %dma_wait3A_252 = arith.constant 1 : i32
        %dma_wait3A_253 = arith.constant 1 : i32
        %dma_wait3A_254 = arith.constant 1 : i32
        %dma_wait3A_255 = arith.constant 7 : i32
        %dma_wait3A_256 = arith.constant 0 : i32
        %dma_wait3A_257 = tpu.memref_slice %arg12[%dma_wait3A_254, %dma_wait3A_255, %dma_wait3A_256] : memref<3x8x512xf32, #tpu.memory_space<vmem>> -> memref<1x1x512xf32, #tpu.memory_space<vmem>>
        %dma_wait3A_258 = tpu.memref_squeeze %dma_wait3A_257 : memref<1x1x512xf32, #tpu.memory_space<vmem>> -> memref<512xf32, #tpu.memory_space<vmem>>
        %dma_wait3A_259 = arith.constant 0 : i32
        %dma_wait3A_260 = tpu.memref_slice %arg10[%dma_wait3A_252, %dma_wait3A_253, %dma_wait3A_259] : memref<3x2x512xi32, #tpu.memory_space<vmem>> -> memref<1x1x512xi32, #tpu.memory_space<vmem>>
        %dma_wait3A_261 = tpu.memref_squeeze %dma_wait3A_260 : memref<1x1x512xi32, #tpu.memory_space<vmem>> -> memref<512xi32, #tpu.memory_space<vmem>>
        %dma_wait3A_262 = arith.constant 0 : i32
        %dma_wait3A_263 = tpu.memref_slice %arg7[%dma_wait3A_262] : memref<100352xf32, #tpu.memory_space<hbm>> -> memref<100352xf32, #tpu.memory_space<hbm>>
        tpu.wait_indirect_dma semaphore(%arg18 : memref<!tpu.dma_semaphore, #tpu.memory_space<semaphore_mem>>) src(%dma_wait3A_263 : memref<100352xf32, #tpu.memory_space<hbm>>) dst(%dma_wait3A_258 : memref<512xf32, #tpu.memory_space<vmem>>)
        %dma_start3A = arith.constant 1 : i32
        %dma_start3A_264 = arith.constant 0 : i32
        %dma_start3A_265 = arith.constant 1 : i32
        %dma_start3A_266 = arith.constant 0 : i32
        %dma_start3A_267 = arith.constant 0 : i32
        %dma_start3A_268 = tpu.memref_slice %arg12[%dma_start3A, %dma_start3A_264, %dma_start3A_267] : memref<3x8x512xf32, #tpu.memory_space<vmem>> -> memref<1x1x512xf32, #tpu.memory_space<vmem>>
        %dma_start3A_269 = tpu.memref_squeeze %dma_start3A_268 : memref<1x1x512xf32, #tpu.memory_space<vmem>> -> memref<512xf32, #tpu.memory_space<vmem>>
        %dma_start3A_270 = arith.constant 0 : i32
        %dma_start3A_271 = tpu.memref_slice %arg11[%dma_start3A_265, %dma_start3A_266, %dma_start3A_270] : memref<3x2x512xi32, #tpu.memory_space<vmem>> -> memref<1x1x512xi32, #tpu.memory_space<vmem>>
        %dma_start3A_272 = tpu.memref_squeeze %dma_start3A_271 : memref<1x1x512xi32, #tpu.memory_space<vmem>> -> memref<512xi32, #tpu.memory_space<vmem>>
        %dma_start3A_273 = arith.constant 0 : i32
        %dma_start3A_274 = tpu.memref_slice %arg13[%dma_start3A_273] : memref<100352xf32, #tpu.memory_space<vmem_shared>> -> memref<100352xf32, #tpu.memory_space<vmem_shared>>
        tpu.enqueue_indirect_dma source(%dma_start3A_269 : memref<512xf32, #tpu.memory_space<vmem>>) target(%dma_start3A_274 : memref<100352xf32, #tpu.memory_space<vmem_shared>>) offsets(%dma_start3A_272 : memref<512xi32, #tpu.memory_space<vmem>>) semaphore(%arg19 : memref<!tpu.dma_semaphore, #tpu.memory_space<semaphore_mem>>) {add = true}
        %dma_start3A_275 = arith.constant 1 : i32
        %dma_start3A_276 = arith.constant 1 : i32
        %dma_start3A_277 = arith.constant 1 : i32
        %dma_start3A_278 = arith.constant 0 : i32
        %dma_start3A_279 = arith.constant 0 : i32
        %dma_start3A_280 = tpu.memref_slice %arg12[%dma_start3A_275, %dma_start3A_276, %dma_start3A_279] : memref<3x8x512xf32, #tpu.memory_space<vmem>> -> memref<1x1x512xf32, #tpu.memory_space<vmem>>
        %dma_start3A_281 = tpu.memref_squeeze %dma_start3A_280 : memref<1x1x512xf32, #tpu.memory_space<vmem>> -> memref<512xf32, #tpu.memory_space<vmem>>
        %dma_start3A_282 = arith.constant 0 : i32
        %dma_start3A_283 = tpu.memref_slice %arg11[%dma_start3A_277, %dma_start3A_278, %dma_start3A_282] : memref<3x2x512xi32, #tpu.memory_space<vmem>> -> memref<1x1x512xi32, #tpu.memory_space<vmem>>
        %dma_start3A_284 = tpu.memref_squeeze %dma_start3A_283 : memref<1x1x512xi32, #tpu.memory_space<vmem>> -> memref<512xi32, #tpu.memory_space<vmem>>
        %dma_start3A_285 = arith.constant 0 : i32
        %dma_start3A_286 = tpu.memref_slice %arg14[%dma_start3A_285] : memref<100352xf32, #tpu.memory_space<vmem_shared>> -> memref<100352xf32, #tpu.memory_space<vmem_shared>>
        tpu.enqueue_indirect_dma source(%dma_start3A_281 : memref<512xf32, #tpu.memory_space<vmem>>) target(%dma_start3A_286 : memref<100352xf32, #tpu.memory_space<vmem_shared>>) offsets(%dma_start3A_284 : memref<512xi32, #tpu.memory_space<vmem>>) semaphore(%arg19 : memref<!tpu.dma_semaphore, #tpu.memory_space<semaphore_mem>>) {add = true}
        %dma_start3A_287 = arith.constant 1 : i32
        %dma_start3A_288 = arith.constant 2 : i32
        %dma_start3A_289 = arith.constant 1 : i32
        %dma_start3A_290 = arith.constant 0 : i32
        %dma_start3A_291 = arith.constant 0 : i32
        %dma_start3A_292 = tpu.memref_slice %arg12[%dma_start3A_287, %dma_start3A_288, %dma_start3A_291] : memref<3x8x512xf32, #tpu.memory_space<vmem>> -> memref<1x1x512xf32, #tpu.memory_space<vmem>>
        %dma_start3A_293 = tpu.memref_squeeze %dma_start3A_292 : memref<1x1x512xf32, #tpu.memory_space<vmem>> -> memref<512xf32, #tpu.memory_space<vmem>>
        %dma_start3A_294 = arith.constant 0 : i32
        %dma_start3A_295 = tpu.memref_slice %arg11[%dma_start3A_289, %dma_start3A_290, %dma_start3A_294] : memref<3x2x512xi32, #tpu.memory_space<vmem>> -> memref<1x1x512xi32, #tpu.memory_space<vmem>>
        %dma_start3A_296 = tpu.memref_squeeze %dma_start3A_295 : memref<1x1x512xi32, #tpu.memory_space<vmem>> -> memref<512xi32, #tpu.memory_space<vmem>>
        %dma_start3A_297 = arith.constant 0 : i32
        %dma_start3A_298 = tpu.memref_slice %arg15[%dma_start3A_297] : memref<100352xf32, #tpu.memory_space<vmem_shared>> -> memref<100352xf32, #tpu.memory_space<vmem_shared>>
        tpu.enqueue_indirect_dma source(%dma_start3A_293 : memref<512xf32, #tpu.memory_space<vmem>>) target(%dma_start3A_298 : memref<100352xf32, #tpu.memory_space<vmem_shared>>) offsets(%dma_start3A_296 : memref<512xi32, #tpu.memory_space<vmem>>) semaphore(%arg19 : memref<!tpu.dma_semaphore, #tpu.memory_space<semaphore_mem>>) {add = true}
        %dma_start3A_299 = arith.constant 1 : i32
        %dma_start3A_300 = arith.constant 3 : i32
        %dma_start3A_301 = arith.constant 1 : i32
        %dma_start3A_302 = arith.constant 0 : i32
        %dma_start3A_303 = arith.constant 0 : i32
        %dma_start3A_304 = tpu.memref_slice %arg12[%dma_start3A_299, %dma_start3A_300, %dma_start3A_303] : memref<3x8x512xf32, #tpu.memory_space<vmem>> -> memref<1x1x512xf32, #tpu.memory_space<vmem>>
        %dma_start3A_305 = tpu.memref_squeeze %dma_start3A_304 : memref<1x1x512xf32, #tpu.memory_space<vmem>> -> memref<512xf32, #tpu.memory_space<vmem>>
        %dma_start3A_306 = arith.constant 0 : i32
        %dma_start3A_307 = tpu.memref_slice %arg11[%dma_start3A_301, %dma_start3A_302, %dma_start3A_306] : memref<3x2x512xi32, #tpu.memory_space<vmem>> -> memref<1x1x512xi32, #tpu.memory_space<vmem>>
        %dma_start3A_308 = tpu.memref_squeeze %dma_start3A_307 : memref<1x1x512xi32, #tpu.memory_space<vmem>> -> memref<512xi32, #tpu.memory_space<vmem>>
        %dma_start3A_309 = arith.constant 0 : i32
        %dma_start3A_310 = tpu.memref_slice %arg16[%dma_start3A_309] : memref<100352xf32, #tpu.memory_space<vmem_shared>> -> memref<100352xf32, #tpu.memory_space<vmem_shared>>
        tpu.enqueue_indirect_dma source(%dma_start3A_305 : memref<512xf32, #tpu.memory_space<vmem>>) target(%dma_start3A_310 : memref<100352xf32, #tpu.memory_space<vmem_shared>>) offsets(%dma_start3A_308 : memref<512xi32, #tpu.memory_space<vmem>>) semaphore(%arg19 : memref<!tpu.dma_semaphore, #tpu.memory_space<semaphore_mem>>) {add = true}
        %dma_start3A_311 = arith.constant 1 : i32
        %dma_start3A_312 = arith.constant 4 : i32
        %dma_start3A_313 = arith.constant 1 : i32
        %dma_start3A_314 = arith.constant 1 : i32
        %dma_start3A_315 = arith.constant 0 : i32
        %dma_start3A_316 = tpu.memref_slice %arg12[%dma_start3A_311, %dma_start3A_312, %dma_start3A_315] : memref<3x8x512xf32, #tpu.memory_space<vmem>> -> memref<1x1x512xf32, #tpu.memory_space<vmem>>
        %dma_start3A_317 = tpu.memref_squeeze %dma_start3A_316 : memref<1x1x512xf32, #tpu.memory_space<vmem>> -> memref<512xf32, #tpu.memory_space<vmem>>
        %dma_start3A_318 = arith.constant 0 : i32
        %dma_start3A_319 = tpu.memref_slice %arg11[%dma_start3A_313, %dma_start3A_314, %dma_start3A_318] : memref<3x2x512xi32, #tpu.memory_space<vmem>> -> memref<1x1x512xi32, #tpu.memory_space<vmem>>
        %dma_start3A_320 = tpu.memref_squeeze %dma_start3A_319 : memref<1x1x512xi32, #tpu.memory_space<vmem>> -> memref<512xi32, #tpu.memory_space<vmem>>
        %dma_start3A_321 = arith.constant 0 : i32
        %dma_start3A_322 = tpu.memref_slice %arg13[%dma_start3A_321] : memref<100352xf32, #tpu.memory_space<vmem_shared>> -> memref<100352xf32, #tpu.memory_space<vmem_shared>>
        tpu.enqueue_indirect_dma source(%dma_start3A_317 : memref<512xf32, #tpu.memory_space<vmem>>) target(%dma_start3A_322 : memref<100352xf32, #tpu.memory_space<vmem_shared>>) offsets(%dma_start3A_320 : memref<512xi32, #tpu.memory_space<vmem>>) semaphore(%arg19 : memref<!tpu.dma_semaphore, #tpu.memory_space<semaphore_mem>>) {add = true}
        %dma_start3A_323 = arith.constant 1 : i32
        %dma_start3A_324 = arith.constant 5 : i32
        %dma_start3A_325 = arith.constant 1 : i32
        %dma_start3A_326 = arith.constant 1 : i32
        %dma_start3A_327 = arith.constant 0 : i32
        %dma_start3A_328 = tpu.memref_slice %arg12[%dma_start3A_323, %dma_start3A_324, %dma_start3A_327] : memref<3x8x512xf32, #tpu.memory_space<vmem>> -> memref<1x1x512xf32, #tpu.memory_space<vmem>>
        %dma_start3A_329 = tpu.memref_squeeze %dma_start3A_328 : memref<1x1x512xf32, #tpu.memory_space<vmem>> -> memref<512xf32, #tpu.memory_space<vmem>>
        %dma_start3A_330 = arith.constant 0 : i32
        %dma_start3A_331 = tpu.memref_slice %arg11[%dma_start3A_325, %dma_start3A_326, %dma_start3A_330] : memref<3x2x512xi32, #tpu.memory_space<vmem>> -> memref<1x1x512xi32, #tpu.memory_space<vmem>>
        %dma_start3A_332 = tpu.memref_squeeze %dma_start3A_331 : memref<1x1x512xi32, #tpu.memory_space<vmem>> -> memref<512xi32, #tpu.memory_space<vmem>>
        %dma_start3A_333 = arith.constant 0 : i32
        %dma_start3A_334 = tpu.memref_slice %arg14[%dma_start3A_333] : memref<100352xf32, #tpu.memory_space<vmem_shared>> -> memref<100352xf32, #tpu.memory_space<vmem_shared>>
        tpu.enqueue_indirect_dma source(%dma_start3A_329 : memref<512xf32, #tpu.memory_space<vmem>>) target(%dma_start3A_334 : memref<100352xf32, #tpu.memory_space<vmem_shared>>) offsets(%dma_start3A_332 : memref<512xi32, #tpu.memory_space<vmem>>) semaphore(%arg19 : memref<!tpu.dma_semaphore, #tpu.memory_space<semaphore_mem>>) {add = true}
        %dma_start3A_335 = arith.constant 1 : i32
        %dma_start3A_336 = arith.constant 6 : i32
        %dma_start3A_337 = arith.constant 1 : i32
        %dma_start3A_338 = arith.constant 1 : i32
        %dma_start3A_339 = arith.constant 0 : i32
        %dma_start3A_340 = tpu.memref_slice %arg12[%dma_start3A_335, %dma_start3A_336, %dma_start3A_339] : memref<3x8x512xf32, #tpu.memory_space<vmem>> -> memref<1x1x512xf32, #tpu.memory_space<vmem>>
        %dma_start3A_341 = tpu.memref_squeeze %dma_start3A_340 : memref<1x1x512xf32, #tpu.memory_space<vmem>> -> memref<512xf32, #tpu.memory_space<vmem>>
        %dma_start3A_342 = arith.constant 0 : i32
        %dma_start3A_343 = tpu.memref_slice %arg11[%dma_start3A_337, %dma_start3A_338, %dma_start3A_342] : memref<3x2x512xi32, #tpu.memory_space<vmem>> -> memref<1x1x512xi32, #tpu.memory_space<vmem>>
        %dma_start3A_344 = tpu.memref_squeeze %dma_start3A_343 : memref<1x1x512xi32, #tpu.memory_space<vmem>> -> memref<512xi32, #tpu.memory_space<vmem>>
        %dma_start3A_345 = arith.constant 0 : i32
        %dma_start3A_346 = tpu.memref_slice %arg15[%dma_start3A_345] : memref<100352xf32, #tpu.memory_space<vmem_shared>> -> memref<100352xf32, #tpu.memory_space<vmem_shared>>
        tpu.enqueue_indirect_dma source(%dma_start3A_341 : memref<512xf32, #tpu.memory_space<vmem>>) target(%dma_start3A_346 : memref<100352xf32, #tpu.memory_space<vmem_shared>>) offsets(%dma_start3A_344 : memref<512xi32, #tpu.memory_space<vmem>>) semaphore(%arg19 : memref<!tpu.dma_semaphore, #tpu.memory_space<semaphore_mem>>) {add = true}
        %dma_start3A_347 = arith.constant 1 : i32
        %dma_start3A_348 = arith.constant 7 : i32
        %dma_start3A_349 = arith.constant 1 : i32
        %dma_start3A_350 = arith.constant 1 : i32
        %dma_start3A_351 = arith.constant 0 : i32
        %dma_start3A_352 = tpu.memref_slice %arg12[%dma_start3A_347, %dma_start3A_348, %dma_start3A_351] : memref<3x8x512xf32, #tpu.memory_space<vmem>> -> memref<1x1x512xf32, #tpu.memory_space<vmem>>
        %dma_start3A_353 = tpu.memref_squeeze %dma_start3A_352 : memref<1x1x512xf32, #tpu.memory_space<vmem>> -> memref<512xf32, #tpu.memory_space<vmem>>
        %dma_start3A_354 = arith.constant 0 : i32
        %dma_start3A_355 = tpu.memref_slice %arg11[%dma_start3A_349, %dma_start3A_350, %dma_start3A_354] : memref<3x2x512xi32, #tpu.memory_space<vmem>> -> memref<1x1x512xi32, #tpu.memory_space<vmem>>
        %dma_start3A_356 = tpu.memref_squeeze %dma_start3A_355 : memref<1x1x512xi32, #tpu.memory_space<vmem>> -> memref<512xi32, #tpu.memory_space<vmem>>
        %dma_start3A_357 = arith.constant 0 : i32
        %dma_start3A_358 = tpu.memref_slice %arg16[%dma_start3A_357] : memref<100352xf32, #tpu.memory_space<vmem_shared>> -> memref<100352xf32, #tpu.memory_space<vmem_shared>>
        tpu.enqueue_indirect_dma source(%dma_start3A_353 : memref<512xf32, #tpu.memory_space<vmem>>) target(%dma_start3A_358 : memref<100352xf32, #tpu.memory_space<vmem_shared>>) offsets(%dma_start3A_356 : memref<512xi32, #tpu.memory_space<vmem>>) semaphore(%arg19 : memref<!tpu.dma_semaphore, #tpu.memory_space<semaphore_mem>>) {add = true}
      } else {
      }
    }
    %scan3A_15 = arith.constant 67 : i32
    %barrier3A_16 = arith.constant 0 : index
    tpu.barrier barrier_id(%barrier3A_16)
    %mul3A_17 = arith.constant 6272 : i32
    %mul3A_18 = arith.muli %arg1, %mul3A_17 : i32
    %mul3A_19 = arith.constant 6272 : i32
    %mul3A_20 = arith.muli %arg1, %mul3A_19 : i32
    %run_scoped3A = arith.constant 0 : i32
    "tpu.region"() ({
      %run_scoped3A_36 = tpu.sem_alloc : memref<!tpu.dma_semaphore, #tpu.memory_space<semaphore_mem>>
      %dma_start3A = tpu.memref_slice %arg9[%arg0, %run_scoped3A, %mul3A_20] : memref<2x4x100352xf32, #tpu.memory_space<hbm>> -> memref<1x1x6272xf32, #tpu.memory_space<hbm>>
      %dma_start3A_37 = tpu.memref_squeeze %dma_start3A : memref<1x1x6272xf32, #tpu.memory_space<hbm>> -> memref<6272xf32, #tpu.memory_space<hbm>>
      %dma_start3A_38 = tpu.memref_slice %arg13[%mul3A_18] : memref<100352xf32, #tpu.memory_space<vmem_shared>> -> memref<6272xf32, #tpu.memory_space<vmem_shared>>
      tpu.enqueue_dma source(%dma_start3A_38 : memref<6272xf32, #tpu.memory_space<vmem_shared>>) target(%dma_start3A_37 : memref<6272xf32, #tpu.memory_space<hbm>>) target_semaphore(%run_scoped3A_36 : memref<!tpu.dma_semaphore, #tpu.memory_space<semaphore_mem>>)
      %dma_wait3A = tpu.memref_slice %arg9[%arg0, %run_scoped3A, %mul3A_20] : memref<2x4x100352xf32, #tpu.memory_space<hbm>> -> memref<1x1x6272xf32, #tpu.memory_space<hbm>>
      %dma_wait3A_39 = tpu.memref_squeeze %dma_wait3A : memref<1x1x6272xf32, #tpu.memory_space<hbm>> -> memref<6272xf32, #tpu.memory_space<hbm>>
      %dma_wait3A_40 = tpu.memref_slice %arg13[%mul3A_18] : memref<100352xf32, #tpu.memory_space<vmem_shared>> -> memref<6272xf32, #tpu.memory_space<vmem_shared>>
      tpu.wait_dma2 semaphore(%run_scoped3A_36 : memref<!tpu.dma_semaphore, #tpu.memory_space<semaphore_mem>>) src(%dma_wait3A_40 : memref<6272xf32, #tpu.memory_space<vmem_shared>>) dst(%dma_wait3A_39 : memref<6272xf32, #tpu.memory_space<hbm>>)
      tpu.yield
    }) : () -> ()
    %mul3A_21 = arith.constant 6272 : i32
    %mul3A_22 = arith.muli %arg1, %mul3A_21 : i32
    %mul3A_23 = arith.constant 6272 : i32
    %mul3A_24 = arith.muli %arg1, %mul3A_23 : i32
    %run_scoped3A_25 = arith.constant 1 : i32
    "tpu.region"() ({
      %run_scoped3A_36 = tpu.sem_alloc : memref<!tpu.dma_semaphore, #tpu.memory_space<semaphore_mem>>
      %dma_start3A = tpu.memref_slice %arg9[%arg0, %run_scoped3A_25, %mul3A_24] : memref<2x4x100352xf32, #tpu.memory_space<hbm>> -> memref<1x1x6272xf32, #tpu.memory_space<hbm>>
      %dma_start3A_37 = tpu.memref_squeeze %dma_start3A : memref<1x1x6272xf32, #tpu.memory_space<hbm>> -> memref<6272xf32, #tpu.memory_space<hbm>>
      %dma_start3A_38 = tpu.memref_slice %arg14[%mul3A_22] : memref<100352xf32, #tpu.memory_space<vmem_shared>> -> memref<6272xf32, #tpu.memory_space<vmem_shared>>
      tpu.enqueue_dma source(%dma_start3A_38 : memref<6272xf32, #tpu.memory_space<vmem_shared>>) target(%dma_start3A_37 : memref<6272xf32, #tpu.memory_space<hbm>>) target_semaphore(%run_scoped3A_36 : memref<!tpu.dma_semaphore, #tpu.memory_space<semaphore_mem>>)
      %dma_wait3A = tpu.memref_slice %arg9[%arg0, %run_scoped3A_25, %mul3A_24] : memref<2x4x100352xf32, #tpu.memory_space<hbm>> -> memref<1x1x6272xf32, #tpu.memory_space<hbm>>
      %dma_wait3A_39 = tpu.memref_squeeze %dma_wait3A : memref<1x1x6272xf32, #tpu.memory_space<hbm>> -> memref<6272xf32, #tpu.memory_space<hbm>>
      %dma_wait3A_40 = tpu.memref_slice %arg14[%mul3A_22] : memref<100352xf32, #tpu.memory_space<vmem_shared>> -> memref<6272xf32, #tpu.memory_space<vmem_shared>>
      tpu.wait_dma2 semaphore(%run_scoped3A_36 : memref<!tpu.dma_semaphore, #tpu.memory_space<semaphore_mem>>) src(%dma_wait3A_40 : memref<6272xf32, #tpu.memory_space<vmem_shared>>) dst(%dma_wait3A_39 : memref<6272xf32, #tpu.memory_space<hbm>>)
      tpu.yield
    }) : () -> ()
    %mul3A_26 = arith.constant 6272 : i32
    %mul3A_27 = arith.muli %arg1, %mul3A_26 : i32
    %mul3A_28 = arith.constant 6272 : i32
    %mul3A_29 = arith.muli %arg1, %mul3A_28 : i32
    %run_scoped3A_30 = arith.constant 2 : i32
    "tpu.region"() ({
      %run_scoped3A_36 = tpu.sem_alloc : memref<!tpu.dma_semaphore, #tpu.memory_space<semaphore_mem>>
      %dma_start3A = tpu.memref_slice %arg9[%arg0, %run_scoped3A_30, %mul3A_29] : memref<2x4x100352xf32, #tpu.memory_space<hbm>> -> memref<1x1x6272xf32, #tpu.memory_space<hbm>>
      %dma_start3A_37 = tpu.memref_squeeze %dma_start3A : memref<1x1x6272xf32, #tpu.memory_space<hbm>> -> memref<6272xf32, #tpu.memory_space<hbm>>
      %dma_start3A_38 = tpu.memref_slice %arg15[%mul3A_27] : memref<100352xf32, #tpu.memory_space<vmem_shared>> -> memref<6272xf32, #tpu.memory_space<vmem_shared>>
      tpu.enqueue_dma source(%dma_start3A_38 : memref<6272xf32, #tpu.memory_space<vmem_shared>>) target(%dma_start3A_37 : memref<6272xf32, #tpu.memory_space<hbm>>) target_semaphore(%run_scoped3A_36 : memref<!tpu.dma_semaphore, #tpu.memory_space<semaphore_mem>>)
      %dma_wait3A = tpu.memref_slice %arg9[%arg0, %run_scoped3A_30, %mul3A_29] : memref<2x4x100352xf32, #tpu.memory_space<hbm>> -> memref<1x1x6272xf32, #tpu.memory_space<hbm>>
      %dma_wait3A_39 = tpu.memref_squeeze %dma_wait3A : memref<1x1x6272xf32, #tpu.memory_space<hbm>> -> memref<6272xf32, #tpu.memory_space<hbm>>
      %dma_wait3A_40 = tpu.memref_slice %arg15[%mul3A_27] : memref<100352xf32, #tpu.memory_space<vmem_shared>> -> memref<6272xf32, #tpu.memory_space<vmem_shared>>
      tpu.wait_dma2 semaphore(%run_scoped3A_36 : memref<!tpu.dma_semaphore, #tpu.memory_space<semaphore_mem>>) src(%dma_wait3A_40 : memref<6272xf32, #tpu.memory_space<vmem_shared>>) dst(%dma_wait3A_39 : memref<6272xf32, #tpu.memory_space<hbm>>)
      tpu.yield
    }) : () -> ()
    %mul3A_31 = arith.constant 6272 : i32
    %mul3A_32 = arith.muli %arg1, %mul3A_31 : i32
    %mul3A_33 = arith.constant 6272 : i32
    %mul3A_34 = arith.muli %arg1, %mul3A_33 : i32
    %run_scoped3A_35 = arith.constant 3 : i32
    "tpu.region"() ({
      %run_scoped3A_36 = tpu.sem_alloc : memref<!tpu.dma_semaphore, #tpu.memory_space<semaphore_mem>>
      %dma_start3A = tpu.memref_slice %arg9[%arg0, %run_scoped3A_35, %mul3A_34] : memref<2x4x100352xf32, #tpu.memory_space<hbm>> -> memref<1x1x6272xf32, #tpu.memory_space<hbm>>
      %dma_start3A_37 = tpu.memref_squeeze %dma_start3A : memref<1x1x6272xf32, #tpu.memory_space<hbm>> -> memref<6272xf32, #tpu.memory_space<hbm>>
      %dma_start3A_38 = tpu.memref_slice %arg16[%mul3A_32] : memref<100352xf32, #tpu.memory_space<vmem_shared>> -> memref<6272xf32, #tpu.memory_space<vmem_shared>>
      tpu.enqueue_dma source(%dma_start3A_38 : memref<6272xf32, #tpu.memory_space<vmem_shared>>) target(%dma_start3A_37 : memref<6272xf32, #tpu.memory_space<hbm>>) target_semaphore(%run_scoped3A_36 : memref<!tpu.dma_semaphore, #tpu.memory_space<semaphore_mem>>)
      %dma_wait3A = tpu.memref_slice %arg9[%arg0, %run_scoped3A_35, %mul3A_34] : memref<2x4x100352xf32, #tpu.memory_space<hbm>> -> memref<1x1x6272xf32, #tpu.memory_space<hbm>>
      %dma_wait3A_39 = tpu.memref_squeeze %dma_wait3A : memref<1x1x6272xf32, #tpu.memory_space<hbm>> -> memref<6272xf32, #tpu.memory_space<hbm>>
      %dma_wait3A_40 = tpu.memref_slice %arg16[%mul3A_32] : memref<100352xf32, #tpu.memory_space<vmem_shared>> -> memref<6272xf32, #tpu.memory_space<vmem_shared>>
      tpu.wait_dma2 semaphore(%run_scoped3A_36 : memref<!tpu.dma_semaphore, #tpu.memory_space<semaphore_mem>>) src(%dma_wait3A_40 : memref<6272xf32, #tpu.memory_space<vmem_shared>>) dst(%dma_wait3A_39 : memref<6272xf32, #tpu.memory_space<hbm>>)
      tpu.yield
    }) : () -> ()
    return
  }
}

#map = affine_map<(d0, d1) -> (0, 0)>
#map1 = affine_map<(d0, d1) -> (0)>
#map2 = affine_map<(d0, d1) -> (0, 0, 0)>
module attributes {stable_mosaic.version = 14 : i64} {
  func.func @_k(%arg0: i32, %arg1: i32, %arg2: memref<12500x512xi32, #tpu.memory_space<hbm>>, %arg3: memref<12500x512xi32, #tpu.memory_space<hbm>>, %arg4: memref<100352xf32, #tpu.memory_space<hbm>>, %arg5: memref<100352xf32, #tpu.memory_space<hbm>>, %arg6: memref<6272xf32, #tpu.memory_space<hbm>>, %arg7: memref<2x2x100352xf32, #tpu.memory_space<hbm>>, %arg8: memref<3x2x512xi32, #tpu.memory_space<vmem>>, %arg9: memref<3x2x512xi32, #tpu.memory_space<vmem>>, %arg10: memref<3x4x512xf32, #tpu.memory_space<vmem>>, %arg11: memref<100352xf32, #tpu.memory_space<vmem_shared>>, %arg12: memref<100352xf32, #tpu.memory_space<vmem_shared>>, %arg13: memref<!tpu.dma_semaphore, #tpu.memory_space<semaphore_mem>>, %arg14: memref<!tpu.dma_semaphore, #tpu.memory_space<semaphore_mem>>, %arg15: memref<!tpu.dma_semaphore, #tpu.memory_space<semaphore_mem>>) attributes {dimension_semantics = [#tpu.dimension_semantics<core_parallel>, #tpu.dimension_semantics<subcore_parallel>], iteration_bounds = array<i64: 2, 16>, scalar_prefetch = 0 : i64, scratch_operands = 8 : i64, tpu.core_type = #tpu.core_type<sc_vector_subcore>, window_params = [{transform_indices = #map}, {transform_indices = #map}, {transform_indices = #map1}, {transform_indices = #map1}, {transform_indices = #map1}, {transform_indices = #map2}]} {
    %mul3A = arith.constant 2 : i32
    %mul3A_0 = arith.muli %arg1, %mul3A : i32
    %add3A = arith.addi %mul3A_0, %arg0 : i32
    %mul3A_1 = arith.constant 6272 : i32
    %mul3A_2 = arith.muli %arg1, %mul3A_1 : i32
    "tpu.region"() ({
      %run_scoped3A_22 = tpu.sem_alloc : memref<!tpu.dma_semaphore, #tpu.memory_space<semaphore_mem>>
      %dma_start3A = tpu.memref_slice %arg11[%mul3A_2] : memref<100352xf32, #tpu.memory_space<vmem_shared>> -> memref<6272xf32, #tpu.memory_space<vmem_shared>>
      tpu.enqueue_dma source(%arg6 : memref<6272xf32, #tpu.memory_space<hbm>>) target(%dma_start3A : memref<6272xf32, #tpu.memory_space<vmem_shared>>) target_semaphore(%run_scoped3A_22 : memref<!tpu.dma_semaphore, #tpu.memory_space<semaphore_mem>>)
      %dma_wait3A = tpu.memref_slice %arg11[%mul3A_2] : memref<100352xf32, #tpu.memory_space<vmem_shared>> -> memref<6272xf32, #tpu.memory_space<vmem_shared>>
      tpu.wait_dma2 semaphore(%run_scoped3A_22 : memref<!tpu.dma_semaphore, #tpu.memory_space<semaphore_mem>>) src(%arg6 : memref<6272xf32, #tpu.memory_space<hbm>>) dst(%dma_wait3A : memref<6272xf32, #tpu.memory_space<vmem_shared>>)
      tpu.yield
    }) : () -> ()
    %mul3A_3 = arith.constant 6272 : i32
    %mul3A_4 = arith.muli %arg1, %mul3A_3 : i32
    "tpu.region"() ({
      %run_scoped3A_22 = tpu.sem_alloc : memref<!tpu.dma_semaphore, #tpu.memory_space<semaphore_mem>>
      %dma_start3A = tpu.memref_slice %arg12[%mul3A_4] : memref<100352xf32, #tpu.memory_space<vmem_shared>> -> memref<6272xf32, #tpu.memory_space<vmem_shared>>
      tpu.enqueue_dma source(%arg6 : memref<6272xf32, #tpu.memory_space<hbm>>) target(%dma_start3A : memref<6272xf32, #tpu.memory_space<vmem_shared>>) target_semaphore(%run_scoped3A_22 : memref<!tpu.dma_semaphore, #tpu.memory_space<semaphore_mem>>)
      %dma_wait3A = tpu.memref_slice %arg12[%mul3A_4] : memref<100352xf32, #tpu.memory_space<vmem_shared>> -> memref<6272xf32, #tpu.memory_space<vmem_shared>>
      tpu.wait_dma2 semaphore(%run_scoped3A_22 : memref<!tpu.dma_semaphore, #tpu.memory_space<semaphore_mem>>) src(%arg6 : memref<6272xf32, #tpu.memory_space<hbm>>) dst(%dma_wait3A : memref<6272xf32, #tpu.memory_space<vmem_shared>>)
      tpu.yield
    }) : () -> ()
    %barrier3A = arith.constant 0 : index
    tpu.barrier barrier_id(%barrier3A)
    %lt3A = arith.constant 6250 : i32
    %lt3A_5 = arith.cmpi slt, %add3A, %lt3A : i32
    %convert_element_type3A = arith.extui %lt3A_5 : i1 to i32
    %cond3A = arith.constant 0 : i32
    %cond3A_6 = arith.cmpi ne, %convert_element_type3A, %cond3A : i32
    scf.if %cond3A_6 {
      %mul3A_22 = arith.constant 2 : i32
      %mul3A_23 = arith.muli %add3A, %mul3A_22 : i32
      %dma_start3A = arith.constant 0 : i32
      %dma_start3A_24 = arith.constant 0 : i32
      %dma_start3A_25 = arith.constant 0 : i32
      %dma_start3A_26 = tpu.memref_slice %arg8[%dma_start3A, %dma_start3A_24, %dma_start3A_25] : memref<3x2x512xi32, #tpu.memory_space<vmem>> -> memref<1x2x512xi32, #tpu.memory_space<vmem>>
      %dma_start3A_27 = tpu.memref_squeeze %dma_start3A_26 : memref<1x2x512xi32, #tpu.memory_space<vmem>> -> memref<2x512xi32, #tpu.memory_space<vmem>>
      %dma_start3A_28 = arith.constant 0 : i32
      %dma_start3A_29 = tpu.memref_slice %arg2[%mul3A_23, %dma_start3A_28] : memref<12500x512xi32, #tpu.memory_space<hbm>> -> memref<2x512xi32, #tpu.memory_space<hbm>>
      %dma_start3A_30 = arith.constant 0 : i32
      %dma_start3A_31 = arith.constant 0 : i32
      %dma_start3A_32 = tpu.memref_slice %arg8[%dma_start3A, %dma_start3A_30, %dma_start3A_31] : memref<3x2x512xi32, #tpu.memory_space<vmem>> -> memref<1x2x512xi32, #tpu.memory_space<vmem>>
      %dma_start3A_33 = tpu.memref_squeeze %dma_start3A_32 : memref<1x2x512xi32, #tpu.memory_space<vmem>> -> memref<2x512xi32, #tpu.memory_space<vmem>>
      %dma_start3A_34 = arith.constant 0 : i32
      %dma_start3A_35 = tpu.memref_slice %arg2[%mul3A_23, %dma_start3A_34] : memref<12500x512xi32, #tpu.memory_space<hbm>> -> memref<2x512xi32, #tpu.memory_space<hbm>>
      tpu.enqueue_dma source(%dma_start3A_35 : memref<2x512xi32, #tpu.memory_space<hbm>>) target(%dma_start3A_33 : memref<2x512xi32, #tpu.memory_space<vmem>>) target_semaphore(%arg13 : memref<!tpu.dma_semaphore, #tpu.memory_space<semaphore_mem>>)
      %mul3A_36 = arith.constant 2 : i32
      %mul3A_37 = arith.muli %add3A, %mul3A_36 : i32
      %dma_start3A_38 = arith.constant 0 : i32
      %dma_start3A_39 = arith.constant 0 : i32
      %dma_start3A_40 = arith.constant 0 : i32
      %dma_start3A_41 = tpu.memref_slice %arg9[%dma_start3A_38, %dma_start3A_39, %dma_start3A_40] : memref<3x2x512xi32, #tpu.memory_space<vmem>> -> memref<1x2x512xi32, #tpu.memory_space<vmem>>
      %dma_start3A_42 = tpu.memref_squeeze %dma_start3A_41 : memref<1x2x512xi32, #tpu.memory_space<vmem>> -> memref<2x512xi32, #tpu.memory_space<vmem>>
      %dma_start3A_43 = arith.constant 0 : i32
      %dma_start3A_44 = tpu.memref_slice %arg3[%mul3A_37, %dma_start3A_43] : memref<12500x512xi32, #tpu.memory_space<hbm>> -> memref<2x512xi32, #tpu.memory_space<hbm>>
      %dma_start3A_45 = arith.constant 0 : i32
      %dma_start3A_46 = arith.constant 0 : i32
      %dma_start3A_47 = tpu.memref_slice %arg9[%dma_start3A_38, %dma_start3A_45, %dma_start3A_46] : memref<3x2x512xi32, #tpu.memory_space<vmem>> -> memref<1x2x512xi32, #tpu.memory_space<vmem>>
      %dma_start3A_48 = tpu.memref_squeeze %dma_start3A_47 : memref<1x2x512xi32, #tpu.memory_space<vmem>> -> memref<2x512xi32, #tpu.memory_space<vmem>>
      %dma_start3A_49 = arith.constant 0 : i32
      %dma_start3A_50 = tpu.memref_slice %arg3[%mul3A_37, %dma_start3A_49] : memref<12500x512xi32, #tpu.memory_space<hbm>> -> memref<2x512xi32, #tpu.memory_space<hbm>>
      tpu.enqueue_dma source(%dma_start3A_50 : memref<2x512xi32, #tpu.memory_space<hbm>>) target(%dma_start3A_48 : memref<2x512xi32, #tpu.memory_space<vmem>>) target_semaphore(%arg13 : memref<!tpu.dma_semaphore, #tpu.memory_space<semaphore_mem>>)
    } else {
    }
    %scan3A = arith.constant 0 : i32
    %scan3A_7 = arith.constant 0 : i32
    %scan3A_8 = arith.constant 67 : i32
    %scan3A_9 = arith.addi %scan3A_7, %scan3A_8 : i32
    %scan3A_10 = arith.constant 1 : i32
    scf.for %scan3A_22 = %scan3A_7 to %scan3A_9 step %scan3A_10  : i32 {
      %mul3A_23 = arith.constant 3 : i32
      %mul3A_24 = arith.muli %scan3A_22, %mul3A_23 : i32
      %add3A_25 = arith.constant 0 : i32
      %add3A_26 = arith.addi %mul3A_24, %add3A_25 : i32
      %mul3A_27 = arith.constant 32 : i32
      %mul3A_28 = arith.muli %add3A_26, %mul3A_27 : i32
      %add3A_29 = arith.addi %add3A, %mul3A_28 : i32
      %sub3A = arith.constant 64 : i32
      %sub3A_30 = arith.subi %add3A_29, %sub3A : i32
      %ge3A = arith.constant 0 : i32
      %ge3A_31 = arith.cmpi sge, %sub3A_30, %ge3A : i32
      %sub3A_32 = arith.constant 64 : i32
      %sub3A_33 = arith.subi %add3A_29, %sub3A_32 : i32
      %lt3A_34 = arith.constant 6250 : i32
      %lt3A_35 = arith.cmpi slt, %sub3A_33, %lt3A_34 : i32
      %and3A = arith.andi %ge3A_31, %lt3A_35 : i1
      %convert_element_type3A_36 = arith.extui %and3A : i1 to i32
      %cond3A_37 = arith.constant 0 : i32
      %cond3A_38 = arith.cmpi ne, %convert_element_type3A_36, %cond3A_37 : i32
      scf.if %cond3A_38 {
        %dma_wait3A = arith.constant 1 : i32
        %dma_wait3A_155 = arith.constant 0 : i32
        %dma_wait3A_156 = arith.constant 1 : i32
        %dma_wait3A_157 = arith.constant 0 : i32
        %dma_wait3A_158 = arith.constant 0 : i32
        %dma_wait3A_159 = tpu.memref_slice %arg10[%dma_wait3A, %dma_wait3A_155, %dma_wait3A_158] : memref<3x4x512xf32, #tpu.memory_space<vmem>> -> memref<1x1x512xf32, #tpu.memory_space<vmem>>
        %dma_wait3A_160 = tpu.memref_squeeze %dma_wait3A_159 : memref<1x1x512xf32, #tpu.memory_space<vmem>> -> memref<512xf32, #tpu.memory_space<vmem>>
        %dma_wait3A_161 = arith.constant 0 : i32
        %dma_wait3A_162 = tpu.memref_slice %arg9[%dma_wait3A_156, %dma_wait3A_157, %dma_wait3A_161] : memref<3x2x512xi32, #tpu.memory_space<vmem>> -> memref<1x1x512xi32, #tpu.memory_space<vmem>>
        %dma_wait3A_163 = tpu.memref_squeeze %dma_wait3A_162 : memref<1x1x512xi32, #tpu.memory_space<vmem>> -> memref<512xi32, #tpu.memory_space<vmem>>
        %dma_wait3A_164 = arith.constant 0 : i32
        %dma_wait3A_165 = tpu.memref_slice %arg11[%dma_wait3A_164] : memref<100352xf32, #tpu.memory_space<vmem_shared>> -> memref<100352xf32, #tpu.memory_space<vmem_shared>>
        tpu.wait_indirect_dma semaphore(%arg15 : memref<!tpu.dma_semaphore, #tpu.memory_space<semaphore_mem>>) src(%dma_wait3A_160 : memref<512xf32, #tpu.memory_space<vmem>>) dst(%dma_wait3A_165 : memref<100352xf32, #tpu.memory_space<vmem_shared>>)
        %dma_wait3A_166 = arith.constant 1 : i32
        %dma_wait3A_167 = arith.constant 1 : i32
        %dma_wait3A_168 = arith.constant 1 : i32
        %dma_wait3A_169 = arith.constant 0 : i32
        %dma_wait3A_170 = arith.constant 0 : i32
        %dma_wait3A_171 = tpu.memref_slice %arg10[%dma_wait3A_166, %dma_wait3A_167, %dma_wait3A_170] : memref<3x4x512xf32, #tpu.memory_space<vmem>> -> memref<1x1x512xf32, #tpu.memory_space<vmem>>
        %dma_wait3A_172 = tpu.memref_squeeze %dma_wait3A_171 : memref<1x1x512xf32, #tpu.memory_space<vmem>> -> memref<512xf32, #tpu.memory_space<vmem>>
        %dma_wait3A_173 = arith.constant 0 : i32
        %dma_wait3A_174 = tpu.memref_slice %arg9[%dma_wait3A_168, %dma_wait3A_169, %dma_wait3A_173] : memref<3x2x512xi32, #tpu.memory_space<vmem>> -> memref<1x1x512xi32, #tpu.memory_space<vmem>>
        %dma_wait3A_175 = tpu.memref_squeeze %dma_wait3A_174 : memref<1x1x512xi32, #tpu.memory_space<vmem>> -> memref<512xi32, #tpu.memory_space<vmem>>
        %dma_wait3A_176 = arith.constant 0 : i32
        %dma_wait3A_177 = tpu.memref_slice %arg12[%dma_wait3A_176] : memref<100352xf32, #tpu.memory_space<vmem_shared>> -> memref<100352xf32, #tpu.memory_space<vmem_shared>>
        tpu.wait_indirect_dma semaphore(%arg15 : memref<!tpu.dma_semaphore, #tpu.memory_space<semaphore_mem>>) src(%dma_wait3A_172 : memref<512xf32, #tpu.memory_space<vmem>>) dst(%dma_wait3A_177 : memref<100352xf32, #tpu.memory_space<vmem_shared>>)
        %dma_wait3A_178 = arith.constant 1 : i32
        %dma_wait3A_179 = arith.constant 2 : i32
        %dma_wait3A_180 = arith.constant 1 : i32
        %dma_wait3A_181 = arith.constant 1 : i32
        %dma_wait3A_182 = arith.constant 0 : i32
        %dma_wait3A_183 = tpu.memref_slice %arg10[%dma_wait3A_178, %dma_wait3A_179, %dma_wait3A_182] : memref<3x4x512xf32, #tpu.memory_space<vmem>> -> memref<1x1x512xf32, #tpu.memory_space<vmem>>
        %dma_wait3A_184 = tpu.memref_squeeze %dma_wait3A_183 : memref<1x1x512xf32, #tpu.memory_space<vmem>> -> memref<512xf32, #tpu.memory_space<vmem>>
        %dma_wait3A_185 = arith.constant 0 : i32
        %dma_wait3A_186 = tpu.memref_slice %arg9[%dma_wait3A_180, %dma_wait3A_181, %dma_wait3A_185] : memref<3x2x512xi32, #tpu.memory_space<vmem>> -> memref<1x1x512xi32, #tpu.memory_space<vmem>>
        %dma_wait3A_187 = tpu.memref_squeeze %dma_wait3A_186 : memref<1x1x512xi32, #tpu.memory_space<vmem>> -> memref<512xi32, #tpu.memory_space<vmem>>
        %dma_wait3A_188 = arith.constant 0 : i32
        %dma_wait3A_189 = tpu.memref_slice %arg11[%dma_wait3A_188] : memref<100352xf32, #tpu.memory_space<vmem_shared>> -> memref<100352xf32, #tpu.memory_space<vmem_shared>>
        tpu.wait_indirect_dma semaphore(%arg15 : memref<!tpu.dma_semaphore, #tpu.memory_space<semaphore_mem>>) src(%dma_wait3A_184 : memref<512xf32, #tpu.memory_space<vmem>>) dst(%dma_wait3A_189 : memref<100352xf32, #tpu.memory_space<vmem_shared>>)
        %dma_wait3A_190 = arith.constant 1 : i32
        %dma_wait3A_191 = arith.constant 3 : i32
        %dma_wait3A_192 = arith.constant 1 : i32
        %dma_wait3A_193 = arith.constant 1 : i32
        %dma_wait3A_194 = arith.constant 0 : i32
        %dma_wait3A_195 = tpu.memref_slice %arg10[%dma_wait3A_190, %dma_wait3A_191, %dma_wait3A_194] : memref<3x4x512xf32, #tpu.memory_space<vmem>> -> memref<1x1x512xf32, #tpu.memory_space<vmem>>
        %dma_wait3A_196 = tpu.memref_squeeze %dma_wait3A_195 : memref<1x1x512xf32, #tpu.memory_space<vmem>> -> memref<512xf32, #tpu.memory_space<vmem>>
        %dma_wait3A_197 = arith.constant 0 : i32
        %dma_wait3A_198 = tpu.memref_slice %arg9[%dma_wait3A_192, %dma_wait3A_193, %dma_wait3A_197] : memref<3x2x512xi32, #tpu.memory_space<vmem>> -> memref<1x1x512xi32, #tpu.memory_space<vmem>>
        %dma_wait3A_199 = tpu.memref_squeeze %dma_wait3A_198 : memref<1x1x512xi32, #tpu.memory_space<vmem>> -> memref<512xi32, #tpu.memory_space<vmem>>
        %dma_wait3A_200 = arith.constant 0 : i32
        %dma_wait3A_201 = tpu.memref_slice %arg12[%dma_wait3A_200] : memref<100352xf32, #tpu.memory_space<vmem_shared>> -> memref<100352xf32, #tpu.memory_space<vmem_shared>>
        tpu.wait_indirect_dma semaphore(%arg15 : memref<!tpu.dma_semaphore, #tpu.memory_space<semaphore_mem>>) src(%dma_wait3A_196 : memref<512xf32, #tpu.memory_space<vmem>>) dst(%dma_wait3A_201 : memref<100352xf32, #tpu.memory_space<vmem_shared>>)
      } else {
      }
      %add3A_39 = arith.constant 32 : i32
      %add3A_40 = arith.addi %add3A_29, %add3A_39 : i32
      %lt3A_41 = arith.constant 6250 : i32
      %lt3A_42 = arith.cmpi slt, %add3A_40, %lt3A_41 : i32
      %add3A_43 = arith.constant 32 : i32
      %add3A_44 = arith.addi %add3A_29, %add3A_43 : i32
      %convert_element_type3A_45 = arith.extui %lt3A_42 : i1 to i32
      %cond3A_46 = arith.constant 0 : i32
      %cond3A_47 = arith.cmpi ne, %convert_element_type3A_45, %cond3A_46 : i32
      scf.if %cond3A_47 {
        %mul3A_155 = arith.constant 2 : i32
        %mul3A_156 = arith.muli %add3A_44, %mul3A_155 : i32
        %dma_start3A = arith.constant 1 : i32
        %dma_start3A_157 = arith.constant 0 : i32
        %dma_start3A_158 = arith.constant 0 : i32
        %dma_start3A_159 = tpu.memref_slice %arg8[%dma_start3A, %dma_start3A_157, %dma_start3A_158] : memref<3x2x512xi32, #tpu.memory_space<vmem>> -> memref<1x2x512xi32, #tpu.memory_space<vmem>>
        %dma_start3A_160 = tpu.memref_squeeze %dma_start3A_159 : memref<1x2x512xi32, #tpu.memory_space<vmem>> -> memref<2x512xi32, #tpu.memory_space<vmem>>
        %dma_start3A_161 = arith.constant 0 : i32
        %dma_start3A_162 = tpu.memref_slice %arg2[%mul3A_156, %dma_start3A_161] : memref<12500x512xi32, #tpu.memory_space<hbm>> -> memref<2x512xi32, #tpu.memory_space<hbm>>
        %dma_start3A_163 = arith.constant 0 : i32
        %dma_start3A_164 = arith.constant 0 : i32
        %dma_start3A_165 = tpu.memref_slice %arg8[%dma_start3A, %dma_start3A_163, %dma_start3A_164] : memref<3x2x512xi32, #tpu.memory_space<vmem>> -> memref<1x2x512xi32, #tpu.memory_space<vmem>>
        %dma_start3A_166 = tpu.memref_squeeze %dma_start3A_165 : memref<1x2x512xi32, #tpu.memory_space<vmem>> -> memref<2x512xi32, #tpu.memory_space<vmem>>
        %dma_start3A_167 = arith.constant 0 : i32
        %dma_start3A_168 = tpu.memref_slice %arg2[%mul3A_156, %dma_start3A_167] : memref<12500x512xi32, #tpu.memory_space<hbm>> -> memref<2x512xi32, #tpu.memory_space<hbm>>
        tpu.enqueue_dma source(%dma_start3A_168 : memref<2x512xi32, #tpu.memory_space<hbm>>) target(%dma_start3A_166 : memref<2x512xi32, #tpu.memory_space<vmem>>) target_semaphore(%arg13 : memref<!tpu.dma_semaphore, #tpu.memory_space<semaphore_mem>>)
        %mul3A_169 = arith.constant 2 : i32
        %mul3A_170 = arith.muli %add3A_44, %mul3A_169 : i32
        %dma_start3A_171 = arith.constant 1 : i32
        %dma_start3A_172 = arith.constant 0 : i32
        %dma_start3A_173 = arith.constant 0 : i32
        %dma_start3A_174 = tpu.memref_slice %arg9[%dma_start3A_171, %dma_start3A_172, %dma_start3A_173] : memref<3x2x512xi32, #tpu.memory_space<vmem>> -> memref<1x2x512xi32, #tpu.memory_space<vmem>>
        %dma_start3A_175 = tpu.memref_squeeze %dma_start3A_174 : memref<1x2x512xi32, #tpu.memory_space<vmem>> -> memref<2x512xi32, #tpu.memory_space<vmem>>
        %dma_start3A_176 = arith.constant 0 : i32
        %dma_start3A_177 = tpu.memref_slice %arg3[%mul3A_170, %dma_start3A_176] : memref<12500x512xi32, #tpu.memory_space<hbm>> -> memref<2x512xi32, #tpu.memory_space<hbm>>
        %dma_start3A_178 = arith.constant 0 : i32
        %dma_start3A_179 = arith.constant 0 : i32
        %dma_start3A_180 = tpu.memref_slice %arg9[%dma_start3A_171, %dma_start3A_178, %dma_start3A_179] : memref<3x2x512xi32, #tpu.memory_space<vmem>> -> memref<1x2x512xi32, #tpu.memory_space<vmem>>
        %dma_start3A_181 = tpu.memref_squeeze %dma_start3A_180 : memref<1x2x512xi32, #tpu.memory_space<vmem>> -> memref<2x512xi32, #tpu.memory_space<vmem>>
        %dma_start3A_182 = arith.constant 0 : i32
        %dma_start3A_183 = tpu.memref_slice %arg3[%mul3A_170, %dma_start3A_182] : memref<12500x512xi32, #tpu.memory_space<hbm>> -> memref<2x512xi32, #tpu.memory_space<hbm>>
        tpu.enqueue_dma source(%dma_start3A_183 : memref<2x512xi32, #tpu.memory_space<hbm>>) target(%dma_start3A_181 : memref<2x512xi32, #tpu.memory_space<vmem>>) target_semaphore(%arg13 : memref<!tpu.dma_semaphore, #tpu.memory_space<semaphore_mem>>)
      } else {
      }
      %lt3A_48 = arith.constant 6250 : i32
      %lt3A_49 = arith.cmpi slt, %add3A_29, %lt3A_48 : i32
      %convert_element_type3A_50 = arith.extui %lt3A_49 : i1 to i32
      %cond3A_51 = arith.constant 0 : i32
      %cond3A_52 = arith.cmpi ne, %convert_element_type3A_50, %cond3A_51 : i32
      scf.if %cond3A_52 {
        %mul3A_155 = arith.constant 2 : i32
        %mul3A_156 = arith.muli %add3A_29, %mul3A_155 : i32
        %dma_wait3A = arith.constant 0 : i32
        %dma_wait3A_157 = arith.constant 0 : i32
        %dma_wait3A_158 = arith.constant 0 : i32
        %dma_wait3A_159 = tpu.memref_slice %arg8[%dma_wait3A, %dma_wait3A_157, %dma_wait3A_158] : memref<3x2x512xi32, #tpu.memory_space<vmem>> -> memref<1x2x512xi32, #tpu.memory_space<vmem>>
        %dma_wait3A_160 = tpu.memref_squeeze %dma_wait3A_159 : memref<1x2x512xi32, #tpu.memory_space<vmem>> -> memref<2x512xi32, #tpu.memory_space<vmem>>
        %dma_wait3A_161 = arith.constant 0 : i32
        %dma_wait3A_162 = tpu.memref_slice %arg2[%mul3A_156, %dma_wait3A_161] : memref<12500x512xi32, #tpu.memory_space<hbm>> -> memref<2x512xi32, #tpu.memory_space<hbm>>
        %dma_wait3A_163 = arith.constant 0 : i32
        %dma_wait3A_164 = arith.constant 0 : i32
        %dma_wait3A_165 = tpu.memref_slice %arg8[%dma_wait3A, %dma_wait3A_163, %dma_wait3A_164] : memref<3x2x512xi32, #tpu.memory_space<vmem>> -> memref<1x2x512xi32, #tpu.memory_space<vmem>>
        %dma_wait3A_166 = tpu.memref_squeeze %dma_wait3A_165 : memref<1x2x512xi32, #tpu.memory_space<vmem>> -> memref<2x512xi32, #tpu.memory_space<vmem>>
        %dma_wait3A_167 = arith.constant 0 : i32
        %dma_wait3A_168 = tpu.memref_slice %arg2[%mul3A_156, %dma_wait3A_167] : memref<12500x512xi32, #tpu.memory_space<hbm>> -> memref<2x512xi32, #tpu.memory_space<hbm>>
        tpu.wait_dma2 semaphore(%arg13 : memref<!tpu.dma_semaphore, #tpu.memory_space<semaphore_mem>>) src(%dma_wait3A_168 : memref<2x512xi32, #tpu.memory_space<hbm>>) dst(%dma_wait3A_166 : memref<2x512xi32, #tpu.memory_space<vmem>>)
        %mul3A_169 = arith.constant 2 : i32
        %mul3A_170 = arith.muli %add3A_29, %mul3A_169 : i32
        %dma_wait3A_171 = arith.constant 0 : i32
        %dma_wait3A_172 = arith.constant 0 : i32
        %dma_wait3A_173 = arith.constant 0 : i32
        %dma_wait3A_174 = tpu.memref_slice %arg9[%dma_wait3A_171, %dma_wait3A_172, %dma_wait3A_173] : memref<3x2x512xi32, #tpu.memory_space<vmem>> -> memref<1x2x512xi32, #tpu.memory_space<vmem>>
        %dma_wait3A_175 = tpu.memref_squeeze %dma_wait3A_174 : memref<1x2x512xi32, #tpu.memory_space<vmem>> -> memref<2x512xi32, #tpu.memory_space<vmem>>
        %dma_wait3A_176 = arith.constant 0 : i32
        %dma_wait3A_177 = tpu.memref_slice %arg3[%mul3A_170, %dma_wait3A_176] : memref<12500x512xi32, #tpu.memory_space<hbm>> -> memref<2x512xi32, #tpu.memory_space<hbm>>
        %dma_wait3A_178 = arith.constant 0 : i32
        %dma_wait3A_179 = arith.constant 0 : i32
        %dma_wait3A_180 = tpu.memref_slice %arg9[%dma_wait3A_171, %dma_wait3A_178, %dma_wait3A_179] : memref<3x2x512xi32, #tpu.memory_space<vmem>> -> memref<1x2x512xi32, #tpu.memory_space<vmem>>
        %dma_wait3A_181 = tpu.memref_squeeze %dma_wait3A_180 : memref<1x2x512xi32, #tpu.memory_space<vmem>> -> memref<2x512xi32, #tpu.memory_space<vmem>>
        %dma_wait3A_182 = arith.constant 0 : i32
        %dma_wait3A_183 = tpu.memref_slice %arg3[%mul3A_170, %dma_wait3A_182] : memref<12500x512xi32, #tpu.memory_space<hbm>> -> memref<2x512xi32, #tpu.memory_space<hbm>>
        tpu.wait_dma2 semaphore(%arg13 : memref<!tpu.dma_semaphore, #tpu.memory_space<semaphore_mem>>) src(%dma_wait3A_183 : memref<2x512xi32, #tpu.memory_space<hbm>>) dst(%dma_wait3A_181 : memref<2x512xi32, #tpu.memory_space<vmem>>)
        %dma_start3A = arith.constant 0 : i32
        %dma_start3A_184 = arith.constant 0 : i32
        %dma_start3A_185 = arith.constant 0 : i32
        %dma_start3A_186 = arith.constant 0 : i32
        %dma_start3A_187 = arith.constant 0 : i32
        %dma_start3A_188 = tpu.memref_slice %arg10[%dma_start3A_185, %dma_start3A_186, %dma_start3A_187] : memref<3x4x512xf32, #tpu.memory_space<vmem>> -> memref<1x1x512xf32, #tpu.memory_space<vmem>>
        %dma_start3A_189 = tpu.memref_squeeze %dma_start3A_188 : memref<1x1x512xf32, #tpu.memory_space<vmem>> -> memref<512xf32, #tpu.memory_space<vmem>>
        %dma_start3A_190 = arith.constant 0 : i32
        %dma_start3A_191 = tpu.memref_slice %arg8[%dma_start3A, %dma_start3A_184, %dma_start3A_190] : memref<3x2x512xi32, #tpu.memory_space<vmem>> -> memref<1x1x512xi32, #tpu.memory_space<vmem>>
        %dma_start3A_192 = tpu.memref_squeeze %dma_start3A_191 : memref<1x1x512xi32, #tpu.memory_space<vmem>> -> memref<512xi32, #tpu.memory_space<vmem>>
        %dma_start3A_193 = arith.constant 0 : i32
        %dma_start3A_194 = tpu.memref_slice %arg4[%dma_start3A_193] : memref<100352xf32, #tpu.memory_space<hbm>> -> memref<100352xf32, #tpu.memory_space<hbm>>
        tpu.enqueue_indirect_dma source(%dma_start3A_194 : memref<100352xf32, #tpu.memory_space<hbm>>) target(%dma_start3A_189 : memref<512xf32, #tpu.memory_space<vmem>>) offsets(%dma_start3A_192 : memref<512xi32, #tpu.memory_space<vmem>>) semaphore(%arg14 : memref<!tpu.dma_semaphore, #tpu.memory_space<semaphore_mem>>)
        %dma_start3A_195 = arith.constant 0 : i32
        %dma_start3A_196 = arith.constant 0 : i32
        %dma_start3A_197 = arith.constant 0 : i32
        %dma_start3A_198 = arith.constant 1 : i32
        %dma_start3A_199 = arith.constant 0 : i32
        %dma_start3A_200 = tpu.memref_slice %arg10[%dma_start3A_197, %dma_start3A_198, %dma_start3A_199] : memref<3x4x512xf32, #tpu.memory_space<vmem>> -> memref<1x1x512xf32, #tpu.memory_space<vmem>>
        %dma_start3A_201 = tpu.memref_squeeze %dma_start3A_200 : memref<1x1x512xf32, #tpu.memory_space<vmem>> -> memref<512xf32, #tpu.memory_space<vmem>>
        %dma_start3A_202 = arith.constant 0 : i32
        %dma_start3A_203 = tpu.memref_slice %arg8[%dma_start3A_195, %dma_start3A_196, %dma_start3A_202] : memref<3x2x512xi32, #tpu.memory_space<vmem>> -> memref<1x1x512xi32, #tpu.memory_space<vmem>>
        %dma_start3A_204 = tpu.memref_squeeze %dma_start3A_203 : memref<1x1x512xi32, #tpu.memory_space<vmem>> -> memref<512xi32, #tpu.memory_space<vmem>>
        %dma_start3A_205 = arith.constant 0 : i32
        %dma_start3A_206 = tpu.memref_slice %arg5[%dma_start3A_205] : memref<100352xf32, #tpu.memory_space<hbm>> -> memref<100352xf32, #tpu.memory_space<hbm>>
        tpu.enqueue_indirect_dma source(%dma_start3A_206 : memref<100352xf32, #tpu.memory_space<hbm>>) target(%dma_start3A_201 : memref<512xf32, #tpu.memory_space<vmem>>) offsets(%dma_start3A_204 : memref<512xi32, #tpu.memory_space<vmem>>) semaphore(%arg14 : memref<!tpu.dma_semaphore, #tpu.memory_space<semaphore_mem>>)
        %dma_start3A_207 = arith.constant 0 : i32
        %dma_start3A_208 = arith.constant 1 : i32
        %dma_start3A_209 = arith.constant 0 : i32
        %dma_start3A_210 = arith.constant 2 : i32
        %dma_start3A_211 = arith.constant 0 : i32
        %dma_start3A_212 = tpu.memref_slice %arg10[%dma_start3A_209, %dma_start3A_210, %dma_start3A_211] : memref<3x4x512xf32, #tpu.memory_space<vmem>> -> memref<1x1x512xf32, #tpu.memory_space<vmem>>
        %dma_start3A_213 = tpu.memref_squeeze %dma_start3A_212 : memref<1x1x512xf32, #tpu.memory_space<vmem>> -> memref<512xf32, #tpu.memory_space<vmem>>
        %dma_start3A_214 = arith.constant 0 : i32
        %dma_start3A_215 = tpu.memref_slice %arg8[%dma_start3A_207, %dma_start3A_208, %dma_start3A_214] : memref<3x2x512xi32, #tpu.memory_space<vmem>> -> memref<1x1x512xi32, #tpu.memory_space<vmem>>
        %dma_start3A_216 = tpu.memref_squeeze %dma_start3A_215 : memref<1x1x512xi32, #tpu.memory_space<vmem>> -> memref<512xi32, #tpu.memory_space<vmem>>
        %dma_start3A_217 = arith.constant 0 : i32
        %dma_start3A_218 = tpu.memref_slice %arg4[%dma_start3A_217] : memref<100352xf32, #tpu.memory_space<hbm>> -> memref<100352xf32, #tpu.memory_space<hbm>>
        tpu.enqueue_indirect_dma source(%dma_start3A_218 : memref<100352xf32, #tpu.memory_space<hbm>>) target(%dma_start3A_213 : memref<512xf32, #tpu.memory_space<vmem>>) offsets(%dma_start3A_216 : memref<512xi32, #tpu.memory_space<vmem>>) semaphore(%arg14 : memref<!tpu.dma_semaphore, #tpu.memory_space<semaphore_mem>>)
        %dma_start3A_219 = arith.constant 0 : i32
        %dma_start3A_220 = arith.constant 1 : i32
        %dma_start3A_221 = arith.constant 0 : i32
        %dma_start3A_222 = arith.constant 3 : i32
        %dma_start3A_223 = arith.constant 0 : i32
        %dma_start3A_224 = tpu.memref_slice %arg10[%dma_start3A_221, %dma_start3A_222, %dma_start3A_223] : memref<3x4x512xf32, #tpu.memory_space<vmem>> -> memref<1x1x512xf32, #tpu.memory_space<vmem>>
        %dma_start3A_225 = tpu.memref_squeeze %dma_start3A_224 : memref<1x1x512xf32, #tpu.memory_space<vmem>> -> memref<512xf32, #tpu.memory_space<vmem>>
        %dma_start3A_226 = arith.constant 0 : i32
        %dma_start3A_227 = tpu.memref_slice %arg8[%dma_start3A_219, %dma_start3A_220, %dma_start3A_226] : memref<3x2x512xi32, #tpu.memory_space<vmem>> -> memref<1x1x512xi32, #tpu.memory_space<vmem>>
        %dma_start3A_228 = tpu.memref_squeeze %dma_start3A_227 : memref<1x1x512xi32, #tpu.memory_space<vmem>> -> memref<512xi32, #tpu.memory_space<vmem>>
        %dma_start3A_229 = arith.constant 0 : i32
        %dma_start3A_230 = tpu.memref_slice %arg5[%dma_start3A_229] : memref<100352xf32, #tpu.memory_space<hbm>> -> memref<100352xf32, #tpu.memory_space<hbm>>
        tpu.enqueue_indirect_dma source(%dma_start3A_230 : memref<100352xf32, #tpu.memory_space<hbm>>) target(%dma_start3A_225 : memref<512xf32, #tpu.memory_space<vmem>>) offsets(%dma_start3A_228 : memref<512xi32, #tpu.memory_space<vmem>>) semaphore(%arg14 : memref<!tpu.dma_semaphore, #tpu.memory_space<semaphore_mem>>)
      } else {
      }
      %sub3A_53 = arith.constant 32 : i32
      %sub3A_54 = arith.subi %add3A_29, %sub3A_53 : i32
      %ge3A_55 = arith.constant 0 : i32
      %ge3A_56 = arith.cmpi sge, %sub3A_54, %ge3A_55 : i32
      %sub3A_57 = arith.constant 32 : i32
      %sub3A_58 = arith.subi %add3A_29, %sub3A_57 : i32
      %lt3A_59 = arith.constant 6250 : i32
      %lt3A_60 = arith.cmpi slt, %sub3A_58, %lt3A_59 : i32
      %and3A_61 = arith.andi %ge3A_56, %lt3A_60 : i1
      %convert_element_type3A_62 = arith.extui %and3A_61 : i1 to i32
      %cond3A_63 = arith.constant 0 : i32
      %cond3A_64 = arith.cmpi ne, %convert_element_type3A_62, %cond3A_63 : i32
      scf.if %cond3A_64 {
        %dma_wait3A = arith.constant 2 : i32
        %dma_wait3A_155 = arith.constant 0 : i32
        %dma_wait3A_156 = arith.constant 2 : i32
        %dma_wait3A_157 = arith.constant 0 : i32
        %dma_wait3A_158 = arith.constant 0 : i32
        %dma_wait3A_159 = tpu.memref_slice %arg10[%dma_wait3A_156, %dma_wait3A_157, %dma_wait3A_158] : memref<3x4x512xf32, #tpu.memory_space<vmem>> -> memref<1x1x512xf32, #tpu.memory_space<vmem>>
        %dma_wait3A_160 = tpu.memref_squeeze %dma_wait3A_159 : memref<1x1x512xf32, #tpu.memory_space<vmem>> -> memref<512xf32, #tpu.memory_space<vmem>>
        %dma_wait3A_161 = arith.constant 0 : i32
        %dma_wait3A_162 = tpu.memref_slice %arg8[%dma_wait3A, %dma_wait3A_155, %dma_wait3A_161] : memref<3x2x512xi32, #tpu.memory_space<vmem>> -> memref<1x1x512xi32, #tpu.memory_space<vmem>>
        %dma_wait3A_163 = tpu.memref_squeeze %dma_wait3A_162 : memref<1x1x512xi32, #tpu.memory_space<vmem>> -> memref<512xi32, #tpu.memory_space<vmem>>
        %dma_wait3A_164 = arith.constant 0 : i32
        %dma_wait3A_165 = tpu.memref_slice %arg4[%dma_wait3A_164] : memref<100352xf32, #tpu.memory_space<hbm>> -> memref<100352xf32, #tpu.memory_space<hbm>>
        tpu.wait_indirect_dma semaphore(%arg14 : memref<!tpu.dma_semaphore, #tpu.memory_space<semaphore_mem>>) src(%dma_wait3A_165 : memref<100352xf32, #tpu.memory_space<hbm>>) dst(%dma_wait3A_160 : memref<512xf32, #tpu.memory_space<vmem>>)
        %dma_wait3A_166 = arith.constant 2 : i32
        %dma_wait3A_167 = arith.constant 0 : i32
        %dma_wait3A_168 = arith.constant 2 : i32
        %dma_wait3A_169 = arith.constant 1 : i32
        %dma_wait3A_170 = arith.constant 0 : i32
        %dma_wait3A_171 = tpu.memref_slice %arg10[%dma_wait3A_168, %dma_wait3A_169, %dma_wait3A_170] : memref<3x4x512xf32, #tpu.memory_space<vmem>> -> memref<1x1x512xf32, #tpu.memory_space<vmem>>
        %dma_wait3A_172 = tpu.memref_squeeze %dma_wait3A_171 : memref<1x1x512xf32, #tpu.memory_space<vmem>> -> memref<512xf32, #tpu.memory_space<vmem>>
        %dma_wait3A_173 = arith.constant 0 : i32
        %dma_wait3A_174 = tpu.memref_slice %arg8[%dma_wait3A_166, %dma_wait3A_167, %dma_wait3A_173] : memref<3x2x512xi32, #tpu.memory_space<vmem>> -> memref<1x1x512xi32, #tpu.memory_space<vmem>>
        %dma_wait3A_175 = tpu.memref_squeeze %dma_wait3A_174 : memref<1x1x512xi32, #tpu.memory_space<vmem>> -> memref<512xi32, #tpu.memory_space<vmem>>
        %dma_wait3A_176 = arith.constant 0 : i32
        %dma_wait3A_177 = tpu.memref_slice %arg5[%dma_wait3A_176] : memref<100352xf32, #tpu.memory_space<hbm>> -> memref<100352xf32, #tpu.memory_space<hbm>>
        tpu.wait_indirect_dma semaphore(%arg14 : memref<!tpu.dma_semaphore, #tpu.memory_space<semaphore_mem>>) src(%dma_wait3A_177 : memref<100352xf32, #tpu.memory_space<hbm>>) dst(%dma_wait3A_172 : memref<512xf32, #tpu.memory_space<vmem>>)
        %dma_wait3A_178 = arith.constant 2 : i32
        %dma_wait3A_179 = arith.constant 1 : i32
        %dma_wait3A_180 = arith.constant 2 : i32
        %dma_wait3A_181 = arith.constant 2 : i32
        %dma_wait3A_182 = arith.constant 0 : i32
        %dma_wait3A_183 = tpu.memref_slice %arg10[%dma_wait3A_180, %dma_wait3A_181, %dma_wait3A_182] : memref<3x4x512xf32, #tpu.memory_space<vmem>> -> memref<1x1x512xf32, #tpu.memory_space<vmem>>
        %dma_wait3A_184 = tpu.memref_squeeze %dma_wait3A_183 : memref<1x1x512xf32, #tpu.memory_space<vmem>> -> memref<512xf32, #tpu.memory_space<vmem>>
        %dma_wait3A_185 = arith.constant 0 : i32
        %dma_wait3A_186 = tpu.memref_slice %arg8[%dma_wait3A_178, %dma_wait3A_179, %dma_wait3A_185] : memref<3x2x512xi32, #tpu.memory_space<vmem>> -> memref<1x1x512xi32, #tpu.memory_space<vmem>>
        %dma_wait3A_187 = tpu.memref_squeeze %dma_wait3A_186 : memref<1x1x512xi32, #tpu.memory_space<vmem>> -> memref<512xi32, #tpu.memory_space<vmem>>
        %dma_wait3A_188 = arith.constant 0 : i32
        %dma_wait3A_189 = tpu.memref_slice %arg4[%dma_wait3A_188] : memref<100352xf32, #tpu.memory_space<hbm>> -> memref<100352xf32, #tpu.memory_space<hbm>>
        tpu.wait_indirect_dma semaphore(%arg14 : memref<!tpu.dma_semaphore, #tpu.memory_space<semaphore_mem>>) src(%dma_wait3A_189 : memref<100352xf32, #tpu.memory_space<hbm>>) dst(%dma_wait3A_184 : memref<512xf32, #tpu.memory_space<vmem>>)
        %dma_wait3A_190 = arith.constant 2 : i32
        %dma_wait3A_191 = arith.constant 1 : i32
        %dma_wait3A_192 = arith.constant 2 : i32
        %dma_wait3A_193 = arith.constant 3 : i32
        %dma_wait3A_194 = arith.constant 0 : i32
        %dma_wait3A_195 = tpu.memref_slice %arg10[%dma_wait3A_192, %dma_wait3A_193, %dma_wait3A_194] : memref<3x4x512xf32, #tpu.memory_space<vmem>> -> memref<1x1x512xf32, #tpu.memory_space<vmem>>
        %dma_wait3A_196 = tpu.memref_squeeze %dma_wait3A_195 : memref<1x1x512xf32, #tpu.memory_space<vmem>> -> memref<512xf32, #tpu.memory_space<vmem>>
        %dma_wait3A_197 = arith.constant 0 : i32
        %dma_wait3A_198 = tpu.memref_slice %arg8[%dma_wait3A_190, %dma_wait3A_191, %dma_wait3A_197] : memref<3x2x512xi32, #tpu.memory_space<vmem>> -> memref<1x1x512xi32, #tpu.memory_space<vmem>>
        %dma_wait3A_199 = tpu.memref_squeeze %dma_wait3A_198 : memref<1x1x512xi32, #tpu.memory_space<vmem>> -> memref<512xi32, #tpu.memory_space<vmem>>
        %dma_wait3A_200 = arith.constant 0 : i32
        %dma_wait3A_201 = tpu.memref_slice %arg5[%dma_wait3A_200] : memref<100352xf32, #tpu.memory_space<hbm>> -> memref<100352xf32, #tpu.memory_space<hbm>>
        tpu.wait_indirect_dma semaphore(%arg14 : memref<!tpu.dma_semaphore, #tpu.memory_space<semaphore_mem>>) src(%dma_wait3A_201 : memref<100352xf32, #tpu.memory_space<hbm>>) dst(%dma_wait3A_196 : memref<512xf32, #tpu.memory_space<vmem>>)
        %dma_start3A = arith.constant 2 : i32
        %dma_start3A_202 = arith.constant 0 : i32
        %dma_start3A_203 = arith.constant 2 : i32
        %dma_start3A_204 = arith.constant 0 : i32
        %dma_start3A_205 = arith.constant 0 : i32
        %dma_start3A_206 = tpu.memref_slice %arg10[%dma_start3A, %dma_start3A_202, %dma_start3A_205] : memref<3x4x512xf32, #tpu.memory_space<vmem>> -> memref<1x1x512xf32, #tpu.memory_space<vmem>>
        %dma_start3A_207 = tpu.memref_squeeze %dma_start3A_206 : memref<1x1x512xf32, #tpu.memory_space<vmem>> -> memref<512xf32, #tpu.memory_space<vmem>>
        %dma_start3A_208 = arith.constant 0 : i32
        %dma_start3A_209 = tpu.memref_slice %arg9[%dma_start3A_203, %dma_start3A_204, %dma_start3A_208] : memref<3x2x512xi32, #tpu.memory_space<vmem>> -> memref<1x1x512xi32, #tpu.memory_space<vmem>>
        %dma_start3A_210 = tpu.memref_squeeze %dma_start3A_209 : memref<1x1x512xi32, #tpu.memory_space<vmem>> -> memref<512xi32, #tpu.memory_space<vmem>>
        %dma_start3A_211 = arith.constant 0 : i32
        %dma_start3A_212 = tpu.memref_slice %arg11[%dma_start3A_211] : memref<100352xf32, #tpu.memory_space<vmem_shared>> -> memref<100352xf32, #tpu.memory_space<vmem_shared>>
        tpu.enqueue_indirect_dma source(%dma_start3A_207 : memref<512xf32, #tpu.memory_space<vmem>>) target(%dma_start3A_212 : memref<100352xf32, #tpu.memory_space<vmem_shared>>) offsets(%dma_start3A_210 : memref<512xi32, #tpu.memory_space<vmem>>) semaphore(%arg15 : memref<!tpu.dma_semaphore, #tpu.memory_space<semaphore_mem>>) {add = true}
        %dma_start3A_213 = arith.constant 2 : i32
        %dma_start3A_214 = arith.constant 1 : i32
        %dma_start3A_215 = arith.constant 2 : i32
        %dma_start3A_216 = arith.constant 0 : i32
        %dma_start3A_217 = arith.constant 0 : i32
        %dma_start3A_218 = tpu.memref_slice %arg10[%dma_start3A_213, %dma_start3A_214, %dma_start3A_217] : memref<3x4x512xf32, #tpu.memory_space<vmem>> -> memref<1x1x512xf32, #tpu.memory_space<vmem>>
        %dma_start3A_219 = tpu.memref_squeeze %dma_start3A_218 : memref<1x1x512xf32, #tpu.memory_space<vmem>> -> memref<512xf32, #tpu.memory_space<vmem>>
        %dma_start3A_220 = arith.constant 0 : i32
        %dma_start3A_221 = tpu.memref_slice %arg9[%dma_start3A_215, %dma_start3A_216, %dma_start3A_220] : memref<3x2x512xi32, #tpu.memory_space<vmem>> -> memref<1x1x512xi32, #tpu.memory_space<vmem>>
        %dma_start3A_222 = tpu.memref_squeeze %dma_start3A_221 : memref<1x1x512xi32, #tpu.memory_space<vmem>> -> memref<512xi32, #tpu.memory_space<vmem>>
        %dma_start3A_223 = arith.constant 0 : i32
        %dma_start3A_224 = tpu.memref_slice %arg12[%dma_start3A_223] : memref<100352xf32, #tpu.memory_space<vmem_shared>> -> memref<100352xf32, #tpu.memory_space<vmem_shared>>
        tpu.enqueue_indirect_dma source(%dma_start3A_219 : memref<512xf32, #tpu.memory_space<vmem>>) target(%dma_start3A_224 : memref<100352xf32, #tpu.memory_space<vmem_shared>>) offsets(%dma_start3A_222 : memref<512xi32, #tpu.memory_space<vmem>>) semaphore(%arg15 : memref<!tpu.dma_semaphore, #tpu.memory_space<semaphore_mem>>) {add = true}
        %dma_start3A_225 = arith.constant 2 : i32
        %dma_start3A_226 = arith.constant 2 : i32
        %dma_start3A_227 = arith.constant 2 : i32
        %dma_start3A_228 = arith.constant 1 : i32
        %dma_start3A_229 = arith.constant 0 : i32
        %dma_start3A_230 = tpu.memref_slice %arg10[%dma_start3A_225, %dma_start3A_226, %dma_start3A_229] : memref<3x4x512xf32, #tpu.memory_space<vmem>> -> memref<1x1x512xf32, #tpu.memory_space<vmem>>
        %dma_start3A_231 = tpu.memref_squeeze %dma_start3A_230 : memref<1x1x512xf32, #tpu.memory_space<vmem>> -> memref<512xf32, #tpu.memory_space<vmem>>
        %dma_start3A_232 = arith.constant 0 : i32
        %dma_start3A_233 = tpu.memref_slice %arg9[%dma_start3A_227, %dma_start3A_228, %dma_start3A_232] : memref<3x2x512xi32, #tpu.memory_space<vmem>> -> memref<1x1x512xi32, #tpu.memory_space<vmem>>
        %dma_start3A_234 = tpu.memref_squeeze %dma_start3A_233 : memref<1x1x512xi32, #tpu.memory_space<vmem>> -> memref<512xi32, #tpu.memory_space<vmem>>
        %dma_start3A_235 = arith.constant 0 : i32
        %dma_start3A_236 = tpu.memref_slice %arg11[%dma_start3A_235] : memref<100352xf32, #tpu.memory_space<vmem_shared>> -> memref<100352xf32, #tpu.memory_space<vmem_shared>>
        tpu.enqueue_indirect_dma source(%dma_start3A_231 : memref<512xf32, #tpu.memory_space<vmem>>) target(%dma_start3A_236 : memref<100352xf32, #tpu.memory_space<vmem_shared>>) offsets(%dma_start3A_234 : memref<512xi32, #tpu.memory_space<vmem>>) semaphore(%arg15 : memref<!tpu.dma_semaphore, #tpu.memory_space<semaphore_mem>>) {add = true}
        %dma_start3A_237 = arith.constant 2 : i32
        %dma_start3A_238 = arith.constant 3 : i32
        %dma_start3A_239 = arith.constant 2 : i32
        %dma_start3A_240 = arith.constant 1 : i32
        %dma_start3A_241 = arith.constant 0 : i32
        %dma_start3A_242 = tpu.memref_slice %arg10[%dma_start3A_237, %dma_start3A_238, %dma_start3A_241] : memref<3x4x512xf32, #tpu.memory_space<vmem>> -> memref<1x1x512xf32, #tpu.memory_space<vmem>>
        %dma_start3A_243 = tpu.memref_squeeze %dma_start3A_242 : memref<1x1x512xf32, #tpu.memory_space<vmem>> -> memref<512xf32, #tpu.memory_space<vmem>>
        %dma_start3A_244 = arith.constant 0 : i32
        %dma_start3A_245 = tpu.memref_slice %arg9[%dma_start3A_239, %dma_start3A_240, %dma_start3A_244] : memref<3x2x512xi32, #tpu.memory_space<vmem>> -> memref<1x1x512xi32, #tpu.memory_space<vmem>>
        %dma_start3A_246 = tpu.memref_squeeze %dma_start3A_245 : memref<1x1x512xi32, #tpu.memory_space<vmem>> -> memref<512xi32, #tpu.memory_space<vmem>>
        %dma_start3A_247 = arith.constant 0 : i32
        %dma_start3A_248 = tpu.memref_slice %arg12[%dma_start3A_247] : memref<100352xf32, #tpu.memory_space<vmem_shared>> -> memref<100352xf32, #tpu.memory_space<vmem_shared>>
        tpu.enqueue_indirect_dma source(%dma_start3A_243 : memref<512xf32, #tpu.memory_space<vmem>>) target(%dma_start3A_248 : memref<100352xf32, #tpu.memory_space<vmem_shared>>) offsets(%dma_start3A_246 : memref<512xi32, #tpu.memory_space<vmem>>) semaphore(%arg15 : memref<!tpu.dma_semaphore, #tpu.memory_space<semaphore_mem>>) {add = true}
      } else {
      }
      %mul3A_65 = arith.constant 3 : i32
      %mul3A_66 = arith.muli %scan3A_22, %mul3A_65 : i32
      %add3A_67 = arith.constant 1 : i32
      %add3A_68 = arith.addi %mul3A_66, %add3A_67 : i32
      %mul3A_69 = arith.constant 32 : i32
      %mul3A_70 = arith.muli %add3A_68, %mul3A_69 : i32
      %add3A_71 = arith.addi %add3A, %mul3A_70 : i32
      %sub3A_72 = arith.constant 64 : i32
      %sub3A_73 = arith.subi %add3A_71, %sub3A_72 : i32
      %ge3A_74 = arith.constant 0 : i32
      %ge3A_75 = arith.cmpi sge, %sub3A_73, %ge3A_74 : i32
      %sub3A_76 = arith.constant 64 : i32
      %sub3A_77 = arith.subi %add3A_71, %sub3A_76 : i32
      %lt3A_78 = arith.constant 6250 : i32
      %lt3A_79 = arith.cmpi slt, %sub3A_77, %lt3A_78 : i32
      %and3A_80 = arith.andi %ge3A_75, %lt3A_79 : i1
      %convert_element_type3A_81 = arith.extui %and3A_80 : i1 to i32
      %cond3A_82 = arith.constant 0 : i32
      %cond3A_83 = arith.cmpi ne, %convert_element_type3A_81, %cond3A_82 : i32
      scf.if %cond3A_83 {
        %dma_wait3A = arith.constant 2 : i32
        %dma_wait3A_155 = arith.constant 0 : i32
        %dma_wait3A_156 = arith.constant 2 : i32
        %dma_wait3A_157 = arith.constant 0 : i32
        %dma_wait3A_158 = arith.constant 0 : i32
        %dma_wait3A_159 = tpu.memref_slice %arg10[%dma_wait3A, %dma_wait3A_155, %dma_wait3A_158] : memref<3x4x512xf32, #tpu.memory_space<vmem>> -> memref<1x1x512xf32, #tpu.memory_space<vmem>>
        %dma_wait3A_160 = tpu.memref_squeeze %dma_wait3A_159 : memref<1x1x512xf32, #tpu.memory_space<vmem>> -> memref<512xf32, #tpu.memory_space<vmem>>
        %dma_wait3A_161 = arith.constant 0 : i32
        %dma_wait3A_162 = tpu.memref_slice %arg9[%dma_wait3A_156, %dma_wait3A_157, %dma_wait3A_161] : memref<3x2x512xi32, #tpu.memory_space<vmem>> -> memref<1x1x512xi32, #tpu.memory_space<vmem>>
        %dma_wait3A_163 = tpu.memref_squeeze %dma_wait3A_162 : memref<1x1x512xi32, #tpu.memory_space<vmem>> -> memref<512xi32, #tpu.memory_space<vmem>>
        %dma_wait3A_164 = arith.constant 0 : i32
        %dma_wait3A_165 = tpu.memref_slice %arg11[%dma_wait3A_164] : memref<100352xf32, #tpu.memory_space<vmem_shared>> -> memref<100352xf32, #tpu.memory_space<vmem_shared>>
        tpu.wait_indirect_dma semaphore(%arg15 : memref<!tpu.dma_semaphore, #tpu.memory_space<semaphore_mem>>) src(%dma_wait3A_160 : memref<512xf32, #tpu.memory_space<vmem>>) dst(%dma_wait3A_165 : memref<100352xf32, #tpu.memory_space<vmem_shared>>)
        %dma_wait3A_166 = arith.constant 2 : i32
        %dma_wait3A_167 = arith.constant 1 : i32
        %dma_wait3A_168 = arith.constant 2 : i32
        %dma_wait3A_169 = arith.constant 0 : i32
        %dma_wait3A_170 = arith.constant 0 : i32
        %dma_wait3A_171 = tpu.memref_slice %arg10[%dma_wait3A_166, %dma_wait3A_167, %dma_wait3A_170] : memref<3x4x512xf32, #tpu.memory_space<vmem>> -> memref<1x1x512xf32, #tpu.memory_space<vmem>>
        %dma_wait3A_172 = tpu.memref_squeeze %dma_wait3A_171 : memref<1x1x512xf32, #tpu.memory_space<vmem>> -> memref<512xf32, #tpu.memory_space<vmem>>
        %dma_wait3A_173 = arith.constant 0 : i32
        %dma_wait3A_174 = tpu.memref_slice %arg9[%dma_wait3A_168, %dma_wait3A_169, %dma_wait3A_173] : memref<3x2x512xi32, #tpu.memory_space<vmem>> -> memref<1x1x512xi32, #tpu.memory_space<vmem>>
        %dma_wait3A_175 = tpu.memref_squeeze %dma_wait3A_174 : memref<1x1x512xi32, #tpu.memory_space<vmem>> -> memref<512xi32, #tpu.memory_space<vmem>>
        %dma_wait3A_176 = arith.constant 0 : i32
        %dma_wait3A_177 = tpu.memref_slice %arg12[%dma_wait3A_176] : memref<100352xf32, #tpu.memory_space<vmem_shared>> -> memref<100352xf32, #tpu.memory_space<vmem_shared>>
        tpu.wait_indirect_dma semaphore(%arg15 : memref<!tpu.dma_semaphore, #tpu.memory_space<semaphore_mem>>) src(%dma_wait3A_172 : memref<512xf32, #tpu.memory_space<vmem>>) dst(%dma_wait3A_177 : memref<100352xf32, #tpu.memory_space<vmem_shared>>)
        %dma_wait3A_178 = arith.constant 2 : i32
        %dma_wait3A_179 = arith.constant 2 : i32
        %dma_wait3A_180 = arith.constant 2 : i32
        %dma_wait3A_181 = arith.constant 1 : i32
        %dma_wait3A_182 = arith.constant 0 : i32
        %dma_wait3A_183 = tpu.memref_slice %arg10[%dma_wait3A_178, %dma_wait3A_179, %dma_wait3A_182] : memref<3x4x512xf32, #tpu.memory_space<vmem>> -> memref<1x1x512xf32, #tpu.memory_space<vmem>>
        %dma_wait3A_184 = tpu.memref_squeeze %dma_wait3A_183 : memref<1x1x512xf32, #tpu.memory_space<vmem>> -> memref<512xf32, #tpu.memory_space<vmem>>
        %dma_wait3A_185 = arith.constant 0 : i32
        %dma_wait3A_186 = tpu.memref_slice %arg9[%dma_wait3A_180, %dma_wait3A_181, %dma_wait3A_185] : memref<3x2x512xi32, #tpu.memory_space<vmem>> -> memref<1x1x512xi32, #tpu.memory_space<vmem>>
        %dma_wait3A_187 = tpu.memref_squeeze %dma_wait3A_186 : memref<1x1x512xi32, #tpu.memory_space<vmem>> -> memref<512xi32, #tpu.memory_space<vmem>>
        %dma_wait3A_188 = arith.constant 0 : i32
        %dma_wait3A_189 = tpu.memref_slice %arg11[%dma_wait3A_188] : memref<100352xf32, #tpu.memory_space<vmem_shared>> -> memref<100352xf32, #tpu.memory_space<vmem_shared>>
        tpu.wait_indirect_dma semaphore(%arg15 : memref<!tpu.dma_semaphore, #tpu.memory_space<semaphore_mem>>) src(%dma_wait3A_184 : memref<512xf32, #tpu.memory_space<vmem>>) dst(%dma_wait3A_189 : memref<100352xf32, #tpu.memory_space<vmem_shared>>)
        %dma_wait3A_190 = arith.constant 2 : i32
        %dma_wait3A_191 = arith.constant 3 : i32
        %dma_wait3A_192 = arith.constant 2 : i32
        %dma_wait3A_193 = arith.constant 1 : i32
        %dma_wait3A_194 = arith.constant 0 : i32
        %dma_wait3A_195 = tpu.memref_slice %arg10[%dma_wait3A_190, %dma_wait3A_191, %dma_wait3A_194] : memref<3x4x512xf32, #tpu.memory_space<vmem>> -> memref<1x1x512xf32, #tpu.memory_space<vmem>>
        %dma_wait3A_196 = tpu.memref_squeeze %dma_wait3A_195 : memref<1x1x512xf32, #tpu.memory_space<vmem>> -> memref<512xf32, #tpu.memory_space<vmem>>
        %dma_wait3A_197 = arith.constant 0 : i32
        %dma_wait3A_198 = tpu.memref_slice %arg9[%dma_wait3A_192, %dma_wait3A_193, %dma_wait3A_197] : memref<3x2x512xi32, #tpu.memory_space<vmem>> -> memref<1x1x512xi32, #tpu.memory_space<vmem>>
        %dma_wait3A_199 = tpu.memref_squeeze %dma_wait3A_198 : memref<1x1x512xi32, #tpu.memory_space<vmem>> -> memref<512xi32, #tpu.memory_space<vmem>>
        %dma_wait3A_200 = arith.constant 0 : i32
        %dma_wait3A_201 = tpu.memref_slice %arg12[%dma_wait3A_200] : memref<100352xf32, #tpu.memory_space<vmem_shared>> -> memref<100352xf32, #tpu.memory_space<vmem_shared>>
        tpu.wait_indirect_dma semaphore(%arg15 : memref<!tpu.dma_semaphore, #tpu.memory_space<semaphore_mem>>) src(%dma_wait3A_196 : memref<512xf32, #tpu.memory_space<vmem>>) dst(%dma_wait3A_201 : memref<100352xf32, #tpu.memory_space<vmem_shared>>)
      } else {
      }
      %add3A_84 = arith.constant 32 : i32
      %add3A_85 = arith.addi %add3A_71, %add3A_84 : i32
      %lt3A_86 = arith.constant 6250 : i32
      %lt3A_87 = arith.cmpi slt, %add3A_85, %lt3A_86 : i32
      %add3A_88 = arith.constant 32 : i32
      %add3A_89 = arith.addi %add3A_71, %add3A_88 : i32
      %convert_element_type3A_90 = arith.extui %lt3A_87 : i1 to i32
      %cond3A_91 = arith.constant 0 : i32
      %cond3A_92 = arith.cmpi ne, %convert_element_type3A_90, %cond3A_91 : i32
      scf.if %cond3A_92 {
        %mul3A_155 = arith.constant 2 : i32
        %mul3A_156 = arith.muli %add3A_89, %mul3A_155 : i32
        %dma_start3A = arith.constant 2 : i32
        %dma_start3A_157 = arith.constant 0 : i32
        %dma_start3A_158 = arith.constant 0 : i32
        %dma_start3A_159 = tpu.memref_slice %arg8[%dma_start3A, %dma_start3A_157, %dma_start3A_158] : memref<3x2x512xi32, #tpu.memory_space<vmem>> -> memref<1x2x512xi32, #tpu.memory_space<vmem>>
        %dma_start3A_160 = tpu.memref_squeeze %dma_start3A_159 : memref<1x2x512xi32, #tpu.memory_space<vmem>> -> memref<2x512xi32, #tpu.memory_space<vmem>>
        %dma_start3A_161 = arith.constant 0 : i32
        %dma_start3A_162 = tpu.memref_slice %arg2[%mul3A_156, %dma_start3A_161] : memref<12500x512xi32, #tpu.memory_space<hbm>> -> memref<2x512xi32, #tpu.memory_space<hbm>>
        %dma_start3A_163 = arith.constant 0 : i32
        %dma_start3A_164 = arith.constant 0 : i32
        %dma_start3A_165 = tpu.memref_slice %arg8[%dma_start3A, %dma_start3A_163, %dma_start3A_164] : memref<3x2x512xi32, #tpu.memory_space<vmem>> -> memref<1x2x512xi32, #tpu.memory_space<vmem>>
        %dma_start3A_166 = tpu.memref_squeeze %dma_start3A_165 : memref<1x2x512xi32, #tpu.memory_space<vmem>> -> memref<2x512xi32, #tpu.memory_space<vmem>>
        %dma_start3A_167 = arith.constant 0 : i32
        %dma_start3A_168 = tpu.memref_slice %arg2[%mul3A_156, %dma_start3A_167] : memref<12500x512xi32, #tpu.memory_space<hbm>> -> memref<2x512xi32, #tpu.memory_space<hbm>>
        tpu.enqueue_dma source(%dma_start3A_168 : memref<2x512xi32, #tpu.memory_space<hbm>>) target(%dma_start3A_166 : memref<2x512xi32, #tpu.memory_space<vmem>>) target_semaphore(%arg13 : memref<!tpu.dma_semaphore, #tpu.memory_space<semaphore_mem>>)
        %mul3A_169 = arith.constant 2 : i32
        %mul3A_170 = arith.muli %add3A_89, %mul3A_169 : i32
        %dma_start3A_171 = arith.constant 2 : i32
        %dma_start3A_172 = arith.constant 0 : i32
        %dma_start3A_173 = arith.constant 0 : i32
        %dma_start3A_174 = tpu.memref_slice %arg9[%dma_start3A_171, %dma_start3A_172, %dma_start3A_173] : memref<3x2x512xi32, #tpu.memory_space<vmem>> -> memref<1x2x512xi32, #tpu.memory_space<vmem>>
        %dma_start3A_175 = tpu.memref_squeeze %dma_start3A_174 : memref<1x2x512xi32, #tpu.memory_space<vmem>> -> memref<2x512xi32, #tpu.memory_space<vmem>>
        %dma_start3A_176 = arith.constant 0 : i32
        %dma_start3A_177 = tpu.memref_slice %arg3[%mul3A_170, %dma_start3A_176] : memref<12500x512xi32, #tpu.memory_space<hbm>> -> memref<2x512xi32, #tpu.memory_space<hbm>>
        %dma_start3A_178 = arith.constant 0 : i32
        %dma_start3A_179 = arith.constant 0 : i32
        %dma_start3A_180 = tpu.memref_slice %arg9[%dma_start3A_171, %dma_start3A_178, %dma_start3A_179] : memref<3x2x512xi32, #tpu.memory_space<vmem>> -> memref<1x2x512xi32, #tpu.memory_space<vmem>>
        %dma_start3A_181 = tpu.memref_squeeze %dma_start3A_180 : memref<1x2x512xi32, #tpu.memory_space<vmem>> -> memref<2x512xi32, #tpu.memory_space<vmem>>
        %dma_start3A_182 = arith.constant 0 : i32
        %dma_start3A_183 = tpu.memref_slice %arg3[%mul3A_170, %dma_start3A_182] : memref<12500x512xi32, #tpu.memory_space<hbm>> -> memref<2x512xi32, #tpu.memory_space<hbm>>
        tpu.enqueue_dma source(%dma_start3A_183 : memref<2x512xi32, #tpu.memory_space<hbm>>) target(%dma_start3A_181 : memref<2x512xi32, #tpu.memory_space<vmem>>) target_semaphore(%arg13 : memref<!tpu.dma_semaphore, #tpu.memory_space<semaphore_mem>>)
      } else {
      }
      %lt3A_93 = arith.constant 6250 : i32
      %lt3A_94 = arith.cmpi slt, %add3A_71, %lt3A_93 : i32
      %convert_element_type3A_95 = arith.extui %lt3A_94 : i1 to i32
      %cond3A_96 = arith.constant 0 : i32
      %cond3A_97 = arith.cmpi ne, %convert_element_type3A_95, %cond3A_96 : i32
      scf.if %cond3A_97 {
        %mul3A_155 = arith.constant 2 : i32
        %mul3A_156 = arith.muli %add3A_71, %mul3A_155 : i32
        %dma_wait3A = arith.constant 1 : i32
        %dma_wait3A_157 = arith.constant 0 : i32
        %dma_wait3A_158 = arith.constant 0 : i32
        %dma_wait3A_159 = tpu.memref_slice %arg8[%dma_wait3A, %dma_wait3A_157, %dma_wait3A_158] : memref<3x2x512xi32, #tpu.memory_space<vmem>> -> memref<1x2x512xi32, #tpu.memory_space<vmem>>
        %dma_wait3A_160 = tpu.memref_squeeze %dma_wait3A_159 : memref<1x2x512xi32, #tpu.memory_space<vmem>> -> memref<2x512xi32, #tpu.memory_space<vmem>>
        %dma_wait3A_161 = arith.constant 0 : i32
        %dma_wait3A_162 = tpu.memref_slice %arg2[%mul3A_156, %dma_wait3A_161] : memref<12500x512xi32, #tpu.memory_space<hbm>> -> memref<2x512xi32, #tpu.memory_space<hbm>>
        %dma_wait3A_163 = arith.constant 0 : i32
        %dma_wait3A_164 = arith.constant 0 : i32
        %dma_wait3A_165 = tpu.memref_slice %arg8[%dma_wait3A, %dma_wait3A_163, %dma_wait3A_164] : memref<3x2x512xi32, #tpu.memory_space<vmem>> -> memref<1x2x512xi32, #tpu.memory_space<vmem>>
        %dma_wait3A_166 = tpu.memref_squeeze %dma_wait3A_165 : memref<1x2x512xi32, #tpu.memory_space<vmem>> -> memref<2x512xi32, #tpu.memory_space<vmem>>
        %dma_wait3A_167 = arith.constant 0 : i32
        %dma_wait3A_168 = tpu.memref_slice %arg2[%mul3A_156, %dma_wait3A_167] : memref<12500x512xi32, #tpu.memory_space<hbm>> -> memref<2x512xi32, #tpu.memory_space<hbm>>
        tpu.wait_dma2 semaphore(%arg13 : memref<!tpu.dma_semaphore, #tpu.memory_space<semaphore_mem>>) src(%dma_wait3A_168 : memref<2x512xi32, #tpu.memory_space<hbm>>) dst(%dma_wait3A_166 : memref<2x512xi32, #tpu.memory_space<vmem>>)
        %mul3A_169 = arith.constant 2 : i32
        %mul3A_170 = arith.muli %add3A_71, %mul3A_169 : i32
        %dma_wait3A_171 = arith.constant 1 : i32
        %dma_wait3A_172 = arith.constant 0 : i32
        %dma_wait3A_173 = arith.constant 0 : i32
        %dma_wait3A_174 = tpu.memref_slice %arg9[%dma_wait3A_171, %dma_wait3A_172, %dma_wait3A_173] : memref<3x2x512xi32, #tpu.memory_space<vmem>> -> memref<1x2x512xi32, #tpu.memory_space<vmem>>
        %dma_wait3A_175 = tpu.memref_squeeze %dma_wait3A_174 : memref<1x2x512xi32, #tpu.memory_space<vmem>> -> memref<2x512xi32, #tpu.memory_space<vmem>>
        %dma_wait3A_176 = arith.constant 0 : i32
        %dma_wait3A_177 = tpu.memref_slice %arg3[%mul3A_170, %dma_wait3A_176] : memref<12500x512xi32, #tpu.memory_space<hbm>> -> memref<2x512xi32, #tpu.memory_space<hbm>>
        %dma_wait3A_178 = arith.constant 0 : i32
        %dma_wait3A_179 = arith.constant 0 : i32
        %dma_wait3A_180 = tpu.memref_slice %arg9[%dma_wait3A_171, %dma_wait3A_178, %dma_wait3A_179] : memref<3x2x512xi32, #tpu.memory_space<vmem>> -> memref<1x2x512xi32, #tpu.memory_space<vmem>>
        %dma_wait3A_181 = tpu.memref_squeeze %dma_wait3A_180 : memref<1x2x512xi32, #tpu.memory_space<vmem>> -> memref<2x512xi32, #tpu.memory_space<vmem>>
        %dma_wait3A_182 = arith.constant 0 : i32
        %dma_wait3A_183 = tpu.memref_slice %arg3[%mul3A_170, %dma_wait3A_182] : memref<12500x512xi32, #tpu.memory_space<hbm>> -> memref<2x512xi32, #tpu.memory_space<hbm>>
        tpu.wait_dma2 semaphore(%arg13 : memref<!tpu.dma_semaphore, #tpu.memory_space<semaphore_mem>>) src(%dma_wait3A_183 : memref<2x512xi32, #tpu.memory_space<hbm>>) dst(%dma_wait3A_181 : memref<2x512xi32, #tpu.memory_space<vmem>>)
        %dma_start3A = arith.constant 1 : i32
        %dma_start3A_184 = arith.constant 0 : i32
        %dma_start3A_185 = arith.constant 1 : i32
        %dma_start3A_186 = arith.constant 0 : i32
        %dma_start3A_187 = arith.constant 0 : i32
        %dma_start3A_188 = tpu.memref_slice %arg10[%dma_start3A_185, %dma_start3A_186, %dma_start3A_187] : memref<3x4x512xf32, #tpu.memory_space<vmem>> -> memref<1x1x512xf32, #tpu.memory_space<vmem>>
        %dma_start3A_189 = tpu.memref_squeeze %dma_start3A_188 : memref<1x1x512xf32, #tpu.memory_space<vmem>> -> memref<512xf32, #tpu.memory_space<vmem>>
        %dma_start3A_190 = arith.constant 0 : i32
        %dma_start3A_191 = tpu.memref_slice %arg8[%dma_start3A, %dma_start3A_184, %dma_start3A_190] : memref<3x2x512xi32, #tpu.memory_space<vmem>> -> memref<1x1x512xi32, #tpu.memory_space<vmem>>
        %dma_start3A_192 = tpu.memref_squeeze %dma_start3A_191 : memref<1x1x512xi32, #tpu.memory_space<vmem>> -> memref<512xi32, #tpu.memory_space<vmem>>
        %dma_start3A_193 = arith.constant 0 : i32
        %dma_start3A_194 = tpu.memref_slice %arg4[%dma_start3A_193] : memref<100352xf32, #tpu.memory_space<hbm>> -> memref<100352xf32, #tpu.memory_space<hbm>>
        tpu.enqueue_indirect_dma source(%dma_start3A_194 : memref<100352xf32, #tpu.memory_space<hbm>>) target(%dma_start3A_189 : memref<512xf32, #tpu.memory_space<vmem>>) offsets(%dma_start3A_192 : memref<512xi32, #tpu.memory_space<vmem>>) semaphore(%arg14 : memref<!tpu.dma_semaphore, #tpu.memory_space<semaphore_mem>>)
        %dma_start3A_195 = arith.constant 1 : i32
        %dma_start3A_196 = arith.constant 0 : i32
        %dma_start3A_197 = arith.constant 1 : i32
        %dma_start3A_198 = arith.constant 1 : i32
        %dma_start3A_199 = arith.constant 0 : i32
        %dma_start3A_200 = tpu.memref_slice %arg10[%dma_start3A_197, %dma_start3A_198, %dma_start3A_199] : memref<3x4x512xf32, #tpu.memory_space<vmem>> -> memref<1x1x512xf32, #tpu.memory_space<vmem>>
        %dma_start3A_201 = tpu.memref_squeeze %dma_start3A_200 : memref<1x1x512xf32, #tpu.memory_space<vmem>> -> memref<512xf32, #tpu.memory_space<vmem>>
        %dma_start3A_202 = arith.constant 0 : i32
        %dma_start3A_203 = tpu.memref_slice %arg8[%dma_start3A_195, %dma_start3A_196, %dma_start3A_202] : memref<3x2x512xi32, #tpu.memory_space<vmem>> -> memref<1x1x512xi32, #tpu.memory_space<vmem>>
        %dma_start3A_204 = tpu.memref_squeeze %dma_start3A_203 : memref<1x1x512xi32, #tpu.memory_space<vmem>> -> memref<512xi32, #tpu.memory_space<vmem>>
        %dma_start3A_205 = arith.constant 0 : i32
        %dma_start3A_206 = tpu.memref_slice %arg5[%dma_start3A_205] : memref<100352xf32, #tpu.memory_space<hbm>> -> memref<100352xf32, #tpu.memory_space<hbm>>
        tpu.enqueue_indirect_dma source(%dma_start3A_206 : memref<100352xf32, #tpu.memory_space<hbm>>) target(%dma_start3A_201 : memref<512xf32, #tpu.memory_space<vmem>>) offsets(%dma_start3A_204 : memref<512xi32, #tpu.memory_space<vmem>>) semaphore(%arg14 : memref<!tpu.dma_semaphore, #tpu.memory_space<semaphore_mem>>)
        %dma_start3A_207 = arith.constant 1 : i32
        %dma_start3A_208 = arith.constant 1 : i32
        %dma_start3A_209 = arith.constant 1 : i32
        %dma_start3A_210 = arith.constant 2 : i32
        %dma_start3A_211 = arith.constant 0 : i32
        %dma_start3A_212 = tpu.memref_slice %arg10[%dma_start3A_209, %dma_start3A_210, %dma_start3A_211] : memref<3x4x512xf32, #tpu.memory_space<vmem>> -> memref<1x1x512xf32, #tpu.memory_space<vmem>>
        %dma_start3A_213 = tpu.memref_squeeze %dma_start3A_212 : memref<1x1x512xf32, #tpu.memory_space<vmem>> -> memref<512xf32, #tpu.memory_space<vmem>>
        %dma_start3A_214 = arith.constant 0 : i32
        %dma_start3A_215 = tpu.memref_slice %arg8[%dma_start3A_207, %dma_start3A_208, %dma_start3A_214] : memref<3x2x512xi32, #tpu.memory_space<vmem>> -> memref<1x1x512xi32, #tpu.memory_space<vmem>>
        %dma_start3A_216 = tpu.memref_squeeze %dma_start3A_215 : memref<1x1x512xi32, #tpu.memory_space<vmem>> -> memref<512xi32, #tpu.memory_space<vmem>>
        %dma_start3A_217 = arith.constant 0 : i32
        %dma_start3A_218 = tpu.memref_slice %arg4[%dma_start3A_217] : memref<100352xf32, #tpu.memory_space<hbm>> -> memref<100352xf32, #tpu.memory_space<hbm>>
        tpu.enqueue_indirect_dma source(%dma_start3A_218 : memref<100352xf32, #tpu.memory_space<hbm>>) target(%dma_start3A_213 : memref<512xf32, #tpu.memory_space<vmem>>) offsets(%dma_start3A_216 : memref<512xi32, #tpu.memory_space<vmem>>) semaphore(%arg14 : memref<!tpu.dma_semaphore, #tpu.memory_space<semaphore_mem>>)
        %dma_start3A_219 = arith.constant 1 : i32
        %dma_start3A_220 = arith.constant 1 : i32
        %dma_start3A_221 = arith.constant 1 : i32
        %dma_start3A_222 = arith.constant 3 : i32
        %dma_start3A_223 = arith.constant 0 : i32
        %dma_start3A_224 = tpu.memref_slice %arg10[%dma_start3A_221, %dma_start3A_222, %dma_start3A_223] : memref<3x4x512xf32, #tpu.memory_space<vmem>> -> memref<1x1x512xf32, #tpu.memory_space<vmem>>
        %dma_start3A_225 = tpu.memref_squeeze %dma_start3A_224 : memref<1x1x512xf32, #tpu.memory_space<vmem>> -> memref<512xf32, #tpu.memory_space<vmem>>
        %dma_start3A_226 = arith.constant 0 : i32
        %dma_start3A_227 = tpu.memref_slice %arg8[%dma_start3A_219, %dma_start3A_220, %dma_start3A_226] : memref<3x2x512xi32, #tpu.memory_space<vmem>> -> memref<1x1x512xi32, #tpu.memory_space<vmem>>
        %dma_start3A_228 = tpu.memref_squeeze %dma_start3A_227 : memref<1x1x512xi32, #tpu.memory_space<vmem>> -> memref<512xi32, #tpu.memory_space<vmem>>
        %dma_start3A_229 = arith.constant 0 : i32
        %dma_start3A_230 = tpu.memref_slice %arg5[%dma_start3A_229] : memref<100352xf32, #tpu.memory_space<hbm>> -> memref<100352xf32, #tpu.memory_space<hbm>>
        tpu.enqueue_indirect_dma source(%dma_start3A_230 : memref<100352xf32, #tpu.memory_space<hbm>>) target(%dma_start3A_225 : memref<512xf32, #tpu.memory_space<vmem>>) offsets(%dma_start3A_228 : memref<512xi32, #tpu.memory_space<vmem>>) semaphore(%arg14 : memref<!tpu.dma_semaphore, #tpu.memory_space<semaphore_mem>>)
      } else {
      }
      %sub3A_98 = arith.constant 32 : i32
      %sub3A_99 = arith.subi %add3A_71, %sub3A_98 : i32
      %ge3A_100 = arith.constant 0 : i32
      %ge3A_101 = arith.cmpi sge, %sub3A_99, %ge3A_100 : i32
      %sub3A_102 = arith.constant 32 : i32
      %sub3A_103 = arith.subi %add3A_71, %sub3A_102 : i32
      %lt3A_104 = arith.constant 6250 : i32
      %lt3A_105 = arith.cmpi slt, %sub3A_103, %lt3A_104 : i32
      %and3A_106 = arith.andi %ge3A_101, %lt3A_105 : i1
      %convert_element_type3A_107 = arith.extui %and3A_106 : i1 to i32
      %cond3A_108 = arith.constant 0 : i32
      %cond3A_109 = arith.cmpi ne, %convert_element_type3A_107, %cond3A_108 : i32
      scf.if %cond3A_109 {
        %dma_wait3A = arith.constant 0 : i32
        %dma_wait3A_155 = arith.constant 0 : i32
        %dma_wait3A_156 = arith.constant 0 : i32
        %dma_wait3A_157 = arith.constant 0 : i32
        %dma_wait3A_158 = arith.constant 0 : i32
        %dma_wait3A_159 = tpu.memref_slice %arg10[%dma_wait3A_156, %dma_wait3A_157, %dma_wait3A_158] : memref<3x4x512xf32, #tpu.memory_space<vmem>> -> memref<1x1x512xf32, #tpu.memory_space<vmem>>
        %dma_wait3A_160 = tpu.memref_squeeze %dma_wait3A_159 : memref<1x1x512xf32, #tpu.memory_space<vmem>> -> memref<512xf32, #tpu.memory_space<vmem>>
        %dma_wait3A_161 = arith.constant 0 : i32
        %dma_wait3A_162 = tpu.memref_slice %arg8[%dma_wait3A, %dma_wait3A_155, %dma_wait3A_161] : memref<3x2x512xi32, #tpu.memory_space<vmem>> -> memref<1x1x512xi32, #tpu.memory_space<vmem>>
        %dma_wait3A_163 = tpu.memref_squeeze %dma_wait3A_162 : memref<1x1x512xi32, #tpu.memory_space<vmem>> -> memref<512xi32, #tpu.memory_space<vmem>>
        %dma_wait3A_164 = arith.constant 0 : i32
        %dma_wait3A_165 = tpu.memref_slice %arg4[%dma_wait3A_164] : memref<100352xf32, #tpu.memory_space<hbm>> -> memref<100352xf32, #tpu.memory_space<hbm>>
        tpu.wait_indirect_dma semaphore(%arg14 : memref<!tpu.dma_semaphore, #tpu.memory_space<semaphore_mem>>) src(%dma_wait3A_165 : memref<100352xf32, #tpu.memory_space<hbm>>) dst(%dma_wait3A_160 : memref<512xf32, #tpu.memory_space<vmem>>)
        %dma_wait3A_166 = arith.constant 0 : i32
        %dma_wait3A_167 = arith.constant 0 : i32
        %dma_wait3A_168 = arith.constant 0 : i32
        %dma_wait3A_169 = arith.constant 1 : i32
        %dma_wait3A_170 = arith.constant 0 : i32
        %dma_wait3A_171 = tpu.memref_slice %arg10[%dma_wait3A_168, %dma_wait3A_169, %dma_wait3A_170] : memref<3x4x512xf32, #tpu.memory_space<vmem>> -> memref<1x1x512xf32, #tpu.memory_space<vmem>>
        %dma_wait3A_172 = tpu.memref_squeeze %dma_wait3A_171 : memref<1x1x512xf32, #tpu.memory_space<vmem>> -> memref<512xf32, #tpu.memory_space<vmem>>
        %dma_wait3A_173 = arith.constant 0 : i32
        %dma_wait3A_174 = tpu.memref_slice %arg8[%dma_wait3A_166, %dma_wait3A_167, %dma_wait3A_173] : memref<3x2x512xi32, #tpu.memory_space<vmem>> -> memref<1x1x512xi32, #tpu.memory_space<vmem>>
        %dma_wait3A_175 = tpu.memref_squeeze %dma_wait3A_174 : memref<1x1x512xi32, #tpu.memory_space<vmem>> -> memref<512xi32, #tpu.memory_space<vmem>>
        %dma_wait3A_176 = arith.constant 0 : i32
        %dma_wait3A_177 = tpu.memref_slice %arg5[%dma_wait3A_176] : memref<100352xf32, #tpu.memory_space<hbm>> -> memref<100352xf32, #tpu.memory_space<hbm>>
        tpu.wait_indirect_dma semaphore(%arg14 : memref<!tpu.dma_semaphore, #tpu.memory_space<semaphore_mem>>) src(%dma_wait3A_177 : memref<100352xf32, #tpu.memory_space<hbm>>) dst(%dma_wait3A_172 : memref<512xf32, #tpu.memory_space<vmem>>)
        %dma_wait3A_178 = arith.constant 0 : i32
        %dma_wait3A_179 = arith.constant 1 : i32
        %dma_wait3A_180 = arith.constant 0 : i32
        %dma_wait3A_181 = arith.constant 2 : i32
        %dma_wait3A_182 = arith.constant 0 : i32
        %dma_wait3A_183 = tpu.memref_slice %arg10[%dma_wait3A_180, %dma_wait3A_181, %dma_wait3A_182] : memref<3x4x512xf32, #tpu.memory_space<vmem>> -> memref<1x1x512xf32, #tpu.memory_space<vmem>>
        %dma_wait3A_184 = tpu.memref_squeeze %dma_wait3A_183 : memref<1x1x512xf32, #tpu.memory_space<vmem>> -> memref<512xf32, #tpu.memory_space<vmem>>
        %dma_wait3A_185 = arith.constant 0 : i32
        %dma_wait3A_186 = tpu.memref_slice %arg8[%dma_wait3A_178, %dma_wait3A_179, %dma_wait3A_185] : memref<3x2x512xi32, #tpu.memory_space<vmem>> -> memref<1x1x512xi32, #tpu.memory_space<vmem>>
        %dma_wait3A_187 = tpu.memref_squeeze %dma_wait3A_186 : memref<1x1x512xi32, #tpu.memory_space<vmem>> -> memref<512xi32, #tpu.memory_space<vmem>>
        %dma_wait3A_188 = arith.constant 0 : i32
        %dma_wait3A_189 = tpu.memref_slice %arg4[%dma_wait3A_188] : memref<100352xf32, #tpu.memory_space<hbm>> -> memref<100352xf32, #tpu.memory_space<hbm>>
        tpu.wait_indirect_dma semaphore(%arg14 : memref<!tpu.dma_semaphore, #tpu.memory_space<semaphore_mem>>) src(%dma_wait3A_189 : memref<100352xf32, #tpu.memory_space<hbm>>) dst(%dma_wait3A_184 : memref<512xf32, #tpu.memory_space<vmem>>)
        %dma_wait3A_190 = arith.constant 0 : i32
        %dma_wait3A_191 = arith.constant 1 : i32
        %dma_wait3A_192 = arith.constant 0 : i32
        %dma_wait3A_193 = arith.constant 3 : i32
        %dma_wait3A_194 = arith.constant 0 : i32
        %dma_wait3A_195 = tpu.memref_slice %arg10[%dma_wait3A_192, %dma_wait3A_193, %dma_wait3A_194] : memref<3x4x512xf32, #tpu.memory_space<vmem>> -> memref<1x1x512xf32, #tpu.memory_space<vmem>>
        %dma_wait3A_196 = tpu.memref_squeeze %dma_wait3A_195 : memref<1x1x512xf32, #tpu.memory_space<vmem>> -> memref<512xf32, #tpu.memory_space<vmem>>
        %dma_wait3A_197 = arith.constant 0 : i32
        %dma_wait3A_198 = tpu.memref_slice %arg8[%dma_wait3A_190, %dma_wait3A_191, %dma_wait3A_197] : memref<3x2x512xi32, #tpu.memory_space<vmem>> -> memref<1x1x512xi32, #tpu.memory_space<vmem>>
        %dma_wait3A_199 = tpu.memref_squeeze %dma_wait3A_198 : memref<1x1x512xi32, #tpu.memory_space<vmem>> -> memref<512xi32, #tpu.memory_space<vmem>>
        %dma_wait3A_200 = arith.constant 0 : i32
        %dma_wait3A_201 = tpu.memref_slice %arg5[%dma_wait3A_200] : memref<100352xf32, #tpu.memory_space<hbm>> -> memref<100352xf32, #tpu.memory_space<hbm>>
        tpu.wait_indirect_dma semaphore(%arg14 : memref<!tpu.dma_semaphore, #tpu.memory_space<semaphore_mem>>) src(%dma_wait3A_201 : memref<100352xf32, #tpu.memory_space<hbm>>) dst(%dma_wait3A_196 : memref<512xf32, #tpu.memory_space<vmem>>)
        %dma_start3A = arith.constant 0 : i32
        %dma_start3A_202 = arith.constant 0 : i32
        %dma_start3A_203 = arith.constant 0 : i32
        %dma_start3A_204 = arith.constant 0 : i32
        %dma_start3A_205 = arith.constant 0 : i32
        %dma_start3A_206 = tpu.memref_slice %arg10[%dma_start3A, %dma_start3A_202, %dma_start3A_205] : memref<3x4x512xf32, #tpu.memory_space<vmem>> -> memref<1x1x512xf32, #tpu.memory_space<vmem>>
        %dma_start3A_207 = tpu.memref_squeeze %dma_start3A_206 : memref<1x1x512xf32, #tpu.memory_space<vmem>> -> memref<512xf32, #tpu.memory_space<vmem>>
        %dma_start3A_208 = arith.constant 0 : i32
        %dma_start3A_209 = tpu.memref_slice %arg9[%dma_start3A_203, %dma_start3A_204, %dma_start3A_208] : memref<3x2x512xi32, #tpu.memory_space<vmem>> -> memref<1x1x512xi32, #tpu.memory_space<vmem>>
        %dma_start3A_210 = tpu.memref_squeeze %dma_start3A_209 : memref<1x1x512xi32, #tpu.memory_space<vmem>> -> memref<512xi32, #tpu.memory_space<vmem>>
        %dma_start3A_211 = arith.constant 0 : i32
        %dma_start3A_212 = tpu.memref_slice %arg11[%dma_start3A_211] : memref<100352xf32, #tpu.memory_space<vmem_shared>> -> memref<100352xf32, #tpu.memory_space<vmem_shared>>
        tpu.enqueue_indirect_dma source(%dma_start3A_207 : memref<512xf32, #tpu.memory_space<vmem>>) target(%dma_start3A_212 : memref<100352xf32, #tpu.memory_space<vmem_shared>>) offsets(%dma_start3A_210 : memref<512xi32, #tpu.memory_space<vmem>>) semaphore(%arg15 : memref<!tpu.dma_semaphore, #tpu.memory_space<semaphore_mem>>) {add = true}
        %dma_start3A_213 = arith.constant 0 : i32
        %dma_start3A_214 = arith.constant 1 : i32
        %dma_start3A_215 = arith.constant 0 : i32
        %dma_start3A_216 = arith.constant 0 : i32
        %dma_start3A_217 = arith.constant 0 : i32
        %dma_start3A_218 = tpu.memref_slice %arg10[%dma_start3A_213, %dma_start3A_214, %dma_start3A_217] : memref<3x4x512xf32, #tpu.memory_space<vmem>> -> memref<1x1x512xf32, #tpu.memory_space<vmem>>
        %dma_start3A_219 = tpu.memref_squeeze %dma_start3A_218 : memref<1x1x512xf32, #tpu.memory_space<vmem>> -> memref<512xf32, #tpu.memory_space<vmem>>
        %dma_start3A_220 = arith.constant 0 : i32
        %dma_start3A_221 = tpu.memref_slice %arg9[%dma_start3A_215, %dma_start3A_216, %dma_start3A_220] : memref<3x2x512xi32, #tpu.memory_space<vmem>> -> memref<1x1x512xi32, #tpu.memory_space<vmem>>
        %dma_start3A_222 = tpu.memref_squeeze %dma_start3A_221 : memref<1x1x512xi32, #tpu.memory_space<vmem>> -> memref<512xi32, #tpu.memory_space<vmem>>
        %dma_start3A_223 = arith.constant 0 : i32
        %dma_start3A_224 = tpu.memref_slice %arg12[%dma_start3A_223] : memref<100352xf32, #tpu.memory_space<vmem_shared>> -> memref<100352xf32, #tpu.memory_space<vmem_shared>>
        tpu.enqueue_indirect_dma source(%dma_start3A_219 : memref<512xf32, #tpu.memory_space<vmem>>) target(%dma_start3A_224 : memref<100352xf32, #tpu.memory_space<vmem_shared>>) offsets(%dma_start3A_222 : memref<512xi32, #tpu.memory_space<vmem>>) semaphore(%arg15 : memref<!tpu.dma_semaphore, #tpu.memory_space<semaphore_mem>>) {add = true}
        %dma_start3A_225 = arith.constant 0 : i32
        %dma_start3A_226 = arith.constant 2 : i32
        %dma_start3A_227 = arith.constant 0 : i32
        %dma_start3A_228 = arith.constant 1 : i32
        %dma_start3A_229 = arith.constant 0 : i32
        %dma_start3A_230 = tpu.memref_slice %arg10[%dma_start3A_225, %dma_start3A_226, %dma_start3A_229] : memref<3x4x512xf32, #tpu.memory_space<vmem>> -> memref<1x1x512xf32, #tpu.memory_space<vmem>>
        %dma_start3A_231 = tpu.memref_squeeze %dma_start3A_230 : memref<1x1x512xf32, #tpu.memory_space<vmem>> -> memref<512xf32, #tpu.memory_space<vmem>>
        %dma_start3A_232 = arith.constant 0 : i32
        %dma_start3A_233 = tpu.memref_slice %arg9[%dma_start3A_227, %dma_start3A_228, %dma_start3A_232] : memref<3x2x512xi32, #tpu.memory_space<vmem>> -> memref<1x1x512xi32, #tpu.memory_space<vmem>>
        %dma_start3A_234 = tpu.memref_squeeze %dma_start3A_233 : memref<1x1x512xi32, #tpu.memory_space<vmem>> -> memref<512xi32, #tpu.memory_space<vmem>>
        %dma_start3A_235 = arith.constant 0 : i32
        %dma_start3A_236 = tpu.memref_slice %arg11[%dma_start3A_235] : memref<100352xf32, #tpu.memory_space<vmem_shared>> -> memref<100352xf32, #tpu.memory_space<vmem_shared>>
        tpu.enqueue_indirect_dma source(%dma_start3A_231 : memref<512xf32, #tpu.memory_space<vmem>>) target(%dma_start3A_236 : memref<100352xf32, #tpu.memory_space<vmem_shared>>) offsets(%dma_start3A_234 : memref<512xi32, #tpu.memory_space<vmem>>) semaphore(%arg15 : memref<!tpu.dma_semaphore, #tpu.memory_space<semaphore_mem>>) {add = true}
        %dma_start3A_237 = arith.constant 0 : i32
        %dma_start3A_238 = arith.constant 3 : i32
        %dma_start3A_239 = arith.constant 0 : i32
        %dma_start3A_240 = arith.constant 1 : i32
        %dma_start3A_241 = arith.constant 0 : i32
        %dma_start3A_242 = tpu.memref_slice %arg10[%dma_start3A_237, %dma_start3A_238, %dma_start3A_241] : memref<3x4x512xf32, #tpu.memory_space<vmem>> -> memref<1x1x512xf32, #tpu.memory_space<vmem>>
        %dma_start3A_243 = tpu.memref_squeeze %dma_start3A_242 : memref<1x1x512xf32, #tpu.memory_space<vmem>> -> memref<512xf32, #tpu.memory_space<vmem>>
        %dma_start3A_244 = arith.constant 0 : i32
        %dma_start3A_245 = tpu.memref_slice %arg9[%dma_start3A_239, %dma_start3A_240, %dma_start3A_244] : memref<3x2x512xi32, #tpu.memory_space<vmem>> -> memref<1x1x512xi32, #tpu.memory_space<vmem>>
        %dma_start3A_246 = tpu.memref_squeeze %dma_start3A_245 : memref<1x1x512xi32, #tpu.memory_space<vmem>> -> memref<512xi32, #tpu.memory_space<vmem>>
        %dma_start3A_247 = arith.constant 0 : i32
        %dma_start3A_248 = tpu.memref_slice %arg12[%dma_start3A_247] : memref<100352xf32, #tpu.memory_space<vmem_shared>> -> memref<100352xf32, #tpu.memory_space<vmem_shared>>
        tpu.enqueue_indirect_dma source(%dma_start3A_243 : memref<512xf32, #tpu.memory_space<vmem>>) target(%dma_start3A_248 : memref<100352xf32, #tpu.memory_space<vmem_shared>>) offsets(%dma_start3A_246 : memref<512xi32, #tpu.memory_space<vmem>>) semaphore(%arg15 : memref<!tpu.dma_semaphore, #tpu.memory_space<semaphore_mem>>) {add = true}
      } else {
      }
      %mul3A_110 = arith.constant 3 : i32
      %mul3A_111 = arith.muli %scan3A_22, %mul3A_110 : i32
      %add3A_112 = arith.constant 2 : i32
      %add3A_113 = arith.addi %mul3A_111, %add3A_112 : i32
      %mul3A_114 = arith.constant 32 : i32
      %mul3A_115 = arith.muli %add3A_113, %mul3A_114 : i32
      %add3A_116 = arith.addi %add3A, %mul3A_115 : i32
      %sub3A_117 = arith.constant 64 : i32
      %sub3A_118 = arith.subi %add3A_116, %sub3A_117 : i32
      %ge3A_119 = arith.constant 0 : i32
      %ge3A_120 = arith.cmpi sge, %sub3A_118, %ge3A_119 : i32
      %sub3A_121 = arith.constant 64 : i32
      %sub3A_122 = arith.subi %add3A_116, %sub3A_121 : i32
      %lt3A_123 = arith.constant 6250 : i32
      %lt3A_124 = arith.cmpi slt, %sub3A_122, %lt3A_123 : i32
      %and3A_125 = arith.andi %ge3A_120, %lt3A_124 : i1
      %convert_element_type3A_126 = arith.extui %and3A_125 : i1 to i32
      %cond3A_127 = arith.constant 0 : i32
      %cond3A_128 = arith.cmpi ne, %convert_element_type3A_126, %cond3A_127 : i32
      scf.if %cond3A_128 {
        %dma_wait3A = arith.constant 0 : i32
        %dma_wait3A_155 = arith.constant 0 : i32
        %dma_wait3A_156 = arith.constant 0 : i32
        %dma_wait3A_157 = arith.constant 0 : i32
        %dma_wait3A_158 = arith.constant 0 : i32
        %dma_wait3A_159 = tpu.memref_slice %arg10[%dma_wait3A, %dma_wait3A_155, %dma_wait3A_158] : memref<3x4x512xf32, #tpu.memory_space<vmem>> -> memref<1x1x512xf32, #tpu.memory_space<vmem>>
        %dma_wait3A_160 = tpu.memref_squeeze %dma_wait3A_159 : memref<1x1x512xf32, #tpu.memory_space<vmem>> -> memref<512xf32, #tpu.memory_space<vmem>>
        %dma_wait3A_161 = arith.constant 0 : i32
        %dma_wait3A_162 = tpu.memref_slice %arg9[%dma_wait3A_156, %dma_wait3A_157, %dma_wait3A_161] : memref<3x2x512xi32, #tpu.memory_space<vmem>> -> memref<1x1x512xi32, #tpu.memory_space<vmem>>
        %dma_wait3A_163 = tpu.memref_squeeze %dma_wait3A_162 : memref<1x1x512xi32, #tpu.memory_space<vmem>> -> memref<512xi32, #tpu.memory_space<vmem>>
        %dma_wait3A_164 = arith.constant 0 : i32
        %dma_wait3A_165 = tpu.memref_slice %arg11[%dma_wait3A_164] : memref<100352xf32, #tpu.memory_space<vmem_shared>> -> memref<100352xf32, #tpu.memory_space<vmem_shared>>
        tpu.wait_indirect_dma semaphore(%arg15 : memref<!tpu.dma_semaphore, #tpu.memory_space<semaphore_mem>>) src(%dma_wait3A_160 : memref<512xf32, #tpu.memory_space<vmem>>) dst(%dma_wait3A_165 : memref<100352xf32, #tpu.memory_space<vmem_shared>>)
        %dma_wait3A_166 = arith.constant 0 : i32
        %dma_wait3A_167 = arith.constant 1 : i32
        %dma_wait3A_168 = arith.constant 0 : i32
        %dma_wait3A_169 = arith.constant 0 : i32
        %dma_wait3A_170 = arith.constant 0 : i32
        %dma_wait3A_171 = tpu.memref_slice %arg10[%dma_wait3A_166, %dma_wait3A_167, %dma_wait3A_170] : memref<3x4x512xf32, #tpu.memory_space<vmem>> -> memref<1x1x512xf32, #tpu.memory_space<vmem>>
        %dma_wait3A_172 = tpu.memref_squeeze %dma_wait3A_171 : memref<1x1x512xf32, #tpu.memory_space<vmem>> -> memref<512xf32, #tpu.memory_space<vmem>>
        %dma_wait3A_173 = arith.constant 0 : i32
        %dma_wait3A_174 = tpu.memref_slice %arg9[%dma_wait3A_168, %dma_wait3A_169, %dma_wait3A_173] : memref<3x2x512xi32, #tpu.memory_space<vmem>> -> memref<1x1x512xi32, #tpu.memory_space<vmem>>
        %dma_wait3A_175 = tpu.memref_squeeze %dma_wait3A_174 : memref<1x1x512xi32, #tpu.memory_space<vmem>> -> memref<512xi32, #tpu.memory_space<vmem>>
        %dma_wait3A_176 = arith.constant 0 : i32
        %dma_wait3A_177 = tpu.memref_slice %arg12[%dma_wait3A_176] : memref<100352xf32, #tpu.memory_space<vmem_shared>> -> memref<100352xf32, #tpu.memory_space<vmem_shared>>
        tpu.wait_indirect_dma semaphore(%arg15 : memref<!tpu.dma_semaphore, #tpu.memory_space<semaphore_mem>>) src(%dma_wait3A_172 : memref<512xf32, #tpu.memory_space<vmem>>) dst(%dma_wait3A_177 : memref<100352xf32, #tpu.memory_space<vmem_shared>>)
        %dma_wait3A_178 = arith.constant 0 : i32
        %dma_wait3A_179 = arith.constant 2 : i32
        %dma_wait3A_180 = arith.constant 0 : i32
        %dma_wait3A_181 = arith.constant 1 : i32
        %dma_wait3A_182 = arith.constant 0 : i32
        %dma_wait3A_183 = tpu.memref_slice %arg10[%dma_wait3A_178, %dma_wait3A_179, %dma_wait3A_182] : memref<3x4x512xf32, #tpu.memory_space<vmem>> -> memref<1x1x512xf32, #tpu.memory_space<vmem>>
        %dma_wait3A_184 = tpu.memref_squeeze %dma_wait3A_183 : memref<1x1x512xf32, #tpu.memory_space<vmem>> -> memref<512xf32, #tpu.memory_space<vmem>>
        %dma_wait3A_185 = arith.constant 0 : i32
        %dma_wait3A_186 = tpu.memref_slice %arg9[%dma_wait3A_180, %dma_wait3A_181, %dma_wait3A_185] : memref<3x2x512xi32, #tpu.memory_space<vmem>> -> memref<1x1x512xi32, #tpu.memory_space<vmem>>
        %dma_wait3A_187 = tpu.memref_squeeze %dma_wait3A_186 : memref<1x1x512xi32, #tpu.memory_space<vmem>> -> memref<512xi32, #tpu.memory_space<vmem>>
        %dma_wait3A_188 = arith.constant 0 : i32
        %dma_wait3A_189 = tpu.memref_slice %arg11[%dma_wait3A_188] : memref<100352xf32, #tpu.memory_space<vmem_shared>> -> memref<100352xf32, #tpu.memory_space<vmem_shared>>
        tpu.wait_indirect_dma semaphore(%arg15 : memref<!tpu.dma_semaphore, #tpu.memory_space<semaphore_mem>>) src(%dma_wait3A_184 : memref<512xf32, #tpu.memory_space<vmem>>) dst(%dma_wait3A_189 : memref<100352xf32, #tpu.memory_space<vmem_shared>>)
        %dma_wait3A_190 = arith.constant 0 : i32
        %dma_wait3A_191 = arith.constant 3 : i32
        %dma_wait3A_192 = arith.constant 0 : i32
        %dma_wait3A_193 = arith.constant 1 : i32
        %dma_wait3A_194 = arith.constant 0 : i32
        %dma_wait3A_195 = tpu.memref_slice %arg10[%dma_wait3A_190, %dma_wait3A_191, %dma_wait3A_194] : memref<3x4x512xf32, #tpu.memory_space<vmem>> -> memref<1x1x512xf32, #tpu.memory_space<vmem>>
        %dma_wait3A_196 = tpu.memref_squeeze %dma_wait3A_195 : memref<1x1x512xf32, #tpu.memory_space<vmem>> -> memref<512xf32, #tpu.memory_space<vmem>>
        %dma_wait3A_197 = arith.constant 0 : i32
        %dma_wait3A_198 = tpu.memref_slice %arg9[%dma_wait3A_192, %dma_wait3A_193, %dma_wait3A_197] : memref<3x2x512xi32, #tpu.memory_space<vmem>> -> memref<1x1x512xi32, #tpu.memory_space<vmem>>
        %dma_wait3A_199 = tpu.memref_squeeze %dma_wait3A_198 : memref<1x1x512xi32, #tpu.memory_space<vmem>> -> memref<512xi32, #tpu.memory_space<vmem>>
        %dma_wait3A_200 = arith.constant 0 : i32
        %dma_wait3A_201 = tpu.memref_slice %arg12[%dma_wait3A_200] : memref<100352xf32, #tpu.memory_space<vmem_shared>> -> memref<100352xf32, #tpu.memory_space<vmem_shared>>
        tpu.wait_indirect_dma semaphore(%arg15 : memref<!tpu.dma_semaphore, #tpu.memory_space<semaphore_mem>>) src(%dma_wait3A_196 : memref<512xf32, #tpu.memory_space<vmem>>) dst(%dma_wait3A_201 : memref<100352xf32, #tpu.memory_space<vmem_shared>>)
      } else {
      }
      %add3A_129 = arith.constant 32 : i32
      %add3A_130 = arith.addi %add3A_116, %add3A_129 : i32
      %lt3A_131 = arith.constant 6250 : i32
      %lt3A_132 = arith.cmpi slt, %add3A_130, %lt3A_131 : i32
      %add3A_133 = arith.constant 32 : i32
      %add3A_134 = arith.addi %add3A_116, %add3A_133 : i32
      %convert_element_type3A_135 = arith.extui %lt3A_132 : i1 to i32
      %cond3A_136 = arith.constant 0 : i32
      %cond3A_137 = arith.cmpi ne, %convert_element_type3A_135, %cond3A_136 : i32
      scf.if %cond3A_137 {
        %mul3A_155 = arith.constant 2 : i32
        %mul3A_156 = arith.muli %add3A_134, %mul3A_155 : i32
        %dma_start3A = arith.constant 0 : i32
        %dma_start3A_157 = arith.constant 0 : i32
        %dma_start3A_158 = arith.constant 0 : i32
        %dma_start3A_159 = tpu.memref_slice %arg8[%dma_start3A, %dma_start3A_157, %dma_start3A_158] : memref<3x2x512xi32, #tpu.memory_space<vmem>> -> memref<1x2x512xi32, #tpu.memory_space<vmem>>
        %dma_start3A_160 = tpu.memref_squeeze %dma_start3A_159 : memref<1x2x512xi32, #tpu.memory_space<vmem>> -> memref<2x512xi32, #tpu.memory_space<vmem>>
        %dma_start3A_161 = arith.constant 0 : i32
        %dma_start3A_162 = tpu.memref_slice %arg2[%mul3A_156, %dma_start3A_161] : memref<12500x512xi32, #tpu.memory_space<hbm>> -> memref<2x512xi32, #tpu.memory_space<hbm>>
        %dma_start3A_163 = arith.constant 0 : i32
        %dma_start3A_164 = arith.constant 0 : i32
        %dma_start3A_165 = tpu.memref_slice %arg8[%dma_start3A, %dma_start3A_163, %dma_start3A_164] : memref<3x2x512xi32, #tpu.memory_space<vmem>> -> memref<1x2x512xi32, #tpu.memory_space<vmem>>
        %dma_start3A_166 = tpu.memref_squeeze %dma_start3A_165 : memref<1x2x512xi32, #tpu.memory_space<vmem>> -> memref<2x512xi32, #tpu.memory_space<vmem>>
        %dma_start3A_167 = arith.constant 0 : i32
        %dma_start3A_168 = tpu.memref_slice %arg2[%mul3A_156, %dma_start3A_167] : memref<12500x512xi32, #tpu.memory_space<hbm>> -> memref<2x512xi32, #tpu.memory_space<hbm>>
        tpu.enqueue_dma source(%dma_start3A_168 : memref<2x512xi32, #tpu.memory_space<hbm>>) target(%dma_start3A_166 : memref<2x512xi32, #tpu.memory_space<vmem>>) target_semaphore(%arg13 : memref<!tpu.dma_semaphore, #tpu.memory_space<semaphore_mem>>)
        %mul3A_169 = arith.constant 2 : i32
        %mul3A_170 = arith.muli %add3A_134, %mul3A_169 : i32
        %dma_start3A_171 = arith.constant 0 : i32
        %dma_start3A_172 = arith.constant 0 : i32
        %dma_start3A_173 = arith.constant 0 : i32
        %dma_start3A_174 = tpu.memref_slice %arg9[%dma_start3A_171, %dma_start3A_172, %dma_start3A_173] : memref<3x2x512xi32, #tpu.memory_space<vmem>> -> memref<1x2x512xi32, #tpu.memory_space<vmem>>
        %dma_start3A_175 = tpu.memref_squeeze %dma_start3A_174 : memref<1x2x512xi32, #tpu.memory_space<vmem>> -> memref<2x512xi32, #tpu.memory_space<vmem>>
        %dma_start3A_176 = arith.constant 0 : i32
        %dma_start3A_177 = tpu.memref_slice %arg3[%mul3A_170, %dma_start3A_176] : memref<12500x512xi32, #tpu.memory_space<hbm>> -> memref<2x512xi32, #tpu.memory_space<hbm>>
        %dma_start3A_178 = arith.constant 0 : i32
        %dma_start3A_179 = arith.constant 0 : i32
        %dma_start3A_180 = tpu.memref_slice %arg9[%dma_start3A_171, %dma_start3A_178, %dma_start3A_179] : memref<3x2x512xi32, #tpu.memory_space<vmem>> -> memref<1x2x512xi32, #tpu.memory_space<vmem>>
        %dma_start3A_181 = tpu.memref_squeeze %dma_start3A_180 : memref<1x2x512xi32, #tpu.memory_space<vmem>> -> memref<2x512xi32, #tpu.memory_space<vmem>>
        %dma_start3A_182 = arith.constant 0 : i32
        %dma_start3A_183 = tpu.memref_slice %arg3[%mul3A_170, %dma_start3A_182] : memref<12500x512xi32, #tpu.memory_space<hbm>> -> memref<2x512xi32, #tpu.memory_space<hbm>>
        tpu.enqueue_dma source(%dma_start3A_183 : memref<2x512xi32, #tpu.memory_space<hbm>>) target(%dma_start3A_181 : memref<2x512xi32, #tpu.memory_space<vmem>>) target_semaphore(%arg13 : memref<!tpu.dma_semaphore, #tpu.memory_space<semaphore_mem>>)
      } else {
      }
      %lt3A_138 = arith.constant 6250 : i32
      %lt3A_139 = arith.cmpi slt, %add3A_116, %lt3A_138 : i32
      %convert_element_type3A_140 = arith.extui %lt3A_139 : i1 to i32
      %cond3A_141 = arith.constant 0 : i32
      %cond3A_142 = arith.cmpi ne, %convert_element_type3A_140, %cond3A_141 : i32
      scf.if %cond3A_142 {
        %mul3A_155 = arith.constant 2 : i32
        %mul3A_156 = arith.muli %add3A_116, %mul3A_155 : i32
        %dma_wait3A = arith.constant 2 : i32
        %dma_wait3A_157 = arith.constant 0 : i32
        %dma_wait3A_158 = arith.constant 0 : i32
        %dma_wait3A_159 = tpu.memref_slice %arg8[%dma_wait3A, %dma_wait3A_157, %dma_wait3A_158] : memref<3x2x512xi32, #tpu.memory_space<vmem>> -> memref<1x2x512xi32, #tpu.memory_space<vmem>>
        %dma_wait3A_160 = tpu.memref_squeeze %dma_wait3A_159 : memref<1x2x512xi32, #tpu.memory_space<vmem>> -> memref<2x512xi32, #tpu.memory_space<vmem>>
        %dma_wait3A_161 = arith.constant 0 : i32
        %dma_wait3A_162 = tpu.memref_slice %arg2[%mul3A_156, %dma_wait3A_161] : memref<12500x512xi32, #tpu.memory_space<hbm>> -> memref<2x512xi32, #tpu.memory_space<hbm>>
        %dma_wait3A_163 = arith.constant 0 : i32
        %dma_wait3A_164 = arith.constant 0 : i32
        %dma_wait3A_165 = tpu.memref_slice %arg8[%dma_wait3A, %dma_wait3A_163, %dma_wait3A_164] : memref<3x2x512xi32, #tpu.memory_space<vmem>> -> memref<1x2x512xi32, #tpu.memory_space<vmem>>
        %dma_wait3A_166 = tpu.memref_squeeze %dma_wait3A_165 : memref<1x2x512xi32, #tpu.memory_space<vmem>> -> memref<2x512xi32, #tpu.memory_space<vmem>>
        %dma_wait3A_167 = arith.constant 0 : i32
        %dma_wait3A_168 = tpu.memref_slice %arg2[%mul3A_156, %dma_wait3A_167] : memref<12500x512xi32, #tpu.memory_space<hbm>> -> memref<2x512xi32, #tpu.memory_space<hbm>>
        tpu.wait_dma2 semaphore(%arg13 : memref<!tpu.dma_semaphore, #tpu.memory_space<semaphore_mem>>) src(%dma_wait3A_168 : memref<2x512xi32, #tpu.memory_space<hbm>>) dst(%dma_wait3A_166 : memref<2x512xi32, #tpu.memory_space<vmem>>)
        %mul3A_169 = arith.constant 2 : i32
        %mul3A_170 = arith.muli %add3A_116, %mul3A_169 : i32
        %dma_wait3A_171 = arith.constant 2 : i32
        %dma_wait3A_172 = arith.constant 0 : i32
        %dma_wait3A_173 = arith.constant 0 : i32
        %dma_wait3A_174 = tpu.memref_slice %arg9[%dma_wait3A_171, %dma_wait3A_172, %dma_wait3A_173] : memref<3x2x512xi32, #tpu.memory_space<vmem>> -> memref<1x2x512xi32, #tpu.memory_space<vmem>>
        %dma_wait3A_175 = tpu.memref_squeeze %dma_wait3A_174 : memref<1x2x512xi32, #tpu.memory_space<vmem>> -> memref<2x512xi32, #tpu.memory_space<vmem>>
        %dma_wait3A_176 = arith.constant 0 : i32
        %dma_wait3A_177 = tpu.memref_slice %arg3[%mul3A_170, %dma_wait3A_176] : memref<12500x512xi32, #tpu.memory_space<hbm>> -> memref<2x512xi32, #tpu.memory_space<hbm>>
        %dma_wait3A_178 = arith.constant 0 : i32
        %dma_wait3A_179 = arith.constant 0 : i32
        %dma_wait3A_180 = tpu.memref_slice %arg9[%dma_wait3A_171, %dma_wait3A_178, %dma_wait3A_179] : memref<3x2x512xi32, #tpu.memory_space<vmem>> -> memref<1x2x512xi32, #tpu.memory_space<vmem>>
        %dma_wait3A_181 = tpu.memref_squeeze %dma_wait3A_180 : memref<1x2x512xi32, #tpu.memory_space<vmem>> -> memref<2x512xi32, #tpu.memory_space<vmem>>
        %dma_wait3A_182 = arith.constant 0 : i32
        %dma_wait3A_183 = tpu.memref_slice %arg3[%mul3A_170, %dma_wait3A_182] : memref<12500x512xi32, #tpu.memory_space<hbm>> -> memref<2x512xi32, #tpu.memory_space<hbm>>
        tpu.wait_dma2 semaphore(%arg13 : memref<!tpu.dma_semaphore, #tpu.memory_space<semaphore_mem>>) src(%dma_wait3A_183 : memref<2x512xi32, #tpu.memory_space<hbm>>) dst(%dma_wait3A_181 : memref<2x512xi32, #tpu.memory_space<vmem>>)
        %dma_start3A = arith.constant 2 : i32
        %dma_start3A_184 = arith.constant 0 : i32
        %dma_start3A_185 = arith.constant 2 : i32
        %dma_start3A_186 = arith.constant 0 : i32
        %dma_start3A_187 = arith.constant 0 : i32
        %dma_start3A_188 = tpu.memref_slice %arg10[%dma_start3A_185, %dma_start3A_186, %dma_start3A_187] : memref<3x4x512xf32, #tpu.memory_space<vmem>> -> memref<1x1x512xf32, #tpu.memory_space<vmem>>
        %dma_start3A_189 = tpu.memref_squeeze %dma_start3A_188 : memref<1x1x512xf32, #tpu.memory_space<vmem>> -> memref<512xf32, #tpu.memory_space<vmem>>
        %dma_start3A_190 = arith.constant 0 : i32
        %dma_start3A_191 = tpu.memref_slice %arg8[%dma_start3A, %dma_start3A_184, %dma_start3A_190] : memref<3x2x512xi32, #tpu.memory_space<vmem>> -> memref<1x1x512xi32, #tpu.memory_space<vmem>>
        %dma_start3A_192 = tpu.memref_squeeze %dma_start3A_191 : memref<1x1x512xi32, #tpu.memory_space<vmem>> -> memref<512xi32, #tpu.memory_space<vmem>>
        %dma_start3A_193 = arith.constant 0 : i32
        %dma_start3A_194 = tpu.memref_slice %arg4[%dma_start3A_193] : memref<100352xf32, #tpu.memory_space<hbm>> -> memref<100352xf32, #tpu.memory_space<hbm>>
        tpu.enqueue_indirect_dma source(%dma_start3A_194 : memref<100352xf32, #tpu.memory_space<hbm>>) target(%dma_start3A_189 : memref<512xf32, #tpu.memory_space<vmem>>) offsets(%dma_start3A_192 : memref<512xi32, #tpu.memory_space<vmem>>) semaphore(%arg14 : memref<!tpu.dma_semaphore, #tpu.memory_space<semaphore_mem>>)
        %dma_start3A_195 = arith.constant 2 : i32
        %dma_start3A_196 = arith.constant 0 : i32
        %dma_start3A_197 = arith.constant 2 : i32
        %dma_start3A_198 = arith.constant 1 : i32
        %dma_start3A_199 = arith.constant 0 : i32
        %dma_start3A_200 = tpu.memref_slice %arg10[%dma_start3A_197, %dma_start3A_198, %dma_start3A_199] : memref<3x4x512xf32, #tpu.memory_space<vmem>> -> memref<1x1x512xf32, #tpu.memory_space<vmem>>
        %dma_start3A_201 = tpu.memref_squeeze %dma_start3A_200 : memref<1x1x512xf32, #tpu.memory_space<vmem>> -> memref<512xf32, #tpu.memory_space<vmem>>
        %dma_start3A_202 = arith.constant 0 : i32
        %dma_start3A_203 = tpu.memref_slice %arg8[%dma_start3A_195, %dma_start3A_196, %dma_start3A_202] : memref<3x2x512xi32, #tpu.memory_space<vmem>> -> memref<1x1x512xi32, #tpu.memory_space<vmem>>
        %dma_start3A_204 = tpu.memref_squeeze %dma_start3A_203 : memref<1x1x512xi32, #tpu.memory_space<vmem>> -> memref<512xi32, #tpu.memory_space<vmem>>
        %dma_start3A_205 = arith.constant 0 : i32
        %dma_start3A_206 = tpu.memref_slice %arg5[%dma_start3A_205] : memref<100352xf32, #tpu.memory_space<hbm>> -> memref<100352xf32, #tpu.memory_space<hbm>>
        tpu.enqueue_indirect_dma source(%dma_start3A_206 : memref<100352xf32, #tpu.memory_space<hbm>>) target(%dma_start3A_201 : memref<512xf32, #tpu.memory_space<vmem>>) offsets(%dma_start3A_204 : memref<512xi32, #tpu.memory_space<vmem>>) semaphore(%arg14 : memref<!tpu.dma_semaphore, #tpu.memory_space<semaphore_mem>>)
        %dma_start3A_207 = arith.constant 2 : i32
        %dma_start3A_208 = arith.constant 1 : i32
        %dma_start3A_209 = arith.constant 2 : i32
        %dma_start3A_210 = arith.constant 2 : i32
        %dma_start3A_211 = arith.constant 0 : i32
        %dma_start3A_212 = tpu.memref_slice %arg10[%dma_start3A_209, %dma_start3A_210, %dma_start3A_211] : memref<3x4x512xf32, #tpu.memory_space<vmem>> -> memref<1x1x512xf32, #tpu.memory_space<vmem>>
        %dma_start3A_213 = tpu.memref_squeeze %dma_start3A_212 : memref<1x1x512xf32, #tpu.memory_space<vmem>> -> memref<512xf32, #tpu.memory_space<vmem>>
        %dma_start3A_214 = arith.constant 0 : i32
        %dma_start3A_215 = tpu.memref_slice %arg8[%dma_start3A_207, %dma_start3A_208, %dma_start3A_214] : memref<3x2x512xi32, #tpu.memory_space<vmem>> -> memref<1x1x512xi32, #tpu.memory_space<vmem>>
        %dma_start3A_216 = tpu.memref_squeeze %dma_start3A_215 : memref<1x1x512xi32, #tpu.memory_space<vmem>> -> memref<512xi32, #tpu.memory_space<vmem>>
        %dma_start3A_217 = arith.constant 0 : i32
        %dma_start3A_218 = tpu.memref_slice %arg4[%dma_start3A_217] : memref<100352xf32, #tpu.memory_space<hbm>> -> memref<100352xf32, #tpu.memory_space<hbm>>
        tpu.enqueue_indirect_dma source(%dma_start3A_218 : memref<100352xf32, #tpu.memory_space<hbm>>) target(%dma_start3A_213 : memref<512xf32, #tpu.memory_space<vmem>>) offsets(%dma_start3A_216 : memref<512xi32, #tpu.memory_space<vmem>>) semaphore(%arg14 : memref<!tpu.dma_semaphore, #tpu.memory_space<semaphore_mem>>)
        %dma_start3A_219 = arith.constant 2 : i32
        %dma_start3A_220 = arith.constant 1 : i32
        %dma_start3A_221 = arith.constant 2 : i32
        %dma_start3A_222 = arith.constant 3 : i32
        %dma_start3A_223 = arith.constant 0 : i32
        %dma_start3A_224 = tpu.memref_slice %arg10[%dma_start3A_221, %dma_start3A_222, %dma_start3A_223] : memref<3x4x512xf32, #tpu.memory_space<vmem>> -> memref<1x1x512xf32, #tpu.memory_space<vmem>>
        %dma_start3A_225 = tpu.memref_squeeze %dma_start3A_224 : memref<1x1x512xf32, #tpu.memory_space<vmem>> -> memref<512xf32, #tpu.memory_space<vmem>>
        %dma_start3A_226 = arith.constant 0 : i32
        %dma_start3A_227 = tpu.memref_slice %arg8[%dma_start3A_219, %dma_start3A_220, %dma_start3A_226] : memref<3x2x512xi32, #tpu.memory_space<vmem>> -> memref<1x1x512xi32, #tpu.memory_space<vmem>>
        %dma_start3A_228 = tpu.memref_squeeze %dma_start3A_227 : memref<1x1x512xi32, #tpu.memory_space<vmem>> -> memref<512xi32, #tpu.memory_space<vmem>>
        %dma_start3A_229 = arith.constant 0 : i32
        %dma_start3A_230 = tpu.memref_slice %arg5[%dma_start3A_229] : memref<100352xf32, #tpu.memory_space<hbm>> -> memref<100352xf32, #tpu.memory_space<hbm>>
        tpu.enqueue_indirect_dma source(%dma_start3A_230 : memref<100352xf32, #tpu.memory_space<hbm>>) target(%dma_start3A_225 : memref<512xf32, #tpu.memory_space<vmem>>) offsets(%dma_start3A_228 : memref<512xi32, #tpu.memory_space<vmem>>) semaphore(%arg14 : memref<!tpu.dma_semaphore, #tpu.memory_space<semaphore_mem>>)
      } else {
      }
      %sub3A_143 = arith.constant 32 : i32
      %sub3A_144 = arith.subi %add3A_116, %sub3A_143 : i32
      %ge3A_145 = arith.constant 0 : i32
      %ge3A_146 = arith.cmpi sge, %sub3A_144, %ge3A_145 : i32
      %sub3A_147 = arith.constant 32 : i32
      %sub3A_148 = arith.subi %add3A_116, %sub3A_147 : i32
      %lt3A_149 = arith.constant 6250 : i32
      %lt3A_150 = arith.cmpi slt, %sub3A_148, %lt3A_149 : i32
      %and3A_151 = arith.andi %ge3A_146, %lt3A_150 : i1
      %convert_element_type3A_152 = arith.extui %and3A_151 : i1 to i32
      %cond3A_153 = arith.constant 0 : i32
      %cond3A_154 = arith.cmpi ne, %convert_element_type3A_152, %cond3A_153 : i32
      scf.if %cond3A_154 {
        %dma_wait3A = arith.constant 1 : i32
        %dma_wait3A_155 = arith.constant 0 : i32
        %dma_wait3A_156 = arith.constant 1 : i32
        %dma_wait3A_157 = arith.constant 0 : i32
        %dma_wait3A_158 = arith.constant 0 : i32
        %dma_wait3A_159 = tpu.memref_slice %arg10[%dma_wait3A_156, %dma_wait3A_157, %dma_wait3A_158] : memref<3x4x512xf32, #tpu.memory_space<vmem>> -> memref<1x1x512xf32, #tpu.memory_space<vmem>>
        %dma_wait3A_160 = tpu.memref_squeeze %dma_wait3A_159 : memref<1x1x512xf32, #tpu.memory_space<vmem>> -> memref<512xf32, #tpu.memory_space<vmem>>
        %dma_wait3A_161 = arith.constant 0 : i32
        %dma_wait3A_162 = tpu.memref_slice %arg8[%dma_wait3A, %dma_wait3A_155, %dma_wait3A_161] : memref<3x2x512xi32, #tpu.memory_space<vmem>> -> memref<1x1x512xi32, #tpu.memory_space<vmem>>
        %dma_wait3A_163 = tpu.memref_squeeze %dma_wait3A_162 : memref<1x1x512xi32, #tpu.memory_space<vmem>> -> memref<512xi32, #tpu.memory_space<vmem>>
        %dma_wait3A_164 = arith.constant 0 : i32
        %dma_wait3A_165 = tpu.memref_slice %arg4[%dma_wait3A_164] : memref<100352xf32, #tpu.memory_space<hbm>> -> memref<100352xf32, #tpu.memory_space<hbm>>
        tpu.wait_indirect_dma semaphore(%arg14 : memref<!tpu.dma_semaphore, #tpu.memory_space<semaphore_mem>>) src(%dma_wait3A_165 : memref<100352xf32, #tpu.memory_space<hbm>>) dst(%dma_wait3A_160 : memref<512xf32, #tpu.memory_space<vmem>>)
        %dma_wait3A_166 = arith.constant 1 : i32
        %dma_wait3A_167 = arith.constant 0 : i32
        %dma_wait3A_168 = arith.constant 1 : i32
        %dma_wait3A_169 = arith.constant 1 : i32
        %dma_wait3A_170 = arith.constant 0 : i32
        %dma_wait3A_171 = tpu.memref_slice %arg10[%dma_wait3A_168, %dma_wait3A_169, %dma_wait3A_170] : memref<3x4x512xf32, #tpu.memory_space<vmem>> -> memref<1x1x512xf32, #tpu.memory_space<vmem>>
        %dma_wait3A_172 = tpu.memref_squeeze %dma_wait3A_171 : memref<1x1x512xf32, #tpu.memory_space<vmem>> -> memref<512xf32, #tpu.memory_space<vmem>>
        %dma_wait3A_173 = arith.constant 0 : i32
        %dma_wait3A_174 = tpu.memref_slice %arg8[%dma_wait3A_166, %dma_wait3A_167, %dma_wait3A_173] : memref<3x2x512xi32, #tpu.memory_space<vmem>> -> memref<1x1x512xi32, #tpu.memory_space<vmem>>
        %dma_wait3A_175 = tpu.memref_squeeze %dma_wait3A_174 : memref<1x1x512xi32, #tpu.memory_space<vmem>> -> memref<512xi32, #tpu.memory_space<vmem>>
        %dma_wait3A_176 = arith.constant 0 : i32
        %dma_wait3A_177 = tpu.memref_slice %arg5[%dma_wait3A_176] : memref<100352xf32, #tpu.memory_space<hbm>> -> memref<100352xf32, #tpu.memory_space<hbm>>
        tpu.wait_indirect_dma semaphore(%arg14 : memref<!tpu.dma_semaphore, #tpu.memory_space<semaphore_mem>>) src(%dma_wait3A_177 : memref<100352xf32, #tpu.memory_space<hbm>>) dst(%dma_wait3A_172 : memref<512xf32, #tpu.memory_space<vmem>>)
        %dma_wait3A_178 = arith.constant 1 : i32
        %dma_wait3A_179 = arith.constant 1 : i32
        %dma_wait3A_180 = arith.constant 1 : i32
        %dma_wait3A_181 = arith.constant 2 : i32
        %dma_wait3A_182 = arith.constant 0 : i32
        %dma_wait3A_183 = tpu.memref_slice %arg10[%dma_wait3A_180, %dma_wait3A_181, %dma_wait3A_182] : memref<3x4x512xf32, #tpu.memory_space<vmem>> -> memref<1x1x512xf32, #tpu.memory_space<vmem>>
        %dma_wait3A_184 = tpu.memref_squeeze %dma_wait3A_183 : memref<1x1x512xf32, #tpu.memory_space<vmem>> -> memref<512xf32, #tpu.memory_space<vmem>>
        %dma_wait3A_185 = arith.constant 0 : i32
        %dma_wait3A_186 = tpu.memref_slice %arg8[%dma_wait3A_178, %dma_wait3A_179, %dma_wait3A_185] : memref<3x2x512xi32, #tpu.memory_space<vmem>> -> memref<1x1x512xi32, #tpu.memory_space<vmem>>
        %dma_wait3A_187 = tpu.memref_squeeze %dma_wait3A_186 : memref<1x1x512xi32, #tpu.memory_space<vmem>> -> memref<512xi32, #tpu.memory_space<vmem>>
        %dma_wait3A_188 = arith.constant 0 : i32
        %dma_wait3A_189 = tpu.memref_slice %arg4[%dma_wait3A_188] : memref<100352xf32, #tpu.memory_space<hbm>> -> memref<100352xf32, #tpu.memory_space<hbm>>
        tpu.wait_indirect_dma semaphore(%arg14 : memref<!tpu.dma_semaphore, #tpu.memory_space<semaphore_mem>>) src(%dma_wait3A_189 : memref<100352xf32, #tpu.memory_space<hbm>>) dst(%dma_wait3A_184 : memref<512xf32, #tpu.memory_space<vmem>>)
        %dma_wait3A_190 = arith.constant 1 : i32
        %dma_wait3A_191 = arith.constant 1 : i32
        %dma_wait3A_192 = arith.constant 1 : i32
        %dma_wait3A_193 = arith.constant 3 : i32
        %dma_wait3A_194 = arith.constant 0 : i32
        %dma_wait3A_195 = tpu.memref_slice %arg10[%dma_wait3A_192, %dma_wait3A_193, %dma_wait3A_194] : memref<3x4x512xf32, #tpu.memory_space<vmem>> -> memref<1x1x512xf32, #tpu.memory_space<vmem>>
        %dma_wait3A_196 = tpu.memref_squeeze %dma_wait3A_195 : memref<1x1x512xf32, #tpu.memory_space<vmem>> -> memref<512xf32, #tpu.memory_space<vmem>>
        %dma_wait3A_197 = arith.constant 0 : i32
        %dma_wait3A_198 = tpu.memref_slice %arg8[%dma_wait3A_190, %dma_wait3A_191, %dma_wait3A_197] : memref<3x2x512xi32, #tpu.memory_space<vmem>> -> memref<1x1x512xi32, #tpu.memory_space<vmem>>
        %dma_wait3A_199 = tpu.memref_squeeze %dma_wait3A_198 : memref<1x1x512xi32, #tpu.memory_space<vmem>> -> memref<512xi32, #tpu.memory_space<vmem>>
        %dma_wait3A_200 = arith.constant 0 : i32
        %dma_wait3A_201 = tpu.memref_slice %arg5[%dma_wait3A_200] : memref<100352xf32, #tpu.memory_space<hbm>> -> memref<100352xf32, #tpu.memory_space<hbm>>
        tpu.wait_indirect_dma semaphore(%arg14 : memref<!tpu.dma_semaphore, #tpu.memory_space<semaphore_mem>>) src(%dma_wait3A_201 : memref<100352xf32, #tpu.memory_space<hbm>>) dst(%dma_wait3A_196 : memref<512xf32, #tpu.memory_space<vmem>>)
        %dma_start3A = arith.constant 1 : i32
        %dma_start3A_202 = arith.constant 0 : i32
        %dma_start3A_203 = arith.constant 1 : i32
        %dma_start3A_204 = arith.constant 0 : i32
        %dma_start3A_205 = arith.constant 0 : i32
        %dma_start3A_206 = tpu.memref_slice %arg10[%dma_start3A, %dma_start3A_202, %dma_start3A_205] : memref<3x4x512xf32, #tpu.memory_space<vmem>> -> memref<1x1x512xf32, #tpu.memory_space<vmem>>
        %dma_start3A_207 = tpu.memref_squeeze %dma_start3A_206 : memref<1x1x512xf32, #tpu.memory_space<vmem>> -> memref<512xf32, #tpu.memory_space<vmem>>
        %dma_start3A_208 = arith.constant 0 : i32
        %dma_start3A_209 = tpu.memref_slice %arg9[%dma_start3A_203, %dma_start3A_204, %dma_start3A_208] : memref<3x2x512xi32, #tpu.memory_space<vmem>> -> memref<1x1x512xi32, #tpu.memory_space<vmem>>
        %dma_start3A_210 = tpu.memref_squeeze %dma_start3A_209 : memref<1x1x512xi32, #tpu.memory_space<vmem>> -> memref<512xi32, #tpu.memory_space<vmem>>
        %dma_start3A_211 = arith.constant 0 : i32
        %dma_start3A_212 = tpu.memref_slice %arg11[%dma_start3A_211] : memref<100352xf32, #tpu.memory_space<vmem_shared>> -> memref<100352xf32, #tpu.memory_space<vmem_shared>>
        tpu.enqueue_indirect_dma source(%dma_start3A_207 : memref<512xf32, #tpu.memory_space<vmem>>) target(%dma_start3A_212 : memref<100352xf32, #tpu.memory_space<vmem_shared>>) offsets(%dma_start3A_210 : memref<512xi32, #tpu.memory_space<vmem>>) semaphore(%arg15 : memref<!tpu.dma_semaphore, #tpu.memory_space<semaphore_mem>>) {add = true}
        %dma_start3A_213 = arith.constant 1 : i32
        %dma_start3A_214 = arith.constant 1 : i32
        %dma_start3A_215 = arith.constant 1 : i32
        %dma_start3A_216 = arith.constant 0 : i32
        %dma_start3A_217 = arith.constant 0 : i32
        %dma_start3A_218 = tpu.memref_slice %arg10[%dma_start3A_213, %dma_start3A_214, %dma_start3A_217] : memref<3x4x512xf32, #tpu.memory_space<vmem>> -> memref<1x1x512xf32, #tpu.memory_space<vmem>>
        %dma_start3A_219 = tpu.memref_squeeze %dma_start3A_218 : memref<1x1x512xf32, #tpu.memory_space<vmem>> -> memref<512xf32, #tpu.memory_space<vmem>>
        %dma_start3A_220 = arith.constant 0 : i32
        %dma_start3A_221 = tpu.memref_slice %arg9[%dma_start3A_215, %dma_start3A_216, %dma_start3A_220] : memref<3x2x512xi32, #tpu.memory_space<vmem>> -> memref<1x1x512xi32, #tpu.memory_space<vmem>>
        %dma_start3A_222 = tpu.memref_squeeze %dma_start3A_221 : memref<1x1x512xi32, #tpu.memory_space<vmem>> -> memref<512xi32, #tpu.memory_space<vmem>>
        %dma_start3A_223 = arith.constant 0 : i32
        %dma_start3A_224 = tpu.memref_slice %arg12[%dma_start3A_223] : memref<100352xf32, #tpu.memory_space<vmem_shared>> -> memref<100352xf32, #tpu.memory_space<vmem_shared>>
        tpu.enqueue_indirect_dma source(%dma_start3A_219 : memref<512xf32, #tpu.memory_space<vmem>>) target(%dma_start3A_224 : memref<100352xf32, #tpu.memory_space<vmem_shared>>) offsets(%dma_start3A_222 : memref<512xi32, #tpu.memory_space<vmem>>) semaphore(%arg15 : memref<!tpu.dma_semaphore, #tpu.memory_space<semaphore_mem>>) {add = true}
        %dma_start3A_225 = arith.constant 1 : i32
        %dma_start3A_226 = arith.constant 2 : i32
        %dma_start3A_227 = arith.constant 1 : i32
        %dma_start3A_228 = arith.constant 1 : i32
        %dma_start3A_229 = arith.constant 0 : i32
        %dma_start3A_230 = tpu.memref_slice %arg10[%dma_start3A_225, %dma_start3A_226, %dma_start3A_229] : memref<3x4x512xf32, #tpu.memory_space<vmem>> -> memref<1x1x512xf32, #tpu.memory_space<vmem>>
        %dma_start3A_231 = tpu.memref_squeeze %dma_start3A_230 : memref<1x1x512xf32, #tpu.memory_space<vmem>> -> memref<512xf32, #tpu.memory_space<vmem>>
        %dma_start3A_232 = arith.constant 0 : i32
        %dma_start3A_233 = tpu.memref_slice %arg9[%dma_start3A_227, %dma_start3A_228, %dma_start3A_232] : memref<3x2x512xi32, #tpu.memory_space<vmem>> -> memref<1x1x512xi32, #tpu.memory_space<vmem>>
        %dma_start3A_234 = tpu.memref_squeeze %dma_start3A_233 : memref<1x1x512xi32, #tpu.memory_space<vmem>> -> memref<512xi32, #tpu.memory_space<vmem>>
        %dma_start3A_235 = arith.constant 0 : i32
        %dma_start3A_236 = tpu.memref_slice %arg11[%dma_start3A_235] : memref<100352xf32, #tpu.memory_space<vmem_shared>> -> memref<100352xf32, #tpu.memory_space<vmem_shared>>
        tpu.enqueue_indirect_dma source(%dma_start3A_231 : memref<512xf32, #tpu.memory_space<vmem>>) target(%dma_start3A_236 : memref<100352xf32, #tpu.memory_space<vmem_shared>>) offsets(%dma_start3A_234 : memref<512xi32, #tpu.memory_space<vmem>>) semaphore(%arg15 : memref<!tpu.dma_semaphore, #tpu.memory_space<semaphore_mem>>) {add = true}
        %dma_start3A_237 = arith.constant 1 : i32
        %dma_start3A_238 = arith.constant 3 : i32
        %dma_start3A_239 = arith.constant 1 : i32
        %dma_start3A_240 = arith.constant 1 : i32
        %dma_start3A_241 = arith.constant 0 : i32
        %dma_start3A_242 = tpu.memref_slice %arg10[%dma_start3A_237, %dma_start3A_238, %dma_start3A_241] : memref<3x4x512xf32, #tpu.memory_space<vmem>> -> memref<1x1x512xf32, #tpu.memory_space<vmem>>
        %dma_start3A_243 = tpu.memref_squeeze %dma_start3A_242 : memref<1x1x512xf32, #tpu.memory_space<vmem>> -> memref<512xf32, #tpu.memory_space<vmem>>
        %dma_start3A_244 = arith.constant 0 : i32
        %dma_start3A_245 = tpu.memref_slice %arg9[%dma_start3A_239, %dma_start3A_240, %dma_start3A_244] : memref<3x2x512xi32, #tpu.memory_space<vmem>> -> memref<1x1x512xi32, #tpu.memory_space<vmem>>
        %dma_start3A_246 = tpu.memref_squeeze %dma_start3A_245 : memref<1x1x512xi32, #tpu.memory_space<vmem>> -> memref<512xi32, #tpu.memory_space<vmem>>
        %dma_start3A_247 = arith.constant 0 : i32
        %dma_start3A_248 = tpu.memref_slice %arg12[%dma_start3A_247] : memref<100352xf32, #tpu.memory_space<vmem_shared>> -> memref<100352xf32, #tpu.memory_space<vmem_shared>>
        tpu.enqueue_indirect_dma source(%dma_start3A_243 : memref<512xf32, #tpu.memory_space<vmem>>) target(%dma_start3A_248 : memref<100352xf32, #tpu.memory_space<vmem_shared>>) offsets(%dma_start3A_246 : memref<512xi32, #tpu.memory_space<vmem>>) semaphore(%arg15 : memref<!tpu.dma_semaphore, #tpu.memory_space<semaphore_mem>>) {add = true}
      } else {
      }
    }
    %scan3A_11 = arith.constant 67 : i32
    %barrier3A_12 = arith.constant 0 : index
    tpu.barrier barrier_id(%barrier3A_12)
    %mul3A_13 = arith.constant 6272 : i32
    %mul3A_14 = arith.muli %arg1, %mul3A_13 : i32
    %mul3A_15 = arith.constant 6272 : i32
    %mul3A_16 = arith.muli %arg1, %mul3A_15 : i32
    %run_scoped3A = arith.constant 0 : i32
    "tpu.region"() ({
      %run_scoped3A_22 = tpu.sem_alloc : memref<!tpu.dma_semaphore, #tpu.memory_space<semaphore_mem>>
      %dma_start3A = tpu.memref_slice %arg7[%arg0, %run_scoped3A, %mul3A_16] : memref<2x2x100352xf32, #tpu.memory_space<hbm>> -> memref<1x1x6272xf32, #tpu.memory_space<hbm>>
      %dma_start3A_23 = tpu.memref_squeeze %dma_start3A : memref<1x1x6272xf32, #tpu.memory_space<hbm>> -> memref<6272xf32, #tpu.memory_space<hbm>>
      %dma_start3A_24 = tpu.memref_slice %arg11[%mul3A_14] : memref<100352xf32, #tpu.memory_space<vmem_shared>> -> memref<6272xf32, #tpu.memory_space<vmem_shared>>
      tpu.enqueue_dma source(%dma_start3A_24 : memref<6272xf32, #tpu.memory_space<vmem_shared>>) target(%dma_start3A_23 : memref<6272xf32, #tpu.memory_space<hbm>>) target_semaphore(%run_scoped3A_22 : memref<!tpu.dma_semaphore, #tpu.memory_space<semaphore_mem>>)
      %dma_wait3A = tpu.memref_slice %arg7[%arg0, %run_scoped3A, %mul3A_16] : memref<2x2x100352xf32, #tpu.memory_space<hbm>> -> memref<1x1x6272xf32, #tpu.memory_space<hbm>>
      %dma_wait3A_25 = tpu.memref_squeeze %dma_wait3A : memref<1x1x6272xf32, #tpu.memory_space<hbm>> -> memref<6272xf32, #tpu.memory_space<hbm>>
      %dma_wait3A_26 = tpu.memref_slice %arg11[%mul3A_14] : memref<100352xf32, #tpu.memory_space<vmem_shared>> -> memref<6272xf32, #tpu.memory_space<vmem_shared>>
      tpu.wait_dma2 semaphore(%run_scoped3A_22 : memref<!tpu.dma_semaphore, #tpu.memory_space<semaphore_mem>>) src(%dma_wait3A_26 : memref<6272xf32, #tpu.memory_space<vmem_shared>>) dst(%dma_wait3A_25 : memref<6272xf32, #tpu.memory_space<hbm>>)
      tpu.yield
    }) : () -> ()
    %mul3A_17 = arith.constant 6272 : i32
    %mul3A_18 = arith.muli %arg1, %mul3A_17 : i32
    %mul3A_19 = arith.constant 6272 : i32
    %mul3A_20 = arith.muli %arg1, %mul3A_19 : i32
    %run_scoped3A_21 = arith.constant 1 : i32
    "tpu.region"() ({
      %run_scoped3A_22 = tpu.sem_alloc : memref<!tpu.dma_semaphore, #tpu.memory_space<semaphore_mem>>
      %dma_start3A = tpu.memref_slice %arg7[%arg0, %run_scoped3A_21, %mul3A_20] : memref<2x2x100352xf32, #tpu.memory_space<hbm>> -> memref<1x1x6272xf32, #tpu.memory_space<hbm>>
      %dma_start3A_23 = tpu.memref_squeeze %dma_start3A : memref<1x1x6272xf32, #tpu.memory_space<hbm>> -> memref<6272xf32, #tpu.memory_space<hbm>>
      %dma_start3A_24 = tpu.memref_slice %arg12[%mul3A_18] : memref<100352xf32, #tpu.memory_space<vmem_shared>> -> memref<6272xf32, #tpu.memory_space<vmem_shared>>
      tpu.enqueue_dma source(%dma_start3A_24 : memref<6272xf32, #tpu.memory_space<vmem_shared>>) target(%dma_start3A_23 : memref<6272xf32, #tpu.memory_space<hbm>>) target_semaphore(%run_scoped3A_22 : memref<!tpu.dma_semaphore, #tpu.memory_space<semaphore_mem>>)
      %dma_wait3A = tpu.memref_slice %arg7[%arg0, %run_scoped3A_21, %mul3A_20] : memref<2x2x100352xf32, #tpu.memory_space<hbm>> -> memref<1x1x6272xf32, #tpu.memory_space<hbm>>
      %dma_wait3A_25 = tpu.memref_squeeze %dma_wait3A : memref<1x1x6272xf32, #tpu.memory_space<hbm>> -> memref<6272xf32, #tpu.memory_space<hbm>>
      %dma_wait3A_26 = tpu.memref_slice %arg12[%mul3A_18] : memref<100352xf32, #tpu.memory_space<vmem_shared>> -> memref<6272xf32, #tpu.memory_space<vmem_shared>>
      tpu.wait_dma2 semaphore(%run_scoped3A_22 : memref<!tpu.dma_semaphore, #tpu.memory_space<semaphore_mem>>) src(%dma_wait3A_26 : memref<6272xf32, #tpu.memory_space<vmem_shared>>) dst(%dma_wait3A_25 : memref<6272xf32, #tpu.memory_space<hbm>>)
      tpu.yield
    }) : () -> ()
    return
  }
}

module attributes {stable_mosaic.version = 14 : i64} {
  func.func @_tc1_body(%arg0: memref<2x784x128xf32, #tpu.memory_space<vmem>>, %arg1: memref<3x784x128xf32, #tpu.memory_space<vmem>>, %arg2: memref<3x4xf32, #tpu.memory_space<smem>>, %arg3: memref<784x128xf32, #tpu.memory_space<vmem>>, %arg4: memref<4x784x128xf32, #tpu.memory_space<vmem>>) attributes {dimension_semantics = [], scalar_prefetch = 0 : i64, scratch_operands = 0 : i64, tpu.core_type = #tpu.core_type<tc>} {
    %get3A = arith.constant 0 : index
    %get3A_0 = arith.constant 0 : index
    %get3A_1 = arith.constant 0 : index
    %get3A_2 = vector.load %arg0[%get3A, %get3A_0, %get3A_1] : memref<2x784x128xf32, #tpu.memory_space<vmem>>, vector<1x784x128xf32>
    %get3A_3 = vector.shape_cast %get3A_2 : vector<1x784x128xf32> to vector<784x128xf32>
    %get3A_4 = arith.constant 1 : index
    %get3A_5 = arith.constant 0 : index
    %get3A_6 = arith.constant 0 : index
    %get3A_7 = vector.load %arg0[%get3A_4, %get3A_5, %get3A_6] : memref<2x784x128xf32, #tpu.memory_space<vmem>>, vector<1x784x128xf32>
    %get3A_8 = vector.shape_cast %get3A_7 : vector<1x784x128xf32> to vector<784x128xf32>
    %add3A = arith.addf %get3A_3, %get3A_8 : vector<784x128xf32>
    %add3A_9 = arith.constant 1.000000e+00 : f32
    %add3A_10 = vector.broadcast %add3A_9 : f32 to vector<784x128xf32>
    %add3A_11 = arith.addf %add3A, %add3A_10 : vector<784x128xf32>
    %rsqrt3A = math.rsqrt %add3A_11 : vector<784x128xf32>
    %swap3A = arith.constant 0 : index
    %swap3A_12 = arith.constant 0 : index
    %swap3A_13 = vector.load %arg3[%swap3A, %swap3A_12] : memref<784x128xf32, #tpu.memory_space<vmem>>, vector<784x128xf32>
    tpu.vector_store %arg3[%swap3A, %swap3A_12], %rsqrt3A {strides = array<i32>} : memref<784x128xf32, #tpu.memory_space<vmem>>, vector<784x128xf32>,
    %get3A_14 = arith.constant 0 : index
    %get3A_15 = arith.constant 0 : index
    %get3A_16 = arith.constant 0 : index
    %get3A_17 = vector.load %arg1[%get3A_14, %get3A_15, %get3A_16] : memref<3x784x128xf32, #tpu.memory_space<vmem>>, vector<1x784x128xf32>
    %get3A_18 = vector.shape_cast %get3A_17 : vector<1x784x128xf32> to vector<784x128xf32>
    %get3A_19 = arith.constant 1 : index
    %get3A_20 = arith.constant 0 : index
    %get3A_21 = arith.constant 0 : index
    %get3A_22 = vector.load %arg1[%get3A_19, %get3A_20, %get3A_21] : memref<3x784x128xf32, #tpu.memory_space<vmem>>, vector<1x784x128xf32>
    %get3A_23 = vector.shape_cast %get3A_22 : vector<1x784x128xf32> to vector<784x128xf32>
    %get3A_24 = arith.constant 2 : index
    %get3A_25 = arith.constant 0 : index
    %get3A_26 = arith.constant 0 : index
    %get3A_27 = vector.load %arg1[%get3A_24, %get3A_25, %get3A_26] : memref<3x784x128xf32, #tpu.memory_space<vmem>>, vector<1x784x128xf32>
    %get3A_28 = vector.shape_cast %get3A_27 : vector<1x784x128xf32> to vector<784x128xf32>
    %get3A_29 = arith.constant 0 : index
    %get3A_30 = arith.constant 0 : index
    %get3A_31 = memref.load %arg2[%get3A_29, %get3A_30] : memref<3x4xf32, #tpu.memory_space<smem>>
    %mul3A = vector.broadcast %get3A_31 : f32 to vector<784x128xf32>
    %mul3A_32 = arith.mulf %get3A_18, %mul3A : vector<784x128xf32>
    %get3A_33 = arith.constant 1 : index
    %get3A_34 = arith.constant 0 : index
    %get3A_35 = memref.load %arg2[%get3A_33, %get3A_34] : memref<3x4xf32, #tpu.memory_space<smem>>
    %mul3A_36 = vector.broadcast %get3A_35 : f32 to vector<784x128xf32>
    %mul3A_37 = arith.mulf %get3A_23, %mul3A_36 : vector<784x128xf32>
    %add3A_38 = arith.addf %mul3A_32, %mul3A_37 : vector<784x128xf32>
    %get3A_39 = arith.constant 2 : index
    %get3A_40 = arith.constant 0 : index
    %get3A_41 = memref.load %arg2[%get3A_39, %get3A_40] : memref<3x4xf32, #tpu.memory_space<smem>>
    %mul3A_42 = vector.broadcast %get3A_41 : f32 to vector<784x128xf32>
    %mul3A_43 = arith.mulf %get3A_28, %mul3A_42 : vector<784x128xf32>
    %add3A_44 = arith.addf %add3A_38, %mul3A_43 : vector<784x128xf32>
    %mul3A_45 = arith.mulf %add3A_44, %rsqrt3A : vector<784x128xf32>
    %swap3A_46 = arith.constant 0 : index
    %swap3A_47 = arith.constant 0 : index
    %swap3A_48 = arith.constant 0 : index
    %swap3A_49 = vector.load %arg4[%swap3A_46, %swap3A_47, %swap3A_48] : memref<4x784x128xf32, #tpu.memory_space<vmem>>, vector<1x784x128xf32>
    %swap3A_50 = vector.shape_cast %swap3A_49 : vector<1x784x128xf32> to vector<784x128xf32>
    %swap3A_51 = vector.shape_cast %mul3A_45 : vector<784x128xf32> to vector<1x784x128xf32>
    tpu.vector_store %arg4[%swap3A_46, %swap3A_47, %swap3A_48], %swap3A_51 {strides = array<i32>} : memref<4x784x128xf32, #tpu.memory_space<vmem>>, vector<1x784x128xf32>,
    %get3A_52 = arith.constant 0 : index
    %get3A_53 = arith.constant 1 : index
    %get3A_54 = memref.load %arg2[%get3A_52, %get3A_53] : memref<3x4xf32, #tpu.memory_space<smem>>
    %mul3A_55 = vector.broadcast %get3A_54 : f32 to vector<784x128xf32>
    %mul3A_56 = arith.mulf %get3A_18, %mul3A_55 : vector<784x128xf32>
    %get3A_57 = arith.constant 1 : index
    %get3A_58 = arith.constant 1 : index
    %get3A_59 = memref.load %arg2[%get3A_57, %get3A_58] : memref<3x4xf32, #tpu.memory_space<smem>>
    %mul3A_60 = vector.broadcast %get3A_59 : f32 to vector<784x128xf32>
    %mul3A_61 = arith.mulf %get3A_23, %mul3A_60 : vector<784x128xf32>
    %add3A_62 = arith.addf %mul3A_56, %mul3A_61 : vector<784x128xf32>
    %get3A_63 = arith.constant 2 : index
    %get3A_64 = arith.constant 1 : index
    %get3A_65 = memref.load %arg2[%get3A_63, %get3A_64] : memref<3x4xf32, #tpu.memory_space<smem>>
    %mul3A_66 = vector.broadcast %get3A_65 : f32 to vector<784x128xf32>
    %mul3A_67 = arith.mulf %get3A_28, %mul3A_66 : vector<784x128xf32>
    %add3A_68 = arith.addf %add3A_62, %mul3A_67 : vector<784x128xf32>
    %mul3A_69 = arith.mulf %add3A_68, %rsqrt3A : vector<784x128xf32>
    %swap3A_70 = arith.constant 1 : index
    %swap3A_71 = arith.constant 0 : index
    %swap3A_72 = arith.constant 0 : index
    %swap3A_73 = vector.load %arg4[%swap3A_70, %swap3A_71, %swap3A_72] : memref<4x784x128xf32, #tpu.memory_space<vmem>>, vector<1x784x128xf32>
    %swap3A_74 = vector.shape_cast %swap3A_73 : vector<1x784x128xf32> to vector<784x128xf32>
    %swap3A_75 = vector.shape_cast %mul3A_69 : vector<784x128xf32> to vector<1x784x128xf32>
    tpu.vector_store %arg4[%swap3A_70, %swap3A_71, %swap3A_72], %swap3A_75 {strides = array<i32>} : memref<4x784x128xf32, #tpu.memory_space<vmem>>, vector<1x784x128xf32>,
    %get3A_76 = arith.constant 0 : index
    %get3A_77 = arith.constant 2 : index
    %get3A_78 = memref.load %arg2[%get3A_76, %get3A_77] : memref<3x4xf32, #tpu.memory_space<smem>>
    %mul3A_79 = vector.broadcast %get3A_78 : f32 to vector<784x128xf32>
    %mul3A_80 = arith.mulf %get3A_18, %mul3A_79 : vector<784x128xf32>
    %get3A_81 = arith.constant 1 : index
    %get3A_82 = arith.constant 2 : index
    %get3A_83 = memref.load %arg2[%get3A_81, %get3A_82] : memref<3x4xf32, #tpu.memory_space<smem>>
    %mul3A_84 = vector.broadcast %get3A_83 : f32 to vector<784x128xf32>
    %mul3A_85 = arith.mulf %get3A_23, %mul3A_84 : vector<784x128xf32>
    %add3A_86 = arith.addf %mul3A_80, %mul3A_85 : vector<784x128xf32>
    %get3A_87 = arith.constant 2 : index
    %get3A_88 = arith.constant 2 : index
    %get3A_89 = memref.load %arg2[%get3A_87, %get3A_88] : memref<3x4xf32, #tpu.memory_space<smem>>
    %mul3A_90 = vector.broadcast %get3A_89 : f32 to vector<784x128xf32>
    %mul3A_91 = arith.mulf %get3A_28, %mul3A_90 : vector<784x128xf32>
    %add3A_92 = arith.addf %add3A_86, %mul3A_91 : vector<784x128xf32>
    %mul3A_93 = arith.mulf %add3A_92, %rsqrt3A : vector<784x128xf32>
    %swap3A_94 = arith.constant 2 : index
    %swap3A_95 = arith.constant 0 : index
    %swap3A_96 = arith.constant 0 : index
    %swap3A_97 = vector.load %arg4[%swap3A_94, %swap3A_95, %swap3A_96] : memref<4x784x128xf32, #tpu.memory_space<vmem>>, vector<1x784x128xf32>
    %swap3A_98 = vector.shape_cast %swap3A_97 : vector<1x784x128xf32> to vector<784x128xf32>
    %swap3A_99 = vector.shape_cast %mul3A_93 : vector<784x128xf32> to vector<1x784x128xf32>
    tpu.vector_store %arg4[%swap3A_94, %swap3A_95, %swap3A_96], %swap3A_99 {strides = array<i32>} : memref<4x784x128xf32, #tpu.memory_space<vmem>>, vector<1x784x128xf32>,
    %get3A_100 = arith.constant 0 : index
    %get3A_101 = arith.constant 3 : index
    %get3A_102 = memref.load %arg2[%get3A_100, %get3A_101] : memref<3x4xf32, #tpu.memory_space<smem>>
    %mul3A_103 = vector.broadcast %get3A_102 : f32 to vector<784x128xf32>
    %mul3A_104 = arith.mulf %get3A_18, %mul3A_103 : vector<784x128xf32>
    %get3A_105 = arith.constant 1 : index
    %get3A_106 = arith.constant 3 : index
    %get3A_107 = memref.load %arg2[%get3A_105, %get3A_106] : memref<3x4xf32, #tpu.memory_space<smem>>
    %mul3A_108 = vector.broadcast %get3A_107 : f32 to vector<784x128xf32>
    %mul3A_109 = arith.mulf %get3A_23, %mul3A_108 : vector<784x128xf32>
    %add3A_110 = arith.addf %mul3A_104, %mul3A_109 : vector<784x128xf32>
    %get3A_111 = arith.constant 2 : index
    %get3A_112 = arith.constant 3 : index
    %get3A_113 = memref.load %arg2[%get3A_111, %get3A_112] : memref<3x4xf32, #tpu.memory_space<smem>>
    %mul3A_114 = vector.broadcast %get3A_113 : f32 to vector<784x128xf32>
    %mul3A_115 = arith.mulf %get3A_28, %mul3A_114 : vector<784x128xf32>
    %add3A_116 = arith.addf %add3A_110, %mul3A_115 : vector<784x128xf32>
    %mul3A_117 = arith.mulf %add3A_116, %rsqrt3A : vector<784x128xf32>
    %swap3A_118 = arith.constant 3 : index
    %swap3A_119 = arith.constant 0 : index
    %swap3A_120 = arith.constant 0 : index
    %swap3A_121 = vector.load %arg4[%swap3A_118, %swap3A_119, %swap3A_120] : memref<4x784x128xf32, #tpu.memory_space<vmem>>, vector<1x784x128xf32>
    %swap3A_122 = vector.shape_cast %swap3A_121 : vector<1x784x128xf32> to vector<784x128xf32>
    %swap3A_123 = vector.shape_cast %mul3A_117 : vector<784x128xf32> to vector<1x784x128xf32>
    tpu.vector_store %arg4[%swap3A_118, %swap3A_119, %swap3A_120], %swap3A_123 {strides = array<i32>} : memref<4x784x128xf32, #tpu.memory_space<vmem>>, vector<1x784x128xf32>,
    return
  }
}

module attributes {stable_mosaic.version = 14 : i64} {
  func.func @_tc2_body(%arg0: memref<2x4x784x128xf32, #tpu.memory_space<vmem>>, %arg1: memref<4x784x128xf32, #tpu.memory_space<vmem>>, %arg2: memref<784x128xf32, #tpu.memory_space<vmem>>, %arg3: memref<4xf32, #tpu.memory_space<smem>>, %arg4: memref<4x2xf32, #tpu.memory_space<smem>>, %arg5: memref<2x784x128xf32, #tpu.memory_space<vmem>>) attributes {dimension_semantics = [], scalar_prefetch = 0 : i64, scratch_operands = 0 : i64, tpu.core_type = #tpu.core_type<tc>} {
    %get3A = arith.constant 0 : index
    %get3A_0 = arith.constant 0 : index
    %get3A_1 = vector.load %arg2[%get3A, %get3A_0] : memref<784x128xf32, #tpu.memory_space<vmem>>, vector<784x128xf32>
    %get3A_2 = arith.constant 0 : index
    %get3A_3 = arith.constant 0 : index
    %get3A_4 = arith.constant 0 : index
    %get3A_5 = arith.constant 0 : index
    %get3A_6 = vector.load %arg0[%get3A_2, %get3A_3, %get3A_4, %get3A_5] : memref<2x4x784x128xf32, #tpu.memory_space<vmem>>, vector<1x1x784x128xf32>
    %get3A_7 = vector.shape_cast %get3A_6 : vector<1x1x784x128xf32> to vector<784x128xf32>
    %get3A_8 = arith.constant 1 : index
    %get3A_9 = arith.constant 0 : index
    %get3A_10 = arith.constant 0 : index
    %get3A_11 = arith.constant 0 : index
    %get3A_12 = vector.load %arg0[%get3A_8, %get3A_9, %get3A_10, %get3A_11] : memref<2x4x784x128xf32, #tpu.memory_space<vmem>>, vector<1x1x784x128xf32>
    %get3A_13 = vector.shape_cast %get3A_12 : vector<1x1x784x128xf32> to vector<784x128xf32>
    %add3A = arith.addf %get3A_7, %get3A_13 : vector<784x128xf32>
    %get3A_14 = arith.constant 0 : index
    %get3A_15 = arith.constant 0 : index
    %get3A_16 = arith.constant 0 : index
    %get3A_17 = vector.load %arg1[%get3A_14, %get3A_15, %get3A_16] : memref<4x784x128xf32, #tpu.memory_space<vmem>>, vector<1x784x128xf32>
    %get3A_18 = vector.shape_cast %get3A_17 : vector<1x784x128xf32> to vector<784x128xf32>
    %add3A_19 = arith.addf %add3A, %get3A_18 : vector<784x128xf32>
    %mul3A = arith.mulf %add3A_19, %get3A_1 : vector<784x128xf32>
    %get3A_20 = arith.constant 0 : index
    %get3A_21 = memref.load %arg3[%get3A_20] : memref<4xf32, #tpu.memory_space<smem>>
    %add3A_22 = vector.broadcast %get3A_21 : f32 to vector<784x128xf32>
    %add3A_23 = arith.addf %mul3A, %add3A_22 : vector<784x128xf32>
    %max3A = arith.constant 0.000000e+00 : f32
    %max3A_24 = vector.broadcast %max3A : f32 to vector<784x128xf32>
    %max3A_25 = arith.maximumf %add3A_23, %max3A_24 : vector<784x128xf32>
    %get3A_26 = arith.constant 0 : index
    %get3A_27 = arith.constant 1 : index
    %get3A_28 = arith.constant 0 : index
    %get3A_29 = arith.constant 0 : index
    %get3A_30 = vector.load %arg0[%get3A_26, %get3A_27, %get3A_28, %get3A_29] : memref<2x4x784x128xf32, #tpu.memory_space<vmem>>, vector<1x1x784x128xf32>
    %get3A_31 = vector.shape_cast %get3A_30 : vector<1x1x784x128xf32> to vector<784x128xf32>
    %get3A_32 = arith.constant 1 : index
    %get3A_33 = arith.constant 1 : index
    %get3A_34 = arith.constant 0 : index
    %get3A_35 = arith.constant 0 : index
    %get3A_36 = vector.load %arg0[%get3A_32, %get3A_33, %get3A_34, %get3A_35] : memref<2x4x784x128xf32, #tpu.memory_space<vmem>>, vector<1x1x784x128xf32>
    %get3A_37 = vector.shape_cast %get3A_36 : vector<1x1x784x128xf32> to vector<784x128xf32>
    %add3A_38 = arith.addf %get3A_31, %get3A_37 : vector<784x128xf32>
    %get3A_39 = arith.constant 1 : index
    %get3A_40 = arith.constant 0 : index
    %get3A_41 = arith.constant 0 : index
    %get3A_42 = vector.load %arg1[%get3A_39, %get3A_40, %get3A_41] : memref<4x784x128xf32, #tpu.memory_space<vmem>>, vector<1x784x128xf32>
    %get3A_43 = vector.shape_cast %get3A_42 : vector<1x784x128xf32> to vector<784x128xf32>
    %add3A_44 = arith.addf %add3A_38, %get3A_43 : vector<784x128xf32>
    %mul3A_45 = arith.mulf %add3A_44, %get3A_1 : vector<784x128xf32>
    %get3A_46 = arith.constant 1 : index
    %get3A_47 = memref.load %arg3[%get3A_46] : memref<4xf32, #tpu.memory_space<smem>>
    %add3A_48 = vector.broadcast %get3A_47 : f32 to vector<784x128xf32>
    %add3A_49 = arith.addf %mul3A_45, %add3A_48 : vector<784x128xf32>
    %max3A_50 = arith.constant 0.000000e+00 : f32
    %max3A_51 = vector.broadcast %max3A_50 : f32 to vector<784x128xf32>
    %max3A_52 = arith.maximumf %add3A_49, %max3A_51 : vector<784x128xf32>
    %get3A_53 = arith.constant 0 : index
    %get3A_54 = arith.constant 2 : index
    %get3A_55 = arith.constant 0 : index
    %get3A_56 = arith.constant 0 : index
    %get3A_57 = vector.load %arg0[%get3A_53, %get3A_54, %get3A_55, %get3A_56] : memref<2x4x784x128xf32, #tpu.memory_space<vmem>>, vector<1x1x784x128xf32>
    %get3A_58 = vector.shape_cast %get3A_57 : vector<1x1x784x128xf32> to vector<784x128xf32>
    %get3A_59 = arith.constant 1 : index
    %get3A_60 = arith.constant 2 : index
    %get3A_61 = arith.constant 0 : index
    %get3A_62 = arith.constant 0 : index
    %get3A_63 = vector.load %arg0[%get3A_59, %get3A_60, %get3A_61, %get3A_62] : memref<2x4x784x128xf32, #tpu.memory_space<vmem>>, vector<1x1x784x128xf32>
    %get3A_64 = vector.shape_cast %get3A_63 : vector<1x1x784x128xf32> to vector<784x128xf32>
    %add3A_65 = arith.addf %get3A_58, %get3A_64 : vector<784x128xf32>
    %get3A_66 = arith.constant 2 : index
    %get3A_67 = arith.constant 0 : index
    %get3A_68 = arith.constant 0 : index
    %get3A_69 = vector.load %arg1[%get3A_66, %get3A_67, %get3A_68] : memref<4x784x128xf32, #tpu.memory_space<vmem>>, vector<1x784x128xf32>
    %get3A_70 = vector.shape_cast %get3A_69 : vector<1x784x128xf32> to vector<784x128xf32>
    %add3A_71 = arith.addf %add3A_65, %get3A_70 : vector<784x128xf32>
    %mul3A_72 = arith.mulf %add3A_71, %get3A_1 : vector<784x128xf32>
    %get3A_73 = arith.constant 2 : index
    %get3A_74 = memref.load %arg3[%get3A_73] : memref<4xf32, #tpu.memory_space<smem>>
    %add3A_75 = vector.broadcast %get3A_74 : f32 to vector<784x128xf32>
    %add3A_76 = arith.addf %mul3A_72, %add3A_75 : vector<784x128xf32>
    %max3A_77 = arith.constant 0.000000e+00 : f32
    %max3A_78 = vector.broadcast %max3A_77 : f32 to vector<784x128xf32>
    %max3A_79 = arith.maximumf %add3A_76, %max3A_78 : vector<784x128xf32>
    %get3A_80 = arith.constant 0 : index
    %get3A_81 = arith.constant 3 : index
    %get3A_82 = arith.constant 0 : index
    %get3A_83 = arith.constant 0 : index
    %get3A_84 = vector.load %arg0[%get3A_80, %get3A_81, %get3A_82, %get3A_83] : memref<2x4x784x128xf32, #tpu.memory_space<vmem>>, vector<1x1x784x128xf32>
    %get3A_85 = vector.shape_cast %get3A_84 : vector<1x1x784x128xf32> to vector<784x128xf32>
    %get3A_86 = arith.constant 1 : index
    %get3A_87 = arith.constant 3 : index
    %get3A_88 = arith.constant 0 : index
    %get3A_89 = arith.constant 0 : index
    %get3A_90 = vector.load %arg0[%get3A_86, %get3A_87, %get3A_88, %get3A_89] : memref<2x4x784x128xf32, #tpu.memory_space<vmem>>, vector<1x1x784x128xf32>
    %get3A_91 = vector.shape_cast %get3A_90 : vector<1x1x784x128xf32> to vector<784x128xf32>
    %add3A_92 = arith.addf %get3A_85, %get3A_91 : vector<784x128xf32>
    %get3A_93 = arith.constant 3 : index
    %get3A_94 = arith.constant 0 : index
    %get3A_95 = arith.constant 0 : index
    %get3A_96 = vector.load %arg1[%get3A_93, %get3A_94, %get3A_95] : memref<4x784x128xf32, #tpu.memory_space<vmem>>, vector<1x784x128xf32>
    %get3A_97 = vector.shape_cast %get3A_96 : vector<1x784x128xf32> to vector<784x128xf32>
    %add3A_98 = arith.addf %add3A_92, %get3A_97 : vector<784x128xf32>
    %mul3A_99 = arith.mulf %add3A_98, %get3A_1 : vector<784x128xf32>
    %get3A_100 = arith.constant 3 : index
    %get3A_101 = memref.load %arg3[%get3A_100] : memref<4xf32, #tpu.memory_space<smem>>
    %add3A_102 = vector.broadcast %get3A_101 : f32 to vector<784x128xf32>
    %add3A_103 = arith.addf %mul3A_99, %add3A_102 : vector<784x128xf32>
    %max3A_104 = arith.constant 0.000000e+00 : f32
    %max3A_105 = vector.broadcast %max3A_104 : f32 to vector<784x128xf32>
    %max3A_106 = arith.maximumf %add3A_103, %max3A_105 : vector<784x128xf32>
    %get3A_107 = arith.constant 0 : index
    %get3A_108 = arith.constant 0 : index
    %get3A_109 = memref.load %arg4[%get3A_107, %get3A_108] : memref<4x2xf32, #tpu.memory_space<smem>>
    %mul3A_110 = vector.broadcast %get3A_109 : f32 to vector<784x128xf32>
    %mul3A_111 = arith.mulf %max3A_25, %mul3A_110 : vector<784x128xf32>
    %get3A_112 = arith.constant 1 : index
    %get3A_113 = arith.constant 0 : index
    %get3A_114 = memref.load %arg4[%get3A_112, %get3A_113] : memref<4x2xf32, #tpu.memory_space<smem>>
    %mul3A_115 = vector.broadcast %get3A_114 : f32 to vector<784x128xf32>
    %mul3A_116 = arith.mulf %max3A_52, %mul3A_115 : vector<784x128xf32>
    %add3A_117 = arith.addf %mul3A_111, %mul3A_116 : vector<784x128xf32>
    %get3A_118 = arith.constant 2 : index
    %get3A_119 = arith.constant 0 : index
    %get3A_120 = memref.load %arg4[%get3A_118, %get3A_119] : memref<4x2xf32, #tpu.memory_space<smem>>
    %mul3A_121 = vector.broadcast %get3A_120 : f32 to vector<784x128xf32>
    %mul3A_122 = arith.mulf %max3A_79, %mul3A_121 : vector<784x128xf32>
    %add3A_123 = arith.addf %add3A_117, %mul3A_122 : vector<784x128xf32>
    %get3A_124 = arith.constant 3 : index
    %get3A_125 = arith.constant 0 : index
    %get3A_126 = memref.load %arg4[%get3A_124, %get3A_125] : memref<4x2xf32, #tpu.memory_space<smem>>
    %mul3A_127 = vector.broadcast %get3A_126 : f32 to vector<784x128xf32>
    %mul3A_128 = arith.mulf %max3A_106, %mul3A_127 : vector<784x128xf32>
    %add3A_129 = arith.addf %add3A_123, %mul3A_128 : vector<784x128xf32>
    %mul3A_130 = arith.mulf %add3A_129, %get3A_1 : vector<784x128xf32>
    %swap3A = arith.constant 0 : index
    %swap3A_131 = arith.constant 0 : index
    %swap3A_132 = arith.constant 0 : index
    %swap3A_133 = vector.load %arg5[%swap3A, %swap3A_131, %swap3A_132] : memref<2x784x128xf32, #tpu.memory_space<vmem>>, vector<1x784x128xf32>
    %swap3A_134 = vector.shape_cast %swap3A_133 : vector<1x784x128xf32> to vector<784x128xf32>
    %swap3A_135 = vector.shape_cast %mul3A_130 : vector<784x128xf32> to vector<1x784x128xf32>
    tpu.vector_store %arg5[%swap3A, %swap3A_131, %swap3A_132], %swap3A_135 {strides = array<i32>} : memref<2x784x128xf32, #tpu.memory_space<vmem>>, vector<1x784x128xf32>,
    %get3A_136 = arith.constant 0 : index
    %get3A_137 = arith.constant 1 : index
    %get3A_138 = memref.load %arg4[%get3A_136, %get3A_137] : memref<4x2xf32, #tpu.memory_space<smem>>
    %mul3A_139 = vector.broadcast %get3A_138 : f32 to vector<784x128xf32>
    %mul3A_140 = arith.mulf %max3A_25, %mul3A_139 : vector<784x128xf32>
    %get3A_141 = arith.constant 1 : index
    %get3A_142 = arith.constant 1 : index
    %get3A_143 = memref.load %arg4[%get3A_141, %get3A_142] : memref<4x2xf32, #tpu.memory_space<smem>>
    %mul3A_144 = vector.broadcast %get3A_143 : f32 to vector<784x128xf32>
    %mul3A_145 = arith.mulf %max3A_52, %mul3A_144 : vector<784x128xf32>
    %add3A_146 = arith.addf %mul3A_140, %mul3A_145 : vector<784x128xf32>
    %get3A_147 = arith.constant 2 : index
    %get3A_148 = arith.constant 1 : index
    %get3A_149 = memref.load %arg4[%get3A_147, %get3A_148] : memref<4x2xf32, #tpu.memory_space<smem>>
    %mul3A_150 = vector.broadcast %get3A_149 : f32 to vector<784x128xf32>
    %mul3A_151 = arith.mulf %max3A_79, %mul3A_150 : vector<784x128xf32>
    %add3A_152 = arith.addf %add3A_146, %mul3A_151 : vector<784x128xf32>
    %get3A_153 = arith.constant 3 : index
    %get3A_154 = arith.constant 1 : index
    %get3A_155 = memref.load %arg4[%get3A_153, %get3A_154] : memref<4x2xf32, #tpu.memory_space<smem>>
    %mul3A_156 = vector.broadcast %get3A_155 : f32 to vector<784x128xf32>
    %mul3A_157 = arith.mulf %max3A_106, %mul3A_156 : vector<784x128xf32>
    %add3A_158 = arith.addf %add3A_152, %mul3A_157 : vector<784x128xf32>
    %mul3A_159 = arith.mulf %add3A_158, %get3A_1 : vector<784x128xf32>
    %swap3A_160 = arith.constant 1 : index
    %swap3A_161 = arith.constant 0 : index
    %swap3A_162 = arith.constant 0 : index
    %swap3A_163 = vector.load %arg5[%swap3A_160, %swap3A_161, %swap3A_162] : memref<2x784x128xf32, #tpu.memory_space<vmem>>, vector<1x784x128xf32>
    %swap3A_164 = vector.shape_cast %swap3A_163 : vector<1x784x128xf32> to vector<784x128xf32>
    %swap3A_165 = vector.shape_cast %mul3A_159 : vector<784x128xf32> to vector<1x784x128xf32>
    tpu.vector_store %arg5[%swap3A_160, %swap3A_161, %swap3A_162], %swap3A_165 {strides = array<i32>} : memref<2x784x128xf32, #tpu.memory_space<vmem>>, vector<1x784x128xf32>,
    return
  }
}

module attributes {stable_mosaic.version = 14 : i64} {
  func.func @_tc3_body(%arg0: memref<2x2x784x128xf32, #tpu.memory_space<vmem>>, %arg1: memref<2x784x128xf32, #tpu.memory_space<vmem>>, %arg2: memref<784x128xf32, #tpu.memory_space<vmem>>, %arg3: memref<2xf32, #tpu.memory_space<smem>>, %arg4: memref<2x784x128xf32, #tpu.memory_space<vmem>>) attributes {dimension_semantics = [], scalar_prefetch = 0 : i64, scratch_operands = 0 : i64, tpu.core_type = #tpu.core_type<tc>} {
    %get3A = arith.constant 0 : index
    %get3A_0 = arith.constant 0 : index
    %get3A_1 = vector.load %arg2[%get3A, %get3A_0] : memref<784x128xf32, #tpu.memory_space<vmem>>, vector<784x128xf32>
    %get3A_2 = arith.constant 0 : index
    %get3A_3 = arith.constant 0 : index
    %get3A_4 = arith.constant 0 : index
    %get3A_5 = arith.constant 0 : index
    %get3A_6 = vector.load %arg0[%get3A_2, %get3A_3, %get3A_4, %get3A_5] : memref<2x2x784x128xf32, #tpu.memory_space<vmem>>, vector<1x1x784x128xf32>
    %get3A_7 = vector.shape_cast %get3A_6 : vector<1x1x784x128xf32> to vector<784x128xf32>
    %get3A_8 = arith.constant 1 : index
    %get3A_9 = arith.constant 0 : index
    %get3A_10 = arith.constant 0 : index
    %get3A_11 = arith.constant 0 : index
    %get3A_12 = vector.load %arg0[%get3A_8, %get3A_9, %get3A_10, %get3A_11] : memref<2x2x784x128xf32, #tpu.memory_space<vmem>>, vector<1x1x784x128xf32>
    %get3A_13 = vector.shape_cast %get3A_12 : vector<1x1x784x128xf32> to vector<784x128xf32>
    %add3A = arith.addf %get3A_7, %get3A_13 : vector<784x128xf32>
    %get3A_14 = arith.constant 0 : index
    %get3A_15 = arith.constant 0 : index
    %get3A_16 = arith.constant 0 : index
    %get3A_17 = vector.load %arg1[%get3A_14, %get3A_15, %get3A_16] : memref<2x784x128xf32, #tpu.memory_space<vmem>>, vector<1x784x128xf32>
    %get3A_18 = vector.shape_cast %get3A_17 : vector<1x784x128xf32> to vector<784x128xf32>
    %add3A_19 = arith.addf %add3A, %get3A_18 : vector<784x128xf32>
    %mul3A = arith.mulf %add3A_19, %get3A_1 : vector<784x128xf32>
    %get3A_20 = arith.constant 0 : index
    %get3A_21 = memref.load %arg3[%get3A_20] : memref<2xf32, #tpu.memory_space<smem>>
    %add3A_22 = vector.broadcast %get3A_21 : f32 to vector<784x128xf32>
    %add3A_23 = arith.addf %mul3A, %add3A_22 : vector<784x128xf32>
    %get3A_24 = arith.constant 0 : index
    %get3A_25 = arith.constant 1 : index
    %get3A_26 = arith.constant 0 : index
    %get3A_27 = arith.constant 0 : index
    %get3A_28 = vector.load %arg0[%get3A_24, %get3A_25, %get3A_26, %get3A_27] : memref<2x2x784x128xf32, #tpu.memory_space<vmem>>, vector<1x1x784x128xf32>
    %get3A_29 = vector.shape_cast %get3A_28 : vector<1x1x784x128xf32> to vector<784x128xf32>
    %get3A_30 = arith.constant 1 : index
    %get3A_31 = arith.constant 1 : index
    %get3A_32 = arith.constant 0 : index
    %get3A_33 = arith.constant 0 : index
    %get3A_34 = vector.load %arg0[%get3A_30, %get3A_31, %get3A_32, %get3A_33] : memref<2x2x784x128xf32, #tpu.memory_space<vmem>>, vector<1x1x784x128xf32>
    %get3A_35 = vector.shape_cast %get3A_34 : vector<1x1x784x128xf32> to vector<784x128xf32>
    %add3A_36 = arith.addf %get3A_29, %get3A_35 : vector<784x128xf32>
    %get3A_37 = arith.constant 1 : index
    %get3A_38 = arith.constant 0 : index
    %get3A_39 = arith.constant 0 : index
    %get3A_40 = vector.load %arg1[%get3A_37, %get3A_38, %get3A_39] : memref<2x784x128xf32, #tpu.memory_space<vmem>>, vector<1x784x128xf32>
    %get3A_41 = vector.shape_cast %get3A_40 : vector<1x784x128xf32> to vector<784x128xf32>
    %add3A_42 = arith.addf %add3A_36, %get3A_41 : vector<784x128xf32>
    %mul3A_43 = arith.mulf %add3A_42, %get3A_1 : vector<784x128xf32>
    %get3A_44 = arith.constant 1 : index
    %get3A_45 = memref.load %arg3[%get3A_44] : memref<2xf32, #tpu.memory_space<smem>>
    %add3A_46 = vector.broadcast %get3A_45 : f32 to vector<784x128xf32>
    %add3A_47 = arith.addf %mul3A_43, %add3A_46 : vector<784x128xf32>
    %max3A = arith.maximumf %add3A_23, %add3A_47 : vector<784x128xf32>
    %sub3A = arith.subf %add3A_23, %max3A : vector<784x128xf32>
    %exp3A = math.exp %sub3A : vector<784x128xf32>
    %sub3A_48 = arith.subf %add3A_47, %max3A : vector<784x128xf32>
    %exp3A_49 = math.exp %sub3A_48 : vector<784x128xf32>
    %add3A_50 = arith.addf %exp3A, %exp3A_49 : vector<784x128xf32>
    %log3A = math.log %add3A_50 : vector<784x128xf32>
    %add3A_51 = arith.addf %max3A, %log3A : vector<784x128xf32>
    %sub3A_52 = arith.subf %add3A_23, %add3A_51 : vector<784x128xf32>
    %swap3A = arith.constant 0 : index
    %swap3A_53 = arith.constant 0 : index
    %swap3A_54 = arith.constant 0 : index
    %swap3A_55 = vector.load %arg4[%swap3A, %swap3A_53, %swap3A_54] : memref<2x784x128xf32, #tpu.memory_space<vmem>>, vector<1x784x128xf32>
    %swap3A_56 = vector.shape_cast %swap3A_55 : vector<1x784x128xf32> to vector<784x128xf32>
    %swap3A_57 = vector.shape_cast %sub3A_52 : vector<784x128xf32> to vector<1x784x128xf32>
    tpu.vector_store %arg4[%swap3A, %swap3A_53, %swap3A_54], %swap3A_57 {strides = array<i32>} : memref<2x784x128xf32, #tpu.memory_space<vmem>>, vector<1x784x128xf32>,
    %sub3A_58 = arith.subf %add3A_47, %add3A_51 : vector<784x128xf32>
    %swap3A_59 = arith.constant 1 : index
    %swap3A_60 = arith.constant 0 : index
    %swap3A_61 = arith.constant 0 : index
    %swap3A_62 = vector.load %arg4[%swap3A_59, %swap3A_60, %swap3A_61] : memref<2x784x128xf32, #tpu.memory_space<vmem>>, vector<1x784x128xf32>
    %swap3A_63 = vector.shape_cast %swap3A_62 : vector<1x784x128xf32> to vector<784x128xf32>
    %swap3A_64 = vector.shape_cast %sub3A_58 : vector<784x128xf32> to vector<1x784x128xf32>
    tpu.vector_store %arg4[%swap3A_59, %swap3A_60, %swap3A_61], %swap3A_64 {strides = array<i32>} : memref<2x784x128xf32, #tpu.memory_space<vmem>>, vector<1x784x128xf32>,
    return
  }
}

</mosaic_0001>

<sc_bundles>
// kernel: kernel.11.cloned.1.call-start
scs
__scs_entry_jumppad:
0x0: {  	(pc) =	sbr.rel $0x88, $3  }
0x1: {  	(tag) =	ssettag $0x0;
	lr =	simm.s32 $0x1  }
0x2: {  	[smem:$0x3F9B] =	sst lr;
	_ =	strace $0xD0000000  }
0x3: {  	_ = 	snop  }
0x4: {  	_ = 	snop  }
0x5: {  	_ = 	snop  }
0x6: {  	_ = 	snop  }
0x7: {  	_ = 	snop  }
__scs_overlays_trampoline_lowered:
0x8: {  	[smem:$0x3FAA] =	sst s0  }
0x9: {  	[smem:$0x3FAB] =	sst s1  }
0xa: {  	[smem:$0x3FAC] =	sst s2  }
0xb: {  	[smem:$0x3FAD] =	sst s3  }
0xc: {  	[smem:$0x3FAE] =	sst s4  }
0xd: {  	[smem:$0x3FAF] =	sst s5  }
0xe: {  	[smem:$0x3FB0] =	sst s6  }
0xf: {  	[smem:$0x3FB1] =	sst s7  }
0x10: {  	[smem:$0x3FB2] =	sst s8  }
0x11: {  	[smem:$0x3FB3] =	sst s9;
	s0 =	simm.s32 @!p0 $0x0  }
0x12: {  	s1 =	sld [smem:$0x3F99];
	s0 =	simm.s32 @p0 $0x1  }
0x13: {  	[smem:$0x3FB4] =	sst s0;
	s0 =	simm.s32 @!p1 $0x0  }
0x14: {  	s2 =	sld [smem:$0x3F98];
	s0 =	simm.s32 @p1 $0x1  }
0x15: {  	[smem:$0x3FB5] =	sst s0;
	s0 =	simm.s32 @!p2 $0x0  }
0x16: {  	s3 =	sld [smem:$0x3FDB];
	s0 =	simm.s32 @p2 $0x1  }
0x17: {  	s4 =	simm.s32 $0x1BF5;
	[smem:$0x3FB7] =	sst s0  }
0x18: {  	s0 =	sld [smem:$0x3F9A];
	_ =	swait.ge [sflag:s4], $0x0  }
0x19: {  	s7 =	sld [smem:$0x3F9B]  }
0x1a: {  	s8 =	sadd.s32 $0xFFFFE003, lr  }
0x1b: {  	s9 =	sadd.s32 $0xFFFFFEF7, lr;
	s5 =	simm.s32 $0xFFFFFFFF;
	p2 =	slt.u32 s8, $0xFFFFF086  }
0x1c: {  	p1 =	slt.u32 s9, $0xF7A;
	s5 =	simm.s32 @!p2 $0x0  }
0x1d: {  	s5 =	simm.s32 @p1 $0x1;
	p0 =	seq.s32 s7, s2  }
0x1e: {  	s7 =	smul.u32 @!p0 $0xF7A, s2;
	p2 =	seq.s32 @!p0 s5, $0x0  }
0x1f: {  	s9 =	smul.u32 $0xF7A, s1;
	s8 =	simm.s32 @!p0 $0x1BF5;
	p2 =	por !p2, p0  }
0x20: {  	[sflag:s8] =	ssyncset.s32 @!p0 $0xFFFFF086;
	s6 =	sadd.s32 @!p0 s3, s7;
	s7 =	simm.s32 @!p0 $0x108  }
0x21: {  	s3 =	sadd.s32 s3, s9;
	s6 =	sadd.s32 @!p0 $0x88, s6;
	s7 =	simm.s32 @p2 $0x1082  }
0x22: {  	[simem:s7], [sflag:s8] =	dma.local @!p0 [hbm:s6], $0xF7A  }
0x23: {  	s9 =	sor.u32 $0xD0000000, s2;
	s6 =	simm.s32 $0x108;
	_ =	swait.ge @!p0 [sflag:s8], $0x0  }
0x24: {  	s3 =	sadd.s32 $0x88, s3;
	s6 =	simm.s32 @!p1 $0x1082;
	[sflag:s4] =	ssyncset.s32 $0xFFFFF086  }
0x25: {  	[simem:s6], [sflag:s4] =	dma.local [hbm:s3], $0xF7A  }
0x26: {  	[smem:$0x3F9B] =	sst s1;
	(tag) =	ssettag s2;
	_ =	strace s9  }
0x27: {  	s1 =	sld [smem:$0x3FAB]  }
0x28: {  	s2 =	sld [smem:$0x3FAC]  }
0x29: {  	s4 =	sld [smem:$0x3FAE]  }
0x2a: {  	p0 =	seq.s32 s5, $0x0;
	s5 =	sld [smem:$0x3FAF]  }
0x2b: {  	s6 =	sld [smem:$0x3FB0]  }
0x2c: {  	s7 =	sld [smem:$0x3FB1]  }
0x2d: {  	s3 =	simm.s32 $0x108;
	s8 =	sld [smem:$0x3FB2]  }
0x2e: {  	s3 =	simm.s32 @!p0 $0x1082;
	s9 =	sld [smem:$0x3FB3]  }
0x2f: {  	lr =	sadd.s32 s0, s3;
	s0 =	sld [smem:$0x3FAA]  }
0x30: {  	s3 =	sld [smem:$0x3FAD]  }
0x31: {  	[smem:$0x3FB6] =	sst s10  }
0x32: {  	s10 =	sld [smem:$0x3FB4];
	_ =	sdelay $0x3  }
0x33: {  	p0 =	seq.s32 s10, $0x1;
	s10 =	sld [smem:$0x3FB6];
	_ =	sdelay $0x3  }
0x34: {  	[smem:$0x3FB6] =	sst s10  }
0x35: {  	s10 =	sld [smem:$0x3FB5];
	_ =	sdelay $0x3  }
0x36: {  	p1 =	seq.s32 s10, $0x1;
	s10 =	sld [smem:$0x3FB6];
	_ =	sdelay $0x3  }
0x37: {  	[smem:$0x3FB6] =	sst s10  }
0x38: {  	s10 =	sld [smem:$0x3FB7]  }
0x39: {  	_ = 	snop;
	(pc) =	sbr.ind lr, $3  }
0x3a: {  	_ = 	snop  }
0x3b: {  	_ = 	snop  }
0x3c: {  	p2 =	seq.s32 s10, $0x1;
	s10 =	sld [smem:$0x3FB6]  }
0x3d: {  	_ =	shalt  }
0x3e: {  	_ =	shalt  }
0x3f: {  	_ =	shalt  }
0x40: {  	_ =	shalt  }
0x41: {  	_ =	shalt  }
0x42: {  	_ =	shalt  }
0x43: {  	_ =	shalt  }
0x44: {  	_ =	shalt  }
0x45: {  	_ =	shalt  }
0x46: {  	_ =	shalt  }
0x47: {  	_ =	shalt  }
0x48: {  	_ =	shalt  }
0x49: {  	_ =	shalt  }
0x4a: {  	_ =	shalt  }
0x4b: {  	_ =	shalt  }
0x4c: {  	_ =	shalt  }
0x4d: {  	_ =	shalt  }
0x4e: {  	_ =	shalt  }
0x4f: {  	_ =	shalt  }
0x50: {  	_ =	shalt  }
0x51: {  	_ =	shalt  }
0x52: {  	_ =	shalt  }
0x53: {  	_ =	shalt  }
0x54: {  	_ =	shalt  }
0x55: {  	_ =	shalt  }
0x56: {  	_ =	shalt  }
0x57: {  	_ =	shalt  }
0x58: {  	_ =	shalt  }
0x59: {  	_ =	shalt  }
0x5a: {  	_ =	shalt  }
0x5b: {  	_ =	shalt  }
0x5c: {  	_ =	shalt  }
0x5d: {  	_ =	shalt  }
0x5e: {  	_ =	shalt  }
0x5f: {  	_ =	shalt  }
0x60: {  	_ =	shalt  }
0x61: {  	_ =	shalt  }
0x62: {  	_ =	shalt  }
0x63: {  	_ =	shalt  }
0x64: {  	_ =	shalt  }
0x65: {  	_ =	shalt  }
0x66: {  	_ =	shalt  }
0x67: {  	_ =	shalt  }
0x68: {  	_ =	shalt  }
0x69: {  	_ =	shalt  }
0x6a: {  	_ =	shalt  }
0x6b: {  	_ =	shalt  }
0x6c: {  	_ =	shalt  }
0x6d: {  	_ =	shalt  }
0x6e: {  	_ =	shalt  }
0x6f: {  	_ =	shalt  }
0x70: {  	_ =	shalt  }
0x71: {  	_ =	shalt  }
0x72: {  	_ =	shalt  }
0x73: {  	_ =	shalt  }
0x74: {  	_ =	shalt  }
0x75: {  	_ =	shalt  }
0x76: {  	_ =	shalt  }
0x77: {  	_ =	shalt  }
0x78: {  	_ =	shalt  }
0x79: {  	_ =	shalt  }
0x7a: {  	_ =	shalt  }
0x7b: {  	_ =	shalt  }
0x7c: {  	_ =	shalt  }
0x7d: {  	_ =	shalt  }
0x7e: {  	_ =	shalt  }
0x7f: {  	_ =	shalt  }
0x80: {  	_ =	shalt  }
0x81: {  	_ =	shalt  }
0x82: {  	_ =	shalt  }
0x83: {  	_ =	shalt  }
0x84: {  	_ =	shalt  }
0x85: {  	_ =	shalt  }
0x86: {  	_ =	shalt  }
0x87: {  	_ =	shalt  }
.Lfunc_end0:
.L_simem_size_0:
called_computation.1_lowered:
.L_overlay_start_0:
0x88: {  	s2 =	sld [smem:$0x3FD9]  }
0x89: {  	s3 =	sld [smem:$0x3FFE];
	_ =	sdelay $0x1  }
0x8a: {  	s1 =	srdreg.scid  }
0x8b: {  	s0 =	sand.u32 $0x1, s1  }
0x8c: {  	s17 =	sshll.u32 s0, $0xA;
	s2 =	sadd.s32 s3, s2  }
0x8d: {  	s2 =	sadd.s32 s2, s17  }
0x8e: {  	[smem:$0x3FC2] =	sst s2  }
0x8f: {  	_ = 	snop  }
0x90: {  	s2 =	sld [smem:$0x3FD0];
	(tm) =	ssettm $0x1  }
0x91: {  	s18 =	sld [smem:$0x3FFB];
	_ =	sdelay $0x3  }
0x92: {  	_ =	strace s18  }
0x93: {  	s3 =	sld [smem:$0x3FFC];
	_ =	sdelay $0x3  }
0x94: {  	_ =	strace s3  }
0x95: {  	s3 =	sld [smem:$0x3FFD];
	_ =	sdelay $0x3  }
0x96: {  	_ =	strace s3  }
0x97: {  	_ =	strace $0x8FFFFFFF  }
0x98: {  	s19 =	sld [smem:$0x3FDB];
	_ =	sdelay $0x1  }
0x99: {  	s4 =	simm.s32 $_scs_section_size  }
0x9a: {  	s5 =	simm.s32 $_size__tile_overlayer_lowered;
	s6 =	simm.s32 $_tile_overlayer_lowered  }
0x9b: {  	s22 =	simm.s32 $0x1BFF;
	s21 =	sshll.u32 s6, $0x1;
	s3 =	sadd.s32 s4, s19  }
0x9c: {  	s7 =	simm.s32 $0x0;
	s20 =	sshll.u32 s5, $0x1;
	s5 =	sadd.s32 s21, s3  }
0x9d: {  	[timem:s7], [sflag:s22] =	dma.local [hbm:s5], s20  }
0x9e: {  	_ =	swait.ge [sflag:s22], s20  }
0x9f: {  	s4 =	ssub.s32 $0x0, s20;
	[sflag:s22] =	ssyncset.done $0x0  }
0xa0: {  	[sflag:s22] =	ssyncadd.s32 s4;
	_ =	sdelay $0x1  }
0xa1: {  	s23 =	simm.s32 $0x1B8B  }
0xa2: {  	_ =	swait.ge [sflag:s23], $0x1  }
0xa3: {  	[sflag:s23] =	ssyncset.done $0x0  }
0xa4: {  	s25 =	simm.s32 $0x1B8E;
	s24 =	sld [smem:$0x3FFE];
	[sflag:s23] =	ssyncadd.s32 $0xFFFFFFFF  }
0xa5: {  	s26 =	simm.s32 $execute0_lowered;
	[smem:$0x3FD2] =	sst s25  }
0xa6: {  	s5 =	sshll.u32 s26, $0x1;
	_ =	strace $0x80000049;
	[dreg:$0x1] =	wrdreg $0xFFFFFFFF  }
0xa7: {  	s28 =	simm.s32 $_size_execute0_lowered;
	s3 =	sadd.s32 s3, s5;
	[dreg:$0x0] =	wrdreg $0x0  }
0xa8: {  	s5 =	sshll.u32 s28, $0x1;
	[dreg:$0x2] =	wrdreg s3  }
0xa9: {  	[dreg:$0x3] =	wrdreg s5  }
0xaa: {  	[dreg:$0x4] =	wrdreg $0xC0  }
0xab: {  	_ =	task [dreg:s7], $0x5FFFF  }
0xac: {  	[dreg:$0x1] =	wrdreg $0xFFFFFFFF  }
0xad: {  	[dreg:$0x0] =	wrdreg $0x60  }
0xae: {  	[dreg:$0x2] =	wrdreg s24  }
0xaf: {  	[dreg:$0x3] =	wrdreg s2  }
0xb0: {  	[dreg:$0x4] =	wrdreg $0x48000  }
0xb1: {  	[dreg:$0x5] =	wrdreg $0x60800  }
0xb2: {  	[dreg:$0x6] =	wrdreg $0x79000  }
0xb3: {  	[dreg:$0x7] =	wrdreg $0x91800  }
0xb4: {  	[dreg:$0x8] =	wrdreg $0x9  }
0xb5: {  	_ =	task.clear_ibuf [dreg:s7], $0x9FFFF;
	_ =	strace $0x90000049  }
0xb6: {  	s29 =	simm.s32 $0x9;
	_ =	strace $0x8000004B  }
0xb7: {  	_ =	swait.ge [sflag:s29], $0x1  }
0xb8: {  	[sflag:s29] =	ssyncadd.s32 $0xFFFFFFFF  }
0xb9: {  	_ =	strace $0x9000004B  }
0xba: {  	_ =	sfence  }
0xbb: {  	s30 =	sld [smem:$0x0];
	_ =	sdelay $0x2  }
0xbc: {  	s31 =	sshll.u32 s1, $0xD;
	s1 =	sshrl.u32 s1, $0x2  }
0xbd: {  	s3 =	sand.u32 $0x4000, s31;
	s1 =	sadd.s32 s1, s30  }
0xbe: {  	s0 =	sor.u32 s3, s0;
	s1 =	sshll.u32 s1, $0x11  }
0xbf: {  	s0 =	sor.u32 s1, s0  }
0xc0: {  	s0 =	sadd.s32 $0x8F2B, s0  }
0xc1: {  	[sflag:s0] =	ssyncadd.remote.s32 $0x1  }
0xc2: {  	_ =	sfence.sel $0xFFFF  }
0xc3: {  	[dreg:$0x0] =	wrdreg $0xFFFFFFFF;
	(pc) =	sbr.abs _section_cstart, $3  }
0xc4: {  	[dreg:$0x1] =	wrdreg $0xFFFFFFFF  }
0xc5: {  	_ =	task.clear_ibuf [dreg:s7], $0x2FFFF;
	_ =	strace $0x9FFFFFFF  }
0xc6: {  	(tm) =	ssettm $0x7FFFFFFF  }
0xc7: {  	_ =	shalt  }
tec
execute0_lowered:
.L_overlay_start_1:
0x0: {  	(tag) =	ssettag $0x1  }
0x1: {  	s0 =	rddreg [dreg:$0x0]  }
0x2: {  	s1 =	rddreg [dreg:$0x1]  }
0x3: {  	s2 =	rddreg [dreg:$0x2]  }
0x4: {  	s3 =	rddreg [dreg:$0x3]  }
0x5: {  	s4 =	rddreg [dreg:$0x4]  }
0x6: {  	s6 =	rddreg [dreg:$0x5];
	s7 =	simm.s32 $0x0  }
0x7: {  	s5 =	srdreg.scid;
	s18 =	stileid.u32;
	s31 =	simm.s32 $0xC00  }
0x8: {  	s30 =	simm.s32 $0x600;
	s28 =	simm.s32 $0x1200;
	[smem:$0x7FF] =	sst s7  }
0x9: {  	s11 =	smul.u32 $0x1880, s18;
	s13 =	sadd.s32 $0xC5800, s0;
	s14 =	sadd.s32 $0x2200, s0  }
0xa: {  	s5 =	sand.u32 $0x1, s5;
	s8 =	sadd.s32 $0x18F600, s0;
	s9 =	sadd.s32 $0x18C400, s0  }
0xb: {  	s10 =	sadd.s32 $0x189200, s0;
	s15 =	sadd.s32 $0x188E00, s0;
	s16 =	sshll.u32 s18, $0x1  }
0xc: {  	s17 =	sshll.u32 s18, $0x6;
	s18 =	sshll.u32 s18, $0x8;
	_ =	strace $0x8000004A  }
0xd: {  	s12 =	smul.u32 $0x62000, s5;
	[dreg:$0x7] =	wrdreg s15;
	s22 =	sor.u32 s5, s16  }
0xe: {  	s20 =	ssub.s32 $0x2, s5;
	s19 =	sadd.s32 s11, s2;
	[dreg:$0x8] =	wrdreg s22  }
0xf: {  	s29 =	sshll.u32 s5, $0x7;
	s24 =	sadd.s32 s11, s3;
	[dreg:$0x9] =	wrdreg s19  }
0x10: {  	s23 =	sshll.u32 s22, $0x7;
	s22 =	ssub.s32 $0x186A, s16;
	[dreg:$0xb] =	wrdreg s24  }
0x11: {  	s21 =	sshrl.u32 s20, $0x1;
	s25 =	sadd.s32 s13, s23;
	[dreg:$0x11] =	wrdreg s22  }
0x12: {  	s15 =	ssub.s32 s20, s21;
	s26 =	sadd.s32 s14, s23;
	[dreg:$0xc] =	wrdreg s25  }
0x13: {  	s20 =	sor.u32 $0x1C04, s17;
	s17 =	sadd.s32 s18, s14;
	[dreg:$0xd] =	wrdreg s26  }
0x14: {  	s5 =	simm.s32 $0x1000;
	s19 =	sadd.s32 s18, s13;
	[dreg:$0xe] =	wrdreg s17  }
0x15: {  	s12 =	sadd.s32 s11, s12;
	s21 =	sadd.s32 s11, s4;
	[dreg:$0xf] =	wrdreg s19  }
0x16: {  	s11 =	sadd.s32 s11, s6;
	s14 =	simm.s32 $0x4;
	[dreg:$0x10] =	wrdreg s21  }
0x17: {  	s13 =	simm.s32 $0x1;
	s12 =	sshrl.u32 s12, $0x3;
	[dreg:$0x13] =	wrdreg s11  }
0x18: {  	s26 =	smax.u32 s15, $0x1;
	[dreg:$0xa] =	wrdreg s20;
	s0 =	sadd.s32 s12, s0  }
0x19: {  	s18 =	simm.s32 $0x2;
	[dreg:$0x17] =	wrdreg s26;
	s23 =	sadd.s32 $0x192800, s0  }
.Ltmp0:
0x1a: {  	s24 =	sadd.s32 $0x195900, s0;
	[dreg:$0x12] =	wrdreg s23;
	(pc) =	sbr.rel .LBB2_1-.Ltmp0, $4  }
0x1b: {  	s15 =	simm.s32 $0x200;
	s25 =	sadd.s32 $0x198A00, s0;
	[dreg:$0x14] =	wrdreg s24  }
0x1c: {  	s19 =	simm.s32 $0x3;
	s0 =	sadd.s32 $0x19BB00, s0;
	[dreg:$0x15] =	wrdreg s25  }
0x1d: {  	s12 =	simm.s32 $0x0;
	[dreg:$0x16] =	wrdreg s0;
	s0 =	simm.s32 $0x400  }
0x1e: {  	s25 =	simm.s32 $0x800;
	s23 =	simm.s32 $0xE00;
	s24 =	simm.s32 $0xA00  }
.LBB2_19:
0x1f: {  	[bflag:$0x0] =	sbarrier.arrive $0xFFFF  }
0x20: {  	s20 =	rddreg [dreg:$0xa]  }
0x21: {  	s11 =	rddreg [dreg:$0x12]  }
0x22: {  	s14 =	simm.s32 $0x4;
	s12 =	rddreg [dreg:$0x19]  }
0x23: {  	[hbm:s11], [sflag:s20] =	dma.local [spmem:s12], $0x310  }
0x24: {  	_ =	swait.ge [sflag:s14], $0x310  }
0x25: {  	[sflag:s14] =	ssyncset.done $0x0;
	s22 =	rddreg [dreg:$0x14]  }
0x26: {  	s26 =	rddreg [dreg:$0x1a];
	[sflag:s14] =	ssyncadd.s32 $0xFFFFFCF0  }
0x27: {  	[hbm:s22], [sflag:s20] =	dma.local [spmem:s26], $0x310  }
0x28: {  	_ =	swait.ge [sflag:s14], $0x310  }
0x29: {  	[sflag:s14] =	ssyncset.done $0x0;
	s12 =	rddreg [dreg:$0x15]  }
0x2a: {  	s16 =	rddreg [dreg:$0x1b];
	[sflag:s14] =	ssyncadd.s32 $0xFFFFFCF0  }
0x2b: {  	[hbm:s12], [sflag:s20] =	dma.local [spmem:s16], $0x310  }
0x2c: {  	_ =	swait.ge [sflag:s14], $0x310  }
0x2d: {  	[sflag:s14] =	ssyncset.done $0x0;
	s17 =	rddreg [dreg:$0x16]  }
0x2e: {  	s21 =	rddreg [dreg:$0x1c];
	[sflag:s14] =	ssyncadd.s32 $0xFFFFFCF0  }
0x2f: {  	[hbm:s17], [sflag:s20] =	dma.local [spmem:s21], $0x310  }
0x30: {  	_ =	swait.ge [sflag:s14], $0x310  }
0x31: {  	s22 =	rddreg [dreg:$0x18]  }
0x32: {  	s26 =	rddreg [dreg:$0x17];
	s12 =	sadd.s32 $0x1, s22  }
0x33: {  	p0 =	sne.s32 s12, s26  }
.Ltmp1:
0x34: {  	_ = 	snop;
	(pc) =	sbr.rel @!p0 .LBB2_20-.Ltmp1, $3  }
0x35: {  	_ =	sdelay $0x1  }
0x36: {  	[sflag:s14] =	ssyncset.done $0x0  }
0x37: {  	[sflag:s14] =	ssyncadd.s32 $0xFFFFFCF0  }
.LBB2_1:
0x38: {  	[dreg:$0x18] =	wrdreg s12  }
0x39: {  	s11 =	rddreg [dreg:$0x9]  }
0x3a: {  	s26 =	rddreg [dreg:$0x7];
	s22 =	sshrl.u32 s11, $0x3  }
0x3b: {  	[dreg:$0x19] =	wrdreg s22  }
0x3c: {  	[spmem:s22], [sflag:s20] =	dma.local [hbm:s26], $0x310  }
0x3d: {  	_ =	swait.ge [sflag:s14], $0x310  }
0x3e: {  	s16 =	rddreg [dreg:$0xb]  }
0x3f: {  	[sflag:s14] =	ssyncset.done $0x0;
	s12 =	sshrl.u32 s16, $0x3  }
0x40: {  	[sflag:s14] =	ssyncadd.s32 $0xFFFFFCF0;
	[dreg:$0x1a] =	wrdreg s12  }
0x41: {  	[spmem:s12], [sflag:s20] =	dma.local [hbm:s26], $0x310  }
0x42: {  	_ =	swait.ge [sflag:s14], $0x310  }
0x43: {  	s17 =	rddreg [dreg:$0x10]  }
0x44: {  	[sflag:s14] =	ssyncset.done $0x0;
	s12 =	sshrl.u32 s17, $0x3  }
0x45: {  	[sflag:s14] =	ssyncadd.s32 $0xFFFFFCF0;
	[dreg:$0x1b] =	wrdreg s12  }
0x46: {  	[spmem:s12], [sflag:s20] =	dma.local [hbm:s26], $0x310  }
0x47: {  	_ =	swait.ge [sflag:s14], $0x310  }
0x48: {  	s21 =	rddreg [dreg:$0x13]  }
0x49: {  	[sflag:s14] =	ssyncset.done $0x0;
	s12 =	sshrl.u32 s21, $0x3  }
0x4a: {  	[sflag:s14] =	ssyncadd.s32 $0xFFFFFCF0;
	[dreg:$0x1c] =	wrdreg s12  }
0x4b: {  	[spmem:s12], [sflag:s20] =	dma.local [hbm:s26], $0x310  }
0x4c: {  	_ =	swait.ge [sflag:s14], $0x310  }
0x4d: {  	[sflag:s14] =	ssyncset.done $0x0  }
0x4e: {  	[sflag:s14] =	ssyncadd.s32 $0xFFFFFCF0  }
0x4f: {  	[bflag:$0x0] =	sbarrier.arrive $0xFFFF  }
0x50: {  	s22 =	rddreg [dreg:$0xc]  }
.Ltmp2:
0x51: {  	s26 =	rddreg [dreg:$0xd];
	(pc) =	sbr.rel .LBB2_2-.Ltmp2, $4  }
0x52: {  	[tilespmem:s7], [sflag:$0x1] =	stream.linear.gather [hbm4b:s22+s7], $0x400, $0x38;
	[tilespmem:$0xAA00] =	vst v63  }
0x53: {  	s11 =	rddreg [dreg:$0xf]  }
0x54: {  	[tilespmem:s31], [sflag:$0x1] =	stream.linear.gather [hbm4b:s26+s7], $0x400, $0x38;
	[tilespmem:$0xAA00] =	vst v63  }
0x55: {  	s14 =	rddreg [dreg:$0xe];
	s26 =	simm.s32 $0x0  }
.LBB2_13:
0x56: {  	s12 =	sadd.s32 $0x3000, s20  }
0x57: {  	[tilespmem:s7], [sflag:$0x1] =	stream.linear.gather [hbm4b:s12+s7], $0x400, $0x38;
	[tilespmem:$0xAA00] =	vst v63  }
0x58: {  	s22 =	sadd.s32 $0x3000, s17  }
0x59: {  	[tilespmem:s31], [sflag:$0x1] =	stream.linear.gather [hbm4b:s22+s7], $0x400, $0x38;
	[tilespmem:$0xAA00] =	vst v63  }
.LBB2_15:
0x5a: {  	_ =	swait.ge [sflag:s13], $0x400  }
0x5b: {  	[sflag:s13] =	ssyncset.done $0x0  }
0x5c: {  	[sflag:s13] =	ssyncadd.s32 $0xFFFFFC00  }
0x5d: {  	_ =	swait.ge [sflag:s13], $0x400  }
0x5e: {  	[sflag:s13] =	ssyncset.done $0x0  }
0x5f: {  	s12 =	simm.s32 $0x3800;
	[sflag:s13] =	ssyncadd.s32 $0xFFFFFC00  }
0x60: {  	[tilespmem:s12], [sflag:$0x2] =	stream.indirect.gather [hbm4b:s1+s15], $0x1, s25, s15, $0xb8;
	[tilespmem:$0xAA00] =	vst v63  }
0x61: {  	s21 =	simm.s32 $0x3A00  }
0x62: {  	[tilespmem:s21], [sflag:$0x2] =	stream.indirect.gather [hbm4b:s8+s15], $0x1, s25, s15, $0xb8;
	[tilespmem:$0xAA00] =	vst v63  }
0x63: {  	s22 =	simm.s32 $0x3C00  }
0x64: {  	[tilespmem:s22], [sflag:$0x2] =	stream.indirect.gather [hbm4b:s9+s15], $0x1, s25, s15, $0xb8;
	[tilespmem:$0xAA00] =	vst v63  }
0x65: {  	s16 =	simm.s32 $0x3E00  }
0x66: {  	[tilespmem:s16], [sflag:$0x2] =	stream.indirect.gather [hbm4b:s10+s15], $0x1, s25, s15, $0xb8;
	[tilespmem:$0xAA00] =	vst v63  }
0x67: {  	s17 =	simm.s32 $0x4000  }
0x68: {  	[tilespmem:s17], [sflag:$0x2] =	stream.indirect.gather [hbm4b:s1+s15], $0x1, s24, s15, $0xb8;
	[tilespmem:$0xAA00] =	vst v63  }
0x69: {  	s20 =	simm.s32 $0x4200  }
0x6a: {  	[tilespmem:s20], [sflag:$0x2] =	stream.indirect.gather [hbm4b:s8+s15], $0x1, s24, s15, $0xb8;
	[tilespmem:$0xAA00] =	vst v63  }
0x6b: {  	s21 =	simm.s32 $0x4400  }
0x6c: {  	[tilespmem:s21], [sflag:$0x2] =	stream.indirect.gather [hbm4b:s9+s15], $0x1, s24, s15, $0xb8;
	[tilespmem:$0xAA00] =	vst v63  }
0x6d: {  	s22 =	simm.s32 $0x4600  }
0x6e: {  	[tilespmem:s22], [sflag:$0x2] =	stream.indirect.gather [hbm4b:s10+s15], $0x1, s24, s15, $0xb8;
	[tilespmem:$0xAA00] =	vst v63  }
.LBB2_17:
0x6f: {  	_ =	swait.ge [sflag:s18], $0x200  }
0x70: {  	[sflag:s18] =	ssyncset.done $0x0  }
0x71: {  	[sflag:s18] =	ssyncadd.s32 $0xFFFFFE00  }
0x72: {  	_ =	swait.ge [sflag:s18], $0x200  }
0x73: {  	[sflag:s18] =	ssyncset.done $0x0  }
0x74: {  	[sflag:s18] =	ssyncadd.s32 $0xFFFFFE00  }
0x75: {  	_ =	swait.ge [sflag:s18], $0x200  }
0x76: {  	[sflag:s18] =	ssyncset.done $0x0  }
0x77: {  	[sflag:s18] =	ssyncadd.s32 $0xFFFFFE00  }
0x78: {  	_ =	swait.ge [sflag:s18], $0x200  }
0x79: {  	[sflag:s18] =	ssyncset.done $0x0  }
0x7a: {  	[sflag:s18] =	ssyncadd.s32 $0xFFFFFE00  }
0x7b: {  	_ =	swait.ge [sflag:s18], $0x200  }
0x7c: {  	[sflag:s18] =	ssyncset.done $0x0  }
0x7d: {  	[sflag:s18] =	ssyncadd.s32 $0xFFFFFE00  }
0x7e: {  	_ =	swait.ge [sflag:s18], $0x200  }
0x7f: {  	[sflag:s18] =	ssyncset.done $0x0  }
0x80: {  	[sflag:s18] =	ssyncadd.s32 $0xFFFFFE00  }
0x81: {  	_ =	swait.ge [sflag:s18], $0x200  }
0x82: {  	[sflag:s18] =	ssyncset.done $0x0  }
0x83: {  	[sflag:s18] =	ssyncadd.s32 $0xFFFFFE00  }
0x84: {  	_ =	swait.ge [sflag:s18], $0x200  }
0x85: {  	[sflag:s18] =	ssyncset.done $0x0  }
0x86: {  	s12 =	simm.s32 $0x2800;
	[sflag:s18] =	ssyncadd.s32 $0xFFFFFE00  }
0x87: {  	[spmem:s2] =	stream.indirect.scatter.add.f32 [tilespmem:s12], [sflag:$0x3], $0x1, s5, s15, $0xb8;
	[tilespmem:$0xAA00] =	vst v63  }
0x88: {  	s21 =	simm.s32 $0x2A00  }
0x89: {  	[spmem:s3] =	stream.indirect.scatter.add.f32 [tilespmem:s21], [sflag:$0x3], $0x1, s5, s15, $0xb8;
	[tilespmem:$0xAA00] =	vst v63  }
0x8a: {  	s22 =	simm.s32 $0x2C00  }
0x8b: {  	[spmem:s4] =	stream.indirect.scatter.add.f32 [tilespmem:s22], [sflag:$0x3], $0x1, s5, s15, $0xb8;
	[tilespmem:$0xAA00] =	vst v63  }
0x8c: {  	s16 =	simm.s32 $0x2E00  }
0x8d: {  	[spmem:s6] =	stream.indirect.scatter.add.f32 [tilespmem:s16], [sflag:$0x3], $0x1, s5, s15, $0xb8;
	[tilespmem:$0xAA00] =	vst v63  }
0x8e: {  	s17 =	simm.s32 $0x3000  }
0x8f: {  	[spmem:s2] =	stream.indirect.scatter.add.f32 [tilespmem:s17], [sflag:$0x3], $0x1, s28, s15, $0xb8;
	[tilespmem:$0xAA00] =	vst v63  }
0x90: {  	s20 =	simm.s32 $0x3200  }
0x91: {  	[spmem:s3] =	stream.indirect.scatter.add.f32 [tilespmem:s20], [sflag:$0x3], $0x1, s28, s15, $0xb8;
	[tilespmem:$0xAA00] =	vst v63  }
0x92: {  	s21 =	simm.s32 $0x3400  }
0x93: {  	[spmem:s4] =	stream.indirect.scatter.add.f32 [tilespmem:s21], [sflag:$0x3], $0x1, s28, s15, $0xb8;
	[tilespmem:$0xAA00] =	vst v63  }
0x94: {  	s22 =	simm.s32 $0x3600  }
0x95: {  	[spmem:s6] =	stream.indirect.scatter.add.f32 [tilespmem:s22], [sflag:$0x3], $0x1, s28, s15, $0xb8;
	[tilespmem:$0xAA00] =	vst v63  }
.LBB2_18:
0x96: {  	s26 =	sadd.s32 $0x60, s26  }
0x97: {  	p0 =	sne.s32 s26, $0x1920  }
.Ltmp3:
0x98: {  	_ = 	snop;
	(pc) =	sbr.rel @!p0 .LBB2_19-.Ltmp3, $2  }
0x99: {  	_ =	sdelay $0x2  }
0x9a: {  	s14 =	sadd.s32 $0x3000, s14;
	s11 =	sadd.s32 $0x3000, s11  }
.LBB2_2:
0x9b: {  	s12 =	rddreg [dreg:$0x8]  }
0x9c: {  	s16 =	sadd.s32 s26, s12  }
0x9d: {  	s17 =	sadd.s32 $0xFFFFFFC0, s16  }
0x9e: {  	p0 =	sgt.u32 s17, $0x1869  }
0x9f: {  	s17 =	simm.s32 @!p0 $0x3  }
0xa0: {  	_ =	swait.ge @!p0 [sflag:s17], $0x200  }
0xa1: {  	[sflag:s17] =	ssyncset.done @!p0 $0x0  }
0xa2: {  	[sflag:s17] =	ssyncadd.s32 @!p0 $0xFFFFFE00  }
0xa3: {  	_ =	swait.ge @!p0 [sflag:s17], $0x200  }
0xa4: {  	[sflag:s17] =	ssyncset.done @!p0 $0x0  }
0xa5: {  	[sflag:s17] =	ssyncadd.s32 @!p0 $0xFFFFFE00  }
0xa6: {  	_ =	swait.ge @!p0 [sflag:s17], $0x200  }
0xa7: {  	[sflag:s17] =	ssyncset.done @!p0 $0x0  }
0xa8: {  	[sflag:s17] =	ssyncadd.s32 @!p0 $0xFFFFFE00  }
0xa9: {  	_ =	swait.ge @!p0 [sflag:s17], $0x200  }
0xaa: {  	[sflag:s17] =	ssyncset.done @!p0 $0x0  }
0xab: {  	[sflag:s17] =	ssyncadd.s32 @!p0 $0xFFFFFE00  }
0xac: {  	_ =	swait.ge @!p0 [sflag:s17], $0x200  }
0xad: {  	[sflag:s17] =	ssyncset.done @!p0 $0x0  }
0xae: {  	[sflag:s17] =	ssyncadd.s32 @!p0 $0xFFFFFE00  }
0xaf: {  	_ =	swait.ge @!p0 [sflag:s17], $0x200  }
0xb0: {  	[sflag:s17] =	ssyncset.done @!p0 $0x0  }
0xb1: {  	[sflag:s17] =	ssyncadd.s32 @!p0 $0xFFFFFE00  }
0xb2: {  	p1 =	sgt.u32 s16, $0x1849;
	_ =	swait.ge @!p0 [sflag:s17], $0x200  }
.Ltmp4:
0xb3: {  	[sflag:s17] =	ssyncset.done @!p0 $0x0;
	(pc) =	sbr.rel @p1 .LBB2_4-.Ltmp4, $4  }
0xb4: {  	[sflag:s17] =	ssyncadd.s32 @!p0 $0xFFFFFE00  }
0xb5: {  	_ =	swait.ge @!p0 [sflag:s17], $0x200  }
0xb6: {  	[sflag:s17] =	ssyncset.done @!p0 $0x0  }
0xb7: {  	s20 =	sadd.s32 s11, s29;
	[sflag:s17] =	ssyncadd.s32 @!p0 $0xFFFFFE00;
	s17 =	sadd.s32 s14, s29  }
.Ltmp5:
0xb8: {  	(pc) =	sbr.rel .LBB2_5-.Ltmp5, $4  }
0xb9: {  	s22 =	sadd.s32 $0x1000, s20  }
0xba: {  	[tilespmem:s0], [sflag:$0x1] =	stream.linear.gather [hbm4b:s22+s7], $0x400, $0x38;
	[tilespmem:$0xAA00] =	vst v63  }
0xbb: {  	s21 =	sadd.s32 $0x1000, s17  }
0xbc: {  	[tilespmem:s5], [sflag:$0x1] =	stream.linear.gather [hbm4b:s21+s7], $0x400, $0x38;
	[tilespmem:$0xAA00] =	vst v63  }
.LBB2_4:
0xbd: {  	p0 =	sgt.u32 s16, $0x1869  }
.Ltmp6:
0xbe: {  	_ = 	snop;
	(pc) =	sbr.rel @p0 .LBB2_6-.Ltmp6, $1  }
0xbf: {  	_ =	sdelay $0x3  }
.LBB2_5:
0xc0: {  	_ =	swait.ge [sflag:s13], $0x400  }
0xc1: {  	[sflag:s13] =	ssyncset.done $0x0  }
0xc2: {  	[sflag:s13] =	ssyncadd.s32 $0xFFFFFC00  }
0xc3: {  	_ =	swait.ge [sflag:s13], $0x400  }
0xc4: {  	[sflag:s13] =	ssyncset.done $0x0  }
0xc5: {  	s12 =	simm.s32 $0x1800;
	[sflag:s13] =	ssyncadd.s32 $0xFFFFFC00  }
0xc6: {  	[tilespmem:s12], [sflag:$0x2] =	stream.indirect.gather [hbm4b:s1+s15], $0x1, s7, s15, $0xb8;
	[tilespmem:$0xAA00] =	vst v63  }
0xc7: {  	s22 =	simm.s32 $0x1A00  }
0xc8: {  	[tilespmem:s22], [sflag:$0x2] =	stream.indirect.gather [hbm4b:s8+s15], $0x1, s7, s15, $0xb8;
	[tilespmem:$0xAA00] =	vst v63  }
0xc9: {  	s21 =	simm.s32 $0x1C00  }
0xca: {  	[tilespmem:s21], [sflag:$0x2] =	stream.indirect.gather [hbm4b:s9+s15], $0x1, s7, s15, $0xb8;
	[tilespmem:$0xAA00] =	vst v63  }
0xcb: {  	s22 =	simm.s32 $0x1E00  }
0xcc: {  	[tilespmem:s22], [sflag:$0x2] =	stream.indirect.gather [hbm4b:s10+s15], $0x1, s7, s15, $0xb8;
	[tilespmem:$0xAA00] =	vst v63  }
0xcd: {  	s21 =	simm.s32 $0x2000  }
0xce: {  	[tilespmem:s21], [sflag:$0x2] =	stream.indirect.gather [hbm4b:s1+s15], $0x1, s15, s15, $0xb8;
	[tilespmem:$0xAA00] =	vst v63  }
0xcf: {  	s22 =	simm.s32 $0x2200  }
0xd0: {  	[tilespmem:s22], [sflag:$0x2] =	stream.indirect.gather [hbm4b:s8+s15], $0x1, s15, s15, $0xb8;
	[tilespmem:$0xAA00] =	vst v63  }
0xd1: {  	s21 =	simm.s32 $0x2400  }
0xd2: {  	[tilespmem:s21], [sflag:$0x2] =	stream.indirect.gather [hbm4b:s9+s15], $0x1, s15, s15, $0xb8;
	[tilespmem:$0xAA00] =	vst v63  }
0xd3: {  	s22 =	simm.s32 $0x2600  }
0xd4: {  	[tilespmem:s22], [sflag:$0x2] =	stream.indirect.gather [hbm4b:s10+s15], $0x1, s15, s15, $0xb8;
	[tilespmem:$0xAA00] =	vst v63  }
.LBB2_6:
0xd5: {  	s22 =	sadd.s32 $0xFFFFFFE0, s16  }
0xd6: {  	p0 =	sgt.u32 s22, $0x1869  }
0xd7: {  	s22 =	simm.s32 @!p0 $0x2  }
0xd8: {  	_ =	swait.ge @!p0 [sflag:s22], $0x200  }
0xd9: {  	[sflag:s22] =	ssyncset.done @!p0 $0x0  }
0xda: {  	[sflag:s22] =	ssyncadd.s32 @!p0 $0xFFFFFE00  }
0xdb: {  	_ =	swait.ge @!p0 [sflag:s22], $0x200  }
0xdc: {  	[sflag:s22] =	ssyncset.done @!p0 $0x0  }
0xdd: {  	[sflag:s22] =	ssyncadd.s32 @!p0 $0xFFFFFE00  }
0xde: {  	_ =	swait.ge @!p0 [sflag:s22], $0x200  }
0xdf: {  	[sflag:s22] =	ssyncset.done @!p0 $0x0  }
0xe0: {  	[sflag:s22] =	ssyncadd.s32 @!p0 $0xFFFFFE00  }
0xe1: {  	_ =	swait.ge @!p0 [sflag:s22], $0x200  }
0xe2: {  	[sflag:s22] =	ssyncset.done @!p0 $0x0  }
0xe3: {  	[sflag:s22] =	ssyncadd.s32 @!p0 $0xFFFFFE00  }
0xe4: {  	_ =	swait.ge @!p0 [sflag:s22], $0x200  }
0xe5: {  	[sflag:s22] =	ssyncset.done @!p0 $0x0  }
0xe6: {  	[sflag:s22] =	ssyncadd.s32 @!p0 $0xFFFFFE00  }
0xe7: {  	_ =	swait.ge @!p0 [sflag:s22], $0x200  }
0xe8: {  	[sflag:s22] =	ssyncset.done @!p0 $0x0  }
0xe9: {  	[sflag:s22] =	ssyncadd.s32 @!p0 $0xFFFFFE00  }
0xea: {  	_ =	swait.ge @!p0 [sflag:s22], $0x200  }
0xeb: {  	[sflag:s22] =	ssyncset.done @!p0 $0x0  }
0xec: {  	[sflag:s22] =	ssyncadd.s32 @!p0 $0xFFFFFE00  }
0xed: {  	_ =	swait.ge @!p0 [sflag:s22], $0x200  }
0xee: {  	s12 =	simm.s32 @!p0 $0x1400;
	[sflag:s22] =	ssyncset.done @!p0 $0x0  }
0xef: {  	s21 =	simm.s32 @!p0 $0x3800;
	[sflag:s22] =	ssyncadd.s32 @!p0 $0xFFFFFE00;
	s22 =	simm.s32 @!p0 $0x200  }
0xf0: {  	[spmem:s2] =	stream.indirect.scatter.add.f32 @!p0 [tilespmem:s21], [sflag:$0x3], $0x1, s12, s22, $0xb8;
	[tilespmem:$0xAA00] =	vst v63  }
0xf1: {  	s21 =	simm.s32 @!p0 $0x3A00  }
0xf2: {  	[spmem:s3] =	stream.indirect.scatter.add.f32 @!p0 [tilespmem:s21], [sflag:$0x3], $0x1, s12, s22, $0xb8;
	[tilespmem:$0xAA00] =	vst v63  }
0xf3: {  	s21 =	simm.s32 @!p0 $0x3C00  }
0xf4: {  	[spmem:s4] =	stream.indirect.scatter.add.f32 @!p0 [tilespmem:s21], [sflag:$0x3], $0x1, s12, s22, $0xb8;
	[tilespmem:$0xAA00] =	vst v63  }
0xf5: {  	s21 =	simm.s32 @!p0 $0x3E00  }
0xf6: {  	[spmem:s6] =	stream.indirect.scatter.add.f32 @!p0 [tilespmem:s21], [sflag:$0x3], $0x1, s12, s22, $0xb8;
	[tilespmem:$0xAA00] =	vst v63  }
0xf7: {  	s12 =	simm.s32 @!p0 $0x1600;
	s21 =	simm.s32 @!p0 $0x4000  }
0xf8: {  	[spmem:s2] =	stream.indirect.scatter.add.f32 @!p0 [tilespmem:s21], [sflag:$0x3], $0x1, s12, s22, $0xb8;
	[tilespmem:$0xAA00] =	vst v63  }
0xf9: {  	s21 =	simm.s32 @!p0 $0x4200  }
0xfa: {  	[spmem:s3] =	stream.indirect.scatter.add.f32 @!p0 [tilespmem:s21], [sflag:$0x3], $0x1, s12, s22, $0xb8;
	[tilespmem:$0xAA00] =	vst v63  }
0xfb: {  	s21 =	simm.s32 @!p0 $0x4400  }
0xfc: {  	[spmem:s4] =	stream.indirect.scatter.add.f32 @!p0 [tilespmem:s21], [sflag:$0x3], $0x1, s12, s22, $0xb8;
	[tilespmem:$0xAA00] =	vst v63  }
0xfd: {  	s21 =	simm.s32 @!p0 $0x4600  }
0xfe: {  	[spmem:s6] =	stream.indirect.scatter.add.f32 @!p0 [tilespmem:s21], [sflag:$0x3], $0x1, s12, s22, $0xb8;
	[tilespmem:$0xAA00] =	vst v63  }
0xff: {  	s12 =	simm.s32 @!p0 $0x3  }
0x100: {  	_ =	swait.ge @!p0 [sflag:s12], $0x200  }
0x101: {  	[sflag:s12] =	ssyncset.done @!p0 $0x0  }
0x102: {  	[sflag:s12] =	ssyncadd.s32 @!p0 $0xFFFFFE00  }
0x103: {  	_ =	swait.ge @!p0 [sflag:s12], $0x200  }
0x104: {  	[sflag:s12] =	ssyncset.done @!p0 $0x0  }
0x105: {  	[sflag:s12] =	ssyncadd.s32 @!p0 $0xFFFFFE00  }
0x106: {  	_ =	swait.ge @!p0 [sflag:s12], $0x200  }
0x107: {  	[sflag:s12] =	ssyncset.done @!p0 $0x0  }
0x108: {  	[sflag:s12] =	ssyncadd.s32 @!p0 $0xFFFFFE00  }
0x109: {  	_ =	swait.ge @!p0 [sflag:s12], $0x200  }
0x10a: {  	[sflag:s12] =	ssyncset.done @!p0 $0x0  }
0x10b: {  	[sflag:s12] =	ssyncadd.s32 @!p0 $0xFFFFFE00  }
0x10c: {  	_ =	swait.ge @!p0 [sflag:s12], $0x200  }
0x10d: {  	[sflag:s12] =	ssyncset.done @!p0 $0x0  }
0x10e: {  	[sflag:s12] =	ssyncadd.s32 @!p0 $0xFFFFFE00  }
0x10f: {  	_ =	swait.ge @!p0 [sflag:s12], $0x200  }
0x110: {  	[sflag:s12] =	ssyncset.done @!p0 $0x0  }
0x111: {  	s22 =	sadd.s32 $0x20, s16;
	[sflag:s12] =	ssyncadd.s32 @!p0 $0xFFFFFE00  }
0x112: {  	p1 =	sgt.u32 s22, $0x1849;
	_ =	swait.ge @!p0 [sflag:s12], $0x200  }
.Ltmp7:
0x113: {  	[sflag:s12] =	ssyncset.done @!p0 $0x0;
	(pc) =	sbr.rel @p1 .LBB2_8-.Ltmp7, $4  }
0x114: {  	[sflag:s12] =	ssyncadd.s32 @!p0 $0xFFFFFE00  }
0x115: {  	_ =	swait.ge @!p0 [sflag:s12], $0x200  }
0x116: {  	[sflag:s12] =	ssyncset.done @!p0 $0x0  }
0x117: {  	[sflag:s12] =	ssyncadd.s32 @!p0 $0xFFFFFE00  }
.Ltmp8:
0x118: {  	(pc) =	sbr.rel .LBB2_9-.Ltmp8, $4  }
0x119: {  	s12 =	sadd.s32 $0x2000, s20  }
0x11a: {  	[tilespmem:s25], [sflag:$0x1] =	stream.linear.gather [hbm4b:s12+s7], $0x400, $0x38;
	[tilespmem:$0xAA00] =	vst v63  }
0x11b: {  	s22 =	sadd.s32 $0x2000, s17;
	s21 =	simm.s32 $0x1400  }
0x11c: {  	[tilespmem:s21], [sflag:$0x1] =	stream.linear.gather [hbm4b:s22+s7], $0x400, $0x38;
	[tilespmem:$0xAA00] =	vst v63  }
.LBB2_8:
0x11d: {  	p0 =	sgt.u32 s22, $0x1869  }
.Ltmp9:
0x11e: {  	_ = 	snop;
	(pc) =	sbr.rel @p0 .LBB2_10-.Ltmp9, $1  }
0x11f: {  	_ =	sdelay $0x3  }
.LBB2_9:
0x120: {  	_ =	swait.ge [sflag:s13], $0x400  }
0x121: {  	[sflag:s13] =	ssyncset.done $0x0  }
0x122: {  	[sflag:s13] =	ssyncadd.s32 $0xFFFFFC00  }
0x123: {  	_ =	swait.ge [sflag:s13], $0x400  }
0x124: {  	[sflag:s13] =	ssyncset.done $0x0  }
0x125: {  	s12 =	simm.s32 $0x2800;
	[sflag:s13] =	ssyncadd.s32 $0xFFFFFC00  }
0x126: {  	[tilespmem:s12], [sflag:$0x2] =	stream.indirect.gather [hbm4b:s1+s15], $0x1, s0, s15, $0xb8;
	[tilespmem:$0xAA00] =	vst v63  }
0x127: {  	s22 =	simm.s32 $0x2A00  }
0x128: {  	[tilespmem:s22], [sflag:$0x2] =	stream.indirect.gather [hbm4b:s8+s15], $0x1, s0, s15, $0xb8;
	[tilespmem:$0xAA00] =	vst v63  }
0x129: {  	s21 =	simm.s32 $0x2C00  }
0x12a: {  	[tilespmem:s21], [sflag:$0x2] =	stream.indirect.gather [hbm4b:s9+s15], $0x1, s0, s15, $0xb8;
	[tilespmem:$0xAA00] =	vst v63  }
0x12b: {  	s22 =	simm.s32 $0x2E00  }
0x12c: {  	[tilespmem:s22], [sflag:$0x2] =	stream.indirect.gather [hbm4b:s10+s15], $0x1, s0, s15, $0xb8;
	[tilespmem:$0xAA00] =	vst v63  }
0x12d: {  	s21 =	simm.s32 $0x3000  }
0x12e: {  	[tilespmem:s21], [sflag:$0x2] =	stream.indirect.gather [hbm4b:s1+s15], $0x1, s30, s15, $0xb8;
	[tilespmem:$0xAA00] =	vst v63  }
0x12f: {  	s22 =	simm.s32 $0x3200  }
0x130: {  	[tilespmem:s22], [sflag:$0x2] =	stream.indirect.gather [hbm4b:s8+s15], $0x1, s30, s15, $0xb8;
	[tilespmem:$0xAA00] =	vst v63  }
0x131: {  	s21 =	simm.s32 $0x3400  }
0x132: {  	[tilespmem:s21], [sflag:$0x2] =	stream.indirect.gather [hbm4b:s9+s15], $0x1, s30, s15, $0xb8;
	[tilespmem:$0xAA00] =	vst v63  }
0x133: {  	s22 =	simm.s32 $0x3600  }
0x134: {  	[tilespmem:s22], [sflag:$0x2] =	stream.indirect.gather [hbm4b:s10+s15], $0x1, s30, s15, $0xb8;
	[tilespmem:$0xAA00] =	vst v63  }
.LBB2_10:
0x135: {  	s12 =	rddreg [dreg:$0x11]  }
0x136: {  	p0 =	sge.u32 s26, s12  }
.Ltmp10:
0x137: {  	_ = 	snop;
	(pc) =	sbr.rel @p0 .LBB2_12-.Ltmp10, $1  }
0x138: {  	_ =	sdelay $0x3  }
0x139: {  	_ =	swait.ge [sflag:s18], $0x200  }
0x13a: {  	[sflag:s18] =	ssyncset.done $0x0  }
0x13b: {  	[sflag:s18] =	ssyncadd.s32 $0xFFFFFE00  }
0x13c: {  	_ =	swait.ge [sflag:s18], $0x200  }
0x13d: {  	[sflag:s18] =	ssyncset.done $0x0  }
0x13e: {  	[sflag:s18] =	ssyncadd.s32 $0xFFFFFE00  }
0x13f: {  	_ =	swait.ge [sflag:s18], $0x200  }
0x140: {  	[sflag:s18] =	ssyncset.done $0x0  }
0x141: {  	[sflag:s18] =	ssyncadd.s32 $0xFFFFFE00  }
0x142: {  	_ =	swait.ge [sflag:s18], $0x200  }
0x143: {  	[sflag:s18] =	ssyncset.done $0x0  }
0x144: {  	[sflag:s18] =	ssyncadd.s32 $0xFFFFFE00  }
0x145: {  	_ =	swait.ge [sflag:s18], $0x200  }
0x146: {  	[sflag:s18] =	ssyncset.done $0x0  }
0x147: {  	[sflag:s18] =	ssyncadd.s32 $0xFFFFFE00  }
0x148: {  	_ =	swait.ge [sflag:s18], $0x200  }
0x149: {  	[sflag:s18] =	ssyncset.done $0x0  }
0x14a: {  	[sflag:s18] =	ssyncadd.s32 $0xFFFFFE00  }
0x14b: {  	_ =	swait.ge [sflag:s18], $0x200  }
0x14c: {  	[sflag:s18] =	ssyncset.done $0x0  }
0x14d: {  	[sflag:s18] =	ssyncadd.s32 $0xFFFFFE00  }
0x14e: {  	_ =	swait.ge [sflag:s18], $0x200  }
0x14f: {  	[sflag:s18] =	ssyncset.done $0x0  }
0x150: {  	s12 =	simm.s32 $0x1800;
	[sflag:s18] =	ssyncadd.s32 $0xFFFFFE00  }
0x151: {  	[spmem:s2] =	stream.indirect.scatter.add.f32 [tilespmem:s12], [sflag:$0x3], $0x1, s31, s15, $0xb8;
	[tilespmem:$0xAA00] =	vst v63  }
0x152: {  	s22 =	simm.s32 $0x1A00  }
0x153: {  	[spmem:s3] =	stream.indirect.scatter.add.f32 [tilespmem:s22], [sflag:$0x3], $0x1, s31, s15, $0xb8;
	[tilespmem:$0xAA00] =	vst v63  }
0x154: {  	s21 =	simm.s32 $0x1C00  }
0x155: {  	[spmem:s4] =	stream.indirect.scatter.add.f32 [tilespmem:s21], [sflag:$0x3], $0x1, s31, s15, $0xb8;
	[tilespmem:$0xAA00] =	vst v63  }
0x156: {  	s22 =	simm.s32 $0x1E00  }
0x157: {  	[spmem:s6] =	stream.indirect.scatter.add.f32 [tilespmem:s22], [sflag:$0x3], $0x1, s31, s15, $0xb8;
	[tilespmem:$0xAA00] =	vst v63  }
0x158: {  	s21 =	simm.s32 $0x2000  }
0x159: {  	[spmem:s2] =	stream.indirect.scatter.add.f32 [tilespmem:s21], [sflag:$0x3], $0x1, s23, s15, $0xb8;
	[tilespmem:$0xAA00] =	vst v63  }
0x15a: {  	s22 =	simm.s32 $0x2200  }
0x15b: {  	[spmem:s3] =	stream.indirect.scatter.add.f32 [tilespmem:s22], [sflag:$0x3], $0x1, s23, s15, $0xb8;
	[tilespmem:$0xAA00] =	vst v63  }
0x15c: {  	s21 =	simm.s32 $0x2400  }
0x15d: {  	[spmem:s4] =	stream.indirect.scatter.add.f32 [tilespmem:s21], [sflag:$0x3], $0x1, s23, s15, $0xb8;
	[tilespmem:$0xAA00] =	vst v63  }
0x15e: {  	s22 =	simm.s32 $0x2600  }
0x15f: {  	[spmem:s6] =	stream.indirect.scatter.add.f32 [tilespmem:s22], [sflag:$0x3], $0x1, s23, s15, $0xb8;
	[tilespmem:$0xAA00] =	vst v63  }
0x160: {  	_ =	swait.ge [sflag:s19], $0x200  }
0x161: {  	[sflag:s19] =	ssyncset.done $0x0  }
0x162: {  	[sflag:s19] =	ssyncadd.s32 $0xFFFFFE00  }
0x163: {  	_ =	swait.ge [sflag:s19], $0x200  }
0x164: {  	[sflag:s19] =	ssyncset.done $0x0  }
0x165: {  	[sflag:s19] =	ssyncadd.s32 $0xFFFFFE00  }
0x166: {  	_ =	swait.ge [sflag:s19], $0x200  }
0x167: {  	[sflag:s19] =	ssyncset.done $0x0  }
0x168: {  	[sflag:s19] =	ssyncadd.s32 $0xFFFFFE00  }
0x169: {  	_ =	swait.ge [sflag:s19], $0x200  }
0x16a: {  	[sflag:s19] =	ssyncset.done $0x0  }
0x16b: {  	[sflag:s19] =	ssyncadd.s32 $0xFFFFFE00  }
0x16c: {  	_ =	swait.ge [sflag:s19], $0x200  }
0x16d: {  	[sflag:s19] =	ssyncset.done $0x0  }
0x16e: {  	[sflag:s19] =	ssyncadd.s32 $0xFFFFFE00  }
0x16f: {  	_ =	swait.ge [sflag:s19], $0x200  }
0x170: {  	[sflag:s19] =	ssyncset.done $0x0  }
0x171: {  	[sflag:s19] =	ssyncadd.s32 $0xFFFFFE00  }
0x172: {  	_ =	swait.ge [sflag:s19], $0x200  }
0x173: {  	[sflag:s19] =	ssyncset.done $0x0  }
0x174: {  	[sflag:s19] =	ssyncadd.s32 $0xFFFFFE00  }
0x175: {  	_ =	swait.ge [sflag:s19], $0x200  }
0x176: {  	[sflag:s19] =	ssyncset.done $0x0  }
0x177: {  	[sflag:s19] =	ssyncadd.s32 $0xFFFFFE00  }
.LBB2_12:
0x178: {  	s16 =	sadd.s32 $0x40, s16  }
0x179: {  	p0 =	sgt.u32 s16, $0x1849  }
.Ltmp11:
0x17a: {  	_ = 	snop;
	(pc) =	sbr.rel @!p0 .LBB2_13-.Ltmp11, $1  }
0x17b: {  	_ =	sdelay $0x3  }
0x17c: {  	p0 =	sgt.u32 s16, $0x1869  }
.Ltmp12:
0x17d: {  	_ = 	snop;
	(pc) =	sbr.rel @!p0 .LBB2_15-.Ltmp12, $1  }
0x17e: {  	_ =	sdelay $0x3  }
0x17f: {  	p0 =	sgt.u32 s16, $0x1889  }
.Ltmp13:
0x180: {  	_ = 	snop;
	(pc) =	sbr.rel @p0 .LBB2_18-.Ltmp13, $4  }
.Ltmp14:
0x181: {  	_ = 	snop;
	(pc) =	sbr.rel @!p0 .LBB2_17-.Ltmp14, $4  }
0x182: {  	_ = 	snop  }
0x183: {  	_ = 	snop  }
0x184: {  	_ = 	snop  }
0x185: {  	_ = 	snop  }
.LBB2_20:
0x186: {  	_ =	sfence.sel $0x180000  }
0x187: {  	[bflag:$0x0] =	sbarrier.arrive $0xFFFF  }
0x188: {  	_ =	strace $0x9000004A  }
0x189: {  	s0 =	stileid.u32;
	[bflag:$0x2] =	sbarrier.arrive $0xFFFF  }
0x18a: {  	p0 =	sne.s32 s0, $0x0;
	s0 =	rddreg [dreg:$0x6]  }
0x18b: {  	s0 =	sadd.s32 @!p0 $0x100000, s0  }
0x18c: {  	[sflag:s0] =	ssyncadd.tile.s32 @!p0 $0x1;
	_ =	shalt  }
.Lfunc_end2:
_tile_overlayer_lowered:
.L_overlay_start_2:
0x18d: {  	(tag) =	ssettag $0x2  }
0x18e: {  	s0 =	rddreg [dreg:$0x0];
	s2 =	stileid.u32  }
0x18f: {  	s1 =	rddreg [dreg:$0x1];
	p0 =	sne.s32 s2, $0x0  }
0x190: {  	s3 =	rddreg [dreg:$0x2];
	[bflag:$0x3] =	sbarrier.arrive $0xFFFF;
	s2 =	simm.s32 @!p0 $0x1C04  }
0x191: {  	[timem:s3], [sflag:s2] =	dma.local @!p0 [hbm:s0], s1  }
0x192: {  	s0 =	simm.s32 @!p0 $0x4  }
0x193: {  	_ =	swait.ge @!p0 [sflag:s0], s1  }
0x194: {  	s1 =	ssub.s32 @!p0 $0x0, s1;
	[sflag:s0] =	ssyncset.done @!p0 $0x0  }
0x195: {  	[sflag:s0] =	ssyncadd.s32 @!p0 s1  }
0x196: {  	[bflag:$0x3] =	sbarrier.arrive $0xFFFF  }
0x197: {  	_ =	shalt  }

// kernel: kernel.14.cloned.1.call-start
scs
__scs_entry_jumppad:
0x0: {  	(pc) =	sbr.rel $0x88, $3  }
0x1: {  	(tag) =	ssettag $0x0;
	lr =	simm.s32 $0x1  }
0x2: {  	[smem:$0x3F9B] =	sst lr;
	_ =	strace $0xD0000000  }
0x3: {  	_ = 	snop  }
0x4: {  	_ = 	snop  }
0x5: {  	_ = 	snop  }
0x6: {  	_ = 	snop  }
0x7: {  	_ = 	snop  }
__scs_overlays_trampoline_lowered:
0x8: {  	[smem:$0x3FAA] =	sst s0  }
0x9: {  	[smem:$0x3FAB] =	sst s1  }
0xa: {  	[smem:$0x3FAC] =	sst s2  }
0xb: {  	[smem:$0x3FAD] =	sst s3  }
0xc: {  	[smem:$0x3FAE] =	sst s4  }
0xd: {  	[smem:$0x3FAF] =	sst s5  }
0xe: {  	[smem:$0x3FB0] =	sst s6  }
0xf: {  	[smem:$0x3FB1] =	sst s7  }
0x10: {  	[smem:$0x3FB2] =	sst s8  }
0x11: {  	[smem:$0x3FB3] =	sst s9;
	s0 =	simm.s32 @!p0 $0x0  }
0x12: {  	s1 =	sld [smem:$0x3F99];
	s0 =	simm.s32 @p0 $0x1  }
0x13: {  	[smem:$0x3FB4] =	sst s0;
	s0 =	simm.s32 @!p1 $0x0  }
0x14: {  	s2 =	sld [smem:$0x3F98];
	s0 =	simm.s32 @p1 $0x1  }
0x15: {  	[smem:$0x3FB5] =	sst s0;
	s0 =	simm.s32 @!p2 $0x0  }
0x16: {  	s3 =	sld [smem:$0x3FDB];
	s0 =	simm.s32 @p2 $0x1  }
0x17: {  	s4 =	simm.s32 $0x1BF5;
	[smem:$0x3FB7] =	sst s0  }
0x18: {  	s0 =	sld [smem:$0x3F9A];
	_ =	swait.ge [sflag:s4], $0x0  }
0x19: {  	s7 =	sld [smem:$0x3F9B]  }
0x1a: {  	s8 =	sadd.s32 $0xFFFFE003, lr  }
0x1b: {  	s9 =	sadd.s32 $0xFFFFFEF7, lr;
	s5 =	simm.s32 $0xFFFFFFFF;
	p2 =	slt.u32 s8, $0xFFFFF086  }
0x1c: {  	p1 =	slt.u32 s9, $0xF7A;
	s5 =	simm.s32 @!p2 $0x0  }
0x1d: {  	s5 =	simm.s32 @p1 $0x1;
	p0 =	seq.s32 s7, s2  }
0x1e: {  	s7 =	smul.u32 @!p0 $0xF7A, s2;
	p2 =	seq.s32 @!p0 s5, $0x0  }
0x1f: {  	s9 =	smul.u32 $0xF7A, s1;
	s8 =	simm.s32 @!p0 $0x1BF5;
	p2 =	por !p2, p0  }
0x20: {  	[sflag:s8] =	ssyncset.s32 @!p0 $0xFFFFF086;
	s6 =	sadd.s32 @!p0 s3, s7;
	s7 =	simm.s32 @!p0 $0x108  }
0x21: {  	s3 =	sadd.s32 s3, s9;
	s6 =	sadd.s32 @!p0 $0x88, s6;
	s7 =	simm.s32 @p2 $0x1082  }
0x22: {  	[simem:s7], [sflag:s8] =	dma.local @!p0 [hbm:s6], $0xF7A  }
0x23: {  	s9 =	sor.u32 $0xD0000000, s2;
	s6 =	simm.s32 $0x108;
	_ =	swait.ge @!p0 [sflag:s8], $0x0  }
0x24: {  	s3 =	sadd.s32 $0x88, s3;
	s6 =	simm.s32 @!p1 $0x1082;
	[sflag:s4] =	ssyncset.s32 $0xFFFFF086  }
0x25: {  	[simem:s6], [sflag:s4] =	dma.local [hbm:s3], $0xF7A  }
0x26: {  	[smem:$0x3F9B] =	sst s1;
	(tag) =	ssettag s2;
	_ =	strace s9  }
0x27: {  	s1 =	sld [smem:$0x3FAB]  }
0x28: {  	s2 =	sld [smem:$0x3FAC]  }
0x29: {  	s4 =	sld [smem:$0x3FAE]  }
0x2a: {  	p0 =	seq.s32 s5, $0x0;
	s5 =	sld [smem:$0x3FAF]  }
0x2b: {  	s6 =	sld [smem:$0x3FB0]  }
0x2c: {  	s7 =	sld [smem:$0x3FB1]  }
0x2d: {  	s3 =	simm.s32 $0x108;
	s8 =	sld [smem:$0x3FB2]  }
0x2e: {  	s3 =	simm.s32 @!p0 $0x1082;
	s9 =	sld [smem:$0x3FB3]  }
0x2f: {  	lr =	sadd.s32 s0, s3;
	s0 =	sld [smem:$0x3FAA]  }
0x30: {  	s3 =	sld [smem:$0x3FAD]  }
0x31: {  	[smem:$0x3FB6] =	sst s10  }
0x32: {  	s10 =	sld [smem:$0x3FB4];
	_ =	sdelay $0x3  }
0x33: {  	p0 =	seq.s32 s10, $0x1;
	s10 =	sld [smem:$0x3FB6];
	_ =	sdelay $0x3  }
0x34: {  	[smem:$0x3FB6] =	sst s10  }
0x35: {  	s10 =	sld [smem:$0x3FB5];
	_ =	sdelay $0x3  }
0x36: {  	p1 =	seq.s32 s10, $0x1;
	s10 =	sld [smem:$0x3FB6];
	_ =	sdelay $0x3  }
0x37: {  	[smem:$0x3FB6] =	sst s10  }
0x38: {  	s10 =	sld [smem:$0x3FB7]  }
0x39: {  	_ = 	snop;
	(pc) =	sbr.ind lr, $3  }
0x3a: {  	_ = 	snop  }
0x3b: {  	_ = 	snop  }
0x3c: {  	p2 =	seq.s32 s10, $0x1;
	s10 =	sld [smem:$0x3FB6]  }
0x3d: {  	_ =	shalt  }
0x3e: {  	_ =	shalt  }
0x3f: {  	_ =	shalt  }
0x40: {  	_ =	shalt  }
0x41: {  	_ =	shalt  }
0x42: {  	_ =	shalt  }
0x43: {  	_ =	shalt  }
0x44: {  	_ =	shalt  }
0x45: {  	_ =	shalt  }
0x46: {  	_ =	shalt  }
0x47: {  	_ =	shalt  }
0x48: {  	_ =	shalt  }
0x49: {  	_ =	shalt  }
0x4a: {  	_ =	shalt  }
0x4b: {  	_ =	shalt  }
0x4c: {  	_ =	shalt  }
0x4d: {  	_ =	shalt  }
0x4e: {  	_ =	shalt  }
0x4f: {  	_ =	shalt  }
0x50: {  	_ =	shalt  }
0x51: {  	_ =	shalt  }
0x52: {  	_ =	shalt  }
0x53: {  	_ =	shalt  }
0x54: {  	_ =	shalt  }
0x55: {  	_ =	shalt  }
0x56: {  	_ =	shalt  }
0x57: {  	_ =	shalt  }
0x58: {  	_ =	shalt  }
0x59: {  	_ =	shalt  }
0x5a: {  	_ =	shalt  }
0x5b: {  	_ =	shalt  }
0x5c: {  	_ =	shalt  }
0x5d: {  	_ =	shalt  }
0x5e: {  	_ =	shalt  }
0x5f: {  	_ =	shalt  }
0x60: {  	_ =	shalt  }
0x61: {  	_ =	shalt  }
0x62: {  	_ =	shalt  }
0x63: {  	_ =	shalt  }
0x64: {  	_ =	shalt  }
0x65: {  	_ =	shalt  }
0x66: {  	_ =	shalt  }
0x67: {  	_ =	shalt  }
0x68: {  	_ =	shalt  }
0x69: {  	_ =	shalt  }
0x6a: {  	_ =	shalt  }
0x6b: {  	_ =	shalt  }
0x6c: {  	_ =	shalt  }
0x6d: {  	_ =	shalt  }
0x6e: {  	_ =	shalt  }
0x6f: {  	_ =	shalt  }
0x70: {  	_ =	shalt  }
0x71: {  	_ =	shalt  }
0x72: {  	_ =	shalt  }
0x73: {  	_ =	shalt  }
0x74: {  	_ =	shalt  }
0x75: {  	_ =	shalt  }
0x76: {  	_ =	shalt  }
0x77: {  	_ =	shalt  }
0x78: {  	_ =	shalt  }
0x79: {  	_ =	shalt  }
0x7a: {  	_ =	shalt  }
0x7b: {  	_ =	shalt  }
0x7c: {  	_ =	shalt  }
0x7d: {  	_ =	shalt  }
0x7e: {  	_ =	shalt  }
0x7f: {  	_ =	shalt  }
0x80: {  	_ =	shalt  }
0x81: {  	_ =	shalt  }
0x82: {  	_ =	shalt  }
0x83: {  	_ =	shalt  }
0x84: {  	_ =	shalt  }
0x85: {  	_ =	shalt  }
0x86: {  	_ =	shalt  }
0x87: {  	_ =	shalt  }
.Lfunc_end0:
.L_simem_size_0:
called_computation.2_lowered:
.L_overlay_start_0:
0x88: {  	s2 =	sld [smem:$0x3FD9]  }
0x89: {  	s3 =	sld [smem:$0x3FFE];
	_ =	sdelay $0x1  }
0x8a: {  	s1 =	srdreg.scid  }
0x8b: {  	s0 =	sand.u32 $0x1, s1  }
0x8c: {  	s17 =	sshll.u32 s0, $0xA;
	s2 =	sadd.s32 s3, s2  }
0x8d: {  	s2 =	sadd.s32 s2, s17  }
0x8e: {  	[smem:$0x3FC2] =	sst s2  }
0x8f: {  	_ = 	snop  }
0x90: {  	s2 =	sld [smem:$0x3FD0];
	(tm) =	ssettm $0x1  }
0x91: {  	s18 =	sld [smem:$0x3FFB];
	_ =	sdelay $0x3  }
0x92: {  	_ =	strace s18  }
0x93: {  	s3 =	sld [smem:$0x3FFC];
	_ =	sdelay $0x3  }
0x94: {  	_ =	strace s3  }
0x95: {  	s3 =	sld [smem:$0x3FFD];
	_ =	sdelay $0x3  }
0x96: {  	_ =	strace s3  }
0x97: {  	_ =	strace $0x8FFFFFFF  }
0x98: {  	s19 =	sld [smem:$0x3FDB];
	_ =	sdelay $0x1  }
0x99: {  	s4 =	simm.s32 $_scs_section_size  }
0x9a: {  	s5 =	simm.s32 $_size__tile_overlayer_lowered;
	s6 =	simm.s32 $_tile_overlayer_lowered  }
0x9b: {  	s22 =	simm.s32 $0x1BFF;
	s21 =	sshll.u32 s6, $0x1;
	s3 =	sadd.s32 s4, s19  }
0x9c: {  	s7 =	simm.s32 $0x0;
	s20 =	sshll.u32 s5, $0x1;
	s5 =	sadd.s32 s21, s3  }
0x9d: {  	[timem:s7], [sflag:s22] =	dma.local [hbm:s5], s20  }
0x9e: {  	_ =	swait.ge [sflag:s22], s20  }
0x9f: {  	s4 =	ssub.s32 $0x0, s20;
	[sflag:s22] =	ssyncset.done $0x0  }
0xa0: {  	[sflag:s22] =	ssyncadd.s32 s4;
	_ =	sdelay $0x1  }
0xa1: {  	s23 =	simm.s32 $0x1B8B  }
0xa2: {  	_ =	swait.ge [sflag:s23], $0x1  }
0xa3: {  	[sflag:s23] =	ssyncset.done $0x0  }
0xa4: {  	s25 =	simm.s32 $0x1B8E;
	s24 =	sld [smem:$0x3FFE];
	[sflag:s23] =	ssyncadd.s32 $0xFFFFFFFF  }
0xa5: {  	s26 =	simm.s32 $execute0_lowered;
	[smem:$0x3FD2] =	sst s25  }
0xa6: {  	s5 =	sshll.u32 s26, $0x1;
	_ =	strace $0x8000004C;
	[dreg:$0x1] =	wrdreg $0xFFFFFFFF  }
0xa7: {  	s28 =	simm.s32 $_size_execute0_lowered;
	s3 =	sadd.s32 s3, s5;
	[dreg:$0x0] =	wrdreg $0x0  }
0xa8: {  	s5 =	sshll.u32 s28, $0x1;
	[dreg:$0x2] =	wrdreg s3  }
0xa9: {  	[dreg:$0x3] =	wrdreg s5  }
0xaa: {  	[dreg:$0x4] =	wrdreg $0xC0  }
0xab: {  	_ =	task [dreg:s7], $0x5FFFF  }
0xac: {  	[dreg:$0x1] =	wrdreg $0xFFFFFFFF  }
0xad: {  	[dreg:$0x0] =	wrdreg $0x60  }
0xae: {  	[dreg:$0x2] =	wrdreg s24  }
0xaf: {  	[dreg:$0x3] =	wrdreg s2  }
0xb0: {  	[dreg:$0x4] =	wrdreg $0x30000  }
0xb1: {  	[dreg:$0x5] =	wrdreg $0x48800  }
0xb2: {  	[dreg:$0x6] =	wrdreg $0x9  }
0xb3: {  	_ =	task.clear_ibuf [dreg:s7], $0x7FFFF;
	_ =	strace $0x9000004C  }
0xb4: {  	s29 =	simm.s32 $0x9;
	_ =	strace $0x8000004E  }
0xb5: {  	_ =	swait.ge [sflag:s29], $0x1  }
0xb6: {  	[sflag:s29] =	ssyncadd.s32 $0xFFFFFFFF  }
0xb7: {  	_ =	strace $0x9000004E  }
0xb8: {  	_ =	sfence  }
0xb9: {  	s30 =	sld [smem:$0x0];
	_ =	sdelay $0x2  }
0xba: {  	s31 =	sshll.u32 s1, $0xD;
	s1 =	sshrl.u32 s1, $0x2  }
0xbb: {  	s3 =	sand.u32 $0x4000, s31;
	s1 =	sadd.s32 s1, s30  }
0xbc: {  	s0 =	sor.u32 s3, s0;
	s1 =	sshll.u32 s1, $0x11  }
0xbd: {  	s0 =	sor.u32 s1, s0  }
0xbe: {  	s0 =	sadd.s32 $0x8F2B, s0  }
0xbf: {  	[sflag:s0] =	ssyncadd.remote.s32 $0x1  }
0xc0: {  	_ =	sfence.sel $0xFFFF  }
0xc1: {  	[dreg:$0x0] =	wrdreg $0xFFFFFFFF;
	(pc) =	sbr.abs _section_cstart, $3  }
0xc2: {  	[dreg:$0x1] =	wrdreg $0xFFFFFFFF  }
0xc3: {  	_ =	task.clear_ibuf [dreg:s7], $0x2FFFF;
	_ =	strace $0x9FFFFFFF  }
0xc4: {  	(tm) =	ssettm $0x7FFFFFFF  }
0xc5: {  	_ =	shalt  }
tec
execute0_lowered:
.L_overlay_start_1:
0x0: {  	(tag) =	ssettag $0x1  }
0x1: {  	s0 =	rddreg [dreg:$0x0]  }
0x2: {  	s1 =	rddreg [dreg:$0x1]  }
0x3: {  	s3 =	rddreg [dreg:$0x2]  }
0x4: {  	s4 =	rddreg [dreg:$0x3]  }
0x5: {  	s2 =	srdreg.scid;
	s15 =	stileid.u32;
	s5 =	simm.s32 $0x0  }
0x6: {  	s20 =	simm.s32 $0x4;
	s19 =	simm.s32 $0xA00;
	s21 =	simm.s32 $0x1200  }
0x7: {  	s17 =	simm.s32 $0x0;
	s2 =	sand.u32 $0x1, s2;
	s7 =	smul.u32 $0x1880, s15  }
0x8: {  	[smem:$0x7FF] =	sst s5;
	s9 =	sadd.s32 $0xC5800, s0;
	s10 =	sadd.s32 $0x2200, s0  }
0x9: {  	s6 =	sadd.s32 $0x189200, s0;
	s11 =	sadd.s32 $0x188E00, s0;
	s12 =	sshll.u32 s15, $0x1  }
0xa: {  	s13 =	sshll.u32 s15, $0x6;
	s30 =	sshll.u32 s15, $0x8;
	s15 =	simm.s32 $0x2600  }
0xb: {  	s8 =	smul.u32 $0x31000, s2;
	_ =	strace $0x8000004D;
	[dreg:$0x5] =	wrdreg s11  }
0xc: {  	s22 =	ssub.s32 $0x2, s2;
	s16 =	sor.u32 $0x1C04, s13;
	s31 =	sadd.s32 s30, s10  }
0xd: {  	s13 =	ssub.s32 $0x186A, s12;
	s18 =	sshll.u32 s2, $0x7;
	[dreg:$0xe] =	wrdreg s31  }
0xe: {  	s23 =	sshrl.u32 s22, $0x1;
	s14 =	sadd.s32 s7, s3;
	[dreg:$0x7] =	wrdreg s16  }
0xf: {  	s8 =	sadd.s32 s7, s8;
	s11 =	ssub.s32 s22, s23;
	[dreg:$0x6] =	wrdreg s14  }
0x10: {  	s7 =	sadd.s32 s7, s4;
	s23 =	simm.s32 $0x400;
	s14 =	simm.s32 $0x2400  }
0x11: {  	s8 =	sshrl.u32 s8, $0x3;
	[dreg:$0x8] =	wrdreg s7;
	s29 =	smax.u32 s11, $0x1  }
0x12: {  	s11 =	simm.s32 $0x2200;
	s7 =	simm.s32 $0x2E00;
	s0 =	sadd.s32 s8, s0  }
0x13: {  	s8 =	sor.u32 s2, s12;
	[dreg:$0xd] =	wrdreg s29;
	s28 =	sadd.s32 $0x18C400, s0  }
0x14: {  	s24 =	sshll.u32 s8, $0x7;
	s0 =	sadd.s32 $0x18F500, s0;
	[dreg:$0xb] =	wrdreg s28  }
.Ltmp0:
0x15: {  	s25 =	sadd.s32 s9, s24;
	[dreg:$0xc] =	wrdreg s0;
	(pc) =	sbr.rel .LBB2_1-.Ltmp0, $4  }
0x16: {  	s12 =	simm.s32 $0x600;
	s26 =	sadd.s32 s10, s24;
	[dreg:$0x9] =	wrdreg s25  }
0x17: {  	s0 =	sadd.s32 s30, s9;
	s24 =	simm.s32 $0x1000;
	[dreg:$0xa] =	wrdreg s26  }
0x18: {  	s9 =	simm.s32 $0x2000;
	s10 =	simm.s32 $0x2;
	[dreg:$0xf] =	wrdreg s0  }
0x19: {  	s25 =	simm.s32 $0x1;
	s26 =	simm.s32 $0x200;
	s0 =	simm.s32 $0x800  }
.LBB2_17:
0x1a: {  	[bflag:$0x0] =	sbarrier.arrive $0xFFFF  }
0x1b: {  	s16 =	rddreg [dreg:$0x7]  }
0x1c: {  	s2 =	rddreg [dreg:$0xb]  }
0x1d: {  	s20 =	simm.s32 $0x4;
	s17 =	rddreg [dreg:$0x11]  }
0x1e: {  	[hbm:s2], [sflag:s16] =	dma.local [spmem:s17], $0x310  }
0x1f: {  	_ =	swait.ge [sflag:s20], $0x310  }
0x20: {  	[sflag:s20] =	ssyncset.done $0x0;
	s28 =	rddreg [dreg:$0xc]  }
0x21: {  	s29 =	rddreg [dreg:$0x12];
	[sflag:s20] =	ssyncadd.s32 $0xFFFFFCF0  }
0x22: {  	[hbm:s28], [sflag:s16] =	dma.local [spmem:s29], $0x310  }
0x23: {  	_ =	swait.ge [sflag:s20], $0x310  }
0x24: {  	s30 =	rddreg [dreg:$0x10]  }
0x25: {  	s31 =	rddreg [dreg:$0xd];
	s17 =	sadd.s32 $0x1, s30  }
0x26: {  	p0 =	sne.s32 s17, s31  }
.Ltmp1:
0x27: {  	_ = 	snop;
	(pc) =	sbr.rel @!p0 .LBB2_18-.Ltmp1, $3  }
0x28: {  	_ =	sdelay $0x1  }
0x29: {  	[sflag:s20] =	ssyncset.done $0x0  }
0x2a: {  	[sflag:s20] =	ssyncadd.s32 $0xFFFFFCF0  }
.LBB2_1:
0x2b: {  	[dreg:$0x10] =	wrdreg s17  }
0x2c: {  	s2 =	rddreg [dreg:$0x6]  }
0x2d: {  	s31 =	rddreg [dreg:$0x5];
	s30 =	sshrl.u32 s2, $0x3  }
0x2e: {  	[dreg:$0x11] =	wrdreg s30  }
0x2f: {  	[spmem:s30], [sflag:s16] =	dma.local [hbm:s31], $0x310  }
0x30: {  	_ =	swait.ge [sflag:s20], $0x310  }
0x31: {  	s22 =	rddreg [dreg:$0x8]  }
0x32: {  	[sflag:s20] =	ssyncset.done $0x0;
	s17 =	sshrl.u32 s22, $0x3  }
0x33: {  	[sflag:s20] =	ssyncadd.s32 $0xFFFFFCF0;
	[dreg:$0x12] =	wrdreg s17  }
0x34: {  	[spmem:s17], [sflag:s16] =	dma.local [hbm:s31], $0x310  }
0x35: {  	_ =	swait.ge [sflag:s20], $0x310  }
0x36: {  	[sflag:s20] =	ssyncset.done $0x0  }
0x37: {  	[sflag:s20] =	ssyncadd.s32 $0xFFFFFCF0  }
0x38: {  	[bflag:$0x0] =	sbarrier.arrive $0xFFFF  }
0x39: {  	s29 =	rddreg [dreg:$0x9]  }
.Ltmp2:
0x3a: {  	s30 =	rddreg [dreg:$0xa];
	(pc) =	sbr.rel .LBB2_2-.Ltmp2, $4  }
0x3b: {  	s2 =	rddreg [dreg:$0xf]  }
0x3c: {  	[tilespmem:s5], [sflag:$0x1] =	stream.linear.gather [hbm4b:s29+s5], $0x400, $0x38;
	[tilespmem:$0x6100] =	vst v63  }
0x3d: {  	s28 =	simm.s32 $0x0;
	s31 =	simm.s32 $0xC00;
	s22 =	rddreg [dreg:$0xe]  }
0x3e: {  	[tilespmem:s31], [sflag:$0x1] =	stream.linear.gather [hbm4b:s30+s5], $0x400, $0x38;
	[tilespmem:$0x6100] =	vst v63  }
.LBB2_11:
0x3f: {  	s16 =	sadd.s32 $0x3000, s31  }
0x40: {  	[tilespmem:s5], [sflag:$0x1] =	stream.linear.gather [hbm4b:s16+s5], $0x400, $0x38;
	[tilespmem:$0x6100] =	vst v63  }
0x41: {  	s31 =	sadd.s32 $0x3000, s30;
	s17 =	simm.s32 $0xC00  }
0x42: {  	[tilespmem:s17], [sflag:$0x1] =	stream.linear.gather [hbm4b:s31+s5], $0x400, $0x38;
	[tilespmem:$0x6100] =	vst v63  }
.LBB2_13:
0x43: {  	_ =	swait.ge [sflag:s25], $0x400  }
0x44: {  	[sflag:s25] =	ssyncset.done $0x0  }
0x45: {  	[sflag:s25] =	ssyncadd.s32 $0xFFFFFC00  }
0x46: {  	_ =	swait.ge [sflag:s25], $0x400  }
0x47: {  	[sflag:s25] =	ssyncset.done $0x0  }
0x48: {  	s16 =	simm.s32 $0x2800;
	[sflag:s25] =	ssyncadd.s32 $0xFFFFFC00  }
0x49: {  	[tilespmem:s16], [sflag:$0x2] =	stream.indirect.gather [hbm4b:s1+s26], $0x1, s0, s26, $0xb8;
	[tilespmem:$0x6100] =	vst v63  }
0x4a: {  	s30 =	simm.s32 $0x2A00  }
0x4b: {  	[tilespmem:s30], [sflag:$0x2] =	stream.indirect.gather [hbm4b:s6+s26], $0x1, s0, s26, $0xb8;
	[tilespmem:$0x6100] =	vst v63  }
0x4c: {  	s31 =	simm.s32 $0x2C00  }
0x4d: {  	[tilespmem:s31], [sflag:$0x2] =	stream.indirect.gather [hbm4b:s1+s26], $0x1, s19, s26, $0xb8;
	[tilespmem:$0x6100] =	vst v63  }
0x4e: {  	_ = 	snop  }
0x4f: {  	[tilespmem:s7], [sflag:$0x2] =	stream.indirect.gather [hbm4b:s6+s26], $0x1, s19, s26, $0xb8;
	[tilespmem:$0x6100] =	vst v63  }
.LBB2_15:
0x50: {  	_ =	swait.ge [sflag:s10], $0x200  }
0x51: {  	[sflag:s10] =	ssyncset.done $0x0  }
0x52: {  	[sflag:s10] =	ssyncadd.s32 $0xFFFFFE00  }
0x53: {  	_ =	swait.ge [sflag:s10], $0x200  }
0x54: {  	[sflag:s10] =	ssyncset.done $0x0  }
0x55: {  	[sflag:s10] =	ssyncadd.s32 $0xFFFFFE00  }
0x56: {  	_ =	swait.ge [sflag:s10], $0x200  }
0x57: {  	[sflag:s10] =	ssyncset.done $0x0  }
0x58: {  	[sflag:s10] =	ssyncadd.s32 $0xFFFFFE00  }
0x59: {  	_ =	swait.ge [sflag:s10], $0x200  }
0x5a: {  	[sflag:s10] =	ssyncset.done $0x0  }
0x5b: {  	[sflag:s10] =	ssyncadd.s32 $0xFFFFFE00  }
0x5c: {  	[spmem:s3] =	stream.indirect.scatter.add.f32 [tilespmem:s9], [sflag:$0x3], $0x1, s24, s26, $0xb8;
	[tilespmem:$0x6100] =	vst v63  }
0x5d: {  	_ = 	snop  }
0x5e: {  	[spmem:s4] =	stream.indirect.scatter.add.f32 [tilespmem:s11], [sflag:$0x3], $0x1, s24, s26, $0xb8;
	[tilespmem:$0x6100] =	vst v63  }
0x5f: {  	_ = 	snop  }
0x60: {  	[spmem:s3] =	stream.indirect.scatter.add.f32 [tilespmem:s14], [sflag:$0x3], $0x1, s21, s26, $0xb8;
	[tilespmem:$0x6100] =	vst v63  }
0x61: {  	_ = 	snop  }
0x62: {  	[spmem:s4] =	stream.indirect.scatter.add.f32 [tilespmem:s15], [sflag:$0x3], $0x1, s21, s26, $0xb8;
	[tilespmem:$0x6100] =	vst v63  }
.LBB2_16:
0x63: {  	s28 =	sadd.s32 $0x60, s28  }
0x64: {  	p0 =	sne.s32 s28, $0x1920  }
.Ltmp3:
0x65: {  	_ = 	snop;
	(pc) =	sbr.rel @!p0 .LBB2_17-.Ltmp3, $2  }
0x66: {  	_ =	sdelay $0x2  }
0x67: {  	s22 =	sadd.s32 $0x3000, s22;
	s2 =	sadd.s32 $0x3000, s2  }
.LBB2_2:
0x68: {  	s29 =	sadd.s32 s28, s8  }
0x69: {  	s16 =	sadd.s32 $0xFFFFFFC0, s29  }
0x6a: {  	p0 =	sgt.u32 s16, $0x1869  }
0x6b: {  	s16 =	simm.s32 @!p0 $0x3  }
0x6c: {  	_ =	swait.ge @!p0 [sflag:s16], $0x200  }
0x6d: {  	[sflag:s16] =	ssyncset.done @!p0 $0x0  }
0x6e: {  	[sflag:s16] =	ssyncadd.s32 @!p0 $0xFFFFFE00  }
0x6f: {  	_ =	swait.ge @!p0 [sflag:s16], $0x200  }
0x70: {  	[sflag:s16] =	ssyncset.done @!p0 $0x0  }
0x71: {  	[sflag:s16] =	ssyncadd.s32 @!p0 $0xFFFFFE00  }
0x72: {  	p1 =	sgt.u32 s29, $0x1849;
	_ =	swait.ge @!p0 [sflag:s16], $0x200  }
.Ltmp4:
0x73: {  	[sflag:s16] =	ssyncset.done @!p0 $0x0;
	(pc) =	sbr.rel @p1 .LBB2_4-.Ltmp4, $4  }
0x74: {  	[sflag:s16] =	ssyncadd.s32 @!p0 $0xFFFFFE00  }
0x75: {  	_ =	swait.ge @!p0 [sflag:s16], $0x200  }
0x76: {  	[sflag:s16] =	ssyncset.done @!p0 $0x0  }
0x77: {  	s31 =	sadd.s32 s2, s18;
	s30 =	sadd.s32 s22, s18;
	[sflag:s16] =	ssyncadd.s32 @!p0 $0xFFFFFE00  }
.Ltmp5:
0x78: {  	(pc) =	sbr.rel .LBB2_5-.Ltmp5, $4  }
0x79: {  	s16 =	sadd.s32 $0x1000, s31  }
0x7a: {  	[tilespmem:s23], [sflag:$0x1] =	stream.linear.gather [hbm4b:s16+s5], $0x400, $0x38;
	[tilespmem:$0x6100] =	vst v63  }
0x7b: {  	s20 =	sadd.s32 $0x1000, s30  }
0x7c: {  	[tilespmem:s24], [sflag:$0x1] =	stream.linear.gather [hbm4b:s20+s5], $0x400, $0x38;
	[tilespmem:$0x6100] =	vst v63  }
.LBB2_4:
0x7d: {  	p0 =	sgt.u32 s29, $0x1869  }
.Ltmp6:
0x7e: {  	_ = 	snop;
	(pc) =	sbr.rel @p0 .LBB2_6-.Ltmp6, $1  }
0x7f: {  	_ =	sdelay $0x3  }
.LBB2_5:
0x80: {  	_ =	swait.ge [sflag:s25], $0x400  }
0x81: {  	[sflag:s25] =	ssyncset.done $0x0  }
0x82: {  	[sflag:s25] =	ssyncadd.s32 $0xFFFFFC00  }
0x83: {  	_ =	swait.ge [sflag:s25], $0x400  }
0x84: {  	[sflag:s25] =	ssyncset.done $0x0  }
0x85: {  	s16 =	simm.s32 $0x1800;
	[sflag:s25] =	ssyncadd.s32 $0xFFFFFC00  }
0x86: {  	[tilespmem:s16], [sflag:$0x2] =	stream.indirect.gather [hbm4b:s1+s26], $0x1, s5, s26, $0xb8;
	[tilespmem:$0x6100] =	vst v63  }
0x87: {  	s20 =	simm.s32 $0x1A00  }
0x88: {  	[tilespmem:s20], [sflag:$0x2] =	stream.indirect.gather [hbm4b:s6+s26], $0x1, s5, s26, $0xb8;
	[tilespmem:$0x6100] =	vst v63  }
0x89: {  	s17 =	simm.s32 $0x1C00  }
0x8a: {  	[tilespmem:s17], [sflag:$0x2] =	stream.indirect.gather [hbm4b:s1+s26], $0x1, s26, s26, $0xb8;
	[tilespmem:$0x6100] =	vst v63  }
0x8b: {  	s20 =	simm.s32 $0x1E00  }
0x8c: {  	[tilespmem:s20], [sflag:$0x2] =	stream.indirect.gather [hbm4b:s6+s26], $0x1, s26, s26, $0xb8;
	[tilespmem:$0x6100] =	vst v63  }
.LBB2_6:
0x8d: {  	s16 =	sadd.s32 $0xFFFFFFE0, s29  }
0x8e: {  	p0 =	sgt.u32 s16, $0x1869  }
0x8f: {  	s16 =	simm.s32 @!p0 $0x2  }
0x90: {  	_ =	swait.ge @!p0 [sflag:s16], $0x200  }
0x91: {  	[sflag:s16] =	ssyncset.done @!p0 $0x0  }
0x92: {  	[sflag:s16] =	ssyncadd.s32 @!p0 $0xFFFFFE00  }
0x93: {  	_ =	swait.ge @!p0 [sflag:s16], $0x200  }
0x94: {  	[sflag:s16] =	ssyncset.done @!p0 $0x0  }
0x95: {  	[sflag:s16] =	ssyncadd.s32 @!p0 $0xFFFFFE00  }
0x96: {  	_ =	swait.ge @!p0 [sflag:s16], $0x200  }
0x97: {  	[sflag:s16] =	ssyncset.done @!p0 $0x0  }
0x98: {  	[sflag:s16] =	ssyncadd.s32 @!p0 $0xFFFFFE00  }
0x99: {  	_ =	swait.ge @!p0 [sflag:s16], $0x200  }
0x9a: {  	s17 =	simm.s32 @!p0 $0x1400;
	[sflag:s16] =	ssyncset.done @!p0 $0x0  }
0x9b: {  	s20 =	simm.s32 @!p0 $0x2800;
	[sflag:s16] =	ssyncadd.s32 @!p0 $0xFFFFFE00;
	s16 =	simm.s32 @!p0 $0x200  }
0x9c: {  	[spmem:s3] =	stream.indirect.scatter.add.f32 @!p0 [tilespmem:s20], [sflag:$0x3], $0x1, s17, s16, $0xb8;
	[tilespmem:$0x6100] =	vst v63  }
0x9d: {  	s20 =	simm.s32 @!p0 $0x2A00  }
0x9e: {  	[spmem:s4] =	stream.indirect.scatter.add.f32 @!p0 [tilespmem:s20], [sflag:$0x3], $0x1, s17, s16, $0xb8;
	[tilespmem:$0x6100] =	vst v63  }
0x9f: {  	s17 =	simm.s32 @!p0 $0x1600;
	s20 =	simm.s32 @!p0 $0x2C00  }
0xa0: {  	[spmem:s3] =	stream.indirect.scatter.add.f32 @!p0 [tilespmem:s20], [sflag:$0x3], $0x1, s17, s16, $0xb8;
	[tilespmem:$0x6100] =	vst v63  }
0xa1: {  	s20 =	simm.s32 @!p0 $0x2E00  }
0xa2: {  	[spmem:s4] =	stream.indirect.scatter.add.f32 @!p0 [tilespmem:s20], [sflag:$0x3], $0x1, s17, s16, $0xb8;
	[tilespmem:$0x6100] =	vst v63  }
0xa3: {  	s17 =	simm.s32 @!p0 $0x3  }
0xa4: {  	_ =	swait.ge @!p0 [sflag:s17], $0x200  }
0xa5: {  	[sflag:s17] =	ssyncset.done @!p0 $0x0  }
0xa6: {  	[sflag:s17] =	ssyncadd.s32 @!p0 $0xFFFFFE00  }
0xa7: {  	_ =	swait.ge @!p0 [sflag:s17], $0x200  }
0xa8: {  	[sflag:s17] =	ssyncset.done @!p0 $0x0  }
0xa9: {  	s16 =	sadd.s32 $0x20, s29;
	[sflag:s17] =	ssyncadd.s32 @!p0 $0xFFFFFE00  }
0xaa: {  	p1 =	sgt.u32 s16, $0x1849;
	_ =	swait.ge @!p0 [sflag:s17], $0x200  }
.Ltmp7:
0xab: {  	[sflag:s17] =	ssyncset.done @!p0 $0x0;
	(pc) =	sbr.rel @p1 .LBB2_8-.Ltmp7, $4  }
0xac: {  	[sflag:s17] =	ssyncadd.s32 @!p0 $0xFFFFFE00  }
0xad: {  	_ =	swait.ge @!p0 [sflag:s17], $0x200  }
0xae: {  	[sflag:s17] =	ssyncset.done @!p0 $0x0  }
0xaf: {  	[sflag:s17] =	ssyncadd.s32 @!p0 $0xFFFFFE00  }
.Ltmp8:
0xb0: {  	(pc) =	sbr.rel .LBB2_9-.Ltmp8, $4  }
0xb1: {  	s16 =	sadd.s32 $0x2000, s31  }
0xb2: {  	[tilespmem:s0], [sflag:$0x1] =	stream.linear.gather [hbm4b:s16+s5], $0x400, $0x38;
	[tilespmem:$0x6100] =	vst v63  }
0xb3: {  	s20 =	sadd.s32 $0x2000, s30;
	s17 =	simm.s32 $0x1400  }
0xb4: {  	[tilespmem:s17], [sflag:$0x1] =	stream.linear.gather [hbm4b:s20+s5], $0x400, $0x38;
	[tilespmem:$0x6100] =	vst v63  }
.LBB2_8:
0xb5: {  	p0 =	sgt.u32 s16, $0x1869  }
.Ltmp9:
0xb6: {  	_ = 	snop;
	(pc) =	sbr.rel @p0 .LBB2_10-.Ltmp9, $1  }
0xb7: {  	_ =	sdelay $0x3  }
.LBB2_9:
0xb8: {  	_ =	swait.ge [sflag:s25], $0x400  }
0xb9: {  	[sflag:s25] =	ssyncset.done $0x0  }
0xba: {  	[sflag:s25] =	ssyncadd.s32 $0xFFFFFC00  }
0xbb: {  	_ =	swait.ge [sflag:s25], $0x400  }
0xbc: {  	[sflag:s25] =	ssyncset.done $0x0  }
0xbd: {  	[sflag:s25] =	ssyncadd.s32 $0xFFFFFC00  }
0xbe: {  	[tilespmem:s9], [sflag:$0x2] =	stream.indirect.gather [hbm4b:s1+s26], $0x1, s23, s26, $0xb8;
	[tilespmem:$0x6100] =	vst v63  }
0xbf: {  	_ = 	snop  }
0xc0: {  	[tilespmem:s11], [sflag:$0x2] =	stream.indirect.gather [hbm4b:s6+s26], $0x1, s23, s26, $0xb8;
	[tilespmem:$0x6100] =	vst v63  }
0xc1: {  	_ = 	snop  }
0xc2: {  	[tilespmem:s14], [sflag:$0x2] =	stream.indirect.gather [hbm4b:s1+s26], $0x1, s12, s26, $0xb8;
	[tilespmem:$0x6100] =	vst v63  }
0xc3: {  	_ = 	snop  }
0xc4: {  	[tilespmem:s15], [sflag:$0x2] =	stream.indirect.gather [hbm4b:s6+s26], $0x1, s12, s26, $0xb8;
	[tilespmem:$0x6100] =	vst v63  }
.LBB2_10:
0xc5: {  	p0 =	sge.u32 s28, s13  }
0xc6: {  	s16 =	simm.s32 @!p0 $0x2  }
0xc7: {  	_ =	swait.ge @!p0 [sflag:s16], $0x200  }
0xc8: {  	[sflag:s16] =	ssyncset.done @!p0 $0x0  }
0xc9: {  	[sflag:s16] =	ssyncadd.s32 @!p0 $0xFFFFFE00  }
0xca: {  	_ =	swait.ge @!p0 [sflag:s16], $0x200  }
0xcb: {  	[sflag:s16] =	ssyncset.done @!p0 $0x0  }
0xcc: {  	[sflag:s16] =	ssyncadd.s32 @!p0 $0xFFFFFE00  }
0xcd: {  	_ =	swait.ge @!p0 [sflag:s16], $0x200  }
0xce: {  	[sflag:s16] =	ssyncset.done @!p0 $0x0  }
0xcf: {  	[sflag:s16] =	ssyncadd.s32 @!p0 $0xFFFFFE00  }
0xd0: {  	_ =	swait.ge @!p0 [sflag:s16], $0x200  }
0xd1: {  	s17 =	simm.s32 @!p0 $0xC00;
	[sflag:s16] =	ssyncset.done @!p0 $0x0  }
0xd2: {  	s20 =	simm.s32 @!p0 $0x1800;
	[sflag:s16] =	ssyncadd.s32 @!p0 $0xFFFFFE00;
	s16 =	simm.s32 @!p0 $0x200  }
0xd3: {  	[spmem:s3] =	stream.indirect.scatter.add.f32 @!p0 [tilespmem:s20], [sflag:$0x3], $0x1, s17, s16, $0xb8;
	[tilespmem:$0x6100] =	vst v63  }
0xd4: {  	s20 =	simm.s32 @!p0 $0x1A00  }
0xd5: {  	[spmem:s4] =	stream.indirect.scatter.add.f32 @!p0 [tilespmem:s20], [sflag:$0x3], $0x1, s17, s16, $0xb8;
	[tilespmem:$0x6100] =	vst v63  }
0xd6: {  	s17 =	simm.s32 @!p0 $0xE00;
	s20 =	simm.s32 @!p0 $0x1C00  }
0xd7: {  	[spmem:s3] =	stream.indirect.scatter.add.f32 @!p0 [tilespmem:s20], [sflag:$0x3], $0x1, s17, s16, $0xb8;
	[tilespmem:$0x6100] =	vst v63  }
0xd8: {  	s20 =	simm.s32 @!p0 $0x1E00  }
0xd9: {  	[spmem:s4] =	stream.indirect.scatter.add.f32 @!p0 [tilespmem:s20], [sflag:$0x3], $0x1, s17, s16, $0xb8;
	[tilespmem:$0x6100] =	vst v63  }
0xda: {  	s16 =	simm.s32 @!p0 $0x3  }
0xdb: {  	_ =	swait.ge @!p0 [sflag:s16], $0x200  }
0xdc: {  	[sflag:s16] =	ssyncset.done @!p0 $0x0  }
0xdd: {  	[sflag:s16] =	ssyncadd.s32 @!p0 $0xFFFFFE00  }
0xde: {  	_ =	swait.ge @!p0 [sflag:s16], $0x200  }
0xdf: {  	[sflag:s16] =	ssyncset.done @!p0 $0x0  }
0xe0: {  	s29 =	sadd.s32 $0x40, s29;
	[sflag:s16] =	ssyncadd.s32 @!p0 $0xFFFFFE00  }
0xe1: {  	p1 =	sgt.u32 s29, $0x1849;
	_ =	swait.ge @!p0 [sflag:s16], $0x200  }
.Ltmp10:
0xe2: {  	[sflag:s16] =	ssyncset.done @!p0 $0x0;
	(pc) =	sbr.rel @!p1 .LBB2_11-.Ltmp10, $4  }
0xe3: {  	[sflag:s16] =	ssyncadd.s32 @!p0 $0xFFFFFE00  }
0xe4: {  	_ =	swait.ge @!p0 [sflag:s16], $0x200  }
0xe5: {  	[sflag:s16] =	ssyncset.done @!p0 $0x0  }
0xe6: {  	[sflag:s16] =	ssyncadd.s32 @!p0 $0xFFFFFE00  }
0xe7: {  	p0 =	sgt.u32 s29, $0x1869  }
.Ltmp11:
0xe8: {  	_ = 	snop;
	(pc) =	sbr.rel @!p0 .LBB2_13-.Ltmp11, $1  }
0xe9: {  	_ =	sdelay $0x3  }
0xea: {  	p0 =	sgt.u32 s29, $0x1889  }
.Ltmp12:
0xeb: {  	_ = 	snop;
	(pc) =	sbr.rel @p0 .LBB2_16-.Ltmp12, $4  }
.Ltmp13:
0xec: {  	_ = 	snop;
	(pc) =	sbr.rel @!p0 .LBB2_15-.Ltmp13, $4  }
0xed: {  	_ = 	snop  }
0xee: {  	_ = 	snop  }
0xef: {  	_ = 	snop  }
0xf0: {  	_ = 	snop  }
.LBB2_18:
0xf1: {  	_ =	sfence.sel $0x180000  }
0xf2: {  	[bflag:$0x0] =	sbarrier.arrive $0xFFFF  }
0xf3: {  	_ =	strace $0x9000004D  }
0xf4: {  	s0 =	stileid.u32;
	[bflag:$0x2] =	sbarrier.arrive $0xFFFF  }
0xf5: {  	p0 =	sne.s32 s0, $0x0;
	s0 =	rddreg [dreg:$0x4]  }
0xf6: {  	s0 =	sadd.s32 @!p0 $0x100000, s0  }
0xf7: {  	[sflag:s0] =	ssyncadd.tile.s32 @!p0 $0x1;
	_ =	shalt  }
.Lfunc_end2:
_tile_overlayer_lowered:
.L_overlay_start_2:
0xf8: {  	(tag) =	ssettag $0x2  }
0xf9: {  	s0 =	rddreg [dreg:$0x0];
	s2 =	stileid.u32  }
0xfa: {  	s1 =	rddreg [dreg:$0x1];
	p0 =	sne.s32 s2, $0x0  }
0xfb: {  	s3 =	rddreg [dreg:$0x2];
	[bflag:$0x3] =	sbarrier.arrive $0xFFFF;
	s2 =	simm.s32 @!p0 $0x1C04  }
0xfc: {  	[timem:s3], [sflag:s2] =	dma.local @!p0 [hbm:s0], s1  }
0xfd: {  	s0 =	simm.s32 @!p0 $0x4  }
0xfe: {  	_ =	swait.ge @!p0 [sflag:s0], s1  }
0xff: {  	s1 =	ssub.s32 @!p0 $0x0, s1;
	[sflag:s0] =	ssyncset.done @!p0 $0x0  }
0x100: {  	[sflag:s0] =	ssyncadd.s32 @!p0 s1  }
0x101: {  	[bflag:$0x3] =	sbarrier.arrive $0xFFFF  }
0x102: {  	_ =	shalt  }

// kernel: kernel.8.cloned.1.call-start
scs
__scs_entry_jumppad:
0x0: {  	(pc) =	sbr.rel $0x88, $3  }
0x1: {  	(tag) =	ssettag $0x0;
	lr =	simm.s32 $0x1  }
0x2: {  	[smem:$0x3F9B] =	sst lr;
	_ =	strace $0xD0000000  }
0x3: {  	_ = 	snop  }
0x4: {  	_ = 	snop  }
0x5: {  	_ = 	snop  }
0x6: {  	_ = 	snop  }
0x7: {  	_ = 	snop  }
__scs_overlays_trampoline_lowered:
0x8: {  	[smem:$0x3FAA] =	sst s0  }
0x9: {  	[smem:$0x3FAB] =	sst s1  }
0xa: {  	[smem:$0x3FAC] =	sst s2  }
0xb: {  	[smem:$0x3FAD] =	sst s3  }
0xc: {  	[smem:$0x3FAE] =	sst s4  }
0xd: {  	[smem:$0x3FAF] =	sst s5  }
0xe: {  	[smem:$0x3FB0] =	sst s6  }
0xf: {  	[smem:$0x3FB1] =	sst s7  }
0x10: {  	[smem:$0x3FB2] =	sst s8  }
0x11: {  	[smem:$0x3FB3] =	sst s9;
	s0 =	simm.s32 @!p0 $0x0  }
0x12: {  	s1 =	sld [smem:$0x3F99];
	s0 =	simm.s32 @p0 $0x1  }
0x13: {  	[smem:$0x3FB4] =	sst s0;
	s0 =	simm.s32 @!p1 $0x0  }
0x14: {  	s2 =	sld [smem:$0x3F98];
	s0 =	simm.s32 @p1 $0x1  }
0x15: {  	[smem:$0x3FB5] =	sst s0;
	s0 =	simm.s32 @!p2 $0x0  }
0x16: {  	s3 =	sld [smem:$0x3FDB];
	s0 =	simm.s32 @p2 $0x1  }
0x17: {  	s4 =	simm.s32 $0x1BF5;
	[smem:$0x3FB7] =	sst s0  }
0x18: {  	s0 =	sld [smem:$0x3F9A];
	_ =	swait.ge [sflag:s4], $0x0  }
0x19: {  	s7 =	sld [smem:$0x3F9B]  }
0x1a: {  	s8 =	sadd.s32 $0xFFFFE003, lr  }
0x1b: {  	s9 =	sadd.s32 $0xFFFFFEF7, lr;
	s5 =	simm.s32 $0xFFFFFFFF;
	p2 =	slt.u32 s8, $0xFFFFF086  }
0x1c: {  	p1 =	slt.u32 s9, $0xF7A;
	s5 =	simm.s32 @!p2 $0x0  }
0x1d: {  	s5 =	simm.s32 @p1 $0x1;
	p0 =	seq.s32 s7, s2  }
0x1e: {  	s7 =	smul.u32 @!p0 $0xF7A, s2;
	p2 =	seq.s32 @!p0 s5, $0x0  }
0x1f: {  	s9 =	smul.u32 $0xF7A, s1;
	s8 =	simm.s32 @!p0 $0x1BF5;
	p2 =	por !p2, p0  }
0x20: {  	[sflag:s8] =	ssyncset.s32 @!p0 $0xFFFFF086;
	s6 =	sadd.s32 @!p0 s3, s7;
	s7 =	simm.s32 @!p0 $0x108  }
0x21: {  	s3 =	sadd.s32 s3, s9;
	s6 =	sadd.s32 @!p0 $0x88, s6;
	s7 =	simm.s32 @p2 $0x1082  }
0x22: {  	[simem:s7], [sflag:s8] =	dma.local @!p0 [hbm:s6], $0xF7A  }
0x23: {  	s9 =	sor.u32 $0xD0000000, s2;
	s6 =	simm.s32 $0x108;
	_ =	swait.ge @!p0 [sflag:s8], $0x0  }
0x24: {  	s3 =	sadd.s32 $0x88, s3;
	s6 =	simm.s32 @!p1 $0x1082;
	[sflag:s4] =	ssyncset.s32 $0xFFFFF086  }
0x25: {  	[simem:s6], [sflag:s4] =	dma.local [hbm:s3], $0xF7A  }
0x26: {  	[smem:$0x3F9B] =	sst s1;
	(tag) =	ssettag s2;
	_ =	strace s9  }
0x27: {  	s1 =	sld [smem:$0x3FAB]  }
0x28: {  	s2 =	sld [smem:$0x3FAC]  }
0x29: {  	s4 =	sld [smem:$0x3FAE]  }
0x2a: {  	p0 =	seq.s32 s5, $0x0;
	s5 =	sld [smem:$0x3FAF]  }
0x2b: {  	s6 =	sld [smem:$0x3FB0]  }
0x2c: {  	s7 =	sld [smem:$0x3FB1]  }
0x2d: {  	s3 =	simm.s32 $0x108;
	s8 =	sld [smem:$0x3FB2]  }
0x2e: {  	s3 =	simm.s32 @!p0 $0x1082;
	s9 =	sld [smem:$0x3FB3]  }
0x2f: {  	lr =	sadd.s32 s0, s3;
	s0 =	sld [smem:$0x3FAA]  }
0x30: {  	s3 =	sld [smem:$0x3FAD]  }
0x31: {  	[smem:$0x3FB6] =	sst s10  }
0x32: {  	s10 =	sld [smem:$0x3FB4];
	_ =	sdelay $0x3  }
0x33: {  	p0 =	seq.s32 s10, $0x1;
	s10 =	sld [smem:$0x3FB6];
	_ =	sdelay $0x3  }
0x34: {  	[smem:$0x3FB6] =	sst s10  }
0x35: {  	s10 =	sld [smem:$0x3FB5];
	_ =	sdelay $0x3  }
0x36: {  	p1 =	seq.s32 s10, $0x1;
	s10 =	sld [smem:$0x3FB6];
	_ =	sdelay $0x3  }
0x37: {  	[smem:$0x3FB6] =	sst s10  }
0x38: {  	s10 =	sld [smem:$0x3FB7]  }
0x39: {  	_ = 	snop;
	(pc) =	sbr.ind lr, $3  }
0x3a: {  	_ = 	snop  }
0x3b: {  	_ = 	snop  }
0x3c: {  	p2 =	seq.s32 s10, $0x1;
	s10 =	sld [smem:$0x3FB6]  }
0x3d: {  	_ =	shalt  }
0x3e: {  	_ =	shalt  }
0x3f: {  	_ =	shalt  }
0x40: {  	_ =	shalt  }
0x41: {  	_ =	shalt  }
0x42: {  	_ =	shalt  }
0x43: {  	_ =	shalt  }
0x44: {  	_ =	shalt  }
0x45: {  	_ =	shalt  }
0x46: {  	_ =	shalt  }
0x47: {  	_ =	shalt  }
0x48: {  	_ =	shalt  }
0x49: {  	_ =	shalt  }
0x4a: {  	_ =	shalt  }
0x4b: {  	_ =	shalt  }
0x4c: {  	_ =	shalt  }
0x4d: {  	_ =	shalt  }
0x4e: {  	_ =	shalt  }
0x4f: {  	_ =	shalt  }
0x50: {  	_ =	shalt  }
0x51: {  	_ =	shalt  }
0x52: {  	_ =	shalt  }
0x53: {  	_ =	shalt  }
0x54: {  	_ =	shalt  }
0x55: {  	_ =	shalt  }
0x56: {  	_ =	shalt  }
0x57: {  	_ =	shalt  }
0x58: {  	_ =	shalt  }
0x59: {  	_ =	shalt  }
0x5a: {  	_ =	shalt  }
0x5b: {  	_ =	shalt  }
0x5c: {  	_ =	shalt  }
0x5d: {  	_ =	shalt  }
0x5e: {  	_ =	shalt  }
0x5f: {  	_ =	shalt  }
0x60: {  	_ =	shalt  }
0x61: {  	_ =	shalt  }
0x62: {  	_ =	shalt  }
0x63: {  	_ =	shalt  }
0x64: {  	_ =	shalt  }
0x65: {  	_ =	shalt  }
0x66: {  	_ =	shalt  }
0x67: {  	_ =	shalt  }
0x68: {  	_ =	shalt  }
0x69: {  	_ =	shalt  }
0x6a: {  	_ =	shalt  }
0x6b: {  	_ =	shalt  }
0x6c: {  	_ =	shalt  }
0x6d: {  	_ =	shalt  }
0x6e: {  	_ =	shalt  }
0x6f: {  	_ =	shalt  }
0x70: {  	_ =	shalt  }
0x71: {  	_ =	shalt  }
0x72: {  	_ =	shalt  }
0x73: {  	_ =	shalt  }
0x74: {  	_ =	shalt  }
0x75: {  	_ =	shalt  }
0x76: {  	_ =	shalt  }
0x77: {  	_ =	shalt  }
0x78: {  	_ =	shalt  }
0x79: {  	_ =	shalt  }
0x7a: {  	_ =	shalt  }
0x7b: {  	_ =	shalt  }
0x7c: {  	_ =	shalt  }
0x7d: {  	_ =	shalt  }
0x7e: {  	_ =	shalt  }
0x7f: {  	_ =	shalt  }
0x80: {  	_ =	shalt  }
0x81: {  	_ =	shalt  }
0x82: {  	_ =	shalt  }
0x83: {  	_ =	shalt  }
0x84: {  	_ =	shalt  }
0x85: {  	_ =	shalt  }
0x86: {  	_ =	shalt  }
0x87: {  	_ =	shalt  }
.Lfunc_end0:
.L_simem_size_0:
called_computation_lowered:
.L_overlay_start_0:
0x88: {  	s2 =	sld [smem:$0x3FD9]  }
0x89: {  	s3 =	sld [smem:$0x3FFE];
	_ =	sdelay $0x1  }
0x8a: {  	s1 =	srdreg.scid  }
0x8b: {  	s0 =	sand.u32 $0x1, s1  }
0x8c: {  	s17 =	sshll.u32 s0, $0xA;
	s2 =	sadd.s32 s3, s2  }
0x8d: {  	s2 =	sadd.s32 s2, s17  }
0x8e: {  	[smem:$0x3FC2] =	sst s2  }
0x8f: {  	_ = 	snop  }
0x90: {  	s2 =	sld [smem:$0x3FD0];
	(tm) =	ssettm $0x1  }
0x91: {  	s18 =	sld [smem:$0x3FFB];
	_ =	sdelay $0x3  }
0x92: {  	_ =	strace s18  }
0x93: {  	s3 =	sld [smem:$0x3FFC];
	_ =	sdelay $0x3  }
0x94: {  	_ =	strace s3  }
0x95: {  	s3 =	sld [smem:$0x3FFD];
	_ =	sdelay $0x3  }
0x96: {  	_ =	strace s3  }
0x97: {  	_ =	strace $0x8FFFFFFF  }
0x98: {  	s19 =	sld [smem:$0x3FDB];
	_ =	sdelay $0x1  }
0x99: {  	s4 =	simm.s32 $_scs_section_size  }
0x9a: {  	s5 =	simm.s32 $_size__tile_overlayer_lowered;
	s6 =	simm.s32 $_tile_overlayer_lowered  }
0x9b: {  	s22 =	simm.s32 $0x1BFF;
	s21 =	sshll.u32 s6, $0x1;
	s3 =	sadd.s32 s4, s19  }
0x9c: {  	s7 =	simm.s32 $0x0;
	s20 =	sshll.u32 s5, $0x1;
	s5 =	sadd.s32 s21, s3  }
0x9d: {  	[timem:s7], [sflag:s22] =	dma.local [hbm:s5], s20  }
0x9e: {  	_ =	swait.ge [sflag:s22], s20  }
0x9f: {  	s4 =	ssub.s32 $0x0, s20;
	[sflag:s22] =	ssyncset.done $0x0  }
0xa0: {  	[sflag:s22] =	ssyncadd.s32 s4;
	_ =	sdelay $0x1  }
0xa1: {  	s23 =	simm.s32 $0x1B8B  }
0xa2: {  	_ =	swait.ge [sflag:s23], $0x1  }
0xa3: {  	[sflag:s23] =	ssyncset.done $0x0  }
0xa4: {  	s25 =	simm.s32 $0x1B8E;
	s24 =	sld [smem:$0x3FFE];
	[sflag:s23] =	ssyncadd.s32 $0xFFFFFFFF  }
0xa5: {  	s26 =	simm.s32 $execute0_lowered;
	[smem:$0x3FD2] =	sst s25  }
0xa6: {  	s5 =	sshll.u32 s26, $0x1;
	_ =	strace $0x80000046;
	[dreg:$0x1] =	wrdreg $0xFFFFFFFF  }
0xa7: {  	s28 =	simm.s32 $_size_execute0_lowered;
	s3 =	sadd.s32 s3, s5;
	[dreg:$0x0] =	wrdreg $0x0  }
0xa8: {  	s5 =	sshll.u32 s28, $0x1;
	[dreg:$0x2] =	wrdreg s3  }
0xa9: {  	[dreg:$0x3] =	wrdreg s5  }
0xaa: {  	[dreg:$0x4] =	wrdreg $0xC0  }
0xab: {  	_ =	task [dreg:s7], $0x5FFFF  }
0xac: {  	[dreg:$0x1] =	wrdreg $0xFFFFFFFF  }
0xad: {  	[dreg:$0x0] =	wrdreg $0x60  }
0xae: {  	[dreg:$0x2] =	wrdreg s24  }
0xaf: {  	[dreg:$0x3] =	wrdreg s2  }
0xb0: {  	[dreg:$0x4] =	wrdreg $0x6000  }
0xb1: {  	[dreg:$0x5] =	wrdreg $0x9  }
0xb2: {  	_ =	task.clear_ibuf [dreg:s7], $0x6FFFF;
	_ =	strace $0x90000046  }
0xb3: {  	s29 =	simm.s32 $0x9;
	_ =	strace $0x80000048  }
0xb4: {  	_ =	swait.ge [sflag:s29], $0x1  }
0xb5: {  	[sflag:s29] =	ssyncadd.s32 $0xFFFFFFFF  }
0xb6: {  	_ =	strace $0x90000048  }
0xb7: {  	_ =	sfence  }
0xb8: {  	s30 =	sld [smem:$0x0];
	_ =	sdelay $0x2  }
0xb9: {  	s31 =	sshll.u32 s1, $0xD;
	s1 =	sshrl.u32 s1, $0x2  }
0xba: {  	s3 =	sand.u32 $0x4000, s31;
	s1 =	sadd.s32 s1, s30  }
0xbb: {  	s0 =	sor.u32 s3, s0;
	s1 =	sshll.u32 s1, $0x11  }
0xbc: {  	s0 =	sor.u32 s1, s0  }
0xbd: {  	s0 =	sadd.s32 $0x8F2B, s0  }
0xbe: {  	[sflag:s0] =	ssyncadd.remote.s32 $0x1  }
0xbf: {  	_ =	sfence.sel $0xFFFF  }
0xc0: {  	[dreg:$0x0] =	wrdreg $0xFFFFFFFF;
	(pc) =	sbr.abs _section_cstart, $3  }
0xc1: {  	[dreg:$0x1] =	wrdreg $0xFFFFFFFF  }
0xc2: {  	_ =	task.clear_ibuf [dreg:s7], $0x2FFFF;
	_ =	strace $0x9FFFFFFF  }
0xc3: {  	(tm) =	ssettm $0x7FFFFFFF  }
tec
execute0_lowered:
.L_overlay_start_1:
0x0: {  	(tag) =	ssettag $0x1  }
0x1: {  	s6 =	rddreg [dreg:$0x0]  }
0x2: {  	s2 =	rddreg [dreg:$0x1]  }
0x3: {  	s3 =	rddreg [dreg:$0x2]  }
0x4: {  	s0 =	rddreg [dreg:$0x3]  }
0x5: {  	s1 =	stileid.u32;
	s5 =	srdreg.scid;
	s4 =	simm.s32 $0x0  }
0x6: {  	s14 =	simm.s32 $0x0;
	s7 =	sand.u32 $0x1, s5;
	s8 =	smul.u32 $0x1880, s1  }
0x7: {  	[smem:$0x7FF] =	sst s4;
	s9 =	sshll.u32 s1, $0x8;
	s31 =	sshll.u32 s1, $0x6  }
0x8: {  	s5 =	smul.u32 $0x18800, s7;
	_ =	strace $0x80000047;
	s11 =	ssub.s32 $0x2, s7  }
0x9: {  	s9 =	sadd.s32 s9, s6;
	s7 =	sshll.u32 s7, $0x7;
	s12 =	sshrl.u32 s11, $0x1  }
0xa: {  	s13 =	sadd.s32 s8, s3;
	s9 =	sadd.s32 s7, s9;
	s10 =	sadd.s32 s8, s5  }
0xb: {  	s5 =	sadd.s32 $0x188E00, s6;
	s11 =	ssub.s32 s11, s12;
	s9 =	sadd.s32 $0x2200, s9  }
0xc: {  	s12 =	sor.u32 $0x1C02, s31;
	s13 =	sshrl.u32 s13, $0x3;
	s10 =	sshrl.u32 s10, $0x3  }
0xd: {  	s8 =	smax.u32 s11, $0x1;
	s11 =	simm.s32 $0x2;
	s10 =	sadd.s32 s10, s6  }
0xe: {  	s6 =	sshll.u32 s1, $0x1;
	s7 =	sadd.s32 $0x189200, s10;
	s10 =	simm.s32 $0x400  }
.LBB2_1:
0xf: {  	[tilespmem:s10], [sflag:$0x2] =	stream.linear.gather [hbm4b:s2+s4], $0x200, $0x38;
	[tilespmem:$0x1E80] =	vst v63  }
0x10: {  	_ =	swait.ge [sflag:s11], $0x200  }
0x11: {  	[sflag:s11] =	ssyncset.done $0x0  }
0x12: {  	[sflag:s11] =	ssyncadd.s32 $0xFFFFFE00  }
0x13: {  	[spmem:s13], [sflag:s12] =	dma.local [hbm:s5], $0x310  }
0x14: {  	_ =	swait.ge [sflag:s11], $0x310  }
0x15: {  	s15 =	sadd.s32 $0x0, s6;
	[sflag:s11] =	ssyncset.done $0x0  }
0x16: {  	p0 =	sgt.u32 s15, $0x1869;
	[sflag:s11] =	ssyncadd.s32 $0xFFFFFCF0  }
0x17: {  	s15 =	simm.s32 @!p0 $0x0;
	s16 =	simm.s32 @!p0 $0x2;
	[bflag:$0x0] =	sbarrier.arrive $0xFFFF  }
0x18: {  	[tilespmem:s15], [sflag:$0x2] =	stream.linear.gather @!p0 [hbm4b:s9+s15], $0x400, $0x38;
	[tilespmem:$0x1E80] =	vst v63  }
0x19: {  	_ =	swait.ge @!p0 [sflag:s16], $0x400  }
0x1a: {  	[sflag:s16] =	ssyncset.done @!p0 $0x0;
	p0 =	por p0, p0  }
0x1b: {  	[sflag:s16] =	ssyncadd.s32 @!p0 $0xFFFFFC00;
	s16 =	simm.s32 @!p0 $0x200;
	s18 =	simm.s32 @!p0 $0x400  }
0x1c: {  	[spmem:s3] =	stream.indirect.scatter.add.f32 @!p0 [tilespmem:s18], [sflag:$0x1], $0x1, s15, s16, $0xb8;
	[tilespmem:$0x1E80] =	vst v63  }
0x1d: {  	s17 =	simm.s32 @!p0 $0x1  }
0x1e: {  	[spmem:s3] =	stream.indirect.scatter.add.f32 @!p0 [tilespmem:s18], [sflag:$0x1], $0x1, s16, s16, $0xb8;
	[tilespmem:$0x1E80] =	vst v63  }
0x1f: {  	_ =	swait.ge @!p0 [sflag:s17], $0x200  }
0x20: {  	[sflag:s17] =	ssyncset.done @!p0 $0x0  }
0x21: {  	s31 =	sadd.s32 $0x20, s6;
	[sflag:s17] =	ssyncadd.s32 @!p0 $0xFFFFFE00  }
0x22: {  	p1 =	sgt.u32 s31, $0x1869;
	_ =	swait.ge @!p0 [sflag:s17], $0x200  }
0x23: {  	s15 =	simm.s32 $0x40;
	s16 =	sadd.s32 $0x1000, s9;
	[sflag:s17] =	ssyncset.done @!p0 $0x0  }
.LBB2_2:
0x24: {  	s18 =	simm.s32 @!p1 $0x0;
	s19 =	simm.s32 @!p1 $0x2;
	[sflag:s17] =	ssyncadd.s32 @!p0 $0xFFFFFE00  }
0x25: {  	[tilespmem:s18], [sflag:$0x2] =	stream.linear.gather @!p1 [hbm4b:s16+s18], $0x400, $0x38;
	[tilespmem:$0x1E80] =	vst v63  }
0x26: {  	s20 =	smov.u32 s15;
	s15 =	sadd.s32 $0x20, s15;
	_ =	swait.ge @!p1 [sflag:s19], $0x400  }
0x27: {  	p0 =	por p1, p1;
	p2 =	sne.s32 s15, $0x1880;
	[sflag:s19] =	ssyncset.done @!p1 $0x0  }
0x28: {  	s21 =	simm.s32 @!p0 $0x400;
	[sflag:s19] =	ssyncadd.s32 @!p0 $0xFFFFFC00;
	s19 =	simm.s32 @!p0 $0x200  }
0x29: {  	[spmem:s3] =	stream.indirect.scatter.add.f32 @!p0 [tilespmem:s21], [sflag:$0x1], $0x1, s18, s19, $0xb8;
	[tilespmem:$0x1E80] =	vst v63  }
0x2a: {  	s17 =	simm.s32 @!p0 $0x1  }
0x2b: {  	[spmem:s3] =	stream.indirect.scatter.add.f32 @!p0 [tilespmem:s21], [sflag:$0x1], $0x1, s19, s19, $0xb8;
	[tilespmem:$0x1E80] =	vst v63  }
.Ltmp0:
0x2c: {  	_ =	swait.ge @!p0 [sflag:s17], $0x200;
	(pc) =	sbr.rel @p2 .LBB2_2-.Ltmp0, $4  }
0x2d: {  	[sflag:s17] =	ssyncset.done @!p0 $0x0  }
0x2e: {  	[sflag:s17] =	ssyncadd.s32 @!p0 $0xFFFFFE00  }
0x2f: {  	s18 =	sadd.s32 s20, s6;
	_ =	swait.ge @!p0 [sflag:s17], $0x200  }
0x30: {  	s16 =	sadd.s32 $0x1000, s16;
	p1 =	sgt.u32 s18, $0x1869;
	[sflag:s17] =	ssyncset.done @!p0 $0x0  }
0x31: {  	s15 =	simm.s32 @!p1 $0x0;
	s18 =	simm.s32 @!p1 $0x2;
	[sflag:s17] =	ssyncadd.s32 @!p0 $0xFFFFFE00  }
0x32: {  	[tilespmem:s15], [sflag:$0x2] =	stream.linear.gather @!p1 [hbm4b:s16+s15], $0x400, $0x38;
	[tilespmem:$0x1E80] =	vst v63  }
0x33: {  	_ =	swait.ge @!p1 [sflag:s18], $0x400  }
0x34: {  	p0 =	por p1, p1;
	[sflag:s18] =	ssyncset.done @!p1 $0x0  }
0x35: {  	s16 =	simm.s32 @!p0 $0x200;
	s17 =	simm.s32 @!p0 $0x400;
	[sflag:s18] =	ssyncadd.s32 @!p0 $0xFFFFFC00  }
0x36: {  	[spmem:s3] =	stream.indirect.scatter.add.f32 @!p0 [tilespmem:s17], [sflag:$0x1], $0x1, s15, s16, $0xb8;
	[tilespmem:$0x1E80] =	vst v63  }
0x37: {  	s15 =	simm.s32 @!p0 $0x1  }
0x38: {  	[spmem:s3] =	stream.indirect.scatter.add.f32 @!p0 [tilespmem:s17], [sflag:$0x1], $0x1, s16, s16, $0xb8;
	[tilespmem:$0x1E80] =	vst v63  }
0x39: {  	_ =	swait.ge @!p0 [sflag:s15], $0x200  }
0x3a: {  	[sflag:s15] =	ssyncset.done @!p0 $0x0  }
0x3b: {  	[sflag:s15] =	ssyncadd.s32 @!p0 $0xFFFFFE00  }
0x3c: {  	_ =	swait.ge @!p0 [sflag:s15], $0x200  }
0x3d: {  	s14 =	sadd.s32 $0x1, s14;
	[sflag:s15] =	ssyncset.done @!p0 $0x0  }
0x3e: {  	[sflag:s15] =	ssyncadd.s32 @!p0 $0xFFFFFE00;
	p0 =	sne.s32 s14, s8  }
.Ltmp1:
0x3f: {  	[bflag:$0x0] =	sbarrier.arrive $0xFFFF;
	(pc) =	sbr.rel @p0 .LBB2_1-.Ltmp1, $4  }
0x40: {  	[hbm:s7], [sflag:s12] =	dma.local [spmem:s13], $0x310  }
0x41: {  	_ =	swait.ge [sflag:s11], $0x310  }
0x42: {  	[sflag:s11] =	ssyncset.done $0x0  }
0x43: {  	[sflag:s11] =	ssyncadd.s32 $0xFFFFFCF0  }
0x44: {  	_ =	sfence.sel $0x180000  }
0x45: {  	[bflag:$0x0] =	sbarrier.arrive $0xFFFF  }
0x46: {  	p0 =	sne.s32 s1, $0x0;
	_ =	strace $0x90000047  }
0x47: {  	s0 =	sadd.s32 @!p0 $0x100000, s0;
	[bflag:$0x2] =	sbarrier.arrive $0xFFFF  }
0x48: {  	[sflag:s0] =	ssyncadd.tile.s32 @!p0 $0x1;
	_ =	shalt  }
.Lfunc_end2:
_tile_overlayer_lowered:
.L_overlay_start_2:
0x49: {  	(tag) =	ssettag $0x2  }
0x4a: {  	s0 =	rddreg [dreg:$0x0];
	s2 =	stileid.u32  }
0x4b: {  	s1 =	rddreg [dreg:$0x1];
	p0 =	sne.s32 s2, $0x0  }
0x4c: {  	s3 =	rddreg [dreg:$0x2];
	[bflag:$0x3] =	sbarrier.arrive $0xFFFF;
	s2 =	simm.s32 @!p0 $0x1C02  }
0x4d: {  	[timem:s3], [sflag:s2] =	dma.local @!p0 [hbm:s0], s1  }
0x4e: {  	s0 =	simm.s32 @!p0 $0x2  }
0x4f: {  	_ =	swait.ge @!p0 [sflag:s0], s1  }
0x50: {  	s1 =	ssub.s32 @!p0 $0x0, s1;
	[sflag:s0] =	ssyncset.done @!p0 $0x0  }
0x51: {  	[sflag:s0] =	ssyncadd.s32 @!p0 s1  }
0x52: {  	[bflag:$0x3] =	sbarrier.arrive $0xFFFF  }
0x53: {  	_ =	shalt  }

</sc_bundles>
